<compile_context>
chip_gen: v7x
topology: tpu7x:2x2x1
jax: 0.10.2.dev20260603
libtpu: 0.0.44.dev20260713+nightly
codegen_flags: <defaults>
</compile_context>

<pallas_src>
import functools

import jax
import jax.numpy as jnp
from jax import lax
from jax.experimental import pallas as pl
from jax.experimental.pallas import tpu as pltpu
from jax.experimental.pallas import tpu_sc as plsc

_N = 10000
_E = 320000
_D = 128

_NC = 2
_NS = 16
_NW = _NC * _NS
_EPW = _E // _NW
_K = 128
_NCH = 78
_KT = 16
_TOFF = _NCH * _K
_NP = 10240
_RPT = _NP // _NS
_ZR = 64
_PAD = 256


def _sc_counts(dst, zrows, ones):
    mesh = plsc.VectorSubcoreMesh(core_axis_name="c", subcore_axis_name="s")

    @functools.partial(
        pl.kernel, mesh=mesh,
        out_type=jax.ShapeDtypeStruct((_NC, _NP, _D), jnp.float32),
        scratch_types=dict(
            acc=pltpu.VMEM_SHARED((_NP, _D), jnp.float32),
            zbuf=pltpu.VMEM((_ZR, _D), jnp.float32),
            onesb=pltpu.VMEM((_K, _D), jnp.float32),
            dstbuf0=pltpu.VMEM((_K,), jnp.int32),
            dstbuf1=pltpu.VMEM((_K,), jnp.int32),
            dstbuf2=pltpu.VMEM((_K,), jnp.int32),
            dstbuf3=pltpu.VMEM((_K,), jnp.int32),
            dstT=pltpu.VMEM((_KT,), jnp.int32),
            semi0=pltpu.SemaphoreType.DMA,
            semi1=pltpu.SemaphoreType.DMA,
            semi2=pltpu.SemaphoreType.DMA,
            semi3=pltpu.SemaphoreType.DMA,
            sems0=pltpu.SemaphoreType.DMA,
            sems1=pltpu.SemaphoreType.DMA,
            sems2=pltpu.SemaphoreType.DMA,
            sems3=pltpu.SemaphoreType.DMA,
        ),
    )
    def k(dst_hbm, zrows_hbm, ones_hbm, out_hbm,
          acc, zbuf, onesb, dstbuf0, dstbuf1, dstbuf2, dstbuf3, dstT,
          semi0, semi1, semi2, semi3, sems0, sems1, sems2, sems3):
        c = lax.axis_index("c")
        s = lax.axis_index("s")
        wid = s * _NC + c
        tile_base = s * _RPT
        ebase = wid * _EPW

        pltpu.sync_copy(zrows_hbm, zbuf)
        pltpu.sync_copy(ones_hbm, onesb)
        for i in range(_RPT // _ZR):
            pltpu.sync_copy(zbuf, acc.at[pl.ds(tile_base + i * _ZR, _ZR)])
        plsc.subcore_barrier()

        bufs = (dstbuf0, dstbuf1, dstbuf2, dstbuf3)
        isems = (semi0, semi1, semi2, semi3)
        ssems = (sems0, sems1, sems2, sems3)

        def idx_start(chunk, b):
            pltpu.async_copy(dst_hbm.at[pl.ds(ebase + chunk * _K, _K)],
                             bufs[b], isems[b])

        def idx_drain(b):
            pltpu.make_async_copy(dst_hbm.at[pl.ds(ebase, _K)],
                                  bufs[b], isems[b]).wait()

        def sc_start(b):
            pltpu.async_copy(onesb, acc.at[bufs[b]], ssems[b], add=True)

        def sc_drain(b):
            pltpu.make_async_copy(onesb, acc.at[bufs[b]], ssems[b]).wait()

        for q in range(4):
            idx_start(q, q)

        @pl.loop(0, 19)
        def edge_quad(t):
            c0 = 4 * t
            idx_drain(0); sc_start(0)
            idx_drain(1); sc_start(1)
            idx_drain(2); sc_start(2)
            sc_drain(0); idx_start(c0 + 4, 0)
            idx_drain(3); sc_start(3)
            sc_drain(1); idx_start(c0 + 5, 1)
            sc_drain(2); idx_start(c0 + 6, 2)
            sc_drain(3); idx_start(c0 + 7, 3)

        idx_drain(0); sc_start(0)
        idx_drain(1); sc_start(1)
        sc_drain(0)
        sc_drain(1)
        idx_drain(2)
        idx_drain(3)
        pltpu.sync_copy(dst_hbm.at[pl.ds(ebase + _TOFF, _KT)], dstT)
        pltpu.sync_copy(onesb.at[pl.ds(0, _KT)], acc.at[dstT], add=True)

        plsc.subcore_barrier()
        for i in range(_RPT // _ZR):
            r0 = tile_base + i * _ZR
            pltpu.sync_copy(acc.at[pl.ds(r0, _ZR)], zbuf)
            pltpu.sync_copy(zbuf, out_hbm.at[c, pl.ds(r0, _ZR)])

    return k(dst, zrows, ones)


def _sc_seg_sum(h, src, dst, zrows):
    mesh = plsc.VectorSubcoreMesh(core_axis_name="c", subcore_axis_name="s")

    @functools.partial(
        pl.kernel, mesh=mesh,
        out_type=jax.ShapeDtypeStruct((_NC, _NP, _D), jnp.float32),
        scratch_types=dict(
            acc=pltpu.VMEM_SHARED((_NP, _D), jnp.float32),
            zbuf=pltpu.VMEM((_ZR, _D), jnp.float32),
            srcbuf0=pltpu.VMEM((_K,), jnp.int32),
            srcbuf1=pltpu.VMEM((_K,), jnp.int32),
            dstbuf0=pltpu.VMEM((_K,), jnp.int32),
            dstbuf1=pltpu.VMEM((_K,), jnp.int32),
            rows0=pltpu.VMEM((_K, _D), jnp.float32),
            rows1=pltpu.VMEM((_K, _D), jnp.float32),
            srcT=pltpu.VMEM((_KT,), jnp.int32),
            dstT=pltpu.VMEM((_KT,), jnp.int32),
            rowsT=pltpu.VMEM((_KT, _D), jnp.float32),
            semi0=pltpu.SemaphoreType.DMA,
            semi1=pltpu.SemaphoreType.DMA,
            semg0=pltpu.SemaphoreType.DMA,
            semg1=pltpu.SemaphoreType.DMA,
        ),
    )
    def k(h_hbm, src_hbm, dst_hbm, zrows_hbm, out_hbm,
          acc, zbuf, srcbuf0, srcbuf1, dstbuf0, dstbuf1,
          rows0, rows1, srcT, dstT, rowsT, semi0, semi1, semg0, semg1):
        c = lax.axis_index("c")
        s = lax.axis_index("s")
        wid = s * _NC + c
        tile_base = s * _RPT
        ebase = wid * _EPW

        pltpu.sync_copy(zrows_hbm, zbuf)
        for i in range(_RPT // _ZR):
            pltpu.sync_copy(zbuf, acc.at[pl.ds(tile_base + i * _ZR, _ZR)])
        plsc.subcore_barrier()

        sbufs = (srcbuf0, srcbuf1)
        dbufs = (dstbuf0, dstbuf1)
        rbufs = (rows0, rows1)
        isems = (semi0, semi1)
        gsems = (semg0, semg1)

        def idx_start(chunk, b):
            base = ebase + chunk * _K
            pltpu.async_copy(src_hbm.at[pl.ds(base, _K)], sbufs[b], isems[b])
            pltpu.async_copy(dst_hbm.at[pl.ds(base, _K)], dbufs[b], isems[b])

        def idx_drain(b):
            pltpu.make_async_copy(src_hbm.at[pl.ds(ebase, _K)],
                                  sbufs[b], isems[b]).wait()
            pltpu.make_async_copy(dst_hbm.at[pl.ds(ebase, _K)],
                                  dbufs[b], isems[b]).wait()

        def gather_start(b):
            pltpu.async_copy(h_hbm.at[sbufs[b]], rbufs[b], gsems[b])

        def gather_drain(b):
            pltpu.make_async_copy(h_hbm.at[sbufs[b]], rbufs[b],
                                  gsems[b]).wait()

        pltpu.sync_copy(src_hbm.at[pl.ds(ebase, _K)], srcbuf0)
        pltpu.sync_copy(dst_hbm.at[pl.ds(ebase, _K)], dstbuf0)
        gather_start(0)
        idx_start(1, 1)

        @pl.loop(0, _NCH // 2)
        def edge_pair(t):
            cc = 2 * t
            idx_drain(1)
            gather_start(1)
            gather_drain(0)
            pltpu.sync_copy(rbufs[0], acc.at[dstbuf0], add=True)
            idx_start(cc + 2, 0)
            idx_drain(0)
            gather_start(0)
            gather_drain(1)
            pltpu.sync_copy(rbufs[1], acc.at[dstbuf1], add=True)
            idx_start(cc + 3, 1)

        gather_drain(0)
        idx_drain(1)
        pltpu.sync_copy(src_hbm.at[pl.ds(ebase + _TOFF, _KT)], srcT)
        pltpu.sync_copy(dst_hbm.at[pl.ds(ebase + _TOFF, _KT)], dstT)
        pltpu.async_copy(h_hbm.at[srcT], rowsT, semg0).wait()
        pltpu.sync_copy(rowsT, acc.at[dstT], add=True)

        plsc.subcore_barrier()
        for i in range(_RPT // _ZR):
            r0 = tile_base + i * _ZR
            pltpu.sync_copy(acc.at[pl.ds(r0, _ZR)], zbuf)
            pltpu.sync_copy(zbuf, out_hbm.at[c, pl.ds(r0, _ZR)])

    return k(h, src, dst, zrows)


def _embed_tc(x, w):
    def body(x_ref, w_ref, o_ref):
        o_ref[...] = jnp.dot(x_ref[...], w_ref[...],
                             preferred_element_type=jnp.float32)

    return pl.pallas_call(
        body, out_shape=jax.ShapeDtypeStruct((_N, _D), jnp.float32)
    )(x, w)


def _dense_tc(h, p0, p1, c0, c1, wt, wb, b, g, be):
    def body(h_ref, p0_ref, p1_ref, c0_ref, c1_ref, wt_ref, wb_ref,
             b_ref, g_ref, be_ref, o_ref):
        hh = h_ref[...]
        cnt = c0_ref[: _N, 0:1] + c1_ref[: _N, 0:1] + 1.0
        aggr = (p0_ref[: _N, :] + p1_ref[: _N, :] + hh) / cnt
        out = (jnp.dot(hh, wt_ref[...], preferred_element_type=jnp.float32)
               + jnp.dot(aggr, wb_ref[...], preferred_element_type=jnp.float32)
               + b_ref[...])
        nrm = jnp.sqrt(jnp.sum(out * out, axis=1, keepdims=True))
        out = out / jnp.maximum(nrm, 1e-12)
        mu = jnp.mean(out, axis=0, keepdims=True)
        var = jnp.mean((out - mu) ** 2, axis=0, keepdims=True)
        out = (out - mu) * (g_ref[...] * lax.rsqrt(var + 1e-5)) + be_ref[...] + hh
        o_ref[...] = jnp.maximum(out, 0.0)

    return pl.pallas_call(
        body, out_shape=jax.ShapeDtypeStruct((_N, _D), jnp.float32)
    )(h, p0, p1, c0, c1, wt, wb, b, g, be)


def kernel(x, edge_index, edge_w, W_emb, p1a, p1b, W1, b1, g1, be1,
           p2a, p2b, W2, b2, g2, be2):
    del edge_w, p1a, p1b, p2a, p2b
    pad = jnp.zeros((2, _PAD), jnp.int32)
    eip = jnp.concatenate([edge_index, pad], axis=1)
    src = eip[0]
    dst = eip[1]
    b1r = b1.reshape(1, _D)
    g1r = g1.reshape(1, _D)
    be1r = be1.reshape(1, _D)
    b2r = b2.reshape(1, _D)
    g2r = g2.reshape(1, _D)
    be2r = be2.reshape(1, _D)
    zrows = jnp.zeros((_ZR, _D), jnp.float32)
    ones = jnp.ones((_K, _D), jnp.float32)

    h = _embed_tc(x, W_emb)
    cnt = _sc_counts(dst, zrows, ones)
    part = _sc_seg_sum(h, src, dst, zrows)
    h1 = _dense_tc(h, part[0], part[1], cnt[0], cnt[1],
                   W1[:_D], W1[_D:], b1r, g1r, be1r)
    part2 = _sc_seg_sum(h1, src, dst, zrows)
    h2 = _dense_tc(h1, part2[0], part2[1], cnt[0], cnt[1],
                   W2[:_D], W2[_D:], b2r, g2r, be2r)
    return h2

# --- scband reference (transcript-rebuilt; emitter-appended) ---
"""Pipeline reference for scband-my-gcnnet-18459769438305 (READ-ONLY COPY).

The authoritative reference and input builder live on the scoring server;
editing this copy changes nothing except your own understanding.
"""

import jax, jax.numpy as jnp
import numpy as np

N = 10000
E = 320000
D = 128
H = 64  # PositionEmbedding hidden = out_dim // 2


def setup_inputs(seed: int = 0) -> dict:
    key = jax.random.key(seed)
    ks = jax.random.split(key, 16)
    inp = {}
    inp["x"] = jax.random.normal(ks[0], (N, D), dtype=jnp.float32)
    inp["edge_index"] = jax.random.randint(ks[1], (2, E), 0, N, dtype=jnp.int32)
    inp["edge_w"] = jax.random.uniform(ks[2], (E, 2), dtype=jnp.float32)

    def lin(k, i, o, s=0.05):
        return jax.random.normal(k, (i, o), dtype=jnp.float32) * s

    # embedding_h: Linear(D, D, bias=False)
    inp["W_emb"] = lin(ks[3], D, D)
    # block 1 params
    inp["p1a"] = lin(ks[4], 2, H)      # PositionEmbedding layer 1 (bias=False)
    inp["p1b"] = lin(ks[5], H, D)      # PositionEmbedding layer 2 (bias=False)
    inp["W1"] = lin(ks[6], 2 * D, D)   # MySAGEConv linear (concat=True -> 2*D in)
    inp["b1"] = jnp.zeros((D,), jnp.float32)
    inp["g1"] = jnp.ones((D,), jnp.float32)   # BatchNorm1d gamma
    inp["be1"] = jnp.zeros((D,), jnp.float32)  # BatchNorm1d beta
    # block 2 params
    inp["p2a"] = lin(ks[7], 2, H)
    inp["p2b"] = lin(ks[8], H, D)
    inp["W2"] = lin(ks[9], 2 * D, D)
    inp["b2"] = jnp.zeros((D,), jnp.float32)
    inp["g2"] = jnp.ones((D,), jnp.float32)
    inp["be2"] = jnp.zeros((D,), jnp.float32)
    return inp


def _sage_block(x, src, dst, edge_w, pa, pb, W, b, g, be):
    # PositionEmbedding is computed in the original forward, but MySAGEConv.forward
    # overwrites edge_weight with the second return value of add_remaining_self_loops
    # (which is None since edge_attr=None), so the message is just x_j. We reproduce
    # that exact (buggy but faithful) behavior: pe is computed then unused.
    pe = jnp.maximum(edge_w @ pa, 0.0) @ pb  # noqa: F841 (faithfully dead)
    n = x.shape[0]
    sl = jnp.arange(n, dtype=src.dtype)
    s2 = jnp.concatenate([src, sl])
    d2 = jnp.concatenate([dst, sl])
    # aggr='mean' over destination nodes (scatter-mean)
    msg = x[s2]
    ssum = jax.ops.segment_sum(msg, d2, num_segments=n)
    cnt = jax.ops.segment_sum(jnp.ones((s2.shape[0],), x.dtype), d2, num_segments=n)
    aggr = ssum / jnp.maximum(cnt, 1.0)[:, None]
    # update: concat([x, aggr]) -> linear -> F.normalize(p=2, dim=-1)
    out = jnp.concatenate([x, aggr], axis=-1) @ W + b
    nrm = jnp.sqrt(jnp.sum(out * out, axis=-1, keepdims=True))
    out = out / jnp.maximum(nrm, 1e-12)
    # BatchNorm1d (training-mode batch statistics)
    mu = jnp.mean(out, axis=0)
    var = jnp.var(out, axis=0)
    out = (out - mu) / jnp.sqrt(var + 1e-5) * g + be
    # residual (dims match)
    out = out + x
    return jnp.maximum(out, 0.0)


def reference(x, edge_index, edge_w, W_emb, p1a, p1b, W1, b1, g1, be1, p2a, p2b, W2, b2, g2, be2):
    src = edge_index[0]
    dst = edge_index[1]
    h = x @ W_emb
    h = _sage_block(h, src, dst, edge_w, p1a, p1b, W1, b1, g1, be1)
    h = _sage_block(h, src, dst, edge_w, p2a, p2b, W2, b2, g2, be2)
    return h

if __name__ == "__main__":
    import jax
    _d = setup_inputs()
    print(jax.jit(kernel)(*tuple(_d.values())))

</pallas_src>

<mosaic_0001>
#map = affine_map<(d0, d1) -> (0, 0)>
#map1 = affine_map<(d0, d1) -> (0)>
#map2 = affine_map<(d0, d1) -> (0, 0, 0)>
module attributes {stable_mosaic.version = 14 : i64} {
  func.func @k(%arg0: i32, %arg1: i32, %arg2: memref<10000x128xf32, #tpu.memory_space<hbm>>, %arg3: memref<320256xi32, #tpu.memory_space<hbm>>, %arg4: memref<320256xi32, #tpu.memory_space<hbm>>, %arg5: memref<64x128xf32, #tpu.memory_space<hbm>>, %arg6: memref<2x10240x128xf32, #tpu.memory_space<hbm>>, %arg7: memref<10240x128xf32, #tpu.memory_space<vmem_shared>>, %arg8: memref<16xi32, #tpu.memory_space<vmem>>, %arg9: memref<128xi32, #tpu.memory_space<vmem>>, %arg10: memref<128xi32, #tpu.memory_space<vmem>>, %arg11: memref<128x128xf32, #tpu.memory_space<vmem>>, %arg12: memref<128x128xf32, #tpu.memory_space<vmem>>, %arg13: memref<16x128xf32, #tpu.memory_space<vmem>>, %arg14: memref<!tpu.dma_semaphore, #tpu.memory_space<semaphore_mem>>, %arg15: memref<!tpu.dma_semaphore, #tpu.memory_space<semaphore_mem>>, %arg16: memref<!tpu.dma_semaphore, #tpu.memory_space<semaphore_mem>>, %arg17: memref<!tpu.dma_semaphore, #tpu.memory_space<semaphore_mem>>, %arg18: memref<16xi32, #tpu.memory_space<vmem>>, %arg19: memref<128xi32, #tpu.memory_space<vmem>>, %arg20: memref<128xi32, #tpu.memory_space<vmem>>, %arg21: memref<64x128xf32, #tpu.memory_space<vmem>>) attributes {dimension_semantics = [#tpu.dimension_semantics<core_parallel>, #tpu.dimension_semantics<subcore_parallel>], iteration_bounds = array<i64: 2, 16>, scalar_prefetch = 0 : i64, scratch_operands = 15 : i64, tpu.core_type = #tpu.core_type<sc_vector_subcore>, window_params = [{transform_indices = #map}, {transform_indices = #map1}, {transform_indices = #map1}, {transform_indices = #map}, {transform_indices = #map2}]} {
    %mul3A = arith.constant 2 : i32
    %mul3A_0 = arith.muli %arg1, %mul3A : i32
    %add3A = arith.addi %mul3A_0, %arg0 : i32
    %mul3A_1 = arith.constant 640 : i32
    %mul3A_2 = arith.muli %arg1, %mul3A_1 : i32
    %mul3A_3 = arith.constant 10000 : i32
    %mul3A_4 = arith.muli %add3A, %mul3A_3 : i32
    "tpu.region"() ({
      %run_scoped3A = tpu.sem_alloc : memref<!tpu.dma_semaphore, #tpu.memory_space<semaphore_mem>>
      tpu.enqueue_dma source(%arg5 : memref<64x128xf32, #tpu.memory_space<hbm>>) target(%arg21 : memref<64x128xf32, #tpu.memory_space<vmem>>) target_semaphore(%run_scoped3A : memref<!tpu.dma_semaphore, #tpu.memory_space<semaphore_mem>>)
      tpu.wait_dma2 semaphore(%run_scoped3A : memref<!tpu.dma_semaphore, #tpu.memory_space<semaphore_mem>>) src(%arg5 : memref<64x128xf32, #tpu.memory_space<hbm>>) dst(%arg21 : memref<64x128xf32, #tpu.memory_space<vmem>>)
      tpu.yield
    }) : () -> ()
    %add3A_5 = arith.constant 0 : i32
    %add3A_6 = arith.addi %mul3A_2, %add3A_5 : i32
    "tpu.region"() ({
      %run_scoped3A = tpu.sem_alloc : memref<!tpu.dma_semaphore, #tpu.memory_space<semaphore_mem>>
      %dma_start3A_74 = arith.constant 0 : i32
      %dma_start3A_75 = tpu.memref_slice %arg7[%add3A_6, %dma_start3A_74] : memref<10240x128xf32, #tpu.memory_space<vmem_shared>> -> memref<64x128xf32, #tpu.memory_space<vmem_shared>>
      %dma_start3A_76 = arith.constant 0 : i32
      %dma_start3A_77 = tpu.memref_slice %arg7[%add3A_6, %dma_start3A_76] : memref<10240x128xf32, #tpu.memory_space<vmem_shared>> -> memref<64x128xf32, #tpu.memory_space<vmem_shared>>
      tpu.enqueue_dma source(%arg21 : memref<64x128xf32, #tpu.memory_space<vmem>>) target(%dma_start3A_77 : memref<64x128xf32, #tpu.memory_space<vmem_shared>>) target_semaphore(%run_scoped3A : memref<!tpu.dma_semaphore, #tpu.memory_space<semaphore_mem>>)
      %dma_wait3A_78 = arith.constant 0 : i32
      %dma_wait3A_79 = tpu.memref_slice %arg7[%add3A_6, %dma_wait3A_78] : memref<10240x128xf32, #tpu.memory_space<vmem_shared>> -> memref<64x128xf32, #tpu.memory_space<vmem_shared>>
      %dma_wait3A_80 = arith.constant 0 : i32
      %dma_wait3A_81 = tpu.memref_slice %arg7[%add3A_6, %dma_wait3A_80] : memref<10240x128xf32, #tpu.memory_space<vmem_shared>> -> memref<64x128xf32, #tpu.memory_space<vmem_shared>>
      tpu.wait_dma2 semaphore(%run_scoped3A : memref<!tpu.dma_semaphore, #tpu.memory_space<semaphore_mem>>) src(%arg21 : memref<64x128xf32, #tpu.memory_space<vmem>>) dst(%dma_wait3A_81 : memref<64x128xf32, #tpu.memory_space<vmem_shared>>)
      tpu.yield
    }) : () -> ()
    %add3A_7 = arith.constant 64 : i32
    %add3A_8 = arith.addi %mul3A_2, %add3A_7 : i32
    "tpu.region"() ({
      %run_scoped3A = tpu.sem_alloc : memref<!tpu.dma_semaphore, #tpu.memory_space<semaphore_mem>>
      %dma_start3A_74 = arith.constant 0 : i32
      %dma_start3A_75 = tpu.memref_slice %arg7[%add3A_8, %dma_start3A_74] : memref<10240x128xf32, #tpu.memory_space<vmem_shared>> -> memref<64x128xf32, #tpu.memory_space<vmem_shared>>
      %dma_start3A_76 = arith.constant 0 : i32
      %dma_start3A_77 = tpu.memref_slice %arg7[%add3A_8, %dma_start3A_76] : memref<10240x128xf32, #tpu.memory_space<vmem_shared>> -> memref<64x128xf32, #tpu.memory_space<vmem_shared>>
      tpu.enqueue_dma source(%arg21 : memref<64x128xf32, #tpu.memory_space<vmem>>) target(%dma_start3A_77 : memref<64x128xf32, #tpu.memory_space<vmem_shared>>) target_semaphore(%run_scoped3A : memref<!tpu.dma_semaphore, #tpu.memory_space<semaphore_mem>>)
      %dma_wait3A_78 = arith.constant 0 : i32
      %dma_wait3A_79 = tpu.memref_slice %arg7[%add3A_8, %dma_wait3A_78] : memref<10240x128xf32, #tpu.memory_space<vmem_shared>> -> memref<64x128xf32, #tpu.memory_space<vmem_shared>>
      %dma_wait3A_80 = arith.constant 0 : i32
      %dma_wait3A_81 = tpu.memref_slice %arg7[%add3A_8, %dma_wait3A_80] : memref<10240x128xf32, #tpu.memory_space<vmem_shared>> -> memref<64x128xf32, #tpu.memory_space<vmem_shared>>
      tpu.wait_dma2 semaphore(%run_scoped3A : memref<!tpu.dma_semaphore, #tpu.memory_space<semaphore_mem>>) src(%arg21 : memref<64x128xf32, #tpu.memory_space<vmem>>) dst(%dma_wait3A_81 : memref<64x128xf32, #tpu.memory_space<vmem_shared>>)
      tpu.yield
    }) : () -> ()
    %add3A_9 = arith.constant 128 : i32
    %add3A_10 = arith.addi %mul3A_2, %add3A_9 : i32
    "tpu.region"() ({
      %run_scoped3A = tpu.sem_alloc : memref<!tpu.dma_semaphore, #tpu.memory_space<semaphore_mem>>
      %dma_start3A_74 = arith.constant 0 : i32
      %dma_start3A_75 = tpu.memref_slice %arg7[%add3A_10, %dma_start3A_74] : memref<10240x128xf32, #tpu.memory_space<vmem_shared>> -> memref<64x128xf32, #tpu.memory_space<vmem_shared>>
      %dma_start3A_76 = arith.constant 0 : i32
      %dma_start3A_77 = tpu.memref_slice %arg7[%add3A_10, %dma_start3A_76] : memref<10240x128xf32, #tpu.memory_space<vmem_shared>> -> memref<64x128xf32, #tpu.memory_space<vmem_shared>>
      tpu.enqueue_dma source(%arg21 : memref<64x128xf32, #tpu.memory_space<vmem>>) target(%dma_start3A_77 : memref<64x128xf32, #tpu.memory_space<vmem_shared>>) target_semaphore(%run_scoped3A : memref<!tpu.dma_semaphore, #tpu.memory_space<semaphore_mem>>)
      %dma_wait3A_78 = arith.constant 0 : i32
      %dma_wait3A_79 = tpu.memref_slice %arg7[%add3A_10, %dma_wait3A_78] : memref<10240x128xf32, #tpu.memory_space<vmem_shared>> -> memref<64x128xf32, #tpu.memory_space<vmem_shared>>
      %dma_wait3A_80 = arith.constant 0 : i32
      %dma_wait3A_81 = tpu.memref_slice %arg7[%add3A_10, %dma_wait3A_80] : memref<10240x128xf32, #tpu.memory_space<vmem_shared>> -> memref<64x128xf32, #tpu.memory_space<vmem_shared>>
      tpu.wait_dma2 semaphore(%run_scoped3A : memref<!tpu.dma_semaphore, #tpu.memory_space<semaphore_mem>>) src(%arg21 : memref<64x128xf32, #tpu.memory_space<vmem>>) dst(%dma_wait3A_81 : memref<64x128xf32, #tpu.memory_space<vmem_shared>>)
      tpu.yield
    }) : () -> ()
    %add3A_11 = arith.constant 192 : i32
    %add3A_12 = arith.addi %mul3A_2, %add3A_11 : i32
    "tpu.region"() ({
      %run_scoped3A = tpu.sem_alloc : memref<!tpu.dma_semaphore, #tpu.memory_space<semaphore_mem>>
      %dma_start3A_74 = arith.constant 0 : i32
      %dma_start3A_75 = tpu.memref_slice %arg7[%add3A_12, %dma_start3A_74] : memref<10240x128xf32, #tpu.memory_space<vmem_shared>> -> memref<64x128xf32, #tpu.memory_space<vmem_shared>>
      %dma_start3A_76 = arith.constant 0 : i32
      %dma_start3A_77 = tpu.memref_slice %arg7[%add3A_12, %dma_start3A_76] : memref<10240x128xf32, #tpu.memory_space<vmem_shared>> -> memref<64x128xf32, #tpu.memory_space<vmem_shared>>
      tpu.enqueue_dma source(%arg21 : memref<64x128xf32, #tpu.memory_space<vmem>>) target(%dma_start3A_77 : memref<64x128xf32, #tpu.memory_space<vmem_shared>>) target_semaphore(%run_scoped3A : memref<!tpu.dma_semaphore, #tpu.memory_space<semaphore_mem>>)
      %dma_wait3A_78 = arith.constant 0 : i32
      %dma_wait3A_79 = tpu.memref_slice %arg7[%add3A_12, %dma_wait3A_78] : memref<10240x128xf32, #tpu.memory_space<vmem_shared>> -> memref<64x128xf32, #tpu.memory_space<vmem_shared>>
      %dma_wait3A_80 = arith.constant 0 : i32
      %dma_wait3A_81 = tpu.memref_slice %arg7[%add3A_12, %dma_wait3A_80] : memref<10240x128xf32, #tpu.memory_space<vmem_shared>> -> memref<64x128xf32, #tpu.memory_space<vmem_shared>>
      tpu.wait_dma2 semaphore(%run_scoped3A : memref<!tpu.dma_semaphore, #tpu.memory_space<semaphore_mem>>) src(%arg21 : memref<64x128xf32, #tpu.memory_space<vmem>>) dst(%dma_wait3A_81 : memref<64x128xf32, #tpu.memory_space<vmem_shared>>)
      tpu.yield
    }) : () -> ()
    %add3A_13 = arith.constant 256 : i32
    %add3A_14 = arith.addi %mul3A_2, %add3A_13 : i32
    "tpu.region"() ({
      %run_scoped3A = tpu.sem_alloc : memref<!tpu.dma_semaphore, #tpu.memory_space<semaphore_mem>>
      %dma_start3A_74 = arith.constant 0 : i32
      %dma_start3A_75 = tpu.memref_slice %arg7[%add3A_14, %dma_start3A_74] : memref<10240x128xf32, #tpu.memory_space<vmem_shared>> -> memref<64x128xf32, #tpu.memory_space<vmem_shared>>
      %dma_start3A_76 = arith.constant 0 : i32
      %dma_start3A_77 = tpu.memref_slice %arg7[%add3A_14, %dma_start3A_76] : memref<10240x128xf32, #tpu.memory_space<vmem_shared>> -> memref<64x128xf32, #tpu.memory_space<vmem_shared>>
      tpu.enqueue_dma source(%arg21 : memref<64x128xf32, #tpu.memory_space<vmem>>) target(%dma_start3A_77 : memref<64x128xf32, #tpu.memory_space<vmem_shared>>) target_semaphore(%run_scoped3A : memref<!tpu.dma_semaphore, #tpu.memory_space<semaphore_mem>>)
      %dma_wait3A_78 = arith.constant 0 : i32
      %dma_wait3A_79 = tpu.memref_slice %arg7[%add3A_14, %dma_wait3A_78] : memref<10240x128xf32, #tpu.memory_space<vmem_shared>> -> memref<64x128xf32, #tpu.memory_space<vmem_shared>>
      %dma_wait3A_80 = arith.constant 0 : i32
      %dma_wait3A_81 = tpu.memref_slice %arg7[%add3A_14, %dma_wait3A_80] : memref<10240x128xf32, #tpu.memory_space<vmem_shared>> -> memref<64x128xf32, #tpu.memory_space<vmem_shared>>
      tpu.wait_dma2 semaphore(%run_scoped3A : memref<!tpu.dma_semaphore, #tpu.memory_space<semaphore_mem>>) src(%arg21 : memref<64x128xf32, #tpu.memory_space<vmem>>) dst(%dma_wait3A_81 : memref<64x128xf32, #tpu.memory_space<vmem_shared>>)
      tpu.yield
    }) : () -> ()
    %add3A_15 = arith.constant 320 : i32
    %add3A_16 = arith.addi %mul3A_2, %add3A_15 : i32
    "tpu.region"() ({
      %run_scoped3A = tpu.sem_alloc : memref<!tpu.dma_semaphore, #tpu.memory_space<semaphore_mem>>
      %dma_start3A_74 = arith.constant 0 : i32
      %dma_start3A_75 = tpu.memref_slice %arg7[%add3A_16, %dma_start3A_74] : memref<10240x128xf32, #tpu.memory_space<vmem_shared>> -> memref<64x128xf32, #tpu.memory_space<vmem_shared>>
      %dma_start3A_76 = arith.constant 0 : i32
      %dma_start3A_77 = tpu.memref_slice %arg7[%add3A_16, %dma_start3A_76] : memref<10240x128xf32, #tpu.memory_space<vmem_shared>> -> memref<64x128xf32, #tpu.memory_space<vmem_shared>>
      tpu.enqueue_dma source(%arg21 : memref<64x128xf32, #tpu.memory_space<vmem>>) target(%dma_start3A_77 : memref<64x128xf32, #tpu.memory_space<vmem_shared>>) target_semaphore(%run_scoped3A : memref<!tpu.dma_semaphore, #tpu.memory_space<semaphore_mem>>)
      %dma_wait3A_78 = arith.constant 0 : i32
      %dma_wait3A_79 = tpu.memref_slice %arg7[%add3A_16, %dma_wait3A_78] : memref<10240x128xf32, #tpu.memory_space<vmem_shared>> -> memref<64x128xf32, #tpu.memory_space<vmem_shared>>
      %dma_wait3A_80 = arith.constant 0 : i32
      %dma_wait3A_81 = tpu.memref_slice %arg7[%add3A_16, %dma_wait3A_80] : memref<10240x128xf32, #tpu.memory_space<vmem_shared>> -> memref<64x128xf32, #tpu.memory_space<vmem_shared>>
      tpu.wait_dma2 semaphore(%run_scoped3A : memref<!tpu.dma_semaphore, #tpu.memory_space<semaphore_mem>>) src(%arg21 : memref<64x128xf32, #tpu.memory_space<vmem>>) dst(%dma_wait3A_81 : memref<64x128xf32, #tpu.memory_space<vmem_shared>>)
      tpu.yield
    }) : () -> ()
    %add3A_17 = arith.constant 384 : i32
    %add3A_18 = arith.addi %mul3A_2, %add3A_17 : i32
    "tpu.region"() ({
      %run_scoped3A = tpu.sem_alloc : memref<!tpu.dma_semaphore, #tpu.memory_space<semaphore_mem>>
      %dma_start3A_74 = arith.constant 0 : i32
      %dma_start3A_75 = tpu.memref_slice %arg7[%add3A_18, %dma_start3A_74] : memref<10240x128xf32, #tpu.memory_space<vmem_shared>> -> memref<64x128xf32, #tpu.memory_space<vmem_shared>>
      %dma_start3A_76 = arith.constant 0 : i32
      %dma_start3A_77 = tpu.memref_slice %arg7[%add3A_18, %dma_start3A_76] : memref<10240x128xf32, #tpu.memory_space<vmem_shared>> -> memref<64x128xf32, #tpu.memory_space<vmem_shared>>
      tpu.enqueue_dma source(%arg21 : memref<64x128xf32, #tpu.memory_space<vmem>>) target(%dma_start3A_77 : memref<64x128xf32, #tpu.memory_space<vmem_shared>>) target_semaphore(%run_scoped3A : memref<!tpu.dma_semaphore, #tpu.memory_space<semaphore_mem>>)
      %dma_wait3A_78 = arith.constant 0 : i32
      %dma_wait3A_79 = tpu.memref_slice %arg7[%add3A_18, %dma_wait3A_78] : memref<10240x128xf32, #tpu.memory_space<vmem_shared>> -> memref<64x128xf32, #tpu.memory_space<vmem_shared>>
      %dma_wait3A_80 = arith.constant 0 : i32
      %dma_wait3A_81 = tpu.memref_slice %arg7[%add3A_18, %dma_wait3A_80] : memref<10240x128xf32, #tpu.memory_space<vmem_shared>> -> memref<64x128xf32, #tpu.memory_space<vmem_shared>>
      tpu.wait_dma2 semaphore(%run_scoped3A : memref<!tpu.dma_semaphore, #tpu.memory_space<semaphore_mem>>) src(%arg21 : memref<64x128xf32, #tpu.memory_space<vmem>>) dst(%dma_wait3A_81 : memref<64x128xf32, #tpu.memory_space<vmem_shared>>)
      tpu.yield
    }) : () -> ()
    %add3A_19 = arith.constant 448 : i32
    %add3A_20 = arith.addi %mul3A_2, %add3A_19 : i32
    "tpu.region"() ({
      %run_scoped3A = tpu.sem_alloc : memref<!tpu.dma_semaphore, #tpu.memory_space<semaphore_mem>>
      %dma_start3A_74 = arith.constant 0 : i32
      %dma_start3A_75 = tpu.memref_slice %arg7[%add3A_20, %dma_start3A_74] : memref<10240x128xf32, #tpu.memory_space<vmem_shared>> -> memref<64x128xf32, #tpu.memory_space<vmem_shared>>
      %dma_start3A_76 = arith.constant 0 : i32
      %dma_start3A_77 = tpu.memref_slice %arg7[%add3A_20, %dma_start3A_76] : memref<10240x128xf32, #tpu.memory_space<vmem_shared>> -> memref<64x128xf32, #tpu.memory_space<vmem_shared>>
      tpu.enqueue_dma source(%arg21 : memref<64x128xf32, #tpu.memory_space<vmem>>) target(%dma_start3A_77 : memref<64x128xf32, #tpu.memory_space<vmem_shared>>) target_semaphore(%run_scoped3A : memref<!tpu.dma_semaphore, #tpu.memory_space<semaphore_mem>>)
      %dma_wait3A_78 = arith.constant 0 : i32
      %dma_wait3A_79 = tpu.memref_slice %arg7[%add3A_20, %dma_wait3A_78] : memref<10240x128xf32, #tpu.memory_space<vmem_shared>> -> memref<64x128xf32, #tpu.memory_space<vmem_shared>>
      %dma_wait3A_80 = arith.constant 0 : i32
      %dma_wait3A_81 = tpu.memref_slice %arg7[%add3A_20, %dma_wait3A_80] : memref<10240x128xf32, #tpu.memory_space<vmem_shared>> -> memref<64x128xf32, #tpu.memory_space<vmem_shared>>
      tpu.wait_dma2 semaphore(%run_scoped3A : memref<!tpu.dma_semaphore, #tpu.memory_space<semaphore_mem>>) src(%arg21 : memref<64x128xf32, #tpu.memory_space<vmem>>) dst(%dma_wait3A_81 : memref<64x128xf32, #tpu.memory_space<vmem_shared>>)
      tpu.yield
    }) : () -> ()
    %add3A_21 = arith.constant 512 : i32
    %add3A_22 = arith.addi %mul3A_2, %add3A_21 : i32
    "tpu.region"() ({
      %run_scoped3A = tpu.sem_alloc : memref<!tpu.dma_semaphore, #tpu.memory_space<semaphore_mem>>
      %dma_start3A_74 = arith.constant 0 : i32
      %dma_start3A_75 = tpu.memref_slice %arg7[%add3A_22, %dma_start3A_74] : memref<10240x128xf32, #tpu.memory_space<vmem_shared>> -> memref<64x128xf32, #tpu.memory_space<vmem_shared>>
      %dma_start3A_76 = arith.constant 0 : i32
      %dma_start3A_77 = tpu.memref_slice %arg7[%add3A_22, %dma_start3A_76] : memref<10240x128xf32, #tpu.memory_space<vmem_shared>> -> memref<64x128xf32, #tpu.memory_space<vmem_shared>>
      tpu.enqueue_dma source(%arg21 : memref<64x128xf32, #tpu.memory_space<vmem>>) target(%dma_start3A_77 : memref<64x128xf32, #tpu.memory_space<vmem_shared>>) target_semaphore(%run_scoped3A : memref<!tpu.dma_semaphore, #tpu.memory_space<semaphore_mem>>)
      %dma_wait3A_78 = arith.constant 0 : i32
      %dma_wait3A_79 = tpu.memref_slice %arg7[%add3A_22, %dma_wait3A_78] : memref<10240x128xf32, #tpu.memory_space<vmem_shared>> -> memref<64x128xf32, #tpu.memory_space<vmem_shared>>
      %dma_wait3A_80 = arith.constant 0 : i32
      %dma_wait3A_81 = tpu.memref_slice %arg7[%add3A_22, %dma_wait3A_80] : memref<10240x128xf32, #tpu.memory_space<vmem_shared>> -> memref<64x128xf32, #tpu.memory_space<vmem_shared>>
      tpu.wait_dma2 semaphore(%run_scoped3A : memref<!tpu.dma_semaphore, #tpu.memory_space<semaphore_mem>>) src(%arg21 : memref<64x128xf32, #tpu.memory_space<vmem>>) dst(%dma_wait3A_81 : memref<64x128xf32, #tpu.memory_space<vmem_shared>>)
      tpu.yield
    }) : () -> ()
    %add3A_23 = arith.constant 576 : i32
    %add3A_24 = arith.addi %mul3A_2, %add3A_23 : i32
    "tpu.region"() ({
      %run_scoped3A = tpu.sem_alloc : memref<!tpu.dma_semaphore, #tpu.memory_space<semaphore_mem>>
      %dma_start3A_74 = arith.constant 0 : i32
      %dma_start3A_75 = tpu.memref_slice %arg7[%add3A_24, %dma_start3A_74] : memref<10240x128xf32, #tpu.memory_space<vmem_shared>> -> memref<64x128xf32, #tpu.memory_space<vmem_shared>>
      %dma_start3A_76 = arith.constant 0 : i32
      %dma_start3A_77 = tpu.memref_slice %arg7[%add3A_24, %dma_start3A_76] : memref<10240x128xf32, #tpu.memory_space<vmem_shared>> -> memref<64x128xf32, #tpu.memory_space<vmem_shared>>
      tpu.enqueue_dma source(%arg21 : memref<64x128xf32, #tpu.memory_space<vmem>>) target(%dma_start3A_77 : memref<64x128xf32, #tpu.memory_space<vmem_shared>>) target_semaphore(%run_scoped3A : memref<!tpu.dma_semaphore, #tpu.memory_space<semaphore_mem>>)
      %dma_wait3A_78 = arith.constant 0 : i32
      %dma_wait3A_79 = tpu.memref_slice %arg7[%add3A_24, %dma_wait3A_78] : memref<10240x128xf32, #tpu.memory_space<vmem_shared>> -> memref<64x128xf32, #tpu.memory_space<vmem_shared>>
      %dma_wait3A_80 = arith.constant 0 : i32
      %dma_wait3A_81 = tpu.memref_slice %arg7[%add3A_24, %dma_wait3A_80] : memref<10240x128xf32, #tpu.memory_space<vmem_shared>> -> memref<64x128xf32, #tpu.memory_space<vmem_shared>>
      tpu.wait_dma2 semaphore(%run_scoped3A : memref<!tpu.dma_semaphore, #tpu.memory_space<semaphore_mem>>) src(%arg21 : memref<64x128xf32, #tpu.memory_space<vmem>>) dst(%dma_wait3A_81 : memref<64x128xf32, #tpu.memory_space<vmem_shared>>)
      tpu.yield
    }) : () -> ()
    %barrier3A = arith.constant 0 : index
    tpu.barrier barrier_id(%barrier3A)
    "tpu.region"() ({
      %run_scoped3A = tpu.sem_alloc : memref<!tpu.dma_semaphore, #tpu.memory_space<semaphore_mem>>
      %dma_start3A_74 = tpu.memref_slice %arg3[%mul3A_4] : memref<320256xi32, #tpu.memory_space<hbm>> -> memref<128xi32, #tpu.memory_space<hbm>>
      %dma_start3A_75 = tpu.memref_slice %arg3[%mul3A_4] : memref<320256xi32, #tpu.memory_space<hbm>> -> memref<128xi32, #tpu.memory_space<hbm>>
      tpu.enqueue_dma source(%dma_start3A_75 : memref<128xi32, #tpu.memory_space<hbm>>) target(%arg19 : memref<128xi32, #tpu.memory_space<vmem>>) target_semaphore(%run_scoped3A : memref<!tpu.dma_semaphore, #tpu.memory_space<semaphore_mem>>)
      %dma_wait3A_76 = tpu.memref_slice %arg3[%mul3A_4] : memref<320256xi32, #tpu.memory_space<hbm>> -> memref<128xi32, #tpu.memory_space<hbm>>
      %dma_wait3A_77 = tpu.memref_slice %arg3[%mul3A_4] : memref<320256xi32, #tpu.memory_space<hbm>> -> memref<128xi32, #tpu.memory_space<hbm>>
      tpu.wait_dma2 semaphore(%run_scoped3A : memref<!tpu.dma_semaphore, #tpu.memory_space<semaphore_mem>>) src(%dma_wait3A_77 : memref<128xi32, #tpu.memory_space<hbm>>) dst(%arg19 : memref<128xi32, #tpu.memory_space<vmem>>)
      tpu.yield
    }) : () -> ()
    "tpu.region"() ({
      %run_scoped3A = tpu.sem_alloc : memref<!tpu.dma_semaphore, #tpu.memory_space<semaphore_mem>>
      %dma_start3A_74 = tpu.memref_slice %arg4[%mul3A_4] : memref<320256xi32, #tpu.memory_space<hbm>> -> memref<128xi32, #tpu.memory_space<hbm>>
      %dma_start3A_75 = tpu.memref_slice %arg4[%mul3A_4] : memref<320256xi32, #tpu.memory_space<hbm>> -> memref<128xi32, #tpu.memory_space<hbm>>
      tpu.enqueue_dma source(%dma_start3A_75 : memref<128xi32, #tpu.memory_space<hbm>>) target(%arg9 : memref<128xi32, #tpu.memory_space<vmem>>) target_semaphore(%run_scoped3A : memref<!tpu.dma_semaphore, #tpu.memory_space<semaphore_mem>>)
      %dma_wait3A_76 = tpu.memref_slice %arg4[%mul3A_4] : memref<320256xi32, #tpu.memory_space<hbm>> -> memref<128xi32, #tpu.memory_space<hbm>>
      %dma_wait3A_77 = tpu.memref_slice %arg4[%mul3A_4] : memref<320256xi32, #tpu.memory_space<hbm>> -> memref<128xi32, #tpu.memory_space<hbm>>
      tpu.wait_dma2 semaphore(%run_scoped3A : memref<!tpu.dma_semaphore, #tpu.memory_space<semaphore_mem>>) src(%dma_wait3A_77 : memref<128xi32, #tpu.memory_space<hbm>>) dst(%arg9 : memref<128xi32, #tpu.memory_space<vmem>>)
      tpu.yield
    }) : () -> ()
    %dma_start3A = arith.constant 0 : i32
    %dma_start3A_25 = arith.constant 0 : i32
    %dma_start3A_26 = tpu.memref_slice %arg2[%dma_start3A, %dma_start3A_25] : memref<10000x128xf32, #tpu.memory_space<hbm>> -> memref<10000x128xf32, #tpu.memory_space<hbm>>
    tpu.enqueue_indirect_dma source(%dma_start3A_26 : memref<10000x128xf32, #tpu.memory_space<hbm>>) target(%arg11 : memref<128x128xf32, #tpu.memory_space<vmem>>) offsets(%arg19 : memref<128xi32, #tpu.memory_space<vmem>>) semaphore(%arg14 : memref<!tpu.dma_semaphore, #tpu.memory_space<semaphore_mem>>)
    %add3A_27 = arith.constant 128 : i32
    %add3A_28 = arith.addi %mul3A_4, %add3A_27 : i32
    %dma_start3A_29 = tpu.memref_slice %arg3[%add3A_28] : memref<320256xi32, #tpu.memory_space<hbm>> -> memref<128xi32, #tpu.memory_space<hbm>>
    %dma_start3A_30 = tpu.memref_slice %arg3[%add3A_28] : memref<320256xi32, #tpu.memory_space<hbm>> -> memref<128xi32, #tpu.memory_space<hbm>>
    tpu.enqueue_dma source(%dma_start3A_30 : memref<128xi32, #tpu.memory_space<hbm>>) target(%arg20 : memref<128xi32, #tpu.memory_space<vmem>>) target_semaphore(%arg17 : memref<!tpu.dma_semaphore, #tpu.memory_space<semaphore_mem>>)
    %dma_start3A_31 = tpu.memref_slice %arg4[%add3A_28] : memref<320256xi32, #tpu.memory_space<hbm>> -> memref<128xi32, #tpu.memory_space<hbm>>
    %dma_start3A_32 = tpu.memref_slice %arg4[%add3A_28] : memref<320256xi32, #tpu.memory_space<hbm>> -> memref<128xi32, #tpu.memory_space<hbm>>
    tpu.enqueue_dma source(%dma_start3A_32 : memref<128xi32, #tpu.memory_space<hbm>>) target(%arg10 : memref<128xi32, #tpu.memory_space<vmem>>) target_semaphore(%arg17 : memref<!tpu.dma_semaphore, #tpu.memory_space<semaphore_mem>>)
    %scan3A = arith.constant 0 : i32
    %scan3A_33 = arith.constant 39 : i32
    %scan3A_34 = arith.addi %scan3A, %scan3A_33 : i32
    %scan3A_35 = arith.constant 1 : i32
    scf.for %scan3A_74 = %scan3A to %scan3A_34 step %scan3A_35  : i32 {
      %mul3A_75 = arith.constant 1 : i32
      %mul3A_76 = arith.muli %scan3A_74, %mul3A_75 : i32
      %add3A_77 = arith.constant 0 : i32
      %add3A_78 = arith.addi %add3A_77, %mul3A_76 : i32
      %mul3A_79 = arith.constant 2 : i32
      %mul3A_80 = arith.muli %mul3A_79, %add3A_78 : i32
      %dma_wait3A_81 = tpu.memref_slice %arg3[%mul3A_4] : memref<320256xi32, #tpu.memory_space<hbm>> -> memref<128xi32, #tpu.memory_space<hbm>>
      %dma_wait3A_82 = tpu.memref_slice %arg3[%mul3A_4] : memref<320256xi32, #tpu.memory_space<hbm>> -> memref<128xi32, #tpu.memory_space<hbm>>
      tpu.wait_dma2 semaphore(%arg17 : memref<!tpu.dma_semaphore, #tpu.memory_space<semaphore_mem>>) src(%dma_wait3A_82 : memref<128xi32, #tpu.memory_space<hbm>>) dst(%arg20 : memref<128xi32, #tpu.memory_space<vmem>>)
      %dma_wait3A_83 = tpu.memref_slice %arg4[%mul3A_4] : memref<320256xi32, #tpu.memory_space<hbm>> -> memref<128xi32, #tpu.memory_space<hbm>>
      %dma_wait3A_84 = tpu.memref_slice %arg4[%mul3A_4] : memref<320256xi32, #tpu.memory_space<hbm>> -> memref<128xi32, #tpu.memory_space<hbm>>
      tpu.wait_dma2 semaphore(%arg17 : memref<!tpu.dma_semaphore, #tpu.memory_space<semaphore_mem>>) src(%dma_wait3A_84 : memref<128xi32, #tpu.memory_space<hbm>>) dst(%arg10 : memref<128xi32, #tpu.memory_space<vmem>>)
      %dma_start3A_85 = arith.constant 0 : i32
      %dma_start3A_86 = arith.constant 0 : i32
      %dma_start3A_87 = tpu.memref_slice %arg2[%dma_start3A_85, %dma_start3A_86] : memref<10000x128xf32, #tpu.memory_space<hbm>> -> memref<10000x128xf32, #tpu.memory_space<hbm>>
      tpu.enqueue_indirect_dma source(%dma_start3A_87 : memref<10000x128xf32, #tpu.memory_space<hbm>>) target(%arg12 : memref<128x128xf32, #tpu.memory_space<vmem>>) offsets(%arg20 : memref<128xi32, #tpu.memory_space<vmem>>) semaphore(%arg15 : memref<!tpu.dma_semaphore, #tpu.memory_space<semaphore_mem>>)
      %dma_wait3A_88 = arith.constant 0 : i32
      %dma_wait3A_89 = arith.constant 0 : i32
      %dma_wait3A_90 = tpu.memref_slice %arg2[%dma_wait3A_88, %dma_wait3A_89] : memref<10000x128xf32, #tpu.memory_space<hbm>> -> memref<10000x128xf32, #tpu.memory_space<hbm>>
      tpu.wait_indirect_dma semaphore(%arg14 : memref<!tpu.dma_semaphore, #tpu.memory_space<semaphore_mem>>) src(%dma_wait3A_90 : memref<10000x128xf32, #tpu.memory_space<hbm>>) dst(%arg11 : memref<128x128xf32, #tpu.memory_space<vmem>>)
      "tpu.region"() ({
        %run_scoped3A = tpu.sem_alloc : memref<!tpu.dma_semaphore, #tpu.memory_space<semaphore_mem>>
        %dma_start3A_119 = arith.constant 0 : i32
        %dma_start3A_120 = arith.constant 0 : i32
        %dma_start3A_121 = tpu.memref_slice %arg7[%dma_start3A_119, %dma_start3A_120] : memref<10240x128xf32, #tpu.memory_space<vmem_shared>> -> memref<10240x128xf32, #tpu.memory_space<vmem_shared>>
        tpu.enqueue_indirect_dma source(%arg11 : memref<128x128xf32, #tpu.memory_space<vmem>>) target(%dma_start3A_121 : memref<10240x128xf32, #tpu.memory_space<vmem_shared>>) offsets(%arg9 : memref<128xi32, #tpu.memory_space<vmem>>) semaphore(%run_scoped3A : memref<!tpu.dma_semaphore, #tpu.memory_space<semaphore_mem>>) {add = true}
        %dma_wait3A_122 = arith.constant 0 : i32
        %dma_wait3A_123 = arith.constant 0 : i32
        %dma_wait3A_124 = tpu.memref_slice %arg7[%dma_wait3A_122, %dma_wait3A_123] : memref<10240x128xf32, #tpu.memory_space<vmem_shared>> -> memref<10240x128xf32, #tpu.memory_space<vmem_shared>>
        tpu.wait_indirect_dma semaphore(%run_scoped3A : memref<!tpu.dma_semaphore, #tpu.memory_space<semaphore_mem>>) src(%arg11 : memref<128x128xf32, #tpu.memory_space<vmem>>) dst(%dma_wait3A_124 : memref<10240x128xf32, #tpu.memory_space<vmem_shared>>)
        tpu.yield
      }) : () -> ()
      %add3A_91 = arith.constant 2 : i32
      %add3A_92 = arith.addi %mul3A_80, %add3A_91 : i32
      %mul3A_93 = arith.constant 128 : i32
      %mul3A_94 = arith.muli %add3A_92, %mul3A_93 : i32
      %add3A_95 = arith.addi %mul3A_4, %mul3A_94 : i32
      %dma_start3A_96 = tpu.memref_slice %arg3[%add3A_95] : memref<320256xi32, #tpu.memory_space<hbm>> -> memref<128xi32, #tpu.memory_space<hbm>>
      %dma_start3A_97 = tpu.memref_slice %arg3[%add3A_95] : memref<320256xi32, #tpu.memory_space<hbm>> -> memref<128xi32, #tpu.memory_space<hbm>>
      tpu.enqueue_dma source(%dma_start3A_97 : memref<128xi32, #tpu.memory_space<hbm>>) target(%arg19 : memref<128xi32, #tpu.memory_space<vmem>>) target_semaphore(%arg16 : memref<!tpu.dma_semaphore, #tpu.memory_space<semaphore_mem>>)
      %dma_start3A_98 = tpu.memref_slice %arg4[%add3A_95] : memref<320256xi32, #tpu.memory_space<hbm>> -> memref<128xi32, #tpu.memory_space<hbm>>
      %dma_start3A_99 = tpu.memref_slice %arg4[%add3A_95] : memref<320256xi32, #tpu.memory_space<hbm>> -> memref<128xi32, #tpu.memory_space<hbm>>
      tpu.enqueue_dma source(%dma_start3A_99 : memref<128xi32, #tpu.memory_space<hbm>>) target(%arg9 : memref<128xi32, #tpu.memory_space<vmem>>) target_semaphore(%arg16 : memref<!tpu.dma_semaphore, #tpu.memory_space<semaphore_mem>>)
      %dma_wait3A_100 = tpu.memref_slice %arg3[%mul3A_4] : memref<320256xi32, #tpu.memory_space<hbm>> -> memref<128xi32, #tpu.memory_space<hbm>>
      %dma_wait3A_101 = tpu.memref_slice %arg3[%mul3A_4] : memref<320256xi32, #tpu.memory_space<hbm>> -> memref<128xi32, #tpu.memory_space<hbm>>
      tpu.wait_dma2 semaphore(%arg16 : memref<!tpu.dma_semaphore, #tpu.memory_space<semaphore_mem>>) src(%dma_wait3A_101 : memref<128xi32, #tpu.memory_space<hbm>>) dst(%arg19 : memref<128xi32, #tpu.memory_space<vmem>>)
      %dma_wait3A_102 = tpu.memref_slice %arg4[%mul3A_4] : memref<320256xi32, #tpu.memory_space<hbm>> -> memref<128xi32, #tpu.memory_space<hbm>>
      %dma_wait3A_103 = tpu.memref_slice %arg4[%mul3A_4] : memref<320256xi32, #tpu.memory_space<hbm>> -> memref<128xi32, #tpu.memory_space<hbm>>
      tpu.wait_dma2 semaphore(%arg16 : memref<!tpu.dma_semaphore, #tpu.memory_space<semaphore_mem>>) src(%dma_wait3A_103 : memref<128xi32, #tpu.memory_space<hbm>>) dst(%arg9 : memref<128xi32, #tpu.memory_space<vmem>>)
      %dma_start3A_104 = arith.constant 0 : i32
      %dma_start3A_105 = arith.constant 0 : i32
      %dma_start3A_106 = tpu.memref_slice %arg2[%dma_start3A_104, %dma_start3A_105] : memref<10000x128xf32, #tpu.memory_space<hbm>> -> memref<10000x128xf32, #tpu.memory_space<hbm>>
      tpu.enqueue_indirect_dma source(%dma_start3A_106 : memref<10000x128xf32, #tpu.memory_space<hbm>>) target(%arg11 : memref<128x128xf32, #tpu.memory_space<vmem>>) offsets(%arg19 : memref<128xi32, #tpu.memory_space<vmem>>) semaphore(%arg14 : memref<!tpu.dma_semaphore, #tpu.memory_space<semaphore_mem>>)
      %dma_wait3A_107 = arith.constant 0 : i32
      %dma_wait3A_108 = arith.constant 0 : i32
      %dma_wait3A_109 = tpu.memref_slice %arg2[%dma_wait3A_107, %dma_wait3A_108] : memref<10000x128xf32, #tpu.memory_space<hbm>> -> memref<10000x128xf32, #tpu.memory_space<hbm>>
      tpu.wait_indirect_dma semaphore(%arg15 : memref<!tpu.dma_semaphore, #tpu.memory_space<semaphore_mem>>) src(%dma_wait3A_109 : memref<10000x128xf32, #tpu.memory_space<hbm>>) dst(%arg12 : memref<128x128xf32, #tpu.memory_space<vmem>>)
      "tpu.region"() ({
        %run_scoped3A = tpu.sem_alloc : memref<!tpu.dma_semaphore, #tpu.memory_space<semaphore_mem>>
        %dma_start3A_119 = arith.constant 0 : i32
        %dma_start3A_120 = arith.constant 0 : i32
        %dma_start3A_121 = tpu.memref_slice %arg7[%dma_start3A_119, %dma_start3A_120] : memref<10240x128xf32, #tpu.memory_space<vmem_shared>> -> memref<10240x128xf32, #tpu.memory_space<vmem_shared>>
        tpu.enqueue_indirect_dma source(%arg12 : memref<128x128xf32, #tpu.memory_space<vmem>>) target(%dma_start3A_121 : memref<10240x128xf32, #tpu.memory_space<vmem_shared>>) offsets(%arg10 : memref<128xi32, #tpu.memory_space<vmem>>) semaphore(%run_scoped3A : memref<!tpu.dma_semaphore, #tpu.memory_space<semaphore_mem>>) {add = true}
        %dma_wait3A_122 = arith.constant 0 : i32
        %dma_wait3A_123 = arith.constant 0 : i32
        %dma_wait3A_124 = tpu.memref_slice %arg7[%dma_wait3A_122, %dma_wait3A_123] : memref<10240x128xf32, #tpu.memory_space<vmem_shared>> -> memref<10240x128xf32, #tpu.memory_space<vmem_shared>>
        tpu.wait_indirect_dma semaphore(%run_scoped3A : memref<!tpu.dma_semaphore, #tpu.memory_space<semaphore_mem>>) src(%arg12 : memref<128x128xf32, #tpu.memory_space<vmem>>) dst(%dma_wait3A_124 : memref<10240x128xf32, #tpu.memory_space<vmem_shared>>)
        tpu.yield
      }) : () -> ()
      %add3A_110 = arith.constant 3 : i32
      %add3A_111 = arith.addi %mul3A_80, %add3A_110 : i32
      %mul3A_112 = arith.constant 128 : i32
      %mul3A_113 = arith.muli %add3A_111, %mul3A_112 : i32
      %add3A_114 = arith.addi %mul3A_4, %mul3A_113 : i32
      %dma_start3A_115 = tpu.memref_slice %arg3[%add3A_114] : memref<320256xi32, #tpu.memory_space<hbm>> -> memref<128xi32, #tpu.memory_space<hbm>>
      %dma_start3A_116 = tpu.memref_slice %arg3[%add3A_114] : memref<320256xi32, #tpu.memory_space<hbm>> -> memref<128xi32, #tpu.memory_space<hbm>>
      tpu.enqueue_dma source(%dma_start3A_116 : memref<128xi32, #tpu.memory_space<hbm>>) target(%arg20 : memref<128xi32, #tpu.memory_space<vmem>>) target_semaphore(%arg17 : memref<!tpu.dma_semaphore, #tpu.memory_space<semaphore_mem>>)
      %dma_start3A_117 = tpu.memref_slice %arg4[%add3A_114] : memref<320256xi32, #tpu.memory_space<hbm>> -> memref<128xi32, #tpu.memory_space<hbm>>
      %dma_start3A_118 = tpu.memref_slice %arg4[%add3A_114] : memref<320256xi32, #tpu.memory_space<hbm>> -> memref<128xi32, #tpu.memory_space<hbm>>
      tpu.enqueue_dma source(%dma_start3A_118 : memref<128xi32, #tpu.memory_space<hbm>>) target(%arg10 : memref<128xi32, #tpu.memory_space<vmem>>) target_semaphore(%arg17 : memref<!tpu.dma_semaphore, #tpu.memory_space<semaphore_mem>>)
    }
    %scan3A_36 = arith.constant 39 : i32
    %dma_wait3A = arith.constant 0 : i32
    %dma_wait3A_37 = arith.constant 0 : i32
    %dma_wait3A_38 = tpu.memref_slice %arg2[%dma_wait3A, %dma_wait3A_37] : memref<10000x128xf32, #tpu.memory_space<hbm>> -> memref<10000x128xf32, #tpu.memory_space<hbm>>
    tpu.wait_indirect_dma semaphore(%arg14 : memref<!tpu.dma_semaphore, #tpu.memory_space<semaphore_mem>>) src(%dma_wait3A_38 : memref<10000x128xf32, #tpu.memory_space<hbm>>) dst(%arg11 : memref<128x128xf32, #tpu.memory_space<vmem>>)
    %dma_wait3A_39 = tpu.memref_slice %arg3[%mul3A_4] : memref<320256xi32, #tpu.memory_space<hbm>> -> memref<128xi32, #tpu.memory_space<hbm>>
    %dma_wait3A_40 = tpu.memref_slice %arg3[%mul3A_4] : memref<320256xi32, #tpu.memory_space<hbm>> -> memref<128xi32, #tpu.memory_space<hbm>>
    tpu.wait_dma2 semaphore(%arg17 : memref<!tpu.dma_semaphore, #tpu.memory_space<semaphore_mem>>) src(%dma_wait3A_40 : memref<128xi32, #tpu.memory_space<hbm>>) dst(%arg20 : memref<128xi32, #tpu.memory_space<vmem>>)
    %dma_wait3A_41 = tpu.memref_slice %arg4[%mul3A_4] : memref<320256xi32, #tpu.memory_space<hbm>> -> memref<128xi32, #tpu.memory_space<hbm>>
    %dma_wait3A_42 = tpu.memref_slice %arg4[%mul3A_4] : memref<320256xi32, #tpu.memory_space<hbm>> -> memref<128xi32, #tpu.memory_space<hbm>>
    tpu.wait_dma2 semaphore(%arg17 : memref<!tpu.dma_semaphore, #tpu.memory_space<semaphore_mem>>) src(%dma_wait3A_42 : memref<128xi32, #tpu.memory_space<hbm>>) dst(%arg10 : memref<128xi32, #tpu.memory_space<vmem>>)
    %add3A_43 = arith.constant 9984 : i32
    %add3A_44 = arith.addi %mul3A_4, %add3A_43 : i32
    "tpu.region"() ({
      %run_scoped3A = tpu.sem_alloc : memref<!tpu.dma_semaphore, #tpu.memory_space<semaphore_mem>>
      %dma_start3A_74 = tpu.memref_slice %arg3[%add3A_44] : memref<320256xi32, #tpu.memory_space<hbm>> -> memref<16xi32, #tpu.memory_space<hbm>>
      %dma_start3A_75 = tpu.memref_slice %arg3[%add3A_44] : memref<320256xi32, #tpu.memory_space<hbm>> -> memref<16xi32, #tpu.memory_space<hbm>>
      tpu.enqueue_dma source(%dma_start3A_75 : memref<16xi32, #tpu.memory_space<hbm>>) target(%arg18 : memref<16xi32, #tpu.memory_space<vmem>>) target_semaphore(%run_scoped3A : memref<!tpu.dma_semaphore, #tpu.memory_space<semaphore_mem>>)
      %dma_wait3A_76 = tpu.memref_slice %arg3[%add3A_44] : memref<320256xi32, #tpu.memory_space<hbm>> -> memref<16xi32, #tpu.memory_space<hbm>>
      %dma_wait3A_77 = tpu.memref_slice %arg3[%add3A_44] : memref<320256xi32, #tpu.memory_space<hbm>> -> memref<16xi32, #tpu.memory_space<hbm>>
      tpu.wait_dma2 semaphore(%run_scoped3A : memref<!tpu.dma_semaphore, #tpu.memory_space<semaphore_mem>>) src(%dma_wait3A_77 : memref<16xi32, #tpu.memory_space<hbm>>) dst(%arg18 : memref<16xi32, #tpu.memory_space<vmem>>)
      tpu.yield
    }) : () -> ()
    %add3A_45 = arith.constant 9984 : i32
    %add3A_46 = arith.addi %mul3A_4, %add3A_45 : i32
    "tpu.region"() ({
      %run_scoped3A = tpu.sem_alloc : memref<!tpu.dma_semaphore, #tpu.memory_space<semaphore_mem>>
      %dma_start3A_74 = tpu.memref_slice %arg4[%add3A_46] : memref<320256xi32, #tpu.memory_space<hbm>> -> memref<16xi32, #tpu.memory_space<hbm>>
      %dma_start3A_75 = tpu.memref_slice %arg4[%add3A_46] : memref<320256xi32, #tpu.memory_space<hbm>> -> memref<16xi32, #tpu.memory_space<hbm>>
      tpu.enqueue_dma source(%dma_start3A_75 : memref<16xi32, #tpu.memory_space<hbm>>) target(%arg8 : memref<16xi32, #tpu.memory_space<vmem>>) target_semaphore(%run_scoped3A : memref<!tpu.dma_semaphore, #tpu.memory_space<semaphore_mem>>)
      %dma_wait3A_76 = tpu.memref_slice %arg4[%add3A_46] : memref<320256xi32, #tpu.memory_space<hbm>> -> memref<16xi32, #tpu.memory_space<hbm>>
      %dma_wait3A_77 = tpu.memref_slice %arg4[%add3A_46] : memref<320256xi32, #tpu.memory_space<hbm>> -> memref<16xi32, #tpu.memory_space<hbm>>
      tpu.wait_dma2 semaphore(%run_scoped3A : memref<!tpu.dma_semaphore, #tpu.memory_space<semaphore_mem>>) src(%dma_wait3A_77 : memref<16xi32, #tpu.memory_space<hbm>>) dst(%arg8 : memref<16xi32, #tpu.memory_space<vmem>>)
      tpu.yield
    }) : () -> ()
    %dma_start3A_47 = arith.constant 0 : i32
    %dma_start3A_48 = arith.constant 0 : i32
    %dma_start3A_49 = tpu.memref_slice %arg2[%dma_start3A_47, %dma_start3A_48] : memref<10000x128xf32, #tpu.memory_space<hbm>> -> memref<10000x128xf32, #tpu.memory_space<hbm>>
    tpu.enqueue_indirect_dma source(%dma_start3A_49 : memref<10000x128xf32, #tpu.memory_space<hbm>>) target(%arg13 : memref<16x128xf32, #tpu.memory_space<vmem>>) offsets(%arg18 : memref<16xi32, #tpu.memory_space<vmem>>) semaphore(%arg14 : memref<!tpu.dma_semaphore, #tpu.memory_space<semaphore_mem>>)
    %dma_wait3A_50 = arith.constant 0 : i32
    %dma_wait3A_51 = arith.constant 0 : i32
    %dma_wait3A_52 = tpu.memref_slice %arg2[%dma_wait3A_50, %dma_wait3A_51] : memref<10000x128xf32, #tpu.memory_space<hbm>> -> memref<10000x128xf32, #tpu.memory_space<hbm>>
    tpu.wait_indirect_dma semaphore(%arg14 : memref<!tpu.dma_semaphore, #tpu.memory_space<semaphore_mem>>) src(%dma_wait3A_52 : memref<10000x128xf32, #tpu.memory_space<hbm>>) dst(%arg13 : memref<16x128xf32, #tpu.memory_space<vmem>>)
    "tpu.region"() ({
      %run_scoped3A = tpu.sem_alloc : memref<!tpu.dma_semaphore, #tpu.memory_space<semaphore_mem>>
      %dma_start3A_74 = arith.constant 0 : i32
      %dma_start3A_75 = arith.constant 0 : i32
      %dma_start3A_76 = tpu.memref_slice %arg7[%dma_start3A_74, %dma_start3A_75] : memref<10240x128xf32, #tpu.memory_space<vmem_shared>> -> memref<10240x128xf32, #tpu.memory_space<vmem_shared>>
      tpu.enqueue_indirect_dma source(%arg13 : memref<16x128xf32, #tpu.memory_space<vmem>>) target(%dma_start3A_76 : memref<10240x128xf32, #tpu.memory_space<vmem_shared>>) offsets(%arg8 : memref<16xi32, #tpu.memory_space<vmem>>) semaphore(%run_scoped3A : memref<!tpu.dma_semaphore, #tpu.memory_space<semaphore_mem>>) {add = true}
      %dma_wait3A_77 = arith.constant 0 : i32
      %dma_wait3A_78 = arith.constant 0 : i32
      %dma_wait3A_79 = tpu.memref_slice %arg7[%dma_wait3A_77, %dma_wait3A_78] : memref<10240x128xf32, #tpu.memory_space<vmem_shared>> -> memref<10240x128xf32, #tpu.memory_space<vmem_shared>>
      tpu.wait_indirect_dma semaphore(%run_scoped3A : memref<!tpu.dma_semaphore, #tpu.memory_space<semaphore_mem>>) src(%arg13 : memref<16x128xf32, #tpu.memory_space<vmem>>) dst(%dma_wait3A_79 : memref<10240x128xf32, #tpu.memory_space<vmem_shared>>)
      tpu.yield
    }) : () -> ()
    %barrier3A_53 = arith.constant 0 : index
    tpu.barrier barrier_id(%barrier3A_53)
    %add3A_54 = arith.constant 0 : i32
    %add3A_55 = arith.addi %mul3A_2, %add3A_54 : i32
    "tpu.region"() ({
      %run_scoped3A = tpu.sem_alloc : memref<!tpu.dma_semaphore, #tpu.memory_space<semaphore_mem>>
      %dma_start3A_74 = arith.constant 0 : i32
      %dma_start3A_75 = tpu.memref_slice %arg7[%add3A_55, %dma_start3A_74] : memref<10240x128xf32, #tpu.memory_space<vmem_shared>> -> memref<64x128xf32, #tpu.memory_space<vmem_shared>>
      %dma_start3A_76 = arith.constant 0 : i32
      %dma_start3A_77 = tpu.memref_slice %arg7[%add3A_55, %dma_start3A_76] : memref<10240x128xf32, #tpu.memory_space<vmem_shared>> -> memref<64x128xf32, #tpu.memory_space<vmem_shared>>
      tpu.enqueue_dma source(%dma_start3A_77 : memref<64x128xf32, #tpu.memory_space<vmem_shared>>) target(%arg21 : memref<64x128xf32, #tpu.memory_space<vmem>>) target_semaphore(%run_scoped3A : memref<!tpu.dma_semaphore, #tpu.memory_space<semaphore_mem>>)
      %dma_wait3A_78 = arith.constant 0 : i32
      %dma_wait3A_79 = tpu.memref_slice %arg7[%add3A_55, %dma_wait3A_78] : memref<10240x128xf32, #tpu.memory_space<vmem_shared>> -> memref<64x128xf32, #tpu.memory_space<vmem_shared>>
      %dma_wait3A_80 = arith.constant 0 : i32
      %dma_wait3A_81 = tpu.memref_slice %arg7[%add3A_55, %dma_wait3A_80] : memref<10240x128xf32, #tpu.memory_space<vmem_shared>> -> memref<64x128xf32, #tpu.memory_space<vmem_shared>>
      tpu.wait_dma2 semaphore(%run_scoped3A : memref<!tpu.dma_semaphore, #tpu.memory_space<semaphore_mem>>) src(%dma_wait3A_81 : memref<64x128xf32, #tpu.memory_space<vmem_shared>>) dst(%arg21 : memref<64x128xf32, #tpu.memory_space<vmem>>)
      tpu.yield
    }) : () -> ()
    "tpu.region"() ({
      %run_scoped3A = tpu.sem_alloc : memref<!tpu.dma_semaphore, #tpu.memory_space<semaphore_mem>>
      %dma_start3A_74 = arith.constant 0 : i32
      %dma_start3A_75 = tpu.memref_slice %arg6[%arg0, %add3A_55, %dma_start3A_74] : memref<2x10240x128xf32, #tpu.memory_space<hbm>> -> memref<1x64x128xf32, #tpu.memory_space<hbm>>
      %dma_start3A_76 = tpu.memref_squeeze %dma_start3A_75 : memref<1x64x128xf32, #tpu.memory_space<hbm>> -> memref<64x128xf32, #tpu.memory_space<hbm>>
      %dma_start3A_77 = arith.constant 0 : i32
      %dma_start3A_78 = tpu.memref_slice %arg6[%arg0, %add3A_55, %dma_start3A_77] : memref<2x10240x128xf32, #tpu.memory_space<hbm>> -> memref<1x64x128xf32, #tpu.memory_space<hbm>>
      %dma_start3A_79 = tpu.memref_squeeze %dma_start3A_78 : memref<1x64x128xf32, #tpu.memory_space<hbm>> -> memref<64x128xf32, #tpu.memory_space<hbm>>
      tpu.enqueue_dma source(%arg21 : memref<64x128xf32, #tpu.memory_space<vmem>>) target(%dma_start3A_79 : memref<64x128xf32, #tpu.memory_space<hbm>>) target_semaphore(%run_scoped3A : memref<!tpu.dma_semaphore, #tpu.memory_space<semaphore_mem>>)
      %dma_wait3A_80 = arith.constant 0 : i32
      %dma_wait3A_81 = tpu.memref_slice %arg6[%arg0, %add3A_55, %dma_wait3A_80] : memref<2x10240x128xf32, #tpu.memory_space<hbm>> -> memref<1x64x128xf32, #tpu.memory_space<hbm>>
      %dma_wait3A_82 = tpu.memref_squeeze %dma_wait3A_81 : memref<1x64x128xf32, #tpu.memory_space<hbm>> -> memref<64x128xf32, #tpu.memory_space<hbm>>
      %dma_wait3A_83 = arith.constant 0 : i32
      %dma_wait3A_84 = tpu.memref_slice %arg6[%arg0, %add3A_55, %dma_wait3A_83] : memref<2x10240x128xf32, #tpu.memory_space<hbm>> -> memref<1x64x128xf32, #tpu.memory_space<hbm>>
      %dma_wait3A_85 = tpu.memref_squeeze %dma_wait3A_84 : memref<1x64x128xf32, #tpu.memory_space<hbm>> -> memref<64x128xf32, #tpu.memory_space<hbm>>
      tpu.wait_dma2 semaphore(%run_scoped3A : memref<!tpu.dma_semaphore, #tpu.memory_space<semaphore_mem>>) src(%arg21 : memref<64x128xf32, #tpu.memory_space<vmem>>) dst(%dma_wait3A_85 : memref<64x128xf32, #tpu.memory_space<hbm>>)
      tpu.yield
    }) : () -> ()
    %add3A_56 = arith.constant 64 : i32
    %add3A_57 = arith.addi %mul3A_2, %add3A_56 : i32
    "tpu.region"() ({
      %run_scoped3A = tpu.sem_alloc : memref<!tpu.dma_semaphore, #tpu.memory_space<semaphore_mem>>
      %dma_start3A_74 = arith.constant 0 : i32
      %dma_start3A_75 = tpu.memref_slice %arg7[%add3A_57, %dma_start3A_74] : memref<10240x128xf32, #tpu.memory_space<vmem_shared>> -> memref<64x128xf32, #tpu.memory_space<vmem_shared>>
      %dma_start3A_76 = arith.constant 0 : i32
      %dma_start3A_77 = tpu.memref_slice %arg7[%add3A_57, %dma_start3A_76] : memref<10240x128xf32, #tpu.memory_space<vmem_shared>> -> memref<64x128xf32, #tpu.memory_space<vmem_shared>>
      tpu.enqueue_dma source(%dma_start3A_77 : memref<64x128xf32, #tpu.memory_space<vmem_shared>>) target(%arg21 : memref<64x128xf32, #tpu.memory_space<vmem>>) target_semaphore(%run_scoped3A : memref<!tpu.dma_semaphore, #tpu.memory_space<semaphore_mem>>)
      %dma_wait3A_78 = arith.constant 0 : i32
      %dma_wait3A_79 = tpu.memref_slice %arg7[%add3A_57, %dma_wait3A_78] : memref<10240x128xf32, #tpu.memory_space<vmem_shared>> -> memref<64x128xf32, #tpu.memory_space<vmem_shared>>
      %dma_wait3A_80 = arith.constant 0 : i32
      %dma_wait3A_81 = tpu.memref_slice %arg7[%add3A_57, %dma_wait3A_80] : memref<10240x128xf32, #tpu.memory_space<vmem_shared>> -> memref<64x128xf32, #tpu.memory_space<vmem_shared>>
      tpu.wait_dma2 semaphore(%run_scoped3A : memref<!tpu.dma_semaphore, #tpu.memory_space<semaphore_mem>>) src(%dma_wait3A_81 : memref<64x128xf32, #tpu.memory_space<vmem_shared>>) dst(%arg21 : memref<64x128xf32, #tpu.memory_space<vmem>>)
      tpu.yield
    }) : () -> ()
    "tpu.region"() ({
      %run_scoped3A = tpu.sem_alloc : memref<!tpu.dma_semaphore, #tpu.memory_space<semaphore_mem>>
      %dma_start3A_74 = arith.constant 0 : i32
      %dma_start3A_75 = tpu.memref_slice %arg6[%arg0, %add3A_57, %dma_start3A_74] : memref<2x10240x128xf32, #tpu.memory_space<hbm>> -> memref<1x64x128xf32, #tpu.memory_space<hbm>>
      %dma_start3A_76 = tpu.memref_squeeze %dma_start3A_75 : memref<1x64x128xf32, #tpu.memory_space<hbm>> -> memref<64x128xf32, #tpu.memory_space<hbm>>
      %dma_start3A_77 = arith.constant 0 : i32
      %dma_start3A_78 = tpu.memref_slice %arg6[%arg0, %add3A_57, %dma_start3A_77] : memref<2x10240x128xf32, #tpu.memory_space<hbm>> -> memref<1x64x128xf32, #tpu.memory_space<hbm>>
      %dma_start3A_79 = tpu.memref_squeeze %dma_start3A_78 : memref<1x64x128xf32, #tpu.memory_space<hbm>> -> memref<64x128xf32, #tpu.memory_space<hbm>>
      tpu.enqueue_dma source(%arg21 : memref<64x128xf32, #tpu.memory_space<vmem>>) target(%dma_start3A_79 : memref<64x128xf32, #tpu.memory_space<hbm>>) target_semaphore(%run_scoped3A : memref<!tpu.dma_semaphore, #tpu.memory_space<semaphore_mem>>)
      %dma_wait3A_80 = arith.constant 0 : i32
      %dma_wait3A_81 = tpu.memref_slice %arg6[%arg0, %add3A_57, %dma_wait3A_80] : memref<2x10240x128xf32, #tpu.memory_space<hbm>> -> memref<1x64x128xf32, #tpu.memory_space<hbm>>
      %dma_wait3A_82 = tpu.memref_squeeze %dma_wait3A_81 : memref<1x64x128xf32, #tpu.memory_space<hbm>> -> memref<64x128xf32, #tpu.memory_space<hbm>>
      %dma_wait3A_83 = arith.constant 0 : i32
      %dma_wait3A_84 = tpu.memref_slice %arg6[%arg0, %add3A_57, %dma_wait3A_83] : memref<2x10240x128xf32, #tpu.memory_space<hbm>> -> memref<1x64x128xf32, #tpu.memory_space<hbm>>
      %dma_wait3A_85 = tpu.memref_squeeze %dma_wait3A_84 : memref<1x64x128xf32, #tpu.memory_space<hbm>> -> memref<64x128xf32, #tpu.memory_space<hbm>>
      tpu.wait_dma2 semaphore(%run_scoped3A : memref<!tpu.dma_semaphore, #tpu.memory_space<semaphore_mem>>) src(%arg21 : memref<64x128xf32, #tpu.memory_space<vmem>>) dst(%dma_wait3A_85 : memref<64x128xf32, #tpu.memory_space<hbm>>)
      tpu.yield
    }) : () -> ()
    %add3A_58 = arith.constant 128 : i32
    %add3A_59 = arith.addi %mul3A_2, %add3A_58 : i32
    "tpu.region"() ({
      %run_scoped3A = tpu.sem_alloc : memref<!tpu.dma_semaphore, #tpu.memory_space<semaphore_mem>>
      %dma_start3A_74 = arith.constant 0 : i32
      %dma_start3A_75 = tpu.memref_slice %arg7[%add3A_59, %dma_start3A_74] : memref<10240x128xf32, #tpu.memory_space<vmem_shared>> -> memref<64x128xf32, #tpu.memory_space<vmem_shared>>
      %dma_start3A_76 = arith.constant 0 : i32
      %dma_start3A_77 = tpu.memref_slice %arg7[%add3A_59, %dma_start3A_76] : memref<10240x128xf32, #tpu.memory_space<vmem_shared>> -> memref<64x128xf32, #tpu.memory_space<vmem_shared>>
      tpu.enqueue_dma source(%dma_start3A_77 : memref<64x128xf32, #tpu.memory_space<vmem_shared>>) target(%arg21 : memref<64x128xf32, #tpu.memory_space<vmem>>) target_semaphore(%run_scoped3A : memref<!tpu.dma_semaphore, #tpu.memory_space<semaphore_mem>>)
      %dma_wait3A_78 = arith.constant 0 : i32
      %dma_wait3A_79 = tpu.memref_slice %arg7[%add3A_59, %dma_wait3A_78] : memref<10240x128xf32, #tpu.memory_space<vmem_shared>> -> memref<64x128xf32, #tpu.memory_space<vmem_shared>>
      %dma_wait3A_80 = arith.constant 0 : i32
      %dma_wait3A_81 = tpu.memref_slice %arg7[%add3A_59, %dma_wait3A_80] : memref<10240x128xf32, #tpu.memory_space<vmem_shared>> -> memref<64x128xf32, #tpu.memory_space<vmem_shared>>
      tpu.wait_dma2 semaphore(%run_scoped3A : memref<!tpu.dma_semaphore, #tpu.memory_space<semaphore_mem>>) src(%dma_wait3A_81 : memref<64x128xf32, #tpu.memory_space<vmem_shared>>) dst(%arg21 : memref<64x128xf32, #tpu.memory_space<vmem>>)
      tpu.yield
    }) : () -> ()
    "tpu.region"() ({
      %run_scoped3A = tpu.sem_alloc : memref<!tpu.dma_semaphore, #tpu.memory_space<semaphore_mem>>
      %dma_start3A_74 = arith.constant 0 : i32
      %dma_start3A_75 = tpu.memref_slice %arg6[%arg0, %add3A_59, %dma_start3A_74] : memref<2x10240x128xf32, #tpu.memory_space<hbm>> -> memref<1x64x128xf32, #tpu.memory_space<hbm>>
      %dma_start3A_76 = tpu.memref_squeeze %dma_start3A_75 : memref<1x64x128xf32, #tpu.memory_space<hbm>> -> memref<64x128xf32, #tpu.memory_space<hbm>>
      %dma_start3A_77 = arith.constant 0 : i32
      %dma_start3A_78 = tpu.memref_slice %arg6[%arg0, %add3A_59, %dma_start3A_77] : memref<2x10240x128xf32, #tpu.memory_space<hbm>> -> memref<1x64x128xf32, #tpu.memory_space<hbm>>
      %dma_start3A_79 = tpu.memref_squeeze %dma_start3A_78 : memref<1x64x128xf32, #tpu.memory_space<hbm>> -> memref<64x128xf32, #tpu.memory_space<hbm>>
      tpu.enqueue_dma source(%arg21 : memref<64x128xf32, #tpu.memory_space<vmem>>) target(%dma_start3A_79 : memref<64x128xf32, #tpu.memory_space<hbm>>) target_semaphore(%run_scoped3A : memref<!tpu.dma_semaphore, #tpu.memory_space<semaphore_mem>>)
      %dma_wait3A_80 = arith.constant 0 : i32
      %dma_wait3A_81 = tpu.memref_slice %arg6[%arg0, %add3A_59, %dma_wait3A_80] : memref<2x10240x128xf32, #tpu.memory_space<hbm>> -> memref<1x64x128xf32, #tpu.memory_space<hbm>>
      %dma_wait3A_82 = tpu.memref_squeeze %dma_wait3A_81 : memref<1x64x128xf32, #tpu.memory_space<hbm>> -> memref<64x128xf32, #tpu.memory_space<hbm>>
      %dma_wait3A_83 = arith.constant 0 : i32
      %dma_wait3A_84 = tpu.memref_slice %arg6[%arg0, %add3A_59, %dma_wait3A_83] : memref<2x10240x128xf32, #tpu.memory_space<hbm>> -> memref<1x64x128xf32, #tpu.memory_space<hbm>>
      %dma_wait3A_85 = tpu.memref_squeeze %dma_wait3A_84 : memref<1x64x128xf32, #tpu.memory_space<hbm>> -> memref<64x128xf32, #tpu.memory_space<hbm>>
      tpu.wait_dma2 semaphore(%run_scoped3A : memref<!tpu.dma_semaphore, #tpu.memory_space<semaphore_mem>>) src(%arg21 : memref<64x128xf32, #tpu.memory_space<vmem>>) dst(%dma_wait3A_85 : memref<64x128xf32, #tpu.memory_space<hbm>>)
      tpu.yield
    }) : () -> ()
    %add3A_60 = arith.constant 192 : i32
    %add3A_61 = arith.addi %mul3A_2, %add3A_60 : i32
    "tpu.region"() ({
      %run_scoped3A = tpu.sem_alloc : memref<!tpu.dma_semaphore, #tpu.memory_space<semaphore_mem>>
      %dma_start3A_74 = arith.constant 0 : i32
      %dma_start3A_75 = tpu.memref_slice %arg7[%add3A_61, %dma_start3A_74] : memref<10240x128xf32, #tpu.memory_space<vmem_shared>> -> memref<64x128xf32, #tpu.memory_space<vmem_shared>>
      %dma_start3A_76 = arith.constant 0 : i32
      %dma_start3A_77 = tpu.memref_slice %arg7[%add3A_61, %dma_start3A_76] : memref<10240x128xf32, #tpu.memory_space<vmem_shared>> -> memref<64x128xf32, #tpu.memory_space<vmem_shared>>
      tpu.enqueue_dma source(%dma_start3A_77 : memref<64x128xf32, #tpu.memory_space<vmem_shared>>) target(%arg21 : memref<64x128xf32, #tpu.memory_space<vmem>>) target_semaphore(%run_scoped3A : memref<!tpu.dma_semaphore, #tpu.memory_space<semaphore_mem>>)
      %dma_wait3A_78 = arith.constant 0 : i32
      %dma_wait3A_79 = tpu.memref_slice %arg7[%add3A_61, %dma_wait3A_78] : memref<10240x128xf32, #tpu.memory_space<vmem_shared>> -> memref<64x128xf32, #tpu.memory_space<vmem_shared>>
      %dma_wait3A_80 = arith.constant 0 : i32
      %dma_wait3A_81 = tpu.memref_slice %arg7[%add3A_61, %dma_wait3A_80] : memref<10240x128xf32, #tpu.memory_space<vmem_shared>> -> memref<64x128xf32, #tpu.memory_space<vmem_shared>>
      tpu.wait_dma2 semaphore(%run_scoped3A : memref<!tpu.dma_semaphore, #tpu.memory_space<semaphore_mem>>) src(%dma_wait3A_81 : memref<64x128xf32, #tpu.memory_space<vmem_shared>>) dst(%arg21 : memref<64x128xf32, #tpu.memory_space<vmem>>)
      tpu.yield
    }) : () -> ()
    "tpu.region"() ({
      %run_scoped3A = tpu.sem_alloc : memref<!tpu.dma_semaphore, #tpu.memory_space<semaphore_mem>>
      %dma_start3A_74 = arith.constant 0 : i32
      %dma_start3A_75 = tpu.memref_slice %arg6[%arg0, %add3A_61, %dma_start3A_74] : memref<2x10240x128xf32, #tpu.memory_space<hbm>> -> memref<1x64x128xf32, #tpu.memory_space<hbm>>
      %dma_start3A_76 = tpu.memref_squeeze %dma_start3A_75 : memref<1x64x128xf32, #tpu.memory_space<hbm>> -> memref<64x128xf32, #tpu.memory_space<hbm>>
      %dma_start3A_77 = arith.constant 0 : i32
      %dma_start3A_78 = tpu.memref_slice %arg6[%arg0, %add3A_61, %dma_start3A_77] : memref<2x10240x128xf32, #tpu.memory_space<hbm>> -> memref<1x64x128xf32, #tpu.memory_space<hbm>>
      %dma_start3A_79 = tpu.memref_squeeze %dma_start3A_78 : memref<1x64x128xf32, #tpu.memory_space<hbm>> -> memref<64x128xf32, #tpu.memory_space<hbm>>
      tpu.enqueue_dma source(%arg21 : memref<64x128xf32, #tpu.memory_space<vmem>>) target(%dma_start3A_79 : memref<64x128xf32, #tpu.memory_space<hbm>>) target_semaphore(%run_scoped3A : memref<!tpu.dma_semaphore, #tpu.memory_space<semaphore_mem>>)
      %dma_wait3A_80 = arith.constant 0 : i32
      %dma_wait3A_81 = tpu.memref_slice %arg6[%arg0, %add3A_61, %dma_wait3A_80] : memref<2x10240x128xf32, #tpu.memory_space<hbm>> -> memref<1x64x128xf32, #tpu.memory_space<hbm>>
      %dma_wait3A_82 = tpu.memref_squeeze %dma_wait3A_81 : memref<1x64x128xf32, #tpu.memory_space<hbm>> -> memref<64x128xf32, #tpu.memory_space<hbm>>
      %dma_wait3A_83 = arith.constant 0 : i32
      %dma_wait3A_84 = tpu.memref_slice %arg6[%arg0, %add3A_61, %dma_wait3A_83] : memref<2x10240x128xf32, #tpu.memory_space<hbm>> -> memref<1x64x128xf32, #tpu.memory_space<hbm>>
      %dma_wait3A_85 = tpu.memref_squeeze %dma_wait3A_84 : memref<1x64x128xf32, #tpu.memory_space<hbm>> -> memref<64x128xf32, #tpu.memory_space<hbm>>
      tpu.wait_dma2 semaphore(%run_scoped3A : memref<!tpu.dma_semaphore, #tpu.memory_space<semaphore_mem>>) src(%arg21 : memref<64x128xf32, #tpu.memory_space<vmem>>) dst(%dma_wait3A_85 : memref<64x128xf32, #tpu.memory_space<hbm>>)
      tpu.yield
    }) : () -> ()
    %add3A_62 = arith.constant 256 : i32
    %add3A_63 = arith.addi %mul3A_2, %add3A_62 : i32
    "tpu.region"() ({
      %run_scoped3A = tpu.sem_alloc : memref<!tpu.dma_semaphore, #tpu.memory_space<semaphore_mem>>
      %dma_start3A_74 = arith.constant 0 : i32
      %dma_start3A_75 = tpu.memref_slice %arg7[%add3A_63, %dma_start3A_74] : memref<10240x128xf32, #tpu.memory_space<vmem_shared>> -> memref<64x128xf32, #tpu.memory_space<vmem_shared>>
      %dma_start3A_76 = arith.constant 0 : i32
      %dma_start3A_77 = tpu.memref_slice %arg7[%add3A_63, %dma_start3A_76] : memref<10240x128xf32, #tpu.memory_space<vmem_shared>> -> memref<64x128xf32, #tpu.memory_space<vmem_shared>>
      tpu.enqueue_dma source(%dma_start3A_77 : memref<64x128xf32, #tpu.memory_space<vmem_shared>>) target(%arg21 : memref<64x128xf32, #tpu.memory_space<vmem>>) target_semaphore(%run_scoped3A : memref<!tpu.dma_semaphore, #tpu.memory_space<semaphore_mem>>)
      %dma_wait3A_78 = arith.constant 0 : i32
      %dma_wait3A_79 = tpu.memref_slice %arg7[%add3A_63, %dma_wait3A_78] : memref<10240x128xf32, #tpu.memory_space<vmem_shared>> -> memref<64x128xf32, #tpu.memory_space<vmem_shared>>
      %dma_wait3A_80 = arith.constant 0 : i32
      %dma_wait3A_81 = tpu.memref_slice %arg7[%add3A_63, %dma_wait3A_80] : memref<10240x128xf32, #tpu.memory_space<vmem_shared>> -> memref<64x128xf32, #tpu.memory_space<vmem_shared>>
      tpu.wait_dma2 semaphore(%run_scoped3A : memref<!tpu.dma_semaphore, #tpu.memory_space<semaphore_mem>>) src(%dma_wait3A_81 : memref<64x128xf32, #tpu.memory_space<vmem_shared>>) dst(%arg21 : memref<64x128xf32, #tpu.memory_space<vmem>>)
      tpu.yield
    }) : () -> ()
    "tpu.region"() ({
      %run_scoped3A = tpu.sem_alloc : memref<!tpu.dma_semaphore, #tpu.memory_space<semaphore_mem>>
      %dma_start3A_74 = arith.constant 0 : i32
      %dma_start3A_75 = tpu.memref_slice %arg6[%arg0, %add3A_63, %dma_start3A_74] : memref<2x10240x128xf32, #tpu.memory_space<hbm>> -> memref<1x64x128xf32, #tpu.memory_space<hbm>>
      %dma_start3A_76 = tpu.memref_squeeze %dma_start3A_75 : memref<1x64x128xf32, #tpu.memory_space<hbm>> -> memref<64x128xf32, #tpu.memory_space<hbm>>
      %dma_start3A_77 = arith.constant 0 : i32
      %dma_start3A_78 = tpu.memref_slice %arg6[%arg0, %add3A_63, %dma_start3A_77] : memref<2x10240x128xf32, #tpu.memory_space<hbm>> -> memref<1x64x128xf32, #tpu.memory_space<hbm>>
      %dma_start3A_79 = tpu.memref_squeeze %dma_start3A_78 : memref<1x64x128xf32, #tpu.memory_space<hbm>> -> memref<64x128xf32, #tpu.memory_space<hbm>>
      tpu.enqueue_dma source(%arg21 : memref<64x128xf32, #tpu.memory_space<vmem>>) target(%dma_start3A_79 : memref<64x128xf32, #tpu.memory_space<hbm>>) target_semaphore(%run_scoped3A : memref<!tpu.dma_semaphore, #tpu.memory_space<semaphore_mem>>)
      %dma_wait3A_80 = arith.constant 0 : i32
      %dma_wait3A_81 = tpu.memref_slice %arg6[%arg0, %add3A_63, %dma_wait3A_80] : memref<2x10240x128xf32, #tpu.memory_space<hbm>> -> memref<1x64x128xf32, #tpu.memory_space<hbm>>
      %dma_wait3A_82 = tpu.memref_squeeze %dma_wait3A_81 : memref<1x64x128xf32, #tpu.memory_space<hbm>> -> memref<64x128xf32, #tpu.memory_space<hbm>>
      %dma_wait3A_83 = arith.constant 0 : i32
      %dma_wait3A_84 = tpu.memref_slice %arg6[%arg0, %add3A_63, %dma_wait3A_83] : memref<2x10240x128xf32, #tpu.memory_space<hbm>> -> memref<1x64x128xf32, #tpu.memory_space<hbm>>
      %dma_wait3A_85 = tpu.memref_squeeze %dma_wait3A_84 : memref<1x64x128xf32, #tpu.memory_space<hbm>> -> memref<64x128xf32, #tpu.memory_space<hbm>>
      tpu.wait_dma2 semaphore(%run_scoped3A : memref<!tpu.dma_semaphore, #tpu.memory_space<semaphore_mem>>) src(%arg21 : memref<64x128xf32, #tpu.memory_space<vmem>>) dst(%dma_wait3A_85 : memref<64x128xf32, #tpu.memory_space<hbm>>)
      tpu.yield
    }) : () -> ()
    %add3A_64 = arith.constant 320 : i32
    %add3A_65 = arith.addi %mul3A_2, %add3A_64 : i32
    "tpu.region"() ({
      %run_scoped3A = tpu.sem_alloc : memref<!tpu.dma_semaphore, #tpu.memory_space<semaphore_mem>>
      %dma_start3A_74 = arith.constant 0 : i32
      %dma_start3A_75 = tpu.memref_slice %arg7[%add3A_65, %dma_start3A_74] : memref<10240x128xf32, #tpu.memory_space<vmem_shared>> -> memref<64x128xf32, #tpu.memory_space<vmem_shared>>
      %dma_start3A_76 = arith.constant 0 : i32
      %dma_start3A_77 = tpu.memref_slice %arg7[%add3A_65, %dma_start3A_76] : memref<10240x128xf32, #tpu.memory_space<vmem_shared>> -> memref<64x128xf32, #tpu.memory_space<vmem_shared>>
      tpu.enqueue_dma source(%dma_start3A_77 : memref<64x128xf32, #tpu.memory_space<vmem_shared>>) target(%arg21 : memref<64x128xf32, #tpu.memory_space<vmem>>) target_semaphore(%run_scoped3A : memref<!tpu.dma_semaphore, #tpu.memory_space<semaphore_mem>>)
      %dma_wait3A_78 = arith.constant 0 : i32
      %dma_wait3A_79 = tpu.memref_slice %arg7[%add3A_65, %dma_wait3A_78] : memref<10240x128xf32, #tpu.memory_space<vmem_shared>> -> memref<64x128xf32, #tpu.memory_space<vmem_shared>>
      %dma_wait3A_80 = arith.constant 0 : i32
      %dma_wait3A_81 = tpu.memref_slice %arg7[%add3A_65, %dma_wait3A_80] : memref<10240x128xf32, #tpu.memory_space<vmem_shared>> -> memref<64x128xf32, #tpu.memory_space<vmem_shared>>
      tpu.wait_dma2 semaphore(%run_scoped3A : memref<!tpu.dma_semaphore, #tpu.memory_space<semaphore_mem>>) src(%dma_wait3A_81 : memref<64x128xf32, #tpu.memory_space<vmem_shared>>) dst(%arg21 : memref<64x128xf32, #tpu.memory_space<vmem>>)
      tpu.yield
    }) : () -> ()
    "tpu.region"() ({
      %run_scoped3A = tpu.sem_alloc : memref<!tpu.dma_semaphore, #tpu.memory_space<semaphore_mem>>
      %dma_start3A_74 = arith.constant 0 : i32
      %dma_start3A_75 = tpu.memref_slice %arg6[%arg0, %add3A_65, %dma_start3A_74] : memref<2x10240x128xf32, #tpu.memory_space<hbm>> -> memref<1x64x128xf32, #tpu.memory_space<hbm>>
      %dma_start3A_76 = tpu.memref_squeeze %dma_start3A_75 : memref<1x64x128xf32, #tpu.memory_space<hbm>> -> memref<64x128xf32, #tpu.memory_space<hbm>>
      %dma_start3A_77 = arith.constant 0 : i32
      %dma_start3A_78 = tpu.memref_slice %arg6[%arg0, %add3A_65, %dma_start3A_77] : memref<2x10240x128xf32, #tpu.memory_space<hbm>> -> memref<1x64x128xf32, #tpu.memory_space<hbm>>
      %dma_start3A_79 = tpu.memref_squeeze %dma_start3A_78 : memref<1x64x128xf32, #tpu.memory_space<hbm>> -> memref<64x128xf32, #tpu.memory_space<hbm>>
      tpu.enqueue_dma source(%arg21 : memref<64x128xf32, #tpu.memory_space<vmem>>) target(%dma_start3A_79 : memref<64x128xf32, #tpu.memory_space<hbm>>) target_semaphore(%run_scoped3A : memref<!tpu.dma_semaphore, #tpu.memory_space<semaphore_mem>>)
      %dma_wait3A_80 = arith.constant 0 : i32
      %dma_wait3A_81 = tpu.memref_slice %arg6[%arg0, %add3A_65, %dma_wait3A_80] : memref<2x10240x128xf32, #tpu.memory_space<hbm>> -> memref<1x64x128xf32, #tpu.memory_space<hbm>>
      %dma_wait3A_82 = tpu.memref_squeeze %dma_wait3A_81 : memref<1x64x128xf32, #tpu.memory_space<hbm>> -> memref<64x128xf32, #tpu.memory_space<hbm>>
      %dma_wait3A_83 = arith.constant 0 : i32
      %dma_wait3A_84 = tpu.memref_slice %arg6[%arg0, %add3A_65, %dma_wait3A_83] : memref<2x10240x128xf32, #tpu.memory_space<hbm>> -> memref<1x64x128xf32, #tpu.memory_space<hbm>>
      %dma_wait3A_85 = tpu.memref_squeeze %dma_wait3A_84 : memref<1x64x128xf32, #tpu.memory_space<hbm>> -> memref<64x128xf32, #tpu.memory_space<hbm>>
      tpu.wait_dma2 semaphore(%run_scoped3A : memref<!tpu.dma_semaphore, #tpu.memory_space<semaphore_mem>>) src(%arg21 : memref<64x128xf32, #tpu.memory_space<vmem>>) dst(%dma_wait3A_85 : memref<64x128xf32, #tpu.memory_space<hbm>>)
      tpu.yield
    }) : () -> ()
    %add3A_66 = arith.constant 384 : i32
    %add3A_67 = arith.addi %mul3A_2, %add3A_66 : i32
    "tpu.region"() ({
      %run_scoped3A = tpu.sem_alloc : memref<!tpu.dma_semaphore, #tpu.memory_space<semaphore_mem>>
      %dma_start3A_74 = arith.constant 0 : i32
      %dma_start3A_75 = tpu.memref_slice %arg7[%add3A_67, %dma_start3A_74] : memref<10240x128xf32, #tpu.memory_space<vmem_shared>> -> memref<64x128xf32, #tpu.memory_space<vmem_shared>>
      %dma_start3A_76 = arith.constant 0 : i32
      %dma_start3A_77 = tpu.memref_slice %arg7[%add3A_67, %dma_start3A_76] : memref<10240x128xf32, #tpu.memory_space<vmem_shared>> -> memref<64x128xf32, #tpu.memory_space<vmem_shared>>
      tpu.enqueue_dma source(%dma_start3A_77 : memref<64x128xf32, #tpu.memory_space<vmem_shared>>) target(%arg21 : memref<64x128xf32, #tpu.memory_space<vmem>>) target_semaphore(%run_scoped3A : memref<!tpu.dma_semaphore, #tpu.memory_space<semaphore_mem>>)
      %dma_wait3A_78 = arith.constant 0 : i32
      %dma_wait3A_79 = tpu.memref_slice %arg7[%add3A_67, %dma_wait3A_78] : memref<10240x128xf32, #tpu.memory_space<vmem_shared>> -> memref<64x128xf32, #tpu.memory_space<vmem_shared>>
      %dma_wait3A_80 = arith.constant 0 : i32
      %dma_wait3A_81 = tpu.memref_slice %arg7[%add3A_67, %dma_wait3A_80] : memref<10240x128xf32, #tpu.memory_space<vmem_shared>> -> memref<64x128xf32, #tpu.memory_space<vmem_shared>>
      tpu.wait_dma2 semaphore(%run_scoped3A : memref<!tpu.dma_semaphore, #tpu.memory_space<semaphore_mem>>) src(%dma_wait3A_81 : memref<64x128xf32, #tpu.memory_space<vmem_shared>>) dst(%arg21 : memref<64x128xf32, #tpu.memory_space<vmem>>)
      tpu.yield
    }) : () -> ()
    "tpu.region"() ({
      %run_scoped3A = tpu.sem_alloc : memref<!tpu.dma_semaphore, #tpu.memory_space<semaphore_mem>>
      %dma_start3A_74 = arith.constant 0 : i32
      %dma_start3A_75 = tpu.memref_slice %arg6[%arg0, %add3A_67, %dma_start3A_74] : memref<2x10240x128xf32, #tpu.memory_space<hbm>> -> memref<1x64x128xf32, #tpu.memory_space<hbm>>
      %dma_start3A_76 = tpu.memref_squeeze %dma_start3A_75 : memref<1x64x128xf32, #tpu.memory_space<hbm>> -> memref<64x128xf32, #tpu.memory_space<hbm>>
      %dma_start3A_77 = arith.constant 0 : i32
      %dma_start3A_78 = tpu.memref_slice %arg6[%arg0, %add3A_67, %dma_start3A_77] : memref<2x10240x128xf32, #tpu.memory_space<hbm>> -> memref<1x64x128xf32, #tpu.memory_space<hbm>>
      %dma_start3A_79 = tpu.memref_squeeze %dma_start3A_78 : memref<1x64x128xf32, #tpu.memory_space<hbm>> -> memref<64x128xf32, #tpu.memory_space<hbm>>
      tpu.enqueue_dma source(%arg21 : memref<64x128xf32, #tpu.memory_space<vmem>>) target(%dma_start3A_79 : memref<64x128xf32, #tpu.memory_space<hbm>>) target_semaphore(%run_scoped3A : memref<!tpu.dma_semaphore, #tpu.memory_space<semaphore_mem>>)
      %dma_wait3A_80 = arith.constant 0 : i32
      %dma_wait3A_81 = tpu.memref_slice %arg6[%arg0, %add3A_67, %dma_wait3A_80] : memref<2x10240x128xf32, #tpu.memory_space<hbm>> -> memref<1x64x128xf32, #tpu.memory_space<hbm>>
      %dma_wait3A_82 = tpu.memref_squeeze %dma_wait3A_81 : memref<1x64x128xf32, #tpu.memory_space<hbm>> -> memref<64x128xf32, #tpu.memory_space<hbm>>
      %dma_wait3A_83 = arith.constant 0 : i32
      %dma_wait3A_84 = tpu.memref_slice %arg6[%arg0, %add3A_67, %dma_wait3A_83] : memref<2x10240x128xf32, #tpu.memory_space<hbm>> -> memref<1x64x128xf32, #tpu.memory_space<hbm>>
      %dma_wait3A_85 = tpu.memref_squeeze %dma_wait3A_84 : memref<1x64x128xf32, #tpu.memory_space<hbm>> -> memref<64x128xf32, #tpu.memory_space<hbm>>
      tpu.wait_dma2 semaphore(%run_scoped3A : memref<!tpu.dma_semaphore, #tpu.memory_space<semaphore_mem>>) src(%arg21 : memref<64x128xf32, #tpu.memory_space<vmem>>) dst(%dma_wait3A_85 : memref<64x128xf32, #tpu.memory_space<hbm>>)
      tpu.yield
    }) : () -> ()
    %add3A_68 = arith.constant 448 : i32
    %add3A_69 = arith.addi %mul3A_2, %add3A_68 : i32
    "tpu.region"() ({
      %run_scoped3A = tpu.sem_alloc : memref<!tpu.dma_semaphore, #tpu.memory_space<semaphore_mem>>
      %dma_start3A_74 = arith.constant 0 : i32
      %dma_start3A_75 = tpu.memref_slice %arg7[%add3A_69, %dma_start3A_74] : memref<10240x128xf32, #tpu.memory_space<vmem_shared>> -> memref<64x128xf32, #tpu.memory_space<vmem_shared>>
      %dma_start3A_76 = arith.constant 0 : i32
      %dma_start3A_77 = tpu.memref_slice %arg7[%add3A_69, %dma_start3A_76] : memref<10240x128xf32, #tpu.memory_space<vmem_shared>> -> memref<64x128xf32, #tpu.memory_space<vmem_shared>>
      tpu.enqueue_dma source(%dma_start3A_77 : memref<64x128xf32, #tpu.memory_space<vmem_shared>>) target(%arg21 : memref<64x128xf32, #tpu.memory_space<vmem>>) target_semaphore(%run_scoped3A : memref<!tpu.dma_semaphore, #tpu.memory_space<semaphore_mem>>)
      %dma_wait3A_78 = arith.constant 0 : i32
      %dma_wait3A_79 = tpu.memref_slice %arg7[%add3A_69, %dma_wait3A_78] : memref<10240x128xf32, #tpu.memory_space<vmem_shared>> -> memref<64x128xf32, #tpu.memory_space<vmem_shared>>
      %dma_wait3A_80 = arith.constant 0 : i32
      %dma_wait3A_81 = tpu.memref_slice %arg7[%add3A_69, %dma_wait3A_80] : memref<10240x128xf32, #tpu.memory_space<vmem_shared>> -> memref<64x128xf32, #tpu.memory_space<vmem_shared>>
      tpu.wait_dma2 semaphore(%run_scoped3A : memref<!tpu.dma_semaphore, #tpu.memory_space<semaphore_mem>>) src(%dma_wait3A_81 : memref<64x128xf32, #tpu.memory_space<vmem_shared>>) dst(%arg21 : memref<64x128xf32, #tpu.memory_space<vmem>>)
      tpu.yield
    }) : () -> ()
    "tpu.region"() ({
      %run_scoped3A = tpu.sem_alloc : memref<!tpu.dma_semaphore, #tpu.memory_space<semaphore_mem>>
      %dma_start3A_74 = arith.constant 0 : i32
      %dma_start3A_75 = tpu.memref_slice %arg6[%arg0, %add3A_69, %dma_start3A_74] : memref<2x10240x128xf32, #tpu.memory_space<hbm>> -> memref<1x64x128xf32, #tpu.memory_space<hbm>>
      %dma_start3A_76 = tpu.memref_squeeze %dma_start3A_75 : memref<1x64x128xf32, #tpu.memory_space<hbm>> -> memref<64x128xf32, #tpu.memory_space<hbm>>
      %dma_start3A_77 = arith.constant 0 : i32
      %dma_start3A_78 = tpu.memref_slice %arg6[%arg0, %add3A_69, %dma_start3A_77] : memref<2x10240x128xf32, #tpu.memory_space<hbm>> -> memref<1x64x128xf32, #tpu.memory_space<hbm>>
      %dma_start3A_79 = tpu.memref_squeeze %dma_start3A_78 : memref<1x64x128xf32, #tpu.memory_space<hbm>> -> memref<64x128xf32, #tpu.memory_space<hbm>>
      tpu.enqueue_dma source(%arg21 : memref<64x128xf32, #tpu.memory_space<vmem>>) target(%dma_start3A_79 : memref<64x128xf32, #tpu.memory_space<hbm>>) target_semaphore(%run_scoped3A : memref<!tpu.dma_semaphore, #tpu.memory_space<semaphore_mem>>)
      %dma_wait3A_80 = arith.constant 0 : i32
      %dma_wait3A_81 = tpu.memref_slice %arg6[%arg0, %add3A_69, %dma_wait3A_80] : memref<2x10240x128xf32, #tpu.memory_space<hbm>> -> memref<1x64x128xf32, #tpu.memory_space<hbm>>
      %dma_wait3A_82 = tpu.memref_squeeze %dma_wait3A_81 : memref<1x64x128xf32, #tpu.memory_space<hbm>> -> memref<64x128xf32, #tpu.memory_space<hbm>>
      %dma_wait3A_83 = arith.constant 0 : i32
      %dma_wait3A_84 = tpu.memref_slice %arg6[%arg0, %add3A_69, %dma_wait3A_83] : memref<2x10240x128xf32, #tpu.memory_space<hbm>> -> memref<1x64x128xf32, #tpu.memory_space<hbm>>
      %dma_wait3A_85 = tpu.memref_squeeze %dma_wait3A_84 : memref<1x64x128xf32, #tpu.memory_space<hbm>> -> memref<64x128xf32, #tpu.memory_space<hbm>>
      tpu.wait_dma2 semaphore(%run_scoped3A : memref<!tpu.dma_semaphore, #tpu.memory_space<semaphore_mem>>) src(%arg21 : memref<64x128xf32, #tpu.memory_space<vmem>>) dst(%dma_wait3A_85 : memref<64x128xf32, #tpu.memory_space<hbm>>)
      tpu.yield
    }) : () -> ()
    %add3A_70 = arith.constant 512 : i32
    %add3A_71 = arith.addi %mul3A_2, %add3A_70 : i32
    "tpu.region"() ({
      %run_scoped3A = tpu.sem_alloc : memref<!tpu.dma_semaphore, #tpu.memory_space<semaphore_mem>>
      %dma_start3A_74 = arith.constant 0 : i32
      %dma_start3A_75 = tpu.memref_slice %arg7[%add3A_71, %dma_start3A_74] : memref<10240x128xf32, #tpu.memory_space<vmem_shared>> -> memref<64x128xf32, #tpu.memory_space<vmem_shared>>
      %dma_start3A_76 = arith.constant 0 : i32
      %dma_start3A_77 = tpu.memref_slice %arg7[%add3A_71, %dma_start3A_76] : memref<10240x128xf32, #tpu.memory_space<vmem_shared>> -> memref<64x128xf32, #tpu.memory_space<vmem_shared>>
      tpu.enqueue_dma source(%dma_start3A_77 : memref<64x128xf32, #tpu.memory_space<vmem_shared>>) target(%arg21 : memref<64x128xf32, #tpu.memory_space<vmem>>) target_semaphore(%run_scoped3A : memref<!tpu.dma_semaphore, #tpu.memory_space<semaphore_mem>>)
      %dma_wait3A_78 = arith.constant 0 : i32
      %dma_wait3A_79 = tpu.memref_slice %arg7[%add3A_71, %dma_wait3A_78] : memref<10240x128xf32, #tpu.memory_space<vmem_shared>> -> memref<64x128xf32, #tpu.memory_space<vmem_shared>>
      %dma_wait3A_80 = arith.constant 0 : i32
      %dma_wait3A_81 = tpu.memref_slice %arg7[%add3A_71, %dma_wait3A_80] : memref<10240x128xf32, #tpu.memory_space<vmem_shared>> -> memref<64x128xf32, #tpu.memory_space<vmem_shared>>
      tpu.wait_dma2 semaphore(%run_scoped3A : memref<!tpu.dma_semaphore, #tpu.memory_space<semaphore_mem>>) src(%dma_wait3A_81 : memref<64x128xf32, #tpu.memory_space<vmem_shared>>) dst(%arg21 : memref<64x128xf32, #tpu.memory_space<vmem>>)
      tpu.yield
    }) : () -> ()
    "tpu.region"() ({
      %run_scoped3A = tpu.sem_alloc : memref<!tpu.dma_semaphore, #tpu.memory_space<semaphore_mem>>
      %dma_start3A_74 = arith.constant 0 : i32
      %dma_start3A_75 = tpu.memref_slice %arg6[%arg0, %add3A_71, %dma_start3A_74] : memref<2x10240x128xf32, #tpu.memory_space<hbm>> -> memref<1x64x128xf32, #tpu.memory_space<hbm>>
      %dma_start3A_76 = tpu.memref_squeeze %dma_start3A_75 : memref<1x64x128xf32, #tpu.memory_space<hbm>> -> memref<64x128xf32, #tpu.memory_space<hbm>>
      %dma_start3A_77 = arith.constant 0 : i32
      %dma_start3A_78 = tpu.memref_slice %arg6[%arg0, %add3A_71, %dma_start3A_77] : memref<2x10240x128xf32, #tpu.memory_space<hbm>> -> memref<1x64x128xf32, #tpu.memory_space<hbm>>
      %dma_start3A_79 = tpu.memref_squeeze %dma_start3A_78 : memref<1x64x128xf32, #tpu.memory_space<hbm>> -> memref<64x128xf32, #tpu.memory_space<hbm>>
      tpu.enqueue_dma source(%arg21 : memref<64x128xf32, #tpu.memory_space<vmem>>) target(%dma_start3A_79 : memref<64x128xf32, #tpu.memory_space<hbm>>) target_semaphore(%run_scoped3A : memref<!tpu.dma_semaphore, #tpu.memory_space<semaphore_mem>>)
      %dma_wait3A_80 = arith.constant 0 : i32
      %dma_wait3A_81 = tpu.memref_slice %arg6[%arg0, %add3A_71, %dma_wait3A_80] : memref<2x10240x128xf32, #tpu.memory_space<hbm>> -> memref<1x64x128xf32, #tpu.memory_space<hbm>>
      %dma_wait3A_82 = tpu.memref_squeeze %dma_wait3A_81 : memref<1x64x128xf32, #tpu.memory_space<hbm>> -> memref<64x128xf32, #tpu.memory_space<hbm>>
      %dma_wait3A_83 = arith.constant 0 : i32
      %dma_wait3A_84 = tpu.memref_slice %arg6[%arg0, %add3A_71, %dma_wait3A_83] : memref<2x10240x128xf32, #tpu.memory_space<hbm>> -> memref<1x64x128xf32, #tpu.memory_space<hbm>>
      %dma_wait3A_85 = tpu.memref_squeeze %dma_wait3A_84 : memref<1x64x128xf32, #tpu.memory_space<hbm>> -> memref<64x128xf32, #tpu.memory_space<hbm>>
      tpu.wait_dma2 semaphore(%run_scoped3A : memref<!tpu.dma_semaphore, #tpu.memory_space<semaphore_mem>>) src(%arg21 : memref<64x128xf32, #tpu.memory_space<vmem>>) dst(%dma_wait3A_85 : memref<64x128xf32, #tpu.memory_space<hbm>>)
      tpu.yield
    }) : () -> ()
    %add3A_72 = arith.constant 576 : i32
    %add3A_73 = arith.addi %mul3A_2, %add3A_72 : i32
    "tpu.region"() ({
      %run_scoped3A = tpu.sem_alloc : memref<!tpu.dma_semaphore, #tpu.memory_space<semaphore_mem>>
      %dma_start3A_74 = arith.constant 0 : i32
      %dma_start3A_75 = tpu.memref_slice %arg7[%add3A_73, %dma_start3A_74] : memref<10240x128xf32, #tpu.memory_space<vmem_shared>> -> memref<64x128xf32, #tpu.memory_space<vmem_shared>>
      %dma_start3A_76 = arith.constant 0 : i32
      %dma_start3A_77 = tpu.memref_slice %arg7[%add3A_73, %dma_start3A_76] : memref<10240x128xf32, #tpu.memory_space<vmem_shared>> -> memref<64x128xf32, #tpu.memory_space<vmem_shared>>
      tpu.enqueue_dma source(%dma_start3A_77 : memref<64x128xf32, #tpu.memory_space<vmem_shared>>) target(%arg21 : memref<64x128xf32, #tpu.memory_space<vmem>>) target_semaphore(%run_scoped3A : memref<!tpu.dma_semaphore, #tpu.memory_space<semaphore_mem>>)
      %dma_wait3A_78 = arith.constant 0 : i32
      %dma_wait3A_79 = tpu.memref_slice %arg7[%add3A_73, %dma_wait3A_78] : memref<10240x128xf32, #tpu.memory_space<vmem_shared>> -> memref<64x128xf32, #tpu.memory_space<vmem_shared>>
      %dma_wait3A_80 = arith.constant 0 : i32
      %dma_wait3A_81 = tpu.memref_slice %arg7[%add3A_73, %dma_wait3A_80] : memref<10240x128xf32, #tpu.memory_space<vmem_shared>> -> memref<64x128xf32, #tpu.memory_space<vmem_shared>>
      tpu.wait_dma2 semaphore(%run_scoped3A : memref<!tpu.dma_semaphore, #tpu.memory_space<semaphore_mem>>) src(%dma_wait3A_81 : memref<64x128xf32, #tpu.memory_space<vmem_shared>>) dst(%arg21 : memref<64x128xf32, #tpu.memory_space<vmem>>)
      tpu.yield
    }) : () -> ()
    "tpu.region"() ({
      %run_scoped3A = tpu.sem_alloc : memref<!tpu.dma_semaphore, #tpu.memory_space<semaphore_mem>>
      %dma_start3A_74 = arith.constant 0 : i32
      %dma_start3A_75 = tpu.memref_slice %arg6[%arg0, %add3A_73, %dma_start3A_74] : memref<2x10240x128xf32, #tpu.memory_space<hbm>> -> memref<1x64x128xf32, #tpu.memory_space<hbm>>
      %dma_start3A_76 = tpu.memref_squeeze %dma_start3A_75 : memref<1x64x128xf32, #tpu.memory_space<hbm>> -> memref<64x128xf32, #tpu.memory_space<hbm>>
      %dma_start3A_77 = arith.constant 0 : i32
      %dma_start3A_78 = tpu.memref_slice %arg6[%arg0, %add3A_73, %dma_start3A_77] : memref<2x10240x128xf32, #tpu.memory_space<hbm>> -> memref<1x64x128xf32, #tpu.memory_space<hbm>>
      %dma_start3A_79 = tpu.memref_squeeze %dma_start3A_78 : memref<1x64x128xf32, #tpu.memory_space<hbm>> -> memref<64x128xf32, #tpu.memory_space<hbm>>
      tpu.enqueue_dma source(%arg21 : memref<64x128xf32, #tpu.memory_space<vmem>>) target(%dma_start3A_79 : memref<64x128xf32, #tpu.memory_space<hbm>>) target_semaphore(%run_scoped3A : memref<!tpu.dma_semaphore, #tpu.memory_space<semaphore_mem>>)
      %dma_wait3A_80 = arith.constant 0 : i32
      %dma_wait3A_81 = tpu.memref_slice %arg6[%arg0, %add3A_73, %dma_wait3A_80] : memref<2x10240x128xf32, #tpu.memory_space<hbm>> -> memref<1x64x128xf32, #tpu.memory_space<hbm>>
      %dma_wait3A_82 = tpu.memref_squeeze %dma_wait3A_81 : memref<1x64x128xf32, #tpu.memory_space<hbm>> -> memref<64x128xf32, #tpu.memory_space<hbm>>
      %dma_wait3A_83 = arith.constant 0 : i32
      %dma_wait3A_84 = tpu.memref_slice %arg6[%arg0, %add3A_73, %dma_wait3A_83] : memref<2x10240x128xf32, #tpu.memory_space<hbm>> -> memref<1x64x128xf32, #tpu.memory_space<hbm>>
      %dma_wait3A_85 = tpu.memref_squeeze %dma_wait3A_84 : memref<1x64x128xf32, #tpu.memory_space<hbm>> -> memref<64x128xf32, #tpu.memory_space<hbm>>
      tpu.wait_dma2 semaphore(%run_scoped3A : memref<!tpu.dma_semaphore, #tpu.memory_space<semaphore_mem>>) src(%arg21 : memref<64x128xf32, #tpu.memory_space<vmem>>) dst(%dma_wait3A_85 : memref<64x128xf32, #tpu.memory_space<hbm>>)
      tpu.yield
    }) : () -> ()
    return
  }
}

#map = affine_map<(d0, d1) -> (0, 0)>
#map1 = affine_map<(d0, d1) -> (0)>
#map2 = affine_map<(d0, d1) -> (0, 0, 0)>
module attributes {stable_mosaic.version = 14 : i64} {
  func.func @k(%arg0: i32, %arg1: i32, %arg2: memref<10000x128xf32, #tpu.memory_space<hbm>>, %arg3: memref<320256xi32, #tpu.memory_space<hbm>>, %arg4: memref<320256xi32, #tpu.memory_space<hbm>>, %arg5: memref<64x128xf32, #tpu.memory_space<hbm>>, %arg6: memref<2x10240x128xf32, #tpu.memory_space<hbm>>, %arg7: memref<10240x128xf32, #tpu.memory_space<vmem_shared>>, %arg8: memref<16xi32, #tpu.memory_space<vmem>>, %arg9: memref<128xi32, #tpu.memory_space<vmem>>, %arg10: memref<128xi32, #tpu.memory_space<vmem>>, %arg11: memref<128x128xf32, #tpu.memory_space<vmem>>, %arg12: memref<128x128xf32, #tpu.memory_space<vmem>>, %arg13: memref<16x128xf32, #tpu.memory_space<vmem>>, %arg14: memref<!tpu.dma_semaphore, #tpu.memory_space<semaphore_mem>>, %arg15: memref<!tpu.dma_semaphore, #tpu.memory_space<semaphore_mem>>, %arg16: memref<!tpu.dma_semaphore, #tpu.memory_space<semaphore_mem>>, %arg17: memref<!tpu.dma_semaphore, #tpu.memory_space<semaphore_mem>>, %arg18: memref<16xi32, #tpu.memory_space<vmem>>, %arg19: memref<128xi32, #tpu.memory_space<vmem>>, %arg20: memref<128xi32, #tpu.memory_space<vmem>>, %arg21: memref<64x128xf32, #tpu.memory_space<vmem>>) attributes {dimension_semantics = [#tpu.dimension_semantics<core_parallel>, #tpu.dimension_semantics<subcore_parallel>], iteration_bounds = array<i64: 2, 16>, scalar_prefetch = 0 : i64, scratch_operands = 15 : i64, tpu.core_type = #tpu.core_type<sc_vector_subcore>, window_params = [{transform_indices = #map}, {transform_indices = #map1}, {transform_indices = #map1}, {transform_indices = #map}, {transform_indices = #map2}]} {
    %mul3A = arith.constant 2 : i32
    %mul3A_0 = arith.muli %arg1, %mul3A : i32
    %add3A = arith.addi %mul3A_0, %arg0 : i32
    %mul3A_1 = arith.constant 640 : i32
    %mul3A_2 = arith.muli %arg1, %mul3A_1 : i32
    %mul3A_3 = arith.constant 10000 : i32
    %mul3A_4 = arith.muli %add3A, %mul3A_3 : i32
    "tpu.region"() ({
      %run_scoped3A = tpu.sem_alloc : memref<!tpu.dma_semaphore, #tpu.memory_space<semaphore_mem>>
      tpu.enqueue_dma source(%arg5 : memref<64x128xf32, #tpu.memory_space<hbm>>) target(%arg21 : memref<64x128xf32, #tpu.memory_space<vmem>>) target_semaphore(%run_scoped3A : memref<!tpu.dma_semaphore, #tpu.memory_space<semaphore_mem>>)
      tpu.wait_dma2 semaphore(%run_scoped3A : memref<!tpu.dma_semaphore, #tpu.memory_space<semaphore_mem>>) src(%arg5 : memref<64x128xf32, #tpu.memory_space<hbm>>) dst(%arg21 : memref<64x128xf32, #tpu.memory_space<vmem>>)
      tpu.yield
    }) : () -> ()
    %add3A_5 = arith.constant 0 : i32
    %add3A_6 = arith.addi %mul3A_2, %add3A_5 : i32
    "tpu.region"() ({
      %run_scoped3A = tpu.sem_alloc : memref<!tpu.dma_semaphore, #tpu.memory_space<semaphore_mem>>
      %dma_start3A_74 = arith.constant 0 : i32
      %dma_start3A_75 = tpu.memref_slice %arg7[%add3A_6, %dma_start3A_74] : memref<10240x128xf32, #tpu.memory_space<vmem_shared>> -> memref<64x128xf32, #tpu.memory_space<vmem_shared>>
      %dma_start3A_76 = arith.constant 0 : i32
      %dma_start3A_77 = tpu.memref_slice %arg7[%add3A_6, %dma_start3A_76] : memref<10240x128xf32, #tpu.memory_space<vmem_shared>> -> memref<64x128xf32, #tpu.memory_space<vmem_shared>>
      tpu.enqueue_dma source(%arg21 : memref<64x128xf32, #tpu.memory_space<vmem>>) target(%dma_start3A_77 : memref<64x128xf32, #tpu.memory_space<vmem_shared>>) target_semaphore(%run_scoped3A : memref<!tpu.dma_semaphore, #tpu.memory_space<semaphore_mem>>)
      %dma_wait3A_78 = arith.constant 0 : i32
      %dma_wait3A_79 = tpu.memref_slice %arg7[%add3A_6, %dma_wait3A_78] : memref<10240x128xf32, #tpu.memory_space<vmem_shared>> -> memref<64x128xf32, #tpu.memory_space<vmem_shared>>
      %dma_wait3A_80 = arith.constant 0 : i32
      %dma_wait3A_81 = tpu.memref_slice %arg7[%add3A_6, %dma_wait3A_80] : memref<10240x128xf32, #tpu.memory_space<vmem_shared>> -> memref<64x128xf32, #tpu.memory_space<vmem_shared>>
      tpu.wait_dma2 semaphore(%run_scoped3A : memref<!tpu.dma_semaphore, #tpu.memory_space<semaphore_mem>>) src(%arg21 : memref<64x128xf32, #tpu.memory_space<vmem>>) dst(%dma_wait3A_81 : memref<64x128xf32, #tpu.memory_space<vmem_shared>>)
      tpu.yield
    }) : () -> ()
    %add3A_7 = arith.constant 64 : i32
    %add3A_8 = arith.addi %mul3A_2, %add3A_7 : i32
    "tpu.region"() ({
      %run_scoped3A = tpu.sem_alloc : memref<!tpu.dma_semaphore, #tpu.memory_space<semaphore_mem>>
      %dma_start3A_74 = arith.constant 0 : i32
      %dma_start3A_75 = tpu.memref_slice %arg7[%add3A_8, %dma_start3A_74] : memref<10240x128xf32, #tpu.memory_space<vmem_shared>> -> memref<64x128xf32, #tpu.memory_space<vmem_shared>>
      %dma_start3A_76 = arith.constant 0 : i32
      %dma_start3A_77 = tpu.memref_slice %arg7[%add3A_8, %dma_start3A_76] : memref<10240x128xf32, #tpu.memory_space<vmem_shared>> -> memref<64x128xf32, #tpu.memory_space<vmem_shared>>
      tpu.enqueue_dma source(%arg21 : memref<64x128xf32, #tpu.memory_space<vmem>>) target(%dma_start3A_77 : memref<64x128xf32, #tpu.memory_space<vmem_shared>>) target_semaphore(%run_scoped3A : memref<!tpu.dma_semaphore, #tpu.memory_space<semaphore_mem>>)
      %dma_wait3A_78 = arith.constant 0 : i32
      %dma_wait3A_79 = tpu.memref_slice %arg7[%add3A_8, %dma_wait3A_78] : memref<10240x128xf32, #tpu.memory_space<vmem_shared>> -> memref<64x128xf32, #tpu.memory_space<vmem_shared>>
      %dma_wait3A_80 = arith.constant 0 : i32
      %dma_wait3A_81 = tpu.memref_slice %arg7[%add3A_8, %dma_wait3A_80] : memref<10240x128xf32, #tpu.memory_space<vmem_shared>> -> memref<64x128xf32, #tpu.memory_space<vmem_shared>>
      tpu.wait_dma2 semaphore(%run_scoped3A : memref<!tpu.dma_semaphore, #tpu.memory_space<semaphore_mem>>) src(%arg21 : memref<64x128xf32, #tpu.memory_space<vmem>>) dst(%dma_wait3A_81 : memref<64x128xf32, #tpu.memory_space<vmem_shared>>)
      tpu.yield
    }) : () -> ()
    %add3A_9 = arith.constant 128 : i32
    %add3A_10 = arith.addi %mul3A_2, %add3A_9 : i32
    "tpu.region"() ({
      %run_scoped3A = tpu.sem_alloc : memref<!tpu.dma_semaphore, #tpu.memory_space<semaphore_mem>>
      %dma_start3A_74 = arith.constant 0 : i32
      %dma_start3A_75 = tpu.memref_slice %arg7[%add3A_10, %dma_start3A_74] : memref<10240x128xf32, #tpu.memory_space<vmem_shared>> -> memref<64x128xf32, #tpu.memory_space<vmem_shared>>
      %dma_start3A_76 = arith.constant 0 : i32
      %dma_start3A_77 = tpu.memref_slice %arg7[%add3A_10, %dma_start3A_76] : memref<10240x128xf32, #tpu.memory_space<vmem_shared>> -> memref<64x128xf32, #tpu.memory_space<vmem_shared>>
      tpu.enqueue_dma source(%arg21 : memref<64x128xf32, #tpu.memory_space<vmem>>) target(%dma_start3A_77 : memref<64x128xf32, #tpu.memory_space<vmem_shared>>) target_semaphore(%run_scoped3A : memref<!tpu.dma_semaphore, #tpu.memory_space<semaphore_mem>>)
      %dma_wait3A_78 = arith.constant 0 : i32
      %dma_wait3A_79 = tpu.memref_slice %arg7[%add3A_10, %dma_wait3A_78] : memref<10240x128xf32, #tpu.memory_space<vmem_shared>> -> memref<64x128xf32, #tpu.memory_space<vmem_shared>>
      %dma_wait3A_80 = arith.constant 0 : i32
      %dma_wait3A_81 = tpu.memref_slice %arg7[%add3A_10, %dma_wait3A_80] : memref<10240x128xf32, #tpu.memory_space<vmem_shared>> -> memref<64x128xf32, #tpu.memory_space<vmem_shared>>
      tpu.wait_dma2 semaphore(%run_scoped3A : memref<!tpu.dma_semaphore, #tpu.memory_space<semaphore_mem>>) src(%arg21 : memref<64x128xf32, #tpu.memory_space<vmem>>) dst(%dma_wait3A_81 : memref<64x128xf32, #tpu.memory_space<vmem_shared>>)
      tpu.yield
    }) : () -> ()
    %add3A_11 = arith.constant 192 : i32
    %add3A_12 = arith.addi %mul3A_2, %add3A_11 : i32
    "tpu.region"() ({
      %run_scoped3A = tpu.sem_alloc : memref<!tpu.dma_semaphore, #tpu.memory_space<semaphore_mem>>
      %dma_start3A_74 = arith.constant 0 : i32
      %dma_start3A_75 = tpu.memref_slice %arg7[%add3A_12, %dma_start3A_74] : memref<10240x128xf32, #tpu.memory_space<vmem_shared>> -> memref<64x128xf32, #tpu.memory_space<vmem_shared>>
      %dma_start3A_76 = arith.constant 0 : i32
      %dma_start3A_77 = tpu.memref_slice %arg7[%add3A_12, %dma_start3A_76] : memref<10240x128xf32, #tpu.memory_space<vmem_shared>> -> memref<64x128xf32, #tpu.memory_space<vmem_shared>>
      tpu.enqueue_dma source(%arg21 : memref<64x128xf32, #tpu.memory_space<vmem>>) target(%dma_start3A_77 : memref<64x128xf32, #tpu.memory_space<vmem_shared>>) target_semaphore(%run_scoped3A : memref<!tpu.dma_semaphore, #tpu.memory_space<semaphore_mem>>)
      %dma_wait3A_78 = arith.constant 0 : i32
      %dma_wait3A_79 = tpu.memref_slice %arg7[%add3A_12, %dma_wait3A_78] : memref<10240x128xf32, #tpu.memory_space<vmem_shared>> -> memref<64x128xf32, #tpu.memory_space<vmem_shared>>
      %dma_wait3A_80 = arith.constant 0 : i32
      %dma_wait3A_81 = tpu.memref_slice %arg7[%add3A_12, %dma_wait3A_80] : memref<10240x128xf32, #tpu.memory_space<vmem_shared>> -> memref<64x128xf32, #tpu.memory_space<vmem_shared>>
      tpu.wait_dma2 semaphore(%run_scoped3A : memref<!tpu.dma_semaphore, #tpu.memory_space<semaphore_mem>>) src(%arg21 : memref<64x128xf32, #tpu.memory_space<vmem>>) dst(%dma_wait3A_81 : memref<64x128xf32, #tpu.memory_space<vmem_shared>>)
      tpu.yield
    }) : () -> ()
    %add3A_13 = arith.constant 256 : i32
    %add3A_14 = arith.addi %mul3A_2, %add3A_13 : i32
    "tpu.region"() ({
      %run_scoped3A = tpu.sem_alloc : memref<!tpu.dma_semaphore, #tpu.memory_space<semaphore_mem>>
      %dma_start3A_74 = arith.constant 0 : i32
      %dma_start3A_75 = tpu.memref_slice %arg7[%add3A_14, %dma_start3A_74] : memref<10240x128xf32, #tpu.memory_space<vmem_shared>> -> memref<64x128xf32, #tpu.memory_space<vmem_shared>>
      %dma_start3A_76 = arith.constant 0 : i32
      %dma_start3A_77 = tpu.memref_slice %arg7[%add3A_14, %dma_start3A_76] : memref<10240x128xf32, #tpu.memory_space<vmem_shared>> -> memref<64x128xf32, #tpu.memory_space<vmem_shared>>
      tpu.enqueue_dma source(%arg21 : memref<64x128xf32, #tpu.memory_space<vmem>>) target(%dma_start3A_77 : memref<64x128xf32, #tpu.memory_space<vmem_shared>>) target_semaphore(%run_scoped3A : memref<!tpu.dma_semaphore, #tpu.memory_space<semaphore_mem>>)
      %dma_wait3A_78 = arith.constant 0 : i32
      %dma_wait3A_79 = tpu.memref_slice %arg7[%add3A_14, %dma_wait3A_78] : memref<10240x128xf32, #tpu.memory_space<vmem_shared>> -> memref<64x128xf32, #tpu.memory_space<vmem_shared>>
      %dma_wait3A_80 = arith.constant 0 : i32
      %dma_wait3A_81 = tpu.memref_slice %arg7[%add3A_14, %dma_wait3A_80] : memref<10240x128xf32, #tpu.memory_space<vmem_shared>> -> memref<64x128xf32, #tpu.memory_space<vmem_shared>>
      tpu.wait_dma2 semaphore(%run_scoped3A : memref<!tpu.dma_semaphore, #tpu.memory_space<semaphore_mem>>) src(%arg21 : memref<64x128xf32, #tpu.memory_space<vmem>>) dst(%dma_wait3A_81 : memref<64x128xf32, #tpu.memory_space<vmem_shared>>)
      tpu.yield
    }) : () -> ()
    %add3A_15 = arith.constant 320 : i32
    %add3A_16 = arith.addi %mul3A_2, %add3A_15 : i32
    "tpu.region"() ({
      %run_scoped3A = tpu.sem_alloc : memref<!tpu.dma_semaphore, #tpu.memory_space<semaphore_mem>>
      %dma_start3A_74 = arith.constant 0 : i32
      %dma_start3A_75 = tpu.memref_slice %arg7[%add3A_16, %dma_start3A_74] : memref<10240x128xf32, #tpu.memory_space<vmem_shared>> -> memref<64x128xf32, #tpu.memory_space<vmem_shared>>
      %dma_start3A_76 = arith.constant 0 : i32
      %dma_start3A_77 = tpu.memref_slice %arg7[%add3A_16, %dma_start3A_76] : memref<10240x128xf32, #tpu.memory_space<vmem_shared>> -> memref<64x128xf32, #tpu.memory_space<vmem_shared>>
      tpu.enqueue_dma source(%arg21 : memref<64x128xf32, #tpu.memory_space<vmem>>) target(%dma_start3A_77 : memref<64x128xf32, #tpu.memory_space<vmem_shared>>) target_semaphore(%run_scoped3A : memref<!tpu.dma_semaphore, #tpu.memory_space<semaphore_mem>>)
      %dma_wait3A_78 = arith.constant 0 : i32
      %dma_wait3A_79 = tpu.memref_slice %arg7[%add3A_16, %dma_wait3A_78] : memref<10240x128xf32, #tpu.memory_space<vmem_shared>> -> memref<64x128xf32, #tpu.memory_space<vmem_shared>>
      %dma_wait3A_80 = arith.constant 0 : i32
      %dma_wait3A_81 = tpu.memref_slice %arg7[%add3A_16, %dma_wait3A_80] : memref<10240x128xf32, #tpu.memory_space<vmem_shared>> -> memref<64x128xf32, #tpu.memory_space<vmem_shared>>
      tpu.wait_dma2 semaphore(%run_scoped3A : memref<!tpu.dma_semaphore, #tpu.memory_space<semaphore_mem>>) src(%arg21 : memref<64x128xf32, #tpu.memory_space<vmem>>) dst(%dma_wait3A_81 : memref<64x128xf32, #tpu.memory_space<vmem_shared>>)
      tpu.yield
    }) : () -> ()
    %add3A_17 = arith.constant 384 : i32
    %add3A_18 = arith.addi %mul3A_2, %add3A_17 : i32
    "tpu.region"() ({
      %run_scoped3A = tpu.sem_alloc : memref<!tpu.dma_semaphore, #tpu.memory_space<semaphore_mem>>
      %dma_start3A_74 = arith.constant 0 : i32
      %dma_start3A_75 = tpu.memref_slice %arg7[%add3A_18, %dma_start3A_74] : memref<10240x128xf32, #tpu.memory_space<vmem_shared>> -> memref<64x128xf32, #tpu.memory_space<vmem_shared>>
      %dma_start3A_76 = arith.constant 0 : i32
      %dma_start3A_77 = tpu.memref_slice %arg7[%add3A_18, %dma_start3A_76] : memref<10240x128xf32, #tpu.memory_space<vmem_shared>> -> memref<64x128xf32, #tpu.memory_space<vmem_shared>>
      tpu.enqueue_dma source(%arg21 : memref<64x128xf32, #tpu.memory_space<vmem>>) target(%dma_start3A_77 : memref<64x128xf32, #tpu.memory_space<vmem_shared>>) target_semaphore(%run_scoped3A : memref<!tpu.dma_semaphore, #tpu.memory_space<semaphore_mem>>)
      %dma_wait3A_78 = arith.constant 0 : i32
      %dma_wait3A_79 = tpu.memref_slice %arg7[%add3A_18, %dma_wait3A_78] : memref<10240x128xf32, #tpu.memory_space<vmem_shared>> -> memref<64x128xf32, #tpu.memory_space<vmem_shared>>
      %dma_wait3A_80 = arith.constant 0 : i32
      %dma_wait3A_81 = tpu.memref_slice %arg7[%add3A_18, %dma_wait3A_80] : memref<10240x128xf32, #tpu.memory_space<vmem_shared>> -> memref<64x128xf32, #tpu.memory_space<vmem_shared>>
      tpu.wait_dma2 semaphore(%run_scoped3A : memref<!tpu.dma_semaphore, #tpu.memory_space<semaphore_mem>>) src(%arg21 : memref<64x128xf32, #tpu.memory_space<vmem>>) dst(%dma_wait3A_81 : memref<64x128xf32, #tpu.memory_space<vmem_shared>>)
      tpu.yield
    }) : () -> ()
    %add3A_19 = arith.constant 448 : i32
    %add3A_20 = arith.addi %mul3A_2, %add3A_19 : i32
    "tpu.region"() ({
      %run_scoped3A = tpu.sem_alloc : memref<!tpu.dma_semaphore, #tpu.memory_space<semaphore_mem>>
      %dma_start3A_74 = arith.constant 0 : i32
      %dma_start3A_75 = tpu.memref_slice %arg7[%add3A_20, %dma_start3A_74] : memref<10240x128xf32, #tpu.memory_space<vmem_shared>> -> memref<64x128xf32, #tpu.memory_space<vmem_shared>>
      %dma_start3A_76 = arith.constant 0 : i32
      %dma_start3A_77 = tpu.memref_slice %arg7[%add3A_20, %dma_start3A_76] : memref<10240x128xf32, #tpu.memory_space<vmem_shared>> -> memref<64x128xf32, #tpu.memory_space<vmem_shared>>
      tpu.enqueue_dma source(%arg21 : memref<64x128xf32, #tpu.memory_space<vmem>>) target(%dma_start3A_77 : memref<64x128xf32, #tpu.memory_space<vmem_shared>>) target_semaphore(%run_scoped3A : memref<!tpu.dma_semaphore, #tpu.memory_space<semaphore_mem>>)
      %dma_wait3A_78 = arith.constant 0 : i32
      %dma_wait3A_79 = tpu.memref_slice %arg7[%add3A_20, %dma_wait3A_78] : memref<10240x128xf32, #tpu.memory_space<vmem_shared>> -> memref<64x128xf32, #tpu.memory_space<vmem_shared>>
      %dma_wait3A_80 = arith.constant 0 : i32
      %dma_wait3A_81 = tpu.memref_slice %arg7[%add3A_20, %dma_wait3A_80] : memref<10240x128xf32, #tpu.memory_space<vmem_shared>> -> memref<64x128xf32, #tpu.memory_space<vmem_shared>>
      tpu.wait_dma2 semaphore(%run_scoped3A : memref<!tpu.dma_semaphore, #tpu.memory_space<semaphore_mem>>) src(%arg21 : memref<64x128xf32, #tpu.memory_space<vmem>>) dst(%dma_wait3A_81 : memref<64x128xf32, #tpu.memory_space<vmem_shared>>)
      tpu.yield
    }) : () -> ()
    %add3A_21 = arith.constant 512 : i32
    %add3A_22 = arith.addi %mul3A_2, %add3A_21 : i32
    "tpu.region"() ({
      %run_scoped3A = tpu.sem_alloc : memref<!tpu.dma_semaphore, #tpu.memory_space<semaphore_mem>>
      %dma_start3A_74 = arith.constant 0 : i32
      %dma_start3A_75 = tpu.memref_slice %arg7[%add3A_22, %dma_start3A_74] : memref<10240x128xf32, #tpu.memory_space<vmem_shared>> -> memref<64x128xf32, #tpu.memory_space<vmem_shared>>
      %dma_start3A_76 = arith.constant 0 : i32
      %dma_start3A_77 = tpu.memref_slice %arg7[%add3A_22, %dma_start3A_76] : memref<10240x128xf32, #tpu.memory_space<vmem_shared>> -> memref<64x128xf32, #tpu.memory_space<vmem_shared>>
      tpu.enqueue_dma source(%arg21 : memref<64x128xf32, #tpu.memory_space<vmem>>) target(%dma_start3A_77 : memref<64x128xf32, #tpu.memory_space<vmem_shared>>) target_semaphore(%run_scoped3A : memref<!tpu.dma_semaphore, #tpu.memory_space<semaphore_mem>>)
      %dma_wait3A_78 = arith.constant 0 : i32
      %dma_wait3A_79 = tpu.memref_slice %arg7[%add3A_22, %dma_wait3A_78] : memref<10240x128xf32, #tpu.memory_space<vmem_shared>> -> memref<64x128xf32, #tpu.memory_space<vmem_shared>>
      %dma_wait3A_80 = arith.constant 0 : i32
      %dma_wait3A_81 = tpu.memref_slice %arg7[%add3A_22, %dma_wait3A_80] : memref<10240x128xf32, #tpu.memory_space<vmem_shared>> -> memref<64x128xf32, #tpu.memory_space<vmem_shared>>
      tpu.wait_dma2 semaphore(%run_scoped3A : memref<!tpu.dma_semaphore, #tpu.memory_space<semaphore_mem>>) src(%arg21 : memref<64x128xf32, #tpu.memory_space<vmem>>) dst(%dma_wait3A_81 : memref<64x128xf32, #tpu.memory_space<vmem_shared>>)
      tpu.yield
    }) : () -> ()
    %add3A_23 = arith.constant 576 : i32
    %add3A_24 = arith.addi %mul3A_2, %add3A_23 : i32
    "tpu.region"() ({
      %run_scoped3A = tpu.sem_alloc : memref<!tpu.dma_semaphore, #tpu.memory_space<semaphore_mem>>
      %dma_start3A_74 = arith.constant 0 : i32
      %dma_start3A_75 = tpu.memref_slice %arg7[%add3A_24, %dma_start3A_74] : memref<10240x128xf32, #tpu.memory_space<vmem_shared>> -> memref<64x128xf32, #tpu.memory_space<vmem_shared>>
      %dma_start3A_76 = arith.constant 0 : i32
      %dma_start3A_77 = tpu.memref_slice %arg7[%add3A_24, %dma_start3A_76] : memref<10240x128xf32, #tpu.memory_space<vmem_shared>> -> memref<64x128xf32, #tpu.memory_space<vmem_shared>>
      tpu.enqueue_dma source(%arg21 : memref<64x128xf32, #tpu.memory_space<vmem>>) target(%dma_start3A_77 : memref<64x128xf32, #tpu.memory_space<vmem_shared>>) target_semaphore(%run_scoped3A : memref<!tpu.dma_semaphore, #tpu.memory_space<semaphore_mem>>)
      %dma_wait3A_78 = arith.constant 0 : i32
      %dma_wait3A_79 = tpu.memref_slice %arg7[%add3A_24, %dma_wait3A_78] : memref<10240x128xf32, #tpu.memory_space<vmem_shared>> -> memref<64x128xf32, #tpu.memory_space<vmem_shared>>
      %dma_wait3A_80 = arith.constant 0 : i32
      %dma_wait3A_81 = tpu.memref_slice %arg7[%add3A_24, %dma_wait3A_80] : memref<10240x128xf32, #tpu.memory_space<vmem_shared>> -> memref<64x128xf32, #tpu.memory_space<vmem_shared>>
      tpu.wait_dma2 semaphore(%run_scoped3A : memref<!tpu.dma_semaphore, #tpu.memory_space<semaphore_mem>>) src(%arg21 : memref<64x128xf32, #tpu.memory_space<vmem>>) dst(%dma_wait3A_81 : memref<64x128xf32, #tpu.memory_space<vmem_shared>>)
      tpu.yield
    }) : () -> ()
    %barrier3A = arith.constant 0 : index
    tpu.barrier barrier_id(%barrier3A)
    "tpu.region"() ({
      %run_scoped3A = tpu.sem_alloc : memref<!tpu.dma_semaphore, #tpu.memory_space<semaphore_mem>>
      %dma_start3A_74 = tpu.memref_slice %arg3[%mul3A_4] : memref<320256xi32, #tpu.memory_space<hbm>> -> memref<128xi32, #tpu.memory_space<hbm>>
      %dma_start3A_75 = tpu.memref_slice %arg3[%mul3A_4] : memref<320256xi32, #tpu.memory_space<hbm>> -> memref<128xi32, #tpu.memory_space<hbm>>
      tpu.enqueue_dma source(%dma_start3A_75 : memref<128xi32, #tpu.memory_space<hbm>>) target(%arg19 : memref<128xi32, #tpu.memory_space<vmem>>) target_semaphore(%run_scoped3A : memref<!tpu.dma_semaphore, #tpu.memory_space<semaphore_mem>>)
      %dma_wait3A_76 = tpu.memref_slice %arg3[%mul3A_4] : memref<320256xi32, #tpu.memory_space<hbm>> -> memref<128xi32, #tpu.memory_space<hbm>>
      %dma_wait3A_77 = tpu.memref_slice %arg3[%mul3A_4] : memref<320256xi32, #tpu.memory_space<hbm>> -> memref<128xi32, #tpu.memory_space<hbm>>
      tpu.wait_dma2 semaphore(%run_scoped3A : memref<!tpu.dma_semaphore, #tpu.memory_space<semaphore_mem>>) src(%dma_wait3A_77 : memref<128xi32, #tpu.memory_space<hbm>>) dst(%arg19 : memref<128xi32, #tpu.memory_space<vmem>>)
      tpu.yield
    }) : () -> ()
    "tpu.region"() ({
      %run_scoped3A = tpu.sem_alloc : memref<!tpu.dma_semaphore, #tpu.memory_space<semaphore_mem>>
      %dma_start3A_74 = tpu.memref_slice %arg4[%mul3A_4] : memref<320256xi32, #tpu.memory_space<hbm>> -> memref<128xi32, #tpu.memory_space<hbm>>
      %dma_start3A_75 = tpu.memref_slice %arg4[%mul3A_4] : memref<320256xi32, #tpu.memory_space<hbm>> -> memref<128xi32, #tpu.memory_space<hbm>>
      tpu.enqueue_dma source(%dma_start3A_75 : memref<128xi32, #tpu.memory_space<hbm>>) target(%arg9 : memref<128xi32, #tpu.memory_space<vmem>>) target_semaphore(%run_scoped3A : memref<!tpu.dma_semaphore, #tpu.memory_space<semaphore_mem>>)
      %dma_wait3A_76 = tpu.memref_slice %arg4[%mul3A_4] : memref<320256xi32, #tpu.memory_space<hbm>> -> memref<128xi32, #tpu.memory_space<hbm>>
      %dma_wait3A_77 = tpu.memref_slice %arg4[%mul3A_4] : memref<320256xi32, #tpu.memory_space<hbm>> -> memref<128xi32, #tpu.memory_space<hbm>>
      tpu.wait_dma2 semaphore(%run_scoped3A : memref<!tpu.dma_semaphore, #tpu.memory_space<semaphore_mem>>) src(%dma_wait3A_77 : memref<128xi32, #tpu.memory_space<hbm>>) dst(%arg9 : memref<128xi32, #tpu.memory_space<vmem>>)
      tpu.yield
    }) : () -> ()
    %dma_start3A = arith.constant 0 : i32
    %dma_start3A_25 = arith.constant 0 : i32
    %dma_start3A_26 = tpu.memref_slice %arg2[%dma_start3A, %dma_start3A_25] : memref<10000x128xf32, #tpu.memory_space<hbm>> -> memref<10000x128xf32, #tpu.memory_space<hbm>>
    tpu.enqueue_indirect_dma source(%dma_start3A_26 : memref<10000x128xf32, #tpu.memory_space<hbm>>) target(%arg11 : memref<128x128xf32, #tpu.memory_space<vmem>>) offsets(%arg19 : memref<128xi32, #tpu.memory_space<vmem>>) semaphore(%arg14 : memref<!tpu.dma_semaphore, #tpu.memory_space<semaphore_mem>>)
    %add3A_27 = arith.constant 128 : i32
    %add3A_28 = arith.addi %mul3A_4, %add3A_27 : i32
    %dma_start3A_29 = tpu.memref_slice %arg3[%add3A_28] : memref<320256xi32, #tpu.memory_space<hbm>> -> memref<128xi32, #tpu.memory_space<hbm>>
    %dma_start3A_30 = tpu.memref_slice %arg3[%add3A_28] : memref<320256xi32, #tpu.memory_space<hbm>> -> memref<128xi32, #tpu.memory_space<hbm>>
    tpu.enqueue_dma source(%dma_start3A_30 : memref<128xi32, #tpu.memory_space<hbm>>) target(%arg20 : memref<128xi32, #tpu.memory_space<vmem>>) target_semaphore(%arg17 : memref<!tpu.dma_semaphore, #tpu.memory_space<semaphore_mem>>)
    %dma_start3A_31 = tpu.memref_slice %arg4[%add3A_28] : memref<320256xi32, #tpu.memory_space<hbm>> -> memref<128xi32, #tpu.memory_space<hbm>>
    %dma_start3A_32 = tpu.memref_slice %arg4[%add3A_28] : memref<320256xi32, #tpu.memory_space<hbm>> -> memref<128xi32, #tpu.memory_space<hbm>>
    tpu.enqueue_dma source(%dma_start3A_32 : memref<128xi32, #tpu.memory_space<hbm>>) target(%arg10 : memref<128xi32, #tpu.memory_space<vmem>>) target_semaphore(%arg17 : memref<!tpu.dma_semaphore, #tpu.memory_space<semaphore_mem>>)
    %scan3A = arith.constant 0 : i32
    %scan3A_33 = arith.constant 39 : i32
    %scan3A_34 = arith.addi %scan3A, %scan3A_33 : i32
    %scan3A_35 = arith.constant 1 : i32
    scf.for %scan3A_74 = %scan3A to %scan3A_34 step %scan3A_35  : i32 {
      %mul3A_75 = arith.constant 1 : i32
      %mul3A_76 = arith.muli %scan3A_74, %mul3A_75 : i32
      %add3A_77 = arith.constant 0 : i32
      %add3A_78 = arith.addi %add3A_77, %mul3A_76 : i32
      %mul3A_79 = arith.constant 2 : i32
      %mul3A_80 = arith.muli %mul3A_79, %add3A_78 : i32
      %dma_wait3A_81 = tpu.memref_slice %arg3[%mul3A_4] : memref<320256xi32, #tpu.memory_space<hbm>> -> memref<128xi32, #tpu.memory_space<hbm>>
      %dma_wait3A_82 = tpu.memref_slice %arg3[%mul3A_4] : memref<320256xi32, #tpu.memory_space<hbm>> -> memref<128xi32, #tpu.memory_space<hbm>>
      tpu.wait_dma2 semaphore(%arg17 : memref<!tpu.dma_semaphore, #tpu.memory_space<semaphore_mem>>) src(%dma_wait3A_82 : memref<128xi32, #tpu.memory_space<hbm>>) dst(%arg20 : memref<128xi32, #tpu.memory_space<vmem>>)
      %dma_wait3A_83 = tpu.memref_slice %arg4[%mul3A_4] : memref<320256xi32, #tpu.memory_space<hbm>> -> memref<128xi32, #tpu.memory_space<hbm>>
      %dma_wait3A_84 = tpu.memref_slice %arg4[%mul3A_4] : memref<320256xi32, #tpu.memory_space<hbm>> -> memref<128xi32, #tpu.memory_space<hbm>>
      tpu.wait_dma2 semaphore(%arg17 : memref<!tpu.dma_semaphore, #tpu.memory_space<semaphore_mem>>) src(%dma_wait3A_84 : memref<128xi32, #tpu.memory_space<hbm>>) dst(%arg10 : memref<128xi32, #tpu.memory_space<vmem>>)
      %dma_start3A_85 = arith.constant 0 : i32
      %dma_start3A_86 = arith.constant 0 : i32
      %dma_start3A_87 = tpu.memref_slice %arg2[%dma_start3A_85, %dma_start3A_86] : memref<10000x128xf32, #tpu.memory_space<hbm>> -> memref<10000x128xf32, #tpu.memory_space<hbm>>
      tpu.enqueue_indirect_dma source(%dma_start3A_87 : memref<10000x128xf32, #tpu.memory_space<hbm>>) target(%arg12 : memref<128x128xf32, #tpu.memory_space<vmem>>) offsets(%arg20 : memref<128xi32, #tpu.memory_space<vmem>>) semaphore(%arg15 : memref<!tpu.dma_semaphore, #tpu.memory_space<semaphore_mem>>)
      %dma_wait3A_88 = arith.constant 0 : i32
      %dma_wait3A_89 = arith.constant 0 : i32
      %dma_wait3A_90 = tpu.memref_slice %arg2[%dma_wait3A_88, %dma_wait3A_89] : memref<10000x128xf32, #tpu.memory_space<hbm>> -> memref<10000x128xf32, #tpu.memory_space<hbm>>
      tpu.wait_indirect_dma semaphore(%arg14 : memref<!tpu.dma_semaphore, #tpu.memory_space<semaphore_mem>>) src(%dma_wait3A_90 : memref<10000x128xf32, #tpu.memory_space<hbm>>) dst(%arg11 : memref<128x128xf32, #tpu.memory_space<vmem>>)
      "tpu.region"() ({
        %run_scoped3A = tpu.sem_alloc : memref<!tpu.dma_semaphore, #tpu.memory_space<semaphore_mem>>
        %dma_start3A_119 = arith.constant 0 : i32
        %dma_start3A_120 = arith.constant 0 : i32
        %dma_start3A_121 = tpu.memref_slice %arg7[%dma_start3A_119, %dma_start3A_120] : memref<10240x128xf32, #tpu.memory_space<vmem_shared>> -> memref<10240x128xf32, #tpu.memory_space<vmem_shared>>
        tpu.enqueue_indirect_dma source(%arg11 : memref<128x128xf32, #tpu.memory_space<vmem>>) target(%dma_start3A_121 : memref<10240x128xf32, #tpu.memory_space<vmem_shared>>) offsets(%arg9 : memref<128xi32, #tpu.memory_space<vmem>>) semaphore(%run_scoped3A : memref<!tpu.dma_semaphore, #tpu.memory_space<semaphore_mem>>) {add = true}
        %dma_wait3A_122 = arith.constant 0 : i32
        %dma_wait3A_123 = arith.constant 0 : i32
        %dma_wait3A_124 = tpu.memref_slice %arg7[%dma_wait3A_122, %dma_wait3A_123] : memref<10240x128xf32, #tpu.memory_space<vmem_shared>> -> memref<10240x128xf32, #tpu.memory_space<vmem_shared>>
        tpu.wait_indirect_dma semaphore(%run_scoped3A : memref<!tpu.dma_semaphore, #tpu.memory_space<semaphore_mem>>) src(%arg11 : memref<128x128xf32, #tpu.memory_space<vmem>>) dst(%dma_wait3A_124 : memref<10240x128xf32, #tpu.memory_space<vmem_shared>>)
        tpu.yield
      }) : () -> ()
      %add3A_91 = arith.constant 2 : i32
      %add3A_92 = arith.addi %mul3A_80, %add3A_91 : i32
      %mul3A_93 = arith.constant 128 : i32
      %mul3A_94 = arith.muli %add3A_92, %mul3A_93 : i32
      %add3A_95 = arith.addi %mul3A_4, %mul3A_94 : i32
      %dma_start3A_96 = tpu.memref_slice %arg3[%add3A_95] : memref<320256xi32, #tpu.memory_space<hbm>> -> memref<128xi32, #tpu.memory_space<hbm>>
      %dma_start3A_97 = tpu.memref_slice %arg3[%add3A_95] : memref<320256xi32, #tpu.memory_space<hbm>> -> memref<128xi32, #tpu.memory_space<hbm>>
      tpu.enqueue_dma source(%dma_start3A_97 : memref<128xi32, #tpu.memory_space<hbm>>) target(%arg19 : memref<128xi32, #tpu.memory_space<vmem>>) target_semaphore(%arg16 : memref<!tpu.dma_semaphore, #tpu.memory_space<semaphore_mem>>)
      %dma_start3A_98 = tpu.memref_slice %arg4[%add3A_95] : memref<320256xi32, #tpu.memory_space<hbm>> -> memref<128xi32, #tpu.memory_space<hbm>>
      %dma_start3A_99 = tpu.memref_slice %arg4[%add3A_95] : memref<320256xi32, #tpu.memory_space<hbm>> -> memref<128xi32, #tpu.memory_space<hbm>>
      tpu.enqueue_dma source(%dma_start3A_99 : memref<128xi32, #tpu.memory_space<hbm>>) target(%arg9 : memref<128xi32, #tpu.memory_space<vmem>>) target_semaphore(%arg16 : memref<!tpu.dma_semaphore, #tpu.memory_space<semaphore_mem>>)
      %dma_wait3A_100 = tpu.memref_slice %arg3[%mul3A_4] : memref<320256xi32, #tpu.memory_space<hbm>> -> memref<128xi32, #tpu.memory_space<hbm>>
      %dma_wait3A_101 = tpu.memref_slice %arg3[%mul3A_4] : memref<320256xi32, #tpu.memory_space<hbm>> -> memref<128xi32, #tpu.memory_space<hbm>>
      tpu.wait_dma2 semaphore(%arg16 : memref<!tpu.dma_semaphore, #tpu.memory_space<semaphore_mem>>) src(%dma_wait3A_101 : memref<128xi32, #tpu.memory_space<hbm>>) dst(%arg19 : memref<128xi32, #tpu.memory_space<vmem>>)
      %dma_wait3A_102 = tpu.memref_slice %arg4[%mul3A_4] : memref<320256xi32, #tpu.memory_space<hbm>> -> memref<128xi32, #tpu.memory_space<hbm>>
      %dma_wait3A_103 = tpu.memref_slice %arg4[%mul3A_4] : memref<320256xi32, #tpu.memory_space<hbm>> -> memref<128xi32, #tpu.memory_space<hbm>>
      tpu.wait_dma2 semaphore(%arg16 : memref<!tpu.dma_semaphore, #tpu.memory_space<semaphore_mem>>) src(%dma_wait3A_103 : memref<128xi32, #tpu.memory_space<hbm>>) dst(%arg9 : memref<128xi32, #tpu.memory_space<vmem>>)
      %dma_start3A_104 = arith.constant 0 : i32
      %dma_start3A_105 = arith.constant 0 : i32
      %dma_start3A_106 = tpu.memref_slice %arg2[%dma_start3A_104, %dma_start3A_105] : memref<10000x128xf32, #tpu.memory_space<hbm>> -> memref<10000x128xf32, #tpu.memory_space<hbm>>
      tpu.enqueue_indirect_dma source(%dma_start3A_106 : memref<10000x128xf32, #tpu.memory_space<hbm>>) target(%arg11 : memref<128x128xf32, #tpu.memory_space<vmem>>) offsets(%arg19 : memref<128xi32, #tpu.memory_space<vmem>>) semaphore(%arg14 : memref<!tpu.dma_semaphore, #tpu.memory_space<semaphore_mem>>)
      %dma_wait3A_107 = arith.constant 0 : i32
      %dma_wait3A_108 = arith.constant 0 : i32
      %dma_wait3A_109 = tpu.memref_slice %arg2[%dma_wait3A_107, %dma_wait3A_108] : memref<10000x128xf32, #tpu.memory_space<hbm>> -> memref<10000x128xf32, #tpu.memory_space<hbm>>
      tpu.wait_indirect_dma semaphore(%arg15 : memref<!tpu.dma_semaphore, #tpu.memory_space<semaphore_mem>>) src(%dma_wait3A_109 : memref<10000x128xf32, #tpu.memory_space<hbm>>) dst(%arg12 : memref<128x128xf32, #tpu.memory_space<vmem>>)
      "tpu.region"() ({
        %run_scoped3A = tpu.sem_alloc : memref<!tpu.dma_semaphore, #tpu.memory_space<semaphore_mem>>
        %dma_start3A_119 = arith.constant 0 : i32
        %dma_start3A_120 = arith.constant 0 : i32
        %dma_start3A_121 = tpu.memref_slice %arg7[%dma_start3A_119, %dma_start3A_120] : memref<10240x128xf32, #tpu.memory_space<vmem_shared>> -> memref<10240x128xf32, #tpu.memory_space<vmem_shared>>
        tpu.enqueue_indirect_dma source(%arg12 : memref<128x128xf32, #tpu.memory_space<vmem>>) target(%dma_start3A_121 : memref<10240x128xf32, #tpu.memory_space<vmem_shared>>) offsets(%arg10 : memref<128xi32, #tpu.memory_space<vmem>>) semaphore(%run_scoped3A : memref<!tpu.dma_semaphore, #tpu.memory_space<semaphore_mem>>) {add = true}
        %dma_wait3A_122 = arith.constant 0 : i32
        %dma_wait3A_123 = arith.constant 0 : i32
        %dma_wait3A_124 = tpu.memref_slice %arg7[%dma_wait3A_122, %dma_wait3A_123] : memref<10240x128xf32, #tpu.memory_space<vmem_shared>> -> memref<10240x128xf32, #tpu.memory_space<vmem_shared>>
        tpu.wait_indirect_dma semaphore(%run_scoped3A : memref<!tpu.dma_semaphore, #tpu.memory_space<semaphore_mem>>) src(%arg12 : memref<128x128xf32, #tpu.memory_space<vmem>>) dst(%dma_wait3A_124 : memref<10240x128xf32, #tpu.memory_space<vmem_shared>>)
        tpu.yield
      }) : () -> ()
      %add3A_110 = arith.constant 3 : i32
      %add3A_111 = arith.addi %mul3A_80, %add3A_110 : i32
      %mul3A_112 = arith.constant 128 : i32
      %mul3A_113 = arith.muli %add3A_111, %mul3A_112 : i32
      %add3A_114 = arith.addi %mul3A_4, %mul3A_113 : i32
      %dma_start3A_115 = tpu.memref_slice %arg3[%add3A_114] : memref<320256xi32, #tpu.memory_space<hbm>> -> memref<128xi32, #tpu.memory_space<hbm>>
      %dma_start3A_116 = tpu.memref_slice %arg3[%add3A_114] : memref<320256xi32, #tpu.memory_space<hbm>> -> memref<128xi32, #tpu.memory_space<hbm>>
      tpu.enqueue_dma source(%dma_start3A_116 : memref<128xi32, #tpu.memory_space<hbm>>) target(%arg20 : memref<128xi32, #tpu.memory_space<vmem>>) target_semaphore(%arg17 : memref<!tpu.dma_semaphore, #tpu.memory_space<semaphore_mem>>)
      %dma_start3A_117 = tpu.memref_slice %arg4[%add3A_114] : memref<320256xi32, #tpu.memory_space<hbm>> -> memref<128xi32, #tpu.memory_space<hbm>>
      %dma_start3A_118 = tpu.memref_slice %arg4[%add3A_114] : memref<320256xi32, #tpu.memory_space<hbm>> -> memref<128xi32, #tpu.memory_space<hbm>>
      tpu.enqueue_dma source(%dma_start3A_118 : memref<128xi32, #tpu.memory_space<hbm>>) target(%arg10 : memref<128xi32, #tpu.memory_space<vmem>>) target_semaphore(%arg17 : memref<!tpu.dma_semaphore, #tpu.memory_space<semaphore_mem>>)
    }
    %scan3A_36 = arith.constant 39 : i32
    %dma_wait3A = arith.constant 0 : i32
    %dma_wait3A_37 = arith.constant 0 : i32
    %dma_wait3A_38 = tpu.memref_slice %arg2[%dma_wait3A, %dma_wait3A_37] : memref<10000x128xf32, #tpu.memory_space<hbm>> -> memref<10000x128xf32, #tpu.memory_space<hbm>>
    tpu.wait_indirect_dma semaphore(%arg14 : memref<!tpu.dma_semaphore, #tpu.memory_space<semaphore_mem>>) src(%dma_wait3A_38 : memref<10000x128xf32, #tpu.memory_space<hbm>>) dst(%arg11 : memref<128x128xf32, #tpu.memory_space<vmem>>)
    %dma_wait3A_39 = tpu.memref_slice %arg3[%mul3A_4] : memref<320256xi32, #tpu.memory_space<hbm>> -> memref<128xi32, #tpu.memory_space<hbm>>
    %dma_wait3A_40 = tpu.memref_slice %arg3[%mul3A_4] : memref<320256xi32, #tpu.memory_space<hbm>> -> memref<128xi32, #tpu.memory_space<hbm>>
    tpu.wait_dma2 semaphore(%arg17 : memref<!tpu.dma_semaphore, #tpu.memory_space<semaphore_mem>>) src(%dma_wait3A_40 : memref<128xi32, #tpu.memory_space<hbm>>) dst(%arg20 : memref<128xi32, #tpu.memory_space<vmem>>)
    %dma_wait3A_41 = tpu.memref_slice %arg4[%mul3A_4] : memref<320256xi32, #tpu.memory_space<hbm>> -> memref<128xi32, #tpu.memory_space<hbm>>
    %dma_wait3A_42 = tpu.memref_slice %arg4[%mul3A_4] : memref<320256xi32, #tpu.memory_space<hbm>> -> memref<128xi32, #tpu.memory_space<hbm>>
    tpu.wait_dma2 semaphore(%arg17 : memref<!tpu.dma_semaphore, #tpu.memory_space<semaphore_mem>>) src(%dma_wait3A_42 : memref<128xi32, #tpu.memory_space<hbm>>) dst(%arg10 : memref<128xi32, #tpu.memory_space<vmem>>)
    %add3A_43 = arith.constant 9984 : i32
    %add3A_44 = arith.addi %mul3A_4, %add3A_43 : i32
    "tpu.region"() ({
      %run_scoped3A = tpu.sem_alloc : memref<!tpu.dma_semaphore, #tpu.memory_space<semaphore_mem>>
      %dma_start3A_74 = tpu.memref_slice %arg3[%add3A_44] : memref<320256xi32, #tpu.memory_space<hbm>> -> memref<16xi32, #tpu.memory_space<hbm>>
      %dma_start3A_75 = tpu.memref_slice %arg3[%add3A_44] : memref<320256xi32, #tpu.memory_space<hbm>> -> memref<16xi32, #tpu.memory_space<hbm>>
      tpu.enqueue_dma source(%dma_start3A_75 : memref<16xi32, #tpu.memory_space<hbm>>) target(%arg18 : memref<16xi32, #tpu.memory_space<vmem>>) target_semaphore(%run_scoped3A : memref<!tpu.dma_semaphore, #tpu.memory_space<semaphore_mem>>)
      %dma_wait3A_76 = tpu.memref_slice %arg3[%add3A_44] : memref<320256xi32, #tpu.memory_space<hbm>> -> memref<16xi32, #tpu.memory_space<hbm>>
      %dma_wait3A_77 = tpu.memref_slice %arg3[%add3A_44] : memref<320256xi32, #tpu.memory_space<hbm>> -> memref<16xi32, #tpu.memory_space<hbm>>
      tpu.wait_dma2 semaphore(%run_scoped3A : memref<!tpu.dma_semaphore, #tpu.memory_space<semaphore_mem>>) src(%dma_wait3A_77 : memref<16xi32, #tpu.memory_space<hbm>>) dst(%arg18 : memref<16xi32, #tpu.memory_space<vmem>>)
      tpu.yield
    }) : () -> ()
    %add3A_45 = arith.constant 9984 : i32
    %add3A_46 = arith.addi %mul3A_4, %add3A_45 : i32
    "tpu.region"() ({
      %run_scoped3A = tpu.sem_alloc : memref<!tpu.dma_semaphore, #tpu.memory_space<semaphore_mem>>
      %dma_start3A_74 = tpu.memref_slice %arg4[%add3A_46] : memref<320256xi32, #tpu.memory_space<hbm>> -> memref<16xi32, #tpu.memory_space<hbm>>
      %dma_start3A_75 = tpu.memref_slice %arg4[%add3A_46] : memref<320256xi32, #tpu.memory_space<hbm>> -> memref<16xi32, #tpu.memory_space<hbm>>
      tpu.enqueue_dma source(%dma_start3A_75 : memref<16xi32, #tpu.memory_space<hbm>>) target(%arg8 : memref<16xi32, #tpu.memory_space<vmem>>) target_semaphore(%run_scoped3A : memref<!tpu.dma_semaphore, #tpu.memory_space<semaphore_mem>>)
      %dma_wait3A_76 = tpu.memref_slice %arg4[%add3A_46] : memref<320256xi32, #tpu.memory_space<hbm>> -> memref<16xi32, #tpu.memory_space<hbm>>
      %dma_wait3A_77 = tpu.memref_slice %arg4[%add3A_46] : memref<320256xi32, #tpu.memory_space<hbm>> -> memref<16xi32, #tpu.memory_space<hbm>>
      tpu.wait_dma2 semaphore(%run_scoped3A : memref<!tpu.dma_semaphore, #tpu.memory_space<semaphore_mem>>) src(%dma_wait3A_77 : memref<16xi32, #tpu.memory_space<hbm>>) dst(%arg8 : memref<16xi32, #tpu.memory_space<vmem>>)
      tpu.yield
    }) : () -> ()
    %dma_start3A_47 = arith.constant 0 : i32
    %dma_start3A_48 = arith.constant 0 : i32
    %dma_start3A_49 = tpu.memref_slice %arg2[%dma_start3A_47, %dma_start3A_48] : memref<10000x128xf32, #tpu.memory_space<hbm>> -> memref<10000x128xf32, #tpu.memory_space<hbm>>
    tpu.enqueue_indirect_dma source(%dma_start3A_49 : memref<10000x128xf32, #tpu.memory_space<hbm>>) target(%arg13 : memref<16x128xf32, #tpu.memory_space<vmem>>) offsets(%arg18 : memref<16xi32, #tpu.memory_space<vmem>>) semaphore(%arg14 : memref<!tpu.dma_semaphore, #tpu.memory_space<semaphore_mem>>)
    %dma_wait3A_50 = arith.constant 0 : i32
    %dma_wait3A_51 = arith.constant 0 : i32
    %dma_wait3A_52 = tpu.memref_slice %arg2[%dma_wait3A_50, %dma_wait3A_51] : memref<10000x128xf32, #tpu.memory_space<hbm>> -> memref<10000x128xf32, #tpu.memory_space<hbm>>
    tpu.wait_indirect_dma semaphore(%arg14 : memref<!tpu.dma_semaphore, #tpu.memory_space<semaphore_mem>>) src(%dma_wait3A_52 : memref<10000x128xf32, #tpu.memory_space<hbm>>) dst(%arg13 : memref<16x128xf32, #tpu.memory_space<vmem>>)
    "tpu.region"() ({
      %run_scoped3A = tpu.sem_alloc : memref<!tpu.dma_semaphore, #tpu.memory_space<semaphore_mem>>
      %dma_start3A_74 = arith.constant 0 : i32
      %dma_start3A_75 = arith.constant 0 : i32
      %dma_start3A_76 = tpu.memref_slice %arg7[%dma_start3A_74, %dma_start3A_75] : memref<10240x128xf32, #tpu.memory_space<vmem_shared>> -> memref<10240x128xf32, #tpu.memory_space<vmem_shared>>
      tpu.enqueue_indirect_dma source(%arg13 : memref<16x128xf32, #tpu.memory_space<vmem>>) target(%dma_start3A_76 : memref<10240x128xf32, #tpu.memory_space<vmem_shared>>) offsets(%arg8 : memref<16xi32, #tpu.memory_space<vmem>>) semaphore(%run_scoped3A : memref<!tpu.dma_semaphore, #tpu.memory_space<semaphore_mem>>) {add = true}
      %dma_wait3A_77 = arith.constant 0 : i32
      %dma_wait3A_78 = arith.constant 0 : i32
      %dma_wait3A_79 = tpu.memref_slice %arg7[%dma_wait3A_77, %dma_wait3A_78] : memref<10240x128xf32, #tpu.memory_space<vmem_shared>> -> memref<10240x128xf32, #tpu.memory_space<vmem_shared>>
      tpu.wait_indirect_dma semaphore(%run_scoped3A : memref<!tpu.dma_semaphore, #tpu.memory_space<semaphore_mem>>) src(%arg13 : memref<16x128xf32, #tpu.memory_space<vmem>>) dst(%dma_wait3A_79 : memref<10240x128xf32, #tpu.memory_space<vmem_shared>>)
      tpu.yield
    }) : () -> ()
    %barrier3A_53 = arith.constant 0 : index
    tpu.barrier barrier_id(%barrier3A_53)
    %add3A_54 = arith.constant 0 : i32
    %add3A_55 = arith.addi %mul3A_2, %add3A_54 : i32
    "tpu.region"() ({
      %run_scoped3A = tpu.sem_alloc : memref<!tpu.dma_semaphore, #tpu.memory_space<semaphore_mem>>
      %dma_start3A_74 = arith.constant 0 : i32
      %dma_start3A_75 = tpu.memref_slice %arg7[%add3A_55, %dma_start3A_74] : memref<10240x128xf32, #tpu.memory_space<vmem_shared>> -> memref<64x128xf32, #tpu.memory_space<vmem_shared>>
      %dma_start3A_76 = arith.constant 0 : i32
      %dma_start3A_77 = tpu.memref_slice %arg7[%add3A_55, %dma_start3A_76] : memref<10240x128xf32, #tpu.memory_space<vmem_shared>> -> memref<64x128xf32, #tpu.memory_space<vmem_shared>>
      tpu.enqueue_dma source(%dma_start3A_77 : memref<64x128xf32, #tpu.memory_space<vmem_shared>>) target(%arg21 : memref<64x128xf32, #tpu.memory_space<vmem>>) target_semaphore(%run_scoped3A : memref<!tpu.dma_semaphore, #tpu.memory_space<semaphore_mem>>)
      %dma_wait3A_78 = arith.constant 0 : i32
      %dma_wait3A_79 = tpu.memref_slice %arg7[%add3A_55, %dma_wait3A_78] : memref<10240x128xf32, #tpu.memory_space<vmem_shared>> -> memref<64x128xf32, #tpu.memory_space<vmem_shared>>
      %dma_wait3A_80 = arith.constant 0 : i32
      %dma_wait3A_81 = tpu.memref_slice %arg7[%add3A_55, %dma_wait3A_80] : memref<10240x128xf32, #tpu.memory_space<vmem_shared>> -> memref<64x128xf32, #tpu.memory_space<vmem_shared>>
      tpu.wait_dma2 semaphore(%run_scoped3A : memref<!tpu.dma_semaphore, #tpu.memory_space<semaphore_mem>>) src(%dma_wait3A_81 : memref<64x128xf32, #tpu.memory_space<vmem_shared>>) dst(%arg21 : memref<64x128xf32, #tpu.memory_space<vmem>>)
      tpu.yield
    }) : () -> ()
    "tpu.region"() ({
      %run_scoped3A = tpu.sem_alloc : memref<!tpu.dma_semaphore, #tpu.memory_space<semaphore_mem>>
      %dma_start3A_74 = arith.constant 0 : i32
      %dma_start3A_75 = tpu.memref_slice %arg6[%arg0, %add3A_55, %dma_start3A_74] : memref<2x10240x128xf32, #tpu.memory_space<hbm>> -> memref<1x64x128xf32, #tpu.memory_space<hbm>>
      %dma_start3A_76 = tpu.memref_squeeze %dma_start3A_75 : memref<1x64x128xf32, #tpu.memory_space<hbm>> -> memref<64x128xf32, #tpu.memory_space<hbm>>
      %dma_start3A_77 = arith.constant 0 : i32
      %dma_start3A_78 = tpu.memref_slice %arg6[%arg0, %add3A_55, %dma_start3A_77] : memref<2x10240x128xf32, #tpu.memory_space<hbm>> -> memref<1x64x128xf32, #tpu.memory_space<hbm>>
      %dma_start3A_79 = tpu.memref_squeeze %dma_start3A_78 : memref<1x64x128xf32, #tpu.memory_space<hbm>> -> memref<64x128xf32, #tpu.memory_space<hbm>>
      tpu.enqueue_dma source(%arg21 : memref<64x128xf32, #tpu.memory_space<vmem>>) target(%dma_start3A_79 : memref<64x128xf32, #tpu.memory_space<hbm>>) target_semaphore(%run_scoped3A : memref<!tpu.dma_semaphore, #tpu.memory_space<semaphore_mem>>)
      %dma_wait3A_80 = arith.constant 0 : i32
      %dma_wait3A_81 = tpu.memref_slice %arg6[%arg0, %add3A_55, %dma_wait3A_80] : memref<2x10240x128xf32, #tpu.memory_space<hbm>> -> memref<1x64x128xf32, #tpu.memory_space<hbm>>
      %dma_wait3A_82 = tpu.memref_squeeze %dma_wait3A_81 : memref<1x64x128xf32, #tpu.memory_space<hbm>> -> memref<64x128xf32, #tpu.memory_space<hbm>>
      %dma_wait3A_83 = arith.constant 0 : i32
      %dma_wait3A_84 = tpu.memref_slice %arg6[%arg0, %add3A_55, %dma_wait3A_83] : memref<2x10240x128xf32, #tpu.memory_space<hbm>> -> memref<1x64x128xf32, #tpu.memory_space<hbm>>
      %dma_wait3A_85 = tpu.memref_squeeze %dma_wait3A_84 : memref<1x64x128xf32, #tpu.memory_space<hbm>> -> memref<64x128xf32, #tpu.memory_space<hbm>>
      tpu.wait_dma2 semaphore(%run_scoped3A : memref<!tpu.dma_semaphore, #tpu.memory_space<semaphore_mem>>) src(%arg21 : memref<64x128xf32, #tpu.memory_space<vmem>>) dst(%dma_wait3A_85 : memref<64x128xf32, #tpu.memory_space<hbm>>)
      tpu.yield
    }) : () -> ()
    %add3A_56 = arith.constant 64 : i32
    %add3A_57 = arith.addi %mul3A_2, %add3A_56 : i32
    "tpu.region"() ({
      %run_scoped3A = tpu.sem_alloc : memref<!tpu.dma_semaphore, #tpu.memory_space<semaphore_mem>>
      %dma_start3A_74 = arith.constant 0 : i32
      %dma_start3A_75 = tpu.memref_slice %arg7[%add3A_57, %dma_start3A_74] : memref<10240x128xf32, #tpu.memory_space<vmem_shared>> -> memref<64x128xf32, #tpu.memory_space<vmem_shared>>
      %dma_start3A_76 = arith.constant 0 : i32
      %dma_start3A_77 = tpu.memref_slice %arg7[%add3A_57, %dma_start3A_76] : memref<10240x128xf32, #tpu.memory_space<vmem_shared>> -> memref<64x128xf32, #tpu.memory_space<vmem_shared>>
      tpu.enqueue_dma source(%dma_start3A_77 : memref<64x128xf32, #tpu.memory_space<vmem_shared>>) target(%arg21 : memref<64x128xf32, #tpu.memory_space<vmem>>) target_semaphore(%run_scoped3A : memref<!tpu.dma_semaphore, #tpu.memory_space<semaphore_mem>>)
      %dma_wait3A_78 = arith.constant 0 : i32
      %dma_wait3A_79 = tpu.memref_slice %arg7[%add3A_57, %dma_wait3A_78] : memref<10240x128xf32, #tpu.memory_space<vmem_shared>> -> memref<64x128xf32, #tpu.memory_space<vmem_shared>>
      %dma_wait3A_80 = arith.constant 0 : i32
      %dma_wait3A_81 = tpu.memref_slice %arg7[%add3A_57, %dma_wait3A_80] : memref<10240x128xf32, #tpu.memory_space<vmem_shared>> -> memref<64x128xf32, #tpu.memory_space<vmem_shared>>
      tpu.wait_dma2 semaphore(%run_scoped3A : memref<!tpu.dma_semaphore, #tpu.memory_space<semaphore_mem>>) src(%dma_wait3A_81 : memref<64x128xf32, #tpu.memory_space<vmem_shared>>) dst(%arg21 : memref<64x128xf32, #tpu.memory_space<vmem>>)
      tpu.yield
    }) : () -> ()
    "tpu.region"() ({
      %run_scoped3A = tpu.sem_alloc : memref<!tpu.dma_semaphore, #tpu.memory_space<semaphore_mem>>
      %dma_start3A_74 = arith.constant 0 : i32
      %dma_start3A_75 = tpu.memref_slice %arg6[%arg0, %add3A_57, %dma_start3A_74] : memref<2x10240x128xf32, #tpu.memory_space<hbm>> -> memref<1x64x128xf32, #tpu.memory_space<hbm>>
      %dma_start3A_76 = tpu.memref_squeeze %dma_start3A_75 : memref<1x64x128xf32, #tpu.memory_space<hbm>> -> memref<64x128xf32, #tpu.memory_space<hbm>>
      %dma_start3A_77 = arith.constant 0 : i32
      %dma_start3A_78 = tpu.memref_slice %arg6[%arg0, %add3A_57, %dma_start3A_77] : memref<2x10240x128xf32, #tpu.memory_space<hbm>> -> memref<1x64x128xf32, #tpu.memory_space<hbm>>
      %dma_start3A_79 = tpu.memref_squeeze %dma_start3A_78 : memref<1x64x128xf32, #tpu.memory_space<hbm>> -> memref<64x128xf32, #tpu.memory_space<hbm>>
      tpu.enqueue_dma source(%arg21 : memref<64x128xf32, #tpu.memory_space<vmem>>) target(%dma_start3A_79 : memref<64x128xf32, #tpu.memory_space<hbm>>) target_semaphore(%run_scoped3A : memref<!tpu.dma_semaphore, #tpu.memory_space<semaphore_mem>>)
      %dma_wait3A_80 = arith.constant 0 : i32
      %dma_wait3A_81 = tpu.memref_slice %arg6[%arg0, %add3A_57, %dma_wait3A_80] : memref<2x10240x128xf32, #tpu.memory_space<hbm>> -> memref<1x64x128xf32, #tpu.memory_space<hbm>>
      %dma_wait3A_82 = tpu.memref_squeeze %dma_wait3A_81 : memref<1x64x128xf32, #tpu.memory_space<hbm>> -> memref<64x128xf32, #tpu.memory_space<hbm>>
      %dma_wait3A_83 = arith.constant 0 : i32
      %dma_wait3A_84 = tpu.memref_slice %arg6[%arg0, %add3A_57, %dma_wait3A_83] : memref<2x10240x128xf32, #tpu.memory_space<hbm>> -> memref<1x64x128xf32, #tpu.memory_space<hbm>>
      %dma_wait3A_85 = tpu.memref_squeeze %dma_wait3A_84 : memref<1x64x128xf32, #tpu.memory_space<hbm>> -> memref<64x128xf32, #tpu.memory_space<hbm>>
      tpu.wait_dma2 semaphore(%run_scoped3A : memref<!tpu.dma_semaphore, #tpu.memory_space<semaphore_mem>>) src(%arg21 : memref<64x128xf32, #tpu.memory_space<vmem>>) dst(%dma_wait3A_85 : memref<64x128xf32, #tpu.memory_space<hbm>>)
      tpu.yield
    }) : () -> ()
    %add3A_58 = arith.constant 128 : i32
    %add3A_59 = arith.addi %mul3A_2, %add3A_58 : i32
    "tpu.region"() ({
      %run_scoped3A = tpu.sem_alloc : memref<!tpu.dma_semaphore, #tpu.memory_space<semaphore_mem>>
      %dma_start3A_74 = arith.constant 0 : i32
      %dma_start3A_75 = tpu.memref_slice %arg7[%add3A_59, %dma_start3A_74] : memref<10240x128xf32, #tpu.memory_space<vmem_shared>> -> memref<64x128xf32, #tpu.memory_space<vmem_shared>>
      %dma_start3A_76 = arith.constant 0 : i32
      %dma_start3A_77 = tpu.memref_slice %arg7[%add3A_59, %dma_start3A_76] : memref<10240x128xf32, #tpu.memory_space<vmem_shared>> -> memref<64x128xf32, #tpu.memory_space<vmem_shared>>
      tpu.enqueue_dma source(%dma_start3A_77 : memref<64x128xf32, #tpu.memory_space<vmem_shared>>) target(%arg21 : memref<64x128xf32, #tpu.memory_space<vmem>>) target_semaphore(%run_scoped3A : memref<!tpu.dma_semaphore, #tpu.memory_space<semaphore_mem>>)
      %dma_wait3A_78 = arith.constant 0 : i32
      %dma_wait3A_79 = tpu.memref_slice %arg7[%add3A_59, %dma_wait3A_78] : memref<10240x128xf32, #tpu.memory_space<vmem_shared>> -> memref<64x128xf32, #tpu.memory_space<vmem_shared>>
      %dma_wait3A_80 = arith.constant 0 : i32
      %dma_wait3A_81 = tpu.memref_slice %arg7[%add3A_59, %dma_wait3A_80] : memref<10240x128xf32, #tpu.memory_space<vmem_shared>> -> memref<64x128xf32, #tpu.memory_space<vmem_shared>>
      tpu.wait_dma2 semaphore(%run_scoped3A : memref<!tpu.dma_semaphore, #tpu.memory_space<semaphore_mem>>) src(%dma_wait3A_81 : memref<64x128xf32, #tpu.memory_space<vmem_shared>>) dst(%arg21 : memref<64x128xf32, #tpu.memory_space<vmem>>)
      tpu.yield
    }) : () -> ()
    "tpu.region"() ({
      %run_scoped3A = tpu.sem_alloc : memref<!tpu.dma_semaphore, #tpu.memory_space<semaphore_mem>>
      %dma_start3A_74 = arith.constant 0 : i32
      %dma_start3A_75 = tpu.memref_slice %arg6[%arg0, %add3A_59, %dma_start3A_74] : memref<2x10240x128xf32, #tpu.memory_space<hbm>> -> memref<1x64x128xf32, #tpu.memory_space<hbm>>
      %dma_start3A_76 = tpu.memref_squeeze %dma_start3A_75 : memref<1x64x128xf32, #tpu.memory_space<hbm>> -> memref<64x128xf32, #tpu.memory_space<hbm>>
      %dma_start3A_77 = arith.constant 0 : i32
      %dma_start3A_78 = tpu.memref_slice %arg6[%arg0, %add3A_59, %dma_start3A_77] : memref<2x10240x128xf32, #tpu.memory_space<hbm>> -> memref<1x64x128xf32, #tpu.memory_space<hbm>>
      %dma_start3A_79 = tpu.memref_squeeze %dma_start3A_78 : memref<1x64x128xf32, #tpu.memory_space<hbm>> -> memref<64x128xf32, #tpu.memory_space<hbm>>
      tpu.enqueue_dma source(%arg21 : memref<64x128xf32, #tpu.memory_space<vmem>>) target(%dma_start3A_79 : memref<64x128xf32, #tpu.memory_space<hbm>>) target_semaphore(%run_scoped3A : memref<!tpu.dma_semaphore, #tpu.memory_space<semaphore_mem>>)
      %dma_wait3A_80 = arith.constant 0 : i32
      %dma_wait3A_81 = tpu.memref_slice %arg6[%arg0, %add3A_59, %dma_wait3A_80] : memref<2x10240x128xf32, #tpu.memory_space<hbm>> -> memref<1x64x128xf32, #tpu.memory_space<hbm>>
      %dma_wait3A_82 = tpu.memref_squeeze %dma_wait3A_81 : memref<1x64x128xf32, #tpu.memory_space<hbm>> -> memref<64x128xf32, #tpu.memory_space<hbm>>
      %dma_wait3A_83 = arith.constant 0 : i32
      %dma_wait3A_84 = tpu.memref_slice %arg6[%arg0, %add3A_59, %dma_wait3A_83] : memref<2x10240x128xf32, #tpu.memory_space<hbm>> -> memref<1x64x128xf32, #tpu.memory_space<hbm>>
      %dma_wait3A_85 = tpu.memref_squeeze %dma_wait3A_84 : memref<1x64x128xf32, #tpu.memory_space<hbm>> -> memref<64x128xf32, #tpu.memory_space<hbm>>
      tpu.wait_dma2 semaphore(%run_scoped3A : memref<!tpu.dma_semaphore, #tpu.memory_space<semaphore_mem>>) src(%arg21 : memref<64x128xf32, #tpu.memory_space<vmem>>) dst(%dma_wait3A_85 : memref<64x128xf32, #tpu.memory_space<hbm>>)
      tpu.yield
    }) : () -> ()
    %add3A_60 = arith.constant 192 : i32
    %add3A_61 = arith.addi %mul3A_2, %add3A_60 : i32
    "tpu.region"() ({
      %run_scoped3A = tpu.sem_alloc : memref<!tpu.dma_semaphore, #tpu.memory_space<semaphore_mem>>
      %dma_start3A_74 = arith.constant 0 : i32
      %dma_start3A_75 = tpu.memref_slice %arg7[%add3A_61, %dma_start3A_74] : memref<10240x128xf32, #tpu.memory_space<vmem_shared>> -> memref<64x128xf32, #tpu.memory_space<vmem_shared>>
      %dma_start3A_76 = arith.constant 0 : i32
      %dma_start3A_77 = tpu.memref_slice %arg7[%add3A_61, %dma_start3A_76] : memref<10240x128xf32, #tpu.memory_space<vmem_shared>> -> memref<64x128xf32, #tpu.memory_space<vmem_shared>>
      tpu.enqueue_dma source(%dma_start3A_77 : memref<64x128xf32, #tpu.memory_space<vmem_shared>>) target(%arg21 : memref<64x128xf32, #tpu.memory_space<vmem>>) target_semaphore(%run_scoped3A : memref<!tpu.dma_semaphore, #tpu.memory_space<semaphore_mem>>)
      %dma_wait3A_78 = arith.constant 0 : i32
      %dma_wait3A_79 = tpu.memref_slice %arg7[%add3A_61, %dma_wait3A_78] : memref<10240x128xf32, #tpu.memory_space<vmem_shared>> -> memref<64x128xf32, #tpu.memory_space<vmem_shared>>
      %dma_wait3A_80 = arith.constant 0 : i32
      %dma_wait3A_81 = tpu.memref_slice %arg7[%add3A_61, %dma_wait3A_80] : memref<10240x128xf32, #tpu.memory_space<vmem_shared>> -> memref<64x128xf32, #tpu.memory_space<vmem_shared>>
      tpu.wait_dma2 semaphore(%run_scoped3A : memref<!tpu.dma_semaphore, #tpu.memory_space<semaphore_mem>>) src(%dma_wait3A_81 : memref<64x128xf32, #tpu.memory_space<vmem_shared>>) dst(%arg21 : memref<64x128xf32, #tpu.memory_space<vmem>>)
      tpu.yield
    }) : () -> ()
    "tpu.region"() ({
      %run_scoped3A = tpu.sem_alloc : memref<!tpu.dma_semaphore, #tpu.memory_space<semaphore_mem>>
      %dma_start3A_74 = arith.constant 0 : i32
      %dma_start3A_75 = tpu.memref_slice %arg6[%arg0, %add3A_61, %dma_start3A_74] : memref<2x10240x128xf32, #tpu.memory_space<hbm>> -> memref<1x64x128xf32, #tpu.memory_space<hbm>>
      %dma_start3A_76 = tpu.memref_squeeze %dma_start3A_75 : memref<1x64x128xf32, #tpu.memory_space<hbm>> -> memref<64x128xf32, #tpu.memory_space<hbm>>
      %dma_start3A_77 = arith.constant 0 : i32
      %dma_start3A_78 = tpu.memref_slice %arg6[%arg0, %add3A_61, %dma_start3A_77] : memref<2x10240x128xf32, #tpu.memory_space<hbm>> -> memref<1x64x128xf32, #tpu.memory_space<hbm>>
      %dma_start3A_79 = tpu.memref_squeeze %dma_start3A_78 : memref<1x64x128xf32, #tpu.memory_space<hbm>> -> memref<64x128xf32, #tpu.memory_space<hbm>>
      tpu.enqueue_dma source(%arg21 : memref<64x128xf32, #tpu.memory_space<vmem>>) target(%dma_start3A_79 : memref<64x128xf32, #tpu.memory_space<hbm>>) target_semaphore(%run_scoped3A : memref<!tpu.dma_semaphore, #tpu.memory_space<semaphore_mem>>)
      %dma_wait3A_80 = arith.constant 0 : i32
      %dma_wait3A_81 = tpu.memref_slice %arg6[%arg0, %add3A_61, %dma_wait3A_80] : memref<2x10240x128xf32, #tpu.memory_space<hbm>> -> memref<1x64x128xf32, #tpu.memory_space<hbm>>
      %dma_wait3A_82 = tpu.memref_squeeze %dma_wait3A_81 : memref<1x64x128xf32, #tpu.memory_space<hbm>> -> memref<64x128xf32, #tpu.memory_space<hbm>>
      %dma_wait3A_83 = arith.constant 0 : i32
      %dma_wait3A_84 = tpu.memref_slice %arg6[%arg0, %add3A_61, %dma_wait3A_83] : memref<2x10240x128xf32, #tpu.memory_space<hbm>> -> memref<1x64x128xf32, #tpu.memory_space<hbm>>
      %dma_wait3A_85 = tpu.memref_squeeze %dma_wait3A_84 : memref<1x64x128xf32, #tpu.memory_space<hbm>> -> memref<64x128xf32, #tpu.memory_space<hbm>>
      tpu.wait_dma2 semaphore(%run_scoped3A : memref<!tpu.dma_semaphore, #tpu.memory_space<semaphore_mem>>) src(%arg21 : memref<64x128xf32, #tpu.memory_space<vmem>>) dst(%dma_wait3A_85 : memref<64x128xf32, #tpu.memory_space<hbm>>)
      tpu.yield
    }) : () -> ()
    %add3A_62 = arith.constant 256 : i32
    %add3A_63 = arith.addi %mul3A_2, %add3A_62 : i32
    "tpu.region"() ({
      %run_scoped3A = tpu.sem_alloc : memref<!tpu.dma_semaphore, #tpu.memory_space<semaphore_mem>>
      %dma_start3A_74 = arith.constant 0 : i32
      %dma_start3A_75 = tpu.memref_slice %arg7[%add3A_63, %dma_start3A_74] : memref<10240x128xf32, #tpu.memory_space<vmem_shared>> -> memref<64x128xf32, #tpu.memory_space<vmem_shared>>
      %dma_start3A_76 = arith.constant 0 : i32
      %dma_start3A_77 = tpu.memref_slice %arg7[%add3A_63, %dma_start3A_76] : memref<10240x128xf32, #tpu.memory_space<vmem_shared>> -> memref<64x128xf32, #tpu.memory_space<vmem_shared>>
      tpu.enqueue_dma source(%dma_start3A_77 : memref<64x128xf32, #tpu.memory_space<vmem_shared>>) target(%arg21 : memref<64x128xf32, #tpu.memory_space<vmem>>) target_semaphore(%run_scoped3A : memref<!tpu.dma_semaphore, #tpu.memory_space<semaphore_mem>>)
      %dma_wait3A_78 = arith.constant 0 : i32
      %dma_wait3A_79 = tpu.memref_slice %arg7[%add3A_63, %dma_wait3A_78] : memref<10240x128xf32, #tpu.memory_space<vmem_shared>> -> memref<64x128xf32, #tpu.memory_space<vmem_shared>>
      %dma_wait3A_80 = arith.constant 0 : i32
      %dma_wait3A_81 = tpu.memref_slice %arg7[%add3A_63, %dma_wait3A_80] : memref<10240x128xf32, #tpu.memory_space<vmem_shared>> -> memref<64x128xf32, #tpu.memory_space<vmem_shared>>
      tpu.wait_dma2 semaphore(%run_scoped3A : memref<!tpu.dma_semaphore, #tpu.memory_space<semaphore_mem>>) src(%dma_wait3A_81 : memref<64x128xf32, #tpu.memory_space<vmem_shared>>) dst(%arg21 : memref<64x128xf32, #tpu.memory_space<vmem>>)
      tpu.yield
    }) : () -> ()
    "tpu.region"() ({
      %run_scoped3A = tpu.sem_alloc : memref<!tpu.dma_semaphore, #tpu.memory_space<semaphore_mem>>
      %dma_start3A_74 = arith.constant 0 : i32
      %dma_start3A_75 = tpu.memref_slice %arg6[%arg0, %add3A_63, %dma_start3A_74] : memref<2x10240x128xf32, #tpu.memory_space<hbm>> -> memref<1x64x128xf32, #tpu.memory_space<hbm>>
      %dma_start3A_76 = tpu.memref_squeeze %dma_start3A_75 : memref<1x64x128xf32, #tpu.memory_space<hbm>> -> memref<64x128xf32, #tpu.memory_space<hbm>>
      %dma_start3A_77 = arith.constant 0 : i32
      %dma_start3A_78 = tpu.memref_slice %arg6[%arg0, %add3A_63, %dma_start3A_77] : memref<2x10240x128xf32, #tpu.memory_space<hbm>> -> memref<1x64x128xf32, #tpu.memory_space<hbm>>
      %dma_start3A_79 = tpu.memref_squeeze %dma_start3A_78 : memref<1x64x128xf32, #tpu.memory_space<hbm>> -> memref<64x128xf32, #tpu.memory_space<hbm>>
      tpu.enqueue_dma source(%arg21 : memref<64x128xf32, #tpu.memory_space<vmem>>) target(%dma_start3A_79 : memref<64x128xf32, #tpu.memory_space<hbm>>) target_semaphore(%run_scoped3A : memref<!tpu.dma_semaphore, #tpu.memory_space<semaphore_mem>>)
      %dma_wait3A_80 = arith.constant 0 : i32
      %dma_wait3A_81 = tpu.memref_slice %arg6[%arg0, %add3A_63, %dma_wait3A_80] : memref<2x10240x128xf32, #tpu.memory_space<hbm>> -> memref<1x64x128xf32, #tpu.memory_space<hbm>>
      %dma_wait3A_82 = tpu.memref_squeeze %dma_wait3A_81 : memref<1x64x128xf32, #tpu.memory_space<hbm>> -> memref<64x128xf32, #tpu.memory_space<hbm>>
      %dma_wait3A_83 = arith.constant 0 : i32
      %dma_wait3A_84 = tpu.memref_slice %arg6[%arg0, %add3A_63, %dma_wait3A_83] : memref<2x10240x128xf32, #tpu.memory_space<hbm>> -> memref<1x64x128xf32, #tpu.memory_space<hbm>>
      %dma_wait3A_85 = tpu.memref_squeeze %dma_wait3A_84 : memref<1x64x128xf32, #tpu.memory_space<hbm>> -> memref<64x128xf32, #tpu.memory_space<hbm>>
      tpu.wait_dma2 semaphore(%run_scoped3A : memref<!tpu.dma_semaphore, #tpu.memory_space<semaphore_mem>>) src(%arg21 : memref<64x128xf32, #tpu.memory_space<vmem>>) dst(%dma_wait3A_85 : memref<64x128xf32, #tpu.memory_space<hbm>>)
      tpu.yield
    }) : () -> ()
    %add3A_64 = arith.constant 320 : i32
    %add3A_65 = arith.addi %mul3A_2, %add3A_64 : i32
    "tpu.region"() ({
      %run_scoped3A = tpu.sem_alloc : memref<!tpu.dma_semaphore, #tpu.memory_space<semaphore_mem>>
      %dma_start3A_74 = arith.constant 0 : i32
      %dma_start3A_75 = tpu.memref_slice %arg7[%add3A_65, %dma_start3A_74] : memref<10240x128xf32, #tpu.memory_space<vmem_shared>> -> memref<64x128xf32, #tpu.memory_space<vmem_shared>>
      %dma_start3A_76 = arith.constant 0 : i32
      %dma_start3A_77 = tpu.memref_slice %arg7[%add3A_65, %dma_start3A_76] : memref<10240x128xf32, #tpu.memory_space<vmem_shared>> -> memref<64x128xf32, #tpu.memory_space<vmem_shared>>
      tpu.enqueue_dma source(%dma_start3A_77 : memref<64x128xf32, #tpu.memory_space<vmem_shared>>) target(%arg21 : memref<64x128xf32, #tpu.memory_space<vmem>>) target_semaphore(%run_scoped3A : memref<!tpu.dma_semaphore, #tpu.memory_space<semaphore_mem>>)
      %dma_wait3A_78 = arith.constant 0 : i32
      %dma_wait3A_79 = tpu.memref_slice %arg7[%add3A_65, %dma_wait3A_78] : memref<10240x128xf32, #tpu.memory_space<vmem_shared>> -> memref<64x128xf32, #tpu.memory_space<vmem_shared>>
      %dma_wait3A_80 = arith.constant 0 : i32
      %dma_wait3A_81 = tpu.memref_slice %arg7[%add3A_65, %dma_wait3A_80] : memref<10240x128xf32, #tpu.memory_space<vmem_shared>> -> memref<64x128xf32, #tpu.memory_space<vmem_shared>>
      tpu.wait_dma2 semaphore(%run_scoped3A : memref<!tpu.dma_semaphore, #tpu.memory_space<semaphore_mem>>) src(%dma_wait3A_81 : memref<64x128xf32, #tpu.memory_space<vmem_shared>>) dst(%arg21 : memref<64x128xf32, #tpu.memory_space<vmem>>)
      tpu.yield
    }) : () -> ()
    "tpu.region"() ({
      %run_scoped3A = tpu.sem_alloc : memref<!tpu.dma_semaphore, #tpu.memory_space<semaphore_mem>>
      %dma_start3A_74 = arith.constant 0 : i32
      %dma_start3A_75 = tpu.memref_slice %arg6[%arg0, %add3A_65, %dma_start3A_74] : memref<2x10240x128xf32, #tpu.memory_space<hbm>> -> memref<1x64x128xf32, #tpu.memory_space<hbm>>
      %dma_start3A_76 = tpu.memref_squeeze %dma_start3A_75 : memref<1x64x128xf32, #tpu.memory_space<hbm>> -> memref<64x128xf32, #tpu.memory_space<hbm>>
      %dma_start3A_77 = arith.constant 0 : i32
      %dma_start3A_78 = tpu.memref_slice %arg6[%arg0, %add3A_65, %dma_start3A_77] : memref<2x10240x128xf32, #tpu.memory_space<hbm>> -> memref<1x64x128xf32, #tpu.memory_space<hbm>>
      %dma_start3A_79 = tpu.memref_squeeze %dma_start3A_78 : memref<1x64x128xf32, #tpu.memory_space<hbm>> -> memref<64x128xf32, #tpu.memory_space<hbm>>
      tpu.enqueue_dma source(%arg21 : memref<64x128xf32, #tpu.memory_space<vmem>>) target(%dma_start3A_79 : memref<64x128xf32, #tpu.memory_space<hbm>>) target_semaphore(%run_scoped3A : memref<!tpu.dma_semaphore, #tpu.memory_space<semaphore_mem>>)
      %dma_wait3A_80 = arith.constant 0 : i32
      %dma_wait3A_81 = tpu.memref_slice %arg6[%arg0, %add3A_65, %dma_wait3A_80] : memref<2x10240x128xf32, #tpu.memory_space<hbm>> -> memref<1x64x128xf32, #tpu.memory_space<hbm>>
      %dma_wait3A_82 = tpu.memref_squeeze %dma_wait3A_81 : memref<1x64x128xf32, #tpu.memory_space<hbm>> -> memref<64x128xf32, #tpu.memory_space<hbm>>
      %dma_wait3A_83 = arith.constant 0 : i32
      %dma_wait3A_84 = tpu.memref_slice %arg6[%arg0, %add3A_65, %dma_wait3A_83] : memref<2x10240x128xf32, #tpu.memory_space<hbm>> -> memref<1x64x128xf32, #tpu.memory_space<hbm>>
      %dma_wait3A_85 = tpu.memref_squeeze %dma_wait3A_84 : memref<1x64x128xf32, #tpu.memory_space<hbm>> -> memref<64x128xf32, #tpu.memory_space<hbm>>
      tpu.wait_dma2 semaphore(%run_scoped3A : memref<!tpu.dma_semaphore, #tpu.memory_space<semaphore_mem>>) src(%arg21 : memref<64x128xf32, #tpu.memory_space<vmem>>) dst(%dma_wait3A_85 : memref<64x128xf32, #tpu.memory_space<hbm>>)
      tpu.yield
    }) : () -> ()
    %add3A_66 = arith.constant 384 : i32
    %add3A_67 = arith.addi %mul3A_2, %add3A_66 : i32
    "tpu.region"() ({
      %run_scoped3A = tpu.sem_alloc : memref<!tpu.dma_semaphore, #tpu.memory_space<semaphore_mem>>
      %dma_start3A_74 = arith.constant 0 : i32
      %dma_start3A_75 = tpu.memref_slice %arg7[%add3A_67, %dma_start3A_74] : memref<10240x128xf32, #tpu.memory_space<vmem_shared>> -> memref<64x128xf32, #tpu.memory_space<vmem_shared>>
      %dma_start3A_76 = arith.constant 0 : i32
      %dma_start3A_77 = tpu.memref_slice %arg7[%add3A_67, %dma_start3A_76] : memref<10240x128xf32, #tpu.memory_space<vmem_shared>> -> memref<64x128xf32, #tpu.memory_space<vmem_shared>>
      tpu.enqueue_dma source(%dma_start3A_77 : memref<64x128xf32, #tpu.memory_space<vmem_shared>>) target(%arg21 : memref<64x128xf32, #tpu.memory_space<vmem>>) target_semaphore(%run_scoped3A : memref<!tpu.dma_semaphore, #tpu.memory_space<semaphore_mem>>)
      %dma_wait3A_78 = arith.constant 0 : i32
      %dma_wait3A_79 = tpu.memref_slice %arg7[%add3A_67, %dma_wait3A_78] : memref<10240x128xf32, #tpu.memory_space<vmem_shared>> -> memref<64x128xf32, #tpu.memory_space<vmem_shared>>
      %dma_wait3A_80 = arith.constant 0 : i32
      %dma_wait3A_81 = tpu.memref_slice %arg7[%add3A_67, %dma_wait3A_80] : memref<10240x128xf32, #tpu.memory_space<vmem_shared>> -> memref<64x128xf32, #tpu.memory_space<vmem_shared>>
      tpu.wait_dma2 semaphore(%run_scoped3A : memref<!tpu.dma_semaphore, #tpu.memory_space<semaphore_mem>>) src(%dma_wait3A_81 : memref<64x128xf32, #tpu.memory_space<vmem_shared>>) dst(%arg21 : memref<64x128xf32, #tpu.memory_space<vmem>>)
      tpu.yield
    }) : () -> ()
    "tpu.region"() ({
      %run_scoped3A = tpu.sem_alloc : memref<!tpu.dma_semaphore, #tpu.memory_space<semaphore_mem>>
      %dma_start3A_74 = arith.constant 0 : i32
      %dma_start3A_75 = tpu.memref_slice %arg6[%arg0, %add3A_67, %dma_start3A_74] : memref<2x10240x128xf32, #tpu.memory_space<hbm>> -> memref<1x64x128xf32, #tpu.memory_space<hbm>>
      %dma_start3A_76 = tpu.memref_squeeze %dma_start3A_75 : memref<1x64x128xf32, #tpu.memory_space<hbm>> -> memref<64x128xf32, #tpu.memory_space<hbm>>
      %dma_start3A_77 = arith.constant 0 : i32
      %dma_start3A_78 = tpu.memref_slice %arg6[%arg0, %add3A_67, %dma_start3A_77] : memref<2x10240x128xf32, #tpu.memory_space<hbm>> -> memref<1x64x128xf32, #tpu.memory_space<hbm>>
      %dma_start3A_79 = tpu.memref_squeeze %dma_start3A_78 : memref<1x64x128xf32, #tpu.memory_space<hbm>> -> memref<64x128xf32, #tpu.memory_space<hbm>>
      tpu.enqueue_dma source(%arg21 : memref<64x128xf32, #tpu.memory_space<vmem>>) target(%dma_start3A_79 : memref<64x128xf32, #tpu.memory_space<hbm>>) target_semaphore(%run_scoped3A : memref<!tpu.dma_semaphore, #tpu.memory_space<semaphore_mem>>)
      %dma_wait3A_80 = arith.constant 0 : i32
      %dma_wait3A_81 = tpu.memref_slice %arg6[%arg0, %add3A_67, %dma_wait3A_80] : memref<2x10240x128xf32, #tpu.memory_space<hbm>> -> memref<1x64x128xf32, #tpu.memory_space<hbm>>
      %dma_wait3A_82 = tpu.memref_squeeze %dma_wait3A_81 : memref<1x64x128xf32, #tpu.memory_space<hbm>> -> memref<64x128xf32, #tpu.memory_space<hbm>>
      %dma_wait3A_83 = arith.constant 0 : i32
      %dma_wait3A_84 = tpu.memref_slice %arg6[%arg0, %add3A_67, %dma_wait3A_83] : memref<2x10240x128xf32, #tpu.memory_space<hbm>> -> memref<1x64x128xf32, #tpu.memory_space<hbm>>
      %dma_wait3A_85 = tpu.memref_squeeze %dma_wait3A_84 : memref<1x64x128xf32, #tpu.memory_space<hbm>> -> memref<64x128xf32, #tpu.memory_space<hbm>>
      tpu.wait_dma2 semaphore(%run_scoped3A : memref<!tpu.dma_semaphore, #tpu.memory_space<semaphore_mem>>) src(%arg21 : memref<64x128xf32, #tpu.memory_space<vmem>>) dst(%dma_wait3A_85 : memref<64x128xf32, #tpu.memory_space<hbm>>)
      tpu.yield
    }) : () -> ()
    %add3A_68 = arith.constant 448 : i32
    %add3A_69 = arith.addi %mul3A_2, %add3A_68 : i32
    "tpu.region"() ({
      %run_scoped3A = tpu.sem_alloc : memref<!tpu.dma_semaphore, #tpu.memory_space<semaphore_mem>>
      %dma_start3A_74 = arith.constant 0 : i32
      %dma_start3A_75 = tpu.memref_slice %arg7[%add3A_69, %dma_start3A_74] : memref<10240x128xf32, #tpu.memory_space<vmem_shared>> -> memref<64x128xf32, #tpu.memory_space<vmem_shared>>
      %dma_start3A_76 = arith.constant 0 : i32
      %dma_start3A_77 = tpu.memref_slice %arg7[%add3A_69, %dma_start3A_76] : memref<10240x128xf32, #tpu.memory_space<vmem_shared>> -> memref<64x128xf32, #tpu.memory_space<vmem_shared>>
      tpu.enqueue_dma source(%dma_start3A_77 : memref<64x128xf32, #tpu.memory_space<vmem_shared>>) target(%arg21 : memref<64x128xf32, #tpu.memory_space<vmem>>) target_semaphore(%run_scoped3A : memref<!tpu.dma_semaphore, #tpu.memory_space<semaphore_mem>>)
      %dma_wait3A_78 = arith.constant 0 : i32
      %dma_wait3A_79 = tpu.memref_slice %arg7[%add3A_69, %dma_wait3A_78] : memref<10240x128xf32, #tpu.memory_space<vmem_shared>> -> memref<64x128xf32, #tpu.memory_space<vmem_shared>>
      %dma_wait3A_80 = arith.constant 0 : i32
      %dma_wait3A_81 = tpu.memref_slice %arg7[%add3A_69, %dma_wait3A_80] : memref<10240x128xf32, #tpu.memory_space<vmem_shared>> -> memref<64x128xf32, #tpu.memory_space<vmem_shared>>
      tpu.wait_dma2 semaphore(%run_scoped3A : memref<!tpu.dma_semaphore, #tpu.memory_space<semaphore_mem>>) src(%dma_wait3A_81 : memref<64x128xf32, #tpu.memory_space<vmem_shared>>) dst(%arg21 : memref<64x128xf32, #tpu.memory_space<vmem>>)
      tpu.yield
    }) : () -> ()
    "tpu.region"() ({
      %run_scoped3A = tpu.sem_alloc : memref<!tpu.dma_semaphore, #tpu.memory_space<semaphore_mem>>
      %dma_start3A_74 = arith.constant 0 : i32
      %dma_start3A_75 = tpu.memref_slice %arg6[%arg0, %add3A_69, %dma_start3A_74] : memref<2x10240x128xf32, #tpu.memory_space<hbm>> -> memref<1x64x128xf32, #tpu.memory_space<hbm>>
      %dma_start3A_76 = tpu.memref_squeeze %dma_start3A_75 : memref<1x64x128xf32, #tpu.memory_space<hbm>> -> memref<64x128xf32, #tpu.memory_space<hbm>>
      %dma_start3A_77 = arith.constant 0 : i32
      %dma_start3A_78 = tpu.memref_slice %arg6[%arg0, %add3A_69, %dma_start3A_77] : memref<2x10240x128xf32, #tpu.memory_space<hbm>> -> memref<1x64x128xf32, #tpu.memory_space<hbm>>
      %dma_start3A_79 = tpu.memref_squeeze %dma_start3A_78 : memref<1x64x128xf32, #tpu.memory_space<hbm>> -> memref<64x128xf32, #tpu.memory_space<hbm>>
      tpu.enqueue_dma source(%arg21 : memref<64x128xf32, #tpu.memory_space<vmem>>) target(%dma_start3A_79 : memref<64x128xf32, #tpu.memory_space<hbm>>) target_semaphore(%run_scoped3A : memref<!tpu.dma_semaphore, #tpu.memory_space<semaphore_mem>>)
      %dma_wait3A_80 = arith.constant 0 : i32
      %dma_wait3A_81 = tpu.memref_slice %arg6[%arg0, %add3A_69, %dma_wait3A_80] : memref<2x10240x128xf32, #tpu.memory_space<hbm>> -> memref<1x64x128xf32, #tpu.memory_space<hbm>>
      %dma_wait3A_82 = tpu.memref_squeeze %dma_wait3A_81 : memref<1x64x128xf32, #tpu.memory_space<hbm>> -> memref<64x128xf32, #tpu.memory_space<hbm>>
      %dma_wait3A_83 = arith.constant 0 : i32
      %dma_wait3A_84 = tpu.memref_slice %arg6[%arg0, %add3A_69, %dma_wait3A_83] : memref<2x10240x128xf32, #tpu.memory_space<hbm>> -> memref<1x64x128xf32, #tpu.memory_space<hbm>>
      %dma_wait3A_85 = tpu.memref_squeeze %dma_wait3A_84 : memref<1x64x128xf32, #tpu.memory_space<hbm>> -> memref<64x128xf32, #tpu.memory_space<hbm>>
      tpu.wait_dma2 semaphore(%run_scoped3A : memref<!tpu.dma_semaphore, #tpu.memory_space<semaphore_mem>>) src(%arg21 : memref<64x128xf32, #tpu.memory_space<vmem>>) dst(%dma_wait3A_85 : memref<64x128xf32, #tpu.memory_space<hbm>>)
      tpu.yield
    }) : () -> ()
    %add3A_70 = arith.constant 512 : i32
    %add3A_71 = arith.addi %mul3A_2, %add3A_70 : i32
    "tpu.region"() ({
      %run_scoped3A = tpu.sem_alloc : memref<!tpu.dma_semaphore, #tpu.memory_space<semaphore_mem>>
      %dma_start3A_74 = arith.constant 0 : i32
      %dma_start3A_75 = tpu.memref_slice %arg7[%add3A_71, %dma_start3A_74] : memref<10240x128xf32, #tpu.memory_space<vmem_shared>> -> memref<64x128xf32, #tpu.memory_space<vmem_shared>>
      %dma_start3A_76 = arith.constant 0 : i32
      %dma_start3A_77 = tpu.memref_slice %arg7[%add3A_71, %dma_start3A_76] : memref<10240x128xf32, #tpu.memory_space<vmem_shared>> -> memref<64x128xf32, #tpu.memory_space<vmem_shared>>
      tpu.enqueue_dma source(%dma_start3A_77 : memref<64x128xf32, #tpu.memory_space<vmem_shared>>) target(%arg21 : memref<64x128xf32, #tpu.memory_space<vmem>>) target_semaphore(%run_scoped3A : memref<!tpu.dma_semaphore, #tpu.memory_space<semaphore_mem>>)
      %dma_wait3A_78 = arith.constant 0 : i32
      %dma_wait3A_79 = tpu.memref_slice %arg7[%add3A_71, %dma_wait3A_78] : memref<10240x128xf32, #tpu.memory_space<vmem_shared>> -> memref<64x128xf32, #tpu.memory_space<vmem_shared>>
      %dma_wait3A_80 = arith.constant 0 : i32
      %dma_wait3A_81 = tpu.memref_slice %arg7[%add3A_71, %dma_wait3A_80] : memref<10240x128xf32, #tpu.memory_space<vmem_shared>> -> memref<64x128xf32, #tpu.memory_space<vmem_shared>>
      tpu.wait_dma2 semaphore(%run_scoped3A : memref<!tpu.dma_semaphore, #tpu.memory_space<semaphore_mem>>) src(%dma_wait3A_81 : memref<64x128xf32, #tpu.memory_space<vmem_shared>>) dst(%arg21 : memref<64x128xf32, #tpu.memory_space<vmem>>)
      tpu.yield
    }) : () -> ()
    "tpu.region"() ({
      %run_scoped3A = tpu.sem_alloc : memref<!tpu.dma_semaphore, #tpu.memory_space<semaphore_mem>>
      %dma_start3A_74 = arith.constant 0 : i32
      %dma_start3A_75 = tpu.memref_slice %arg6[%arg0, %add3A_71, %dma_start3A_74] : memref<2x10240x128xf32, #tpu.memory_space<hbm>> -> memref<1x64x128xf32, #tpu.memory_space<hbm>>
      %dma_start3A_76 = tpu.memref_squeeze %dma_start3A_75 : memref<1x64x128xf32, #tpu.memory_space<hbm>> -> memref<64x128xf32, #tpu.memory_space<hbm>>
      %dma_start3A_77 = arith.constant 0 : i32
      %dma_start3A_78 = tpu.memref_slice %arg6[%arg0, %add3A_71, %dma_start3A_77] : memref<2x10240x128xf32, #tpu.memory_space<hbm>> -> memref<1x64x128xf32, #tpu.memory_space<hbm>>
      %dma_start3A_79 = tpu.memref_squeeze %dma_start3A_78 : memref<1x64x128xf32, #tpu.memory_space<hbm>> -> memref<64x128xf32, #tpu.memory_space<hbm>>
      tpu.enqueue_dma source(%arg21 : memref<64x128xf32, #tpu.memory_space<vmem>>) target(%dma_start3A_79 : memref<64x128xf32, #tpu.memory_space<hbm>>) target_semaphore(%run_scoped3A : memref<!tpu.dma_semaphore, #tpu.memory_space<semaphore_mem>>)
      %dma_wait3A_80 = arith.constant 0 : i32
      %dma_wait3A_81 = tpu.memref_slice %arg6[%arg0, %add3A_71, %dma_wait3A_80] : memref<2x10240x128xf32, #tpu.memory_space<hbm>> -> memref<1x64x128xf32, #tpu.memory_space<hbm>>
      %dma_wait3A_82 = tpu.memref_squeeze %dma_wait3A_81 : memref<1x64x128xf32, #tpu.memory_space<hbm>> -> memref<64x128xf32, #tpu.memory_space<hbm>>
      %dma_wait3A_83 = arith.constant 0 : i32
      %dma_wait3A_84 = tpu.memref_slice %arg6[%arg0, %add3A_71, %dma_wait3A_83] : memref<2x10240x128xf32, #tpu.memory_space<hbm>> -> memref<1x64x128xf32, #tpu.memory_space<hbm>>
      %dma_wait3A_85 = tpu.memref_squeeze %dma_wait3A_84 : memref<1x64x128xf32, #tpu.memory_space<hbm>> -> memref<64x128xf32, #tpu.memory_space<hbm>>
      tpu.wait_dma2 semaphore(%run_scoped3A : memref<!tpu.dma_semaphore, #tpu.memory_space<semaphore_mem>>) src(%arg21 : memref<64x128xf32, #tpu.memory_space<vmem>>) dst(%dma_wait3A_85 : memref<64x128xf32, #tpu.memory_space<hbm>>)
      tpu.yield
    }) : () -> ()
    %add3A_72 = arith.constant 576 : i32
    %add3A_73 = arith.addi %mul3A_2, %add3A_72 : i32
    "tpu.region"() ({
      %run_scoped3A = tpu.sem_alloc : memref<!tpu.dma_semaphore, #tpu.memory_space<semaphore_mem>>
      %dma_start3A_74 = arith.constant 0 : i32
      %dma_start3A_75 = tpu.memref_slice %arg7[%add3A_73, %dma_start3A_74] : memref<10240x128xf32, #tpu.memory_space<vmem_shared>> -> memref<64x128xf32, #tpu.memory_space<vmem_shared>>
      %dma_start3A_76 = arith.constant 0 : i32
      %dma_start3A_77 = tpu.memref_slice %arg7[%add3A_73, %dma_start3A_76] : memref<10240x128xf32, #tpu.memory_space<vmem_shared>> -> memref<64x128xf32, #tpu.memory_space<vmem_shared>>
      tpu.enqueue_dma source(%dma_start3A_77 : memref<64x128xf32, #tpu.memory_space<vmem_shared>>) target(%arg21 : memref<64x128xf32, #tpu.memory_space<vmem>>) target_semaphore(%run_scoped3A : memref<!tpu.dma_semaphore, #tpu.memory_space<semaphore_mem>>)
      %dma_wait3A_78 = arith.constant 0 : i32
      %dma_wait3A_79 = tpu.memref_slice %arg7[%add3A_73, %dma_wait3A_78] : memref<10240x128xf32, #tpu.memory_space<vmem_shared>> -> memref<64x128xf32, #tpu.memory_space<vmem_shared>>
      %dma_wait3A_80 = arith.constant 0 : i32
      %dma_wait3A_81 = tpu.memref_slice %arg7[%add3A_73, %dma_wait3A_80] : memref<10240x128xf32, #tpu.memory_space<vmem_shared>> -> memref<64x128xf32, #tpu.memory_space<vmem_shared>>
      tpu.wait_dma2 semaphore(%run_scoped3A : memref<!tpu.dma_semaphore, #tpu.memory_space<semaphore_mem>>) src(%dma_wait3A_81 : memref<64x128xf32, #tpu.memory_space<vmem_shared>>) dst(%arg21 : memref<64x128xf32, #tpu.memory_space<vmem>>)
      tpu.yield
    }) : () -> ()
    "tpu.region"() ({
      %run_scoped3A = tpu.sem_alloc : memref<!tpu.dma_semaphore, #tpu.memory_space<semaphore_mem>>
      %dma_start3A_74 = arith.constant 0 : i32
      %dma_start3A_75 = tpu.memref_slice %arg6[%arg0, %add3A_73, %dma_start3A_74] : memref<2x10240x128xf32, #tpu.memory_space<hbm>> -> memref<1x64x128xf32, #tpu.memory_space<hbm>>
      %dma_start3A_76 = tpu.memref_squeeze %dma_start3A_75 : memref<1x64x128xf32, #tpu.memory_space<hbm>> -> memref<64x128xf32, #tpu.memory_space<hbm>>
      %dma_start3A_77 = arith.constant 0 : i32
      %dma_start3A_78 = tpu.memref_slice %arg6[%arg0, %add3A_73, %dma_start3A_77] : memref<2x10240x128xf32, #tpu.memory_space<hbm>> -> memref<1x64x128xf32, #tpu.memory_space<hbm>>
      %dma_start3A_79 = tpu.memref_squeeze %dma_start3A_78 : memref<1x64x128xf32, #tpu.memory_space<hbm>> -> memref<64x128xf32, #tpu.memory_space<hbm>>
      tpu.enqueue_dma source(%arg21 : memref<64x128xf32, #tpu.memory_space<vmem>>) target(%dma_start3A_79 : memref<64x128xf32, #tpu.memory_space<hbm>>) target_semaphore(%run_scoped3A : memref<!tpu.dma_semaphore, #tpu.memory_space<semaphore_mem>>)
      %dma_wait3A_80 = arith.constant 0 : i32
      %dma_wait3A_81 = tpu.memref_slice %arg6[%arg0, %add3A_73, %dma_wait3A_80] : memref<2x10240x128xf32, #tpu.memory_space<hbm>> -> memref<1x64x128xf32, #tpu.memory_space<hbm>>
      %dma_wait3A_82 = tpu.memref_squeeze %dma_wait3A_81 : memref<1x64x128xf32, #tpu.memory_space<hbm>> -> memref<64x128xf32, #tpu.memory_space<hbm>>
      %dma_wait3A_83 = arith.constant 0 : i32
      %dma_wait3A_84 = tpu.memref_slice %arg6[%arg0, %add3A_73, %dma_wait3A_83] : memref<2x10240x128xf32, #tpu.memory_space<hbm>> -> memref<1x64x128xf32, #tpu.memory_space<hbm>>
      %dma_wait3A_85 = tpu.memref_squeeze %dma_wait3A_84 : memref<1x64x128xf32, #tpu.memory_space<hbm>> -> memref<64x128xf32, #tpu.memory_space<hbm>>
      tpu.wait_dma2 semaphore(%run_scoped3A : memref<!tpu.dma_semaphore, #tpu.memory_space<semaphore_mem>>) src(%arg21 : memref<64x128xf32, #tpu.memory_space<vmem>>) dst(%dma_wait3A_85 : memref<64x128xf32, #tpu.memory_space<hbm>>)
      tpu.yield
    }) : () -> ()
    return
  }
}

#map = affine_map<(d0, d1) -> (0)>
#map1 = affine_map<(d0, d1) -> (0, 0)>
#map2 = affine_map<(d0, d1) -> (0, 0, 0)>
module attributes {stable_mosaic.version = 14 : i64} {
  func.func @k(%arg0: i32, %arg1: i32, %arg2: memref<320256xi32, #tpu.memory_space<hbm>>, %arg3: memref<64x128xf32, #tpu.memory_space<hbm>>, %arg4: memref<128x128xf32, #tpu.memory_space<hbm>>, %arg5: memref<2x10240x128xf32, #tpu.memory_space<hbm>>, %arg6: memref<10240x128xf32, #tpu.memory_space<vmem_shared>>, %arg7: memref<16xi32, #tpu.memory_space<vmem>>, %arg8: memref<128xi32, #tpu.memory_space<vmem>>, %arg9: memref<128xi32, #tpu.memory_space<vmem>>, %arg10: memref<128xi32, #tpu.memory_space<vmem>>, %arg11: memref<128xi32, #tpu.memory_space<vmem>>, %arg12: memref<128x128xf32, #tpu.memory_space<vmem>>, %arg13: memref<!tpu.dma_semaphore, #tpu.memory_space<semaphore_mem>>, %arg14: memref<!tpu.dma_semaphore, #tpu.memory_space<semaphore_mem>>, %arg15: memref<!tpu.dma_semaphore, #tpu.memory_space<semaphore_mem>>, %arg16: memref<!tpu.dma_semaphore, #tpu.memory_space<semaphore_mem>>, %arg17: memref<!tpu.dma_semaphore, #tpu.memory_space<semaphore_mem>>, %arg18: memref<!tpu.dma_semaphore, #tpu.memory_space<semaphore_mem>>, %arg19: memref<!tpu.dma_semaphore, #tpu.memory_space<semaphore_mem>>, %arg20: memref<!tpu.dma_semaphore, #tpu.memory_space<semaphore_mem>>, %arg21: memref<64x128xf32, #tpu.memory_space<vmem>>) attributes {dimension_semantics = [#tpu.dimension_semantics<core_parallel>, #tpu.dimension_semantics<subcore_parallel>], iteration_bounds = array<i64: 2, 16>, scalar_prefetch = 0 : i64, scratch_operands = 16 : i64, tpu.core_type = #tpu.core_type<sc_vector_subcore>, window_params = [{transform_indices = #map}, {transform_indices = #map1}, {transform_indices = #map1}, {transform_indices = #map2}]} {
    %mul3A = arith.constant 2 : i32
    %mul3A_0 = arith.muli %arg1, %mul3A : i32
    %add3A = arith.addi %mul3A_0, %arg0 : i32
    %mul3A_1 = arith.constant 640 : i32
    %mul3A_2 = arith.muli %arg1, %mul3A_1 : i32
    %mul3A_3 = arith.constant 10000 : i32
    %mul3A_4 = arith.muli %add3A, %mul3A_3 : i32
    "tpu.region"() ({
      %run_scoped3A = tpu.sem_alloc : memref<!tpu.dma_semaphore, #tpu.memory_space<semaphore_mem>>
      tpu.enqueue_dma source(%arg3 : memref<64x128xf32, #tpu.memory_space<hbm>>) target(%arg21 : memref<64x128xf32, #tpu.memory_space<vmem>>) target_semaphore(%run_scoped3A : memref<!tpu.dma_semaphore, #tpu.memory_space<semaphore_mem>>)
      tpu.wait_dma2 semaphore(%run_scoped3A : memref<!tpu.dma_semaphore, #tpu.memory_space<semaphore_mem>>) src(%arg3 : memref<64x128xf32, #tpu.memory_space<hbm>>) dst(%arg21 : memref<64x128xf32, #tpu.memory_space<vmem>>)
      tpu.yield
    }) : () -> ()
    "tpu.region"() ({
      %run_scoped3A = tpu.sem_alloc : memref<!tpu.dma_semaphore, #tpu.memory_space<semaphore_mem>>
      tpu.enqueue_dma source(%arg4 : memref<128x128xf32, #tpu.memory_space<hbm>>) target(%arg12 : memref<128x128xf32, #tpu.memory_space<vmem>>) target_semaphore(%run_scoped3A : memref<!tpu.dma_semaphore, #tpu.memory_space<semaphore_mem>>)
      tpu.wait_dma2 semaphore(%run_scoped3A : memref<!tpu.dma_semaphore, #tpu.memory_space<semaphore_mem>>) src(%arg4 : memref<128x128xf32, #tpu.memory_space<hbm>>) dst(%arg12 : memref<128x128xf32, #tpu.memory_space<vmem>>)
      tpu.yield
    }) : () -> ()
    %add3A_5 = arith.constant 0 : i32
    %add3A_6 = arith.addi %mul3A_2, %add3A_5 : i32
    "tpu.region"() ({
      %run_scoped3A = tpu.sem_alloc : memref<!tpu.dma_semaphore, #tpu.memory_space<semaphore_mem>>
      %dma_start3A_86 = arith.constant 0 : i32
      %dma_start3A_87 = tpu.memref_slice %arg6[%add3A_6, %dma_start3A_86] : memref<10240x128xf32, #tpu.memory_space<vmem_shared>> -> memref<64x128xf32, #tpu.memory_space<vmem_shared>>
      %dma_start3A_88 = arith.constant 0 : i32
      %dma_start3A_89 = tpu.memref_slice %arg6[%add3A_6, %dma_start3A_88] : memref<10240x128xf32, #tpu.memory_space<vmem_shared>> -> memref<64x128xf32, #tpu.memory_space<vmem_shared>>
      tpu.enqueue_dma source(%arg21 : memref<64x128xf32, #tpu.memory_space<vmem>>) target(%dma_start3A_89 : memref<64x128xf32, #tpu.memory_space<vmem_shared>>) target_semaphore(%run_scoped3A : memref<!tpu.dma_semaphore, #tpu.memory_space<semaphore_mem>>)
      %dma_wait3A_90 = arith.constant 0 : i32
      %dma_wait3A_91 = tpu.memref_slice %arg6[%add3A_6, %dma_wait3A_90] : memref<10240x128xf32, #tpu.memory_space<vmem_shared>> -> memref<64x128xf32, #tpu.memory_space<vmem_shared>>
      %dma_wait3A_92 = arith.constant 0 : i32
      %dma_wait3A_93 = tpu.memref_slice %arg6[%add3A_6, %dma_wait3A_92] : memref<10240x128xf32, #tpu.memory_space<vmem_shared>> -> memref<64x128xf32, #tpu.memory_space<vmem_shared>>
      tpu.wait_dma2 semaphore(%run_scoped3A : memref<!tpu.dma_semaphore, #tpu.memory_space<semaphore_mem>>) src(%arg21 : memref<64x128xf32, #tpu.memory_space<vmem>>) dst(%dma_wait3A_93 : memref<64x128xf32, #tpu.memory_space<vmem_shared>>)
      tpu.yield
    }) : () -> ()
    %add3A_7 = arith.constant 64 : i32
    %add3A_8 = arith.addi %mul3A_2, %add3A_7 : i32
    "tpu.region"() ({
      %run_scoped3A = tpu.sem_alloc : memref<!tpu.dma_semaphore, #tpu.memory_space<semaphore_mem>>
      %dma_start3A_86 = arith.constant 0 : i32
      %dma_start3A_87 = tpu.memref_slice %arg6[%add3A_8, %dma_start3A_86] : memref<10240x128xf32, #tpu.memory_space<vmem_shared>> -> memref<64x128xf32, #tpu.memory_space<vmem_shared>>
      %dma_start3A_88 = arith.constant 0 : i32
      %dma_start3A_89 = tpu.memref_slice %arg6[%add3A_8, %dma_start3A_88] : memref<10240x128xf32, #tpu.memory_space<vmem_shared>> -> memref<64x128xf32, #tpu.memory_space<vmem_shared>>
      tpu.enqueue_dma source(%arg21 : memref<64x128xf32, #tpu.memory_space<vmem>>) target(%dma_start3A_89 : memref<64x128xf32, #tpu.memory_space<vmem_shared>>) target_semaphore(%run_scoped3A : memref<!tpu.dma_semaphore, #tpu.memory_space<semaphore_mem>>)
      %dma_wait3A_90 = arith.constant 0 : i32
      %dma_wait3A_91 = tpu.memref_slice %arg6[%add3A_8, %dma_wait3A_90] : memref<10240x128xf32, #tpu.memory_space<vmem_shared>> -> memref<64x128xf32, #tpu.memory_space<vmem_shared>>
      %dma_wait3A_92 = arith.constant 0 : i32
      %dma_wait3A_93 = tpu.memref_slice %arg6[%add3A_8, %dma_wait3A_92] : memref<10240x128xf32, #tpu.memory_space<vmem_shared>> -> memref<64x128xf32, #tpu.memory_space<vmem_shared>>
      tpu.wait_dma2 semaphore(%run_scoped3A : memref<!tpu.dma_semaphore, #tpu.memory_space<semaphore_mem>>) src(%arg21 : memref<64x128xf32, #tpu.memory_space<vmem>>) dst(%dma_wait3A_93 : memref<64x128xf32, #tpu.memory_space<vmem_shared>>)
      tpu.yield
    }) : () -> ()
    %add3A_9 = arith.constant 128 : i32
    %add3A_10 = arith.addi %mul3A_2, %add3A_9 : i32
    "tpu.region"() ({
      %run_scoped3A = tpu.sem_alloc : memref<!tpu.dma_semaphore, #tpu.memory_space<semaphore_mem>>
      %dma_start3A_86 = arith.constant 0 : i32
      %dma_start3A_87 = tpu.memref_slice %arg6[%add3A_10, %dma_start3A_86] : memref<10240x128xf32, #tpu.memory_space<vmem_shared>> -> memref<64x128xf32, #tpu.memory_space<vmem_shared>>
      %dma_start3A_88 = arith.constant 0 : i32
      %dma_start3A_89 = tpu.memref_slice %arg6[%add3A_10, %dma_start3A_88] : memref<10240x128xf32, #tpu.memory_space<vmem_shared>> -> memref<64x128xf32, #tpu.memory_space<vmem_shared>>
      tpu.enqueue_dma source(%arg21 : memref<64x128xf32, #tpu.memory_space<vmem>>) target(%dma_start3A_89 : memref<64x128xf32, #tpu.memory_space<vmem_shared>>) target_semaphore(%run_scoped3A : memref<!tpu.dma_semaphore, #tpu.memory_space<semaphore_mem>>)
      %dma_wait3A_90 = arith.constant 0 : i32
      %dma_wait3A_91 = tpu.memref_slice %arg6[%add3A_10, %dma_wait3A_90] : memref<10240x128xf32, #tpu.memory_space<vmem_shared>> -> memref<64x128xf32, #tpu.memory_space<vmem_shared>>
      %dma_wait3A_92 = arith.constant 0 : i32
      %dma_wait3A_93 = tpu.memref_slice %arg6[%add3A_10, %dma_wait3A_92] : memref<10240x128xf32, #tpu.memory_space<vmem_shared>> -> memref<64x128xf32, #tpu.memory_space<vmem_shared>>
      tpu.wait_dma2 semaphore(%run_scoped3A : memref<!tpu.dma_semaphore, #tpu.memory_space<semaphore_mem>>) src(%arg21 : memref<64x128xf32, #tpu.memory_space<vmem>>) dst(%dma_wait3A_93 : memref<64x128xf32, #tpu.memory_space<vmem_shared>>)
      tpu.yield
    }) : () -> ()
    %add3A_11 = arith.constant 192 : i32
    %add3A_12 = arith.addi %mul3A_2, %add3A_11 : i32
    "tpu.region"() ({
      %run_scoped3A = tpu.sem_alloc : memref<!tpu.dma_semaphore, #tpu.memory_space<semaphore_mem>>
      %dma_start3A_86 = arith.constant 0 : i32
      %dma_start3A_87 = tpu.memref_slice %arg6[%add3A_12, %dma_start3A_86] : memref<10240x128xf32, #tpu.memory_space<vmem_shared>> -> memref<64x128xf32, #tpu.memory_space<vmem_shared>>
      %dma_start3A_88 = arith.constant 0 : i32
      %dma_start3A_89 = tpu.memref_slice %arg6[%add3A_12, %dma_start3A_88] : memref<10240x128xf32, #tpu.memory_space<vmem_shared>> -> memref<64x128xf32, #tpu.memory_space<vmem_shared>>
      tpu.enqueue_dma source(%arg21 : memref<64x128xf32, #tpu.memory_space<vmem>>) target(%dma_start3A_89 : memref<64x128xf32, #tpu.memory_space<vmem_shared>>) target_semaphore(%run_scoped3A : memref<!tpu.dma_semaphore, #tpu.memory_space<semaphore_mem>>)
      %dma_wait3A_90 = arith.constant 0 : i32
      %dma_wait3A_91 = tpu.memref_slice %arg6[%add3A_12, %dma_wait3A_90] : memref<10240x128xf32, #tpu.memory_space<vmem_shared>> -> memref<64x128xf32, #tpu.memory_space<vmem_shared>>
      %dma_wait3A_92 = arith.constant 0 : i32
      %dma_wait3A_93 = tpu.memref_slice %arg6[%add3A_12, %dma_wait3A_92] : memref<10240x128xf32, #tpu.memory_space<vmem_shared>> -> memref<64x128xf32, #tpu.memory_space<vmem_shared>>
      tpu.wait_dma2 semaphore(%run_scoped3A : memref<!tpu.dma_semaphore, #tpu.memory_space<semaphore_mem>>) src(%arg21 : memref<64x128xf32, #tpu.memory_space<vmem>>) dst(%dma_wait3A_93 : memref<64x128xf32, #tpu.memory_space<vmem_shared>>)
      tpu.yield
    }) : () -> ()
    %add3A_13 = arith.constant 256 : i32
    %add3A_14 = arith.addi %mul3A_2, %add3A_13 : i32
    "tpu.region"() ({
      %run_scoped3A = tpu.sem_alloc : memref<!tpu.dma_semaphore, #tpu.memory_space<semaphore_mem>>
      %dma_start3A_86 = arith.constant 0 : i32
      %dma_start3A_87 = tpu.memref_slice %arg6[%add3A_14, %dma_start3A_86] : memref<10240x128xf32, #tpu.memory_space<vmem_shared>> -> memref<64x128xf32, #tpu.memory_space<vmem_shared>>
      %dma_start3A_88 = arith.constant 0 : i32
      %dma_start3A_89 = tpu.memref_slice %arg6[%add3A_14, %dma_start3A_88] : memref<10240x128xf32, #tpu.memory_space<vmem_shared>> -> memref<64x128xf32, #tpu.memory_space<vmem_shared>>
      tpu.enqueue_dma source(%arg21 : memref<64x128xf32, #tpu.memory_space<vmem>>) target(%dma_start3A_89 : memref<64x128xf32, #tpu.memory_space<vmem_shared>>) target_semaphore(%run_scoped3A : memref<!tpu.dma_semaphore, #tpu.memory_space<semaphore_mem>>)
      %dma_wait3A_90 = arith.constant 0 : i32
      %dma_wait3A_91 = tpu.memref_slice %arg6[%add3A_14, %dma_wait3A_90] : memref<10240x128xf32, #tpu.memory_space<vmem_shared>> -> memref<64x128xf32, #tpu.memory_space<vmem_shared>>
      %dma_wait3A_92 = arith.constant 0 : i32
      %dma_wait3A_93 = tpu.memref_slice %arg6[%add3A_14, %dma_wait3A_92] : memref<10240x128xf32, #tpu.memory_space<vmem_shared>> -> memref<64x128xf32, #tpu.memory_space<vmem_shared>>
      tpu.wait_dma2 semaphore(%run_scoped3A : memref<!tpu.dma_semaphore, #tpu.memory_space<semaphore_mem>>) src(%arg21 : memref<64x128xf32, #tpu.memory_space<vmem>>) dst(%dma_wait3A_93 : memref<64x128xf32, #tpu.memory_space<vmem_shared>>)
      tpu.yield
    }) : () -> ()
    %add3A_15 = arith.constant 320 : i32
    %add3A_16 = arith.addi %mul3A_2, %add3A_15 : i32
    "tpu.region"() ({
      %run_scoped3A = tpu.sem_alloc : memref<!tpu.dma_semaphore, #tpu.memory_space<semaphore_mem>>
      %dma_start3A_86 = arith.constant 0 : i32
      %dma_start3A_87 = tpu.memref_slice %arg6[%add3A_16, %dma_start3A_86] : memref<10240x128xf32, #tpu.memory_space<vmem_shared>> -> memref<64x128xf32, #tpu.memory_space<vmem_shared>>
      %dma_start3A_88 = arith.constant 0 : i32
      %dma_start3A_89 = tpu.memref_slice %arg6[%add3A_16, %dma_start3A_88] : memref<10240x128xf32, #tpu.memory_space<vmem_shared>> -> memref<64x128xf32, #tpu.memory_space<vmem_shared>>
      tpu.enqueue_dma source(%arg21 : memref<64x128xf32, #tpu.memory_space<vmem>>) target(%dma_start3A_89 : memref<64x128xf32, #tpu.memory_space<vmem_shared>>) target_semaphore(%run_scoped3A : memref<!tpu.dma_semaphore, #tpu.memory_space<semaphore_mem>>)
      %dma_wait3A_90 = arith.constant 0 : i32
      %dma_wait3A_91 = tpu.memref_slice %arg6[%add3A_16, %dma_wait3A_90] : memref<10240x128xf32, #tpu.memory_space<vmem_shared>> -> memref<64x128xf32, #tpu.memory_space<vmem_shared>>
      %dma_wait3A_92 = arith.constant 0 : i32
      %dma_wait3A_93 = tpu.memref_slice %arg6[%add3A_16, %dma_wait3A_92] : memref<10240x128xf32, #tpu.memory_space<vmem_shared>> -> memref<64x128xf32, #tpu.memory_space<vmem_shared>>
      tpu.wait_dma2 semaphore(%run_scoped3A : memref<!tpu.dma_semaphore, #tpu.memory_space<semaphore_mem>>) src(%arg21 : memref<64x128xf32, #tpu.memory_space<vmem>>) dst(%dma_wait3A_93 : memref<64x128xf32, #tpu.memory_space<vmem_shared>>)
      tpu.yield
    }) : () -> ()
    %add3A_17 = arith.constant 384 : i32
    %add3A_18 = arith.addi %mul3A_2, %add3A_17 : i32
    "tpu.region"() ({
      %run_scoped3A = tpu.sem_alloc : memref<!tpu.dma_semaphore, #tpu.memory_space<semaphore_mem>>
      %dma_start3A_86 = arith.constant 0 : i32
      %dma_start3A_87 = tpu.memref_slice %arg6[%add3A_18, %dma_start3A_86] : memref<10240x128xf32, #tpu.memory_space<vmem_shared>> -> memref<64x128xf32, #tpu.memory_space<vmem_shared>>
      %dma_start3A_88 = arith.constant 0 : i32
      %dma_start3A_89 = tpu.memref_slice %arg6[%add3A_18, %dma_start3A_88] : memref<10240x128xf32, #tpu.memory_space<vmem_shared>> -> memref<64x128xf32, #tpu.memory_space<vmem_shared>>
      tpu.enqueue_dma source(%arg21 : memref<64x128xf32, #tpu.memory_space<vmem>>) target(%dma_start3A_89 : memref<64x128xf32, #tpu.memory_space<vmem_shared>>) target_semaphore(%run_scoped3A : memref<!tpu.dma_semaphore, #tpu.memory_space<semaphore_mem>>)
      %dma_wait3A_90 = arith.constant 0 : i32
      %dma_wait3A_91 = tpu.memref_slice %arg6[%add3A_18, %dma_wait3A_90] : memref<10240x128xf32, #tpu.memory_space<vmem_shared>> -> memref<64x128xf32, #tpu.memory_space<vmem_shared>>
      %dma_wait3A_92 = arith.constant 0 : i32
      %dma_wait3A_93 = tpu.memref_slice %arg6[%add3A_18, %dma_wait3A_92] : memref<10240x128xf32, #tpu.memory_space<vmem_shared>> -> memref<64x128xf32, #tpu.memory_space<vmem_shared>>
      tpu.wait_dma2 semaphore(%run_scoped3A : memref<!tpu.dma_semaphore, #tpu.memory_space<semaphore_mem>>) src(%arg21 : memref<64x128xf32, #tpu.memory_space<vmem>>) dst(%dma_wait3A_93 : memref<64x128xf32, #tpu.memory_space<vmem_shared>>)
      tpu.yield
    }) : () -> ()
    %add3A_19 = arith.constant 448 : i32
    %add3A_20 = arith.addi %mul3A_2, %add3A_19 : i32
    "tpu.region"() ({
      %run_scoped3A = tpu.sem_alloc : memref<!tpu.dma_semaphore, #tpu.memory_space<semaphore_mem>>
      %dma_start3A_86 = arith.constant 0 : i32
      %dma_start3A_87 = tpu.memref_slice %arg6[%add3A_20, %dma_start3A_86] : memref<10240x128xf32, #tpu.memory_space<vmem_shared>> -> memref<64x128xf32, #tpu.memory_space<vmem_shared>>
      %dma_start3A_88 = arith.constant 0 : i32
      %dma_start3A_89 = tpu.memref_slice %arg6[%add3A_20, %dma_start3A_88] : memref<10240x128xf32, #tpu.memory_space<vmem_shared>> -> memref<64x128xf32, #tpu.memory_space<vmem_shared>>
      tpu.enqueue_dma source(%arg21 : memref<64x128xf32, #tpu.memory_space<vmem>>) target(%dma_start3A_89 : memref<64x128xf32, #tpu.memory_space<vmem_shared>>) target_semaphore(%run_scoped3A : memref<!tpu.dma_semaphore, #tpu.memory_space<semaphore_mem>>)
      %dma_wait3A_90 = arith.constant 0 : i32
      %dma_wait3A_91 = tpu.memref_slice %arg6[%add3A_20, %dma_wait3A_90] : memref<10240x128xf32, #tpu.memory_space<vmem_shared>> -> memref<64x128xf32, #tpu.memory_space<vmem_shared>>
      %dma_wait3A_92 = arith.constant 0 : i32
      %dma_wait3A_93 = tpu.memref_slice %arg6[%add3A_20, %dma_wait3A_92] : memref<10240x128xf32, #tpu.memory_space<vmem_shared>> -> memref<64x128xf32, #tpu.memory_space<vmem_shared>>
      tpu.wait_dma2 semaphore(%run_scoped3A : memref<!tpu.dma_semaphore, #tpu.memory_space<semaphore_mem>>) src(%arg21 : memref<64x128xf32, #tpu.memory_space<vmem>>) dst(%dma_wait3A_93 : memref<64x128xf32, #tpu.memory_space<vmem_shared>>)
      tpu.yield
    }) : () -> ()
    %add3A_21 = arith.constant 512 : i32
    %add3A_22 = arith.addi %mul3A_2, %add3A_21 : i32
    "tpu.region"() ({
      %run_scoped3A = tpu.sem_alloc : memref<!tpu.dma_semaphore, #tpu.memory_space<semaphore_mem>>
      %dma_start3A_86 = arith.constant 0 : i32
      %dma_start3A_87 = tpu.memref_slice %arg6[%add3A_22, %dma_start3A_86] : memref<10240x128xf32, #tpu.memory_space<vmem_shared>> -> memref<64x128xf32, #tpu.memory_space<vmem_shared>>
      %dma_start3A_88 = arith.constant 0 : i32
      %dma_start3A_89 = tpu.memref_slice %arg6[%add3A_22, %dma_start3A_88] : memref<10240x128xf32, #tpu.memory_space<vmem_shared>> -> memref<64x128xf32, #tpu.memory_space<vmem_shared>>
      tpu.enqueue_dma source(%arg21 : memref<64x128xf32, #tpu.memory_space<vmem>>) target(%dma_start3A_89 : memref<64x128xf32, #tpu.memory_space<vmem_shared>>) target_semaphore(%run_scoped3A : memref<!tpu.dma_semaphore, #tpu.memory_space<semaphore_mem>>)
      %dma_wait3A_90 = arith.constant 0 : i32
      %dma_wait3A_91 = tpu.memref_slice %arg6[%add3A_22, %dma_wait3A_90] : memref<10240x128xf32, #tpu.memory_space<vmem_shared>> -> memref<64x128xf32, #tpu.memory_space<vmem_shared>>
      %dma_wait3A_92 = arith.constant 0 : i32
      %dma_wait3A_93 = tpu.memref_slice %arg6[%add3A_22, %dma_wait3A_92] : memref<10240x128xf32, #tpu.memory_space<vmem_shared>> -> memref<64x128xf32, #tpu.memory_space<vmem_shared>>
      tpu.wait_dma2 semaphore(%run_scoped3A : memref<!tpu.dma_semaphore, #tpu.memory_space<semaphore_mem>>) src(%arg21 : memref<64x128xf32, #tpu.memory_space<vmem>>) dst(%dma_wait3A_93 : memref<64x128xf32, #tpu.memory_space<vmem_shared>>)
      tpu.yield
    }) : () -> ()
    %add3A_23 = arith.constant 576 : i32
    %add3A_24 = arith.addi %mul3A_2, %add3A_23 : i32
    "tpu.region"() ({
      %run_scoped3A = tpu.sem_alloc : memref<!tpu.dma_semaphore, #tpu.memory_space<semaphore_mem>>
      %dma_start3A_86 = arith.constant 0 : i32
      %dma_start3A_87 = tpu.memref_slice %arg6[%add3A_24, %dma_start3A_86] : memref<10240x128xf32, #tpu.memory_space<vmem_shared>> -> memref<64x128xf32, #tpu.memory_space<vmem_shared>>
      %dma_start3A_88 = arith.constant 0 : i32
      %dma_start3A_89 = tpu.memref_slice %arg6[%add3A_24, %dma_start3A_88] : memref<10240x128xf32, #tpu.memory_space<vmem_shared>> -> memref<64x128xf32, #tpu.memory_space<vmem_shared>>
      tpu.enqueue_dma source(%arg21 : memref<64x128xf32, #tpu.memory_space<vmem>>) target(%dma_start3A_89 : memref<64x128xf32, #tpu.memory_space<vmem_shared>>) target_semaphore(%run_scoped3A : memref<!tpu.dma_semaphore, #tpu.memory_space<semaphore_mem>>)
      %dma_wait3A_90 = arith.constant 0 : i32
      %dma_wait3A_91 = tpu.memref_slice %arg6[%add3A_24, %dma_wait3A_90] : memref<10240x128xf32, #tpu.memory_space<vmem_shared>> -> memref<64x128xf32, #tpu.memory_space<vmem_shared>>
      %dma_wait3A_92 = arith.constant 0 : i32
      %dma_wait3A_93 = tpu.memref_slice %arg6[%add3A_24, %dma_wait3A_92] : memref<10240x128xf32, #tpu.memory_space<vmem_shared>> -> memref<64x128xf32, #tpu.memory_space<vmem_shared>>
      tpu.wait_dma2 semaphore(%run_scoped3A : memref<!tpu.dma_semaphore, #tpu.memory_space<semaphore_mem>>) src(%arg21 : memref<64x128xf32, #tpu.memory_space<vmem>>) dst(%dma_wait3A_93 : memref<64x128xf32, #tpu.memory_space<vmem_shared>>)
      tpu.yield
    }) : () -> ()
    %barrier3A = arith.constant 0 : index
    tpu.barrier barrier_id(%barrier3A)
    %add3A_25 = arith.constant 0 : i32
    %add3A_26 = arith.addi %mul3A_4, %add3A_25 : i32
    %dma_start3A = tpu.memref_slice %arg2[%add3A_26] : memref<320256xi32, #tpu.memory_space<hbm>> -> memref<128xi32, #tpu.memory_space<hbm>>
    %dma_start3A_27 = tpu.memref_slice %arg2[%add3A_26] : memref<320256xi32, #tpu.memory_space<hbm>> -> memref<128xi32, #tpu.memory_space<hbm>>
    tpu.enqueue_dma source(%dma_start3A_27 : memref<128xi32, #tpu.memory_space<hbm>>) target(%arg8 : memref<128xi32, #tpu.memory_space<vmem>>) target_semaphore(%arg13 : memref<!tpu.dma_semaphore, #tpu.memory_space<semaphore_mem>>)
    %add3A_28 = arith.constant 128 : i32
    %add3A_29 = arith.addi %mul3A_4, %add3A_28 : i32
    %dma_start3A_30 = tpu.memref_slice %arg2[%add3A_29] : memref<320256xi32, #tpu.memory_space<hbm>> -> memref<128xi32, #tpu.memory_space<hbm>>
    %dma_start3A_31 = tpu.memref_slice %arg2[%add3A_29] : memref<320256xi32, #tpu.memory_space<hbm>> -> memref<128xi32, #tpu.memory_space<hbm>>
    tpu.enqueue_dma source(%dma_start3A_31 : memref<128xi32, #tpu.memory_space<hbm>>) target(%arg9 : memref<128xi32, #tpu.memory_space<vmem>>) target_semaphore(%arg14 : memref<!tpu.dma_semaphore, #tpu.memory_space<semaphore_mem>>)
    %add3A_32 = arith.constant 256 : i32
    %add3A_33 = arith.addi %mul3A_4, %add3A_32 : i32
    %dma_start3A_34 = tpu.memref_slice %arg2[%add3A_33] : memref<320256xi32, #tpu.memory_space<hbm>> -> memref<128xi32, #tpu.memory_space<hbm>>
    %dma_start3A_35 = tpu.memref_slice %arg2[%add3A_33] : memref<320256xi32, #tpu.memory_space<hbm>> -> memref<128xi32, #tpu.memory_space<hbm>>
    tpu.enqueue_dma source(%dma_start3A_35 : memref<128xi32, #tpu.memory_space<hbm>>) target(%arg10 : memref<128xi32, #tpu.memory_space<vmem>>) target_semaphore(%arg15 : memref<!tpu.dma_semaphore, #tpu.memory_space<semaphore_mem>>)
    %add3A_36 = arith.constant 384 : i32
    %add3A_37 = arith.addi %mul3A_4, %add3A_36 : i32
    %dma_start3A_38 = tpu.memref_slice %arg2[%add3A_37] : memref<320256xi32, #tpu.memory_space<hbm>> -> memref<128xi32, #tpu.memory_space<hbm>>
    %dma_start3A_39 = tpu.memref_slice %arg2[%add3A_37] : memref<320256xi32, #tpu.memory_space<hbm>> -> memref<128xi32, #tpu.memory_space<hbm>>
    tpu.enqueue_dma source(%dma_start3A_39 : memref<128xi32, #tpu.memory_space<hbm>>) target(%arg11 : memref<128xi32, #tpu.memory_space<vmem>>) target_semaphore(%arg16 : memref<!tpu.dma_semaphore, #tpu.memory_space<semaphore_mem>>)
    %scan3A = arith.constant 0 : i32
    %scan3A_40 = arith.constant 19 : i32
    %scan3A_41 = arith.addi %scan3A, %scan3A_40 : i32
    %scan3A_42 = arith.constant 1 : i32
    scf.for %scan3A_86 = %scan3A to %scan3A_41 step %scan3A_42  : i32 {
      %mul3A_87 = arith.constant 1 : i32
      %mul3A_88 = arith.muli %scan3A_86, %mul3A_87 : i32
      %add3A_89 = arith.constant 0 : i32
      %add3A_90 = arith.addi %add3A_89, %mul3A_88 : i32
      %mul3A_91 = arith.constant 4 : i32
      %mul3A_92 = arith.muli %mul3A_91, %add3A_90 : i32
      %dma_wait3A_93 = tpu.memref_slice %arg2[%mul3A_4] : memref<320256xi32, #tpu.memory_space<hbm>> -> memref<128xi32, #tpu.memory_space<hbm>>
      %dma_wait3A_94 = tpu.memref_slice %arg2[%mul3A_4] : memref<320256xi32, #tpu.memory_space<hbm>> -> memref<128xi32, #tpu.memory_space<hbm>>
      tpu.wait_dma2 semaphore(%arg13 : memref<!tpu.dma_semaphore, #tpu.memory_space<semaphore_mem>>) src(%dma_wait3A_94 : memref<128xi32, #tpu.memory_space<hbm>>) dst(%arg8 : memref<128xi32, #tpu.memory_space<vmem>>)
      %dma_start3A_95 = arith.constant 0 : i32
      %dma_start3A_96 = arith.constant 0 : i32
      %dma_start3A_97 = tpu.memref_slice %arg6[%dma_start3A_95, %dma_start3A_96] : memref<10240x128xf32, #tpu.memory_space<vmem_shared>> -> memref<10240x128xf32, #tpu.memory_space<vmem_shared>>
      tpu.enqueue_indirect_dma source(%arg12 : memref<128x128xf32, #tpu.memory_space<vmem>>) target(%dma_start3A_97 : memref<10240x128xf32, #tpu.memory_space<vmem_shared>>) offsets(%arg8 : memref<128xi32, #tpu.memory_space<vmem>>) semaphore(%arg17 : memref<!tpu.dma_semaphore, #tpu.memory_space<semaphore_mem>>) {add = true}
      %dma_wait3A_98 = tpu.memref_slice %arg2[%mul3A_4] : memref<320256xi32, #tpu.memory_space<hbm>> -> memref<128xi32, #tpu.memory_space<hbm>>
      %dma_wait3A_99 = tpu.memref_slice %arg2[%mul3A_4] : memref<320256xi32, #tpu.memory_space<hbm>> -> memref<128xi32, #tpu.memory_space<hbm>>
      tpu.wait_dma2 semaphore(%arg14 : memref<!tpu.dma_semaphore, #tpu.memory_space<semaphore_mem>>) src(%dma_wait3A_99 : memref<128xi32, #tpu.memory_space<hbm>>) dst(%arg9 : memref<128xi32, #tpu.memory_space<vmem>>)
      %dma_start3A_100 = arith.constant 0 : i32
      %dma_start3A_101 = arith.constant 0 : i32
      %dma_start3A_102 = tpu.memref_slice %arg6[%dma_start3A_100, %dma_start3A_101] : memref<10240x128xf32, #tpu.memory_space<vmem_shared>> -> memref<10240x128xf32, #tpu.memory_space<vmem_shared>>
      tpu.enqueue_indirect_dma source(%arg12 : memref<128x128xf32, #tpu.memory_space<vmem>>) target(%dma_start3A_102 : memref<10240x128xf32, #tpu.memory_space<vmem_shared>>) offsets(%arg9 : memref<128xi32, #tpu.memory_space<vmem>>) semaphore(%arg18 : memref<!tpu.dma_semaphore, #tpu.memory_space<semaphore_mem>>) {add = true}
      %dma_wait3A_103 = tpu.memref_slice %arg2[%mul3A_4] : memref<320256xi32, #tpu.memory_space<hbm>> -> memref<128xi32, #tpu.memory_space<hbm>>
      %dma_wait3A_104 = tpu.memref_slice %arg2[%mul3A_4] : memref<320256xi32, #tpu.memory_space<hbm>> -> memref<128xi32, #tpu.memory_space<hbm>>
      tpu.wait_dma2 semaphore(%arg15 : memref<!tpu.dma_semaphore, #tpu.memory_space<semaphore_mem>>) src(%dma_wait3A_104 : memref<128xi32, #tpu.memory_space<hbm>>) dst(%arg10 : memref<128xi32, #tpu.memory_space<vmem>>)
      %dma_start3A_105 = arith.constant 0 : i32
      %dma_start3A_106 = arith.constant 0 : i32
      %dma_start3A_107 = tpu.memref_slice %arg6[%dma_start3A_105, %dma_start3A_106] : memref<10240x128xf32, #tpu.memory_space<vmem_shared>> -> memref<10240x128xf32, #tpu.memory_space<vmem_shared>>
      tpu.enqueue_indirect_dma source(%arg12 : memref<128x128xf32, #tpu.memory_space<vmem>>) target(%dma_start3A_107 : memref<10240x128xf32, #tpu.memory_space<vmem_shared>>) offsets(%arg10 : memref<128xi32, #tpu.memory_space<vmem>>) semaphore(%arg19 : memref<!tpu.dma_semaphore, #tpu.memory_space<semaphore_mem>>) {add = true}
      %dma_wait3A_108 = arith.constant 0 : i32
      %dma_wait3A_109 = arith.constant 0 : i32
      %dma_wait3A_110 = tpu.memref_slice %arg6[%dma_wait3A_108, %dma_wait3A_109] : memref<10240x128xf32, #tpu.memory_space<vmem_shared>> -> memref<10240x128xf32, #tpu.memory_space<vmem_shared>>
      tpu.wait_indirect_dma semaphore(%arg17 : memref<!tpu.dma_semaphore, #tpu.memory_space<semaphore_mem>>) src(%arg12 : memref<128x128xf32, #tpu.memory_space<vmem>>) dst(%dma_wait3A_110 : memref<10240x128xf32, #tpu.memory_space<vmem_shared>>)
      %add3A_111 = arith.constant 4 : i32
      %add3A_112 = arith.addi %mul3A_92, %add3A_111 : i32
      %mul3A_113 = arith.constant 128 : i32
      %mul3A_114 = arith.muli %add3A_112, %mul3A_113 : i32
      %add3A_115 = arith.addi %mul3A_4, %mul3A_114 : i32
      %dma_start3A_116 = tpu.memref_slice %arg2[%add3A_115] : memref<320256xi32, #tpu.memory_space<hbm>> -> memref<128xi32, #tpu.memory_space<hbm>>
      %dma_start3A_117 = tpu.memref_slice %arg2[%add3A_115] : memref<320256xi32, #tpu.memory_space<hbm>> -> memref<128xi32, #tpu.memory_space<hbm>>
      tpu.enqueue_dma source(%dma_start3A_117 : memref<128xi32, #tpu.memory_space<hbm>>) target(%arg8 : memref<128xi32, #tpu.memory_space<vmem>>) target_semaphore(%arg13 : memref<!tpu.dma_semaphore, #tpu.memory_space<semaphore_mem>>)
      %dma_wait3A_118 = tpu.memref_slice %arg2[%mul3A_4] : memref<320256xi32, #tpu.memory_space<hbm>> -> memref<128xi32, #tpu.memory_space<hbm>>
      %dma_wait3A_119 = tpu.memref_slice %arg2[%mul3A_4] : memref<320256xi32, #tpu.memory_space<hbm>> -> memref<128xi32, #tpu.memory_space<hbm>>
      tpu.wait_dma2 semaphore(%arg16 : memref<!tpu.dma_semaphore, #tpu.memory_space<semaphore_mem>>) src(%dma_wait3A_119 : memref<128xi32, #tpu.memory_space<hbm>>) dst(%arg11 : memref<128xi32, #tpu.memory_space<vmem>>)
      %dma_start3A_120 = arith.constant 0 : i32
      %dma_start3A_121 = arith.constant 0 : i32
      %dma_start3A_122 = tpu.memref_slice %arg6[%dma_start3A_120, %dma_start3A_121] : memref<10240x128xf32, #tpu.memory_space<vmem_shared>> -> memref<10240x128xf32, #tpu.memory_space<vmem_shared>>
      tpu.enqueue_indirect_dma source(%arg12 : memref<128x128xf32, #tpu.memory_space<vmem>>) target(%dma_start3A_122 : memref<10240x128xf32, #tpu.memory_space<vmem_shared>>) offsets(%arg11 : memref<128xi32, #tpu.memory_space<vmem>>) semaphore(%arg20 : memref<!tpu.dma_semaphore, #tpu.memory_space<semaphore_mem>>) {add = true}
      %dma_wait3A_123 = arith.constant 0 : i32
      %dma_wait3A_124 = arith.constant 0 : i32
      %dma_wait3A_125 = tpu.memref_slice %arg6[%dma_wait3A_123, %dma_wait3A_124] : memref<10240x128xf32, #tpu.memory_space<vmem_shared>> -> memref<10240x128xf32, #tpu.memory_space<vmem_shared>>
      tpu.wait_indirect_dma semaphore(%arg18 : memref<!tpu.dma_semaphore, #tpu.memory_space<semaphore_mem>>) src(%arg12 : memref<128x128xf32, #tpu.memory_space<vmem>>) dst(%dma_wait3A_125 : memref<10240x128xf32, #tpu.memory_space<vmem_shared>>)
      %add3A_126 = arith.constant 5 : i32
      %add3A_127 = arith.addi %mul3A_92, %add3A_126 : i32
      %mul3A_128 = arith.constant 128 : i32
      %mul3A_129 = arith.muli %add3A_127, %mul3A_128 : i32
      %add3A_130 = arith.addi %mul3A_4, %mul3A_129 : i32
      %dma_start3A_131 = tpu.memref_slice %arg2[%add3A_130] : memref<320256xi32, #tpu.memory_space<hbm>> -> memref<128xi32, #tpu.memory_space<hbm>>
      %dma_start3A_132 = tpu.memref_slice %arg2[%add3A_130] : memref<320256xi32, #tpu.memory_space<hbm>> -> memref<128xi32, #tpu.memory_space<hbm>>
      tpu.enqueue_dma source(%dma_start3A_132 : memref<128xi32, #tpu.memory_space<hbm>>) target(%arg9 : memref<128xi32, #tpu.memory_space<vmem>>) target_semaphore(%arg14 : memref<!tpu.dma_semaphore, #tpu.memory_space<semaphore_mem>>)
      %dma_wait3A_133 = arith.constant 0 : i32
      %dma_wait3A_134 = arith.constant 0 : i32
      %dma_wait3A_135 = tpu.memref_slice %arg6[%dma_wait3A_133, %dma_wait3A_134] : memref<10240x128xf32, #tpu.memory_space<vmem_shared>> -> memref<10240x128xf32, #tpu.memory_space<vmem_shared>>
      tpu.wait_indirect_dma semaphore(%arg19 : memref<!tpu.dma_semaphore, #tpu.memory_space<semaphore_mem>>) src(%arg12 : memref<128x128xf32, #tpu.memory_space<vmem>>) dst(%dma_wait3A_135 : memref<10240x128xf32, #tpu.memory_space<vmem_shared>>)
      %add3A_136 = arith.constant 6 : i32
      %add3A_137 = arith.addi %mul3A_92, %add3A_136 : i32
      %mul3A_138 = arith.constant 128 : i32
      %mul3A_139 = arith.muli %add3A_137, %mul3A_138 : i32
      %add3A_140 = arith.addi %mul3A_4, %mul3A_139 : i32
      %dma_start3A_141 = tpu.memref_slice %arg2[%add3A_140] : memref<320256xi32, #tpu.memory_space<hbm>> -> memref<128xi32, #tpu.memory_space<hbm>>
      %dma_start3A_142 = tpu.memref_slice %arg2[%add3A_140] : memref<320256xi32, #tpu.memory_space<hbm>> -> memref<128xi32, #tpu.memory_space<hbm>>
      tpu.enqueue_dma source(%dma_start3A_142 : memref<128xi32, #tpu.memory_space<hbm>>) target(%arg10 : memref<128xi32, #tpu.memory_space<vmem>>) target_semaphore(%arg15 : memref<!tpu.dma_semaphore, #tpu.memory_space<semaphore_mem>>)
      %dma_wait3A_143 = arith.constant 0 : i32
      %dma_wait3A_144 = arith.constant 0 : i32
      %dma_wait3A_145 = tpu.memref_slice %arg6[%dma_wait3A_143, %dma_wait3A_144] : memref<10240x128xf32, #tpu.memory_space<vmem_shared>> -> memref<10240x128xf32, #tpu.memory_space<vmem_shared>>
      tpu.wait_indirect_dma semaphore(%arg20 : memref<!tpu.dma_semaphore, #tpu.memory_space<semaphore_mem>>) src(%arg12 : memref<128x128xf32, #tpu.memory_space<vmem>>) dst(%dma_wait3A_145 : memref<10240x128xf32, #tpu.memory_space<vmem_shared>>)
      %add3A_146 = arith.constant 7 : i32
      %add3A_147 = arith.addi %mul3A_92, %add3A_146 : i32
      %mul3A_148 = arith.constant 128 : i32
      %mul3A_149 = arith.muli %add3A_147, %mul3A_148 : i32
      %add3A_150 = arith.addi %mul3A_4, %mul3A_149 : i32
      %dma_start3A_151 = tpu.memref_slice %arg2[%add3A_150] : memref<320256xi32, #tpu.memory_space<hbm>> -> memref<128xi32, #tpu.memory_space<hbm>>
      %dma_start3A_152 = tpu.memref_slice %arg2[%add3A_150] : memref<320256xi32, #tpu.memory_space<hbm>> -> memref<128xi32, #tpu.memory_space<hbm>>
      tpu.enqueue_dma source(%dma_start3A_152 : memref<128xi32, #tpu.memory_space<hbm>>) target(%arg11 : memref<128xi32, #tpu.memory_space<vmem>>) target_semaphore(%arg16 : memref<!tpu.dma_semaphore, #tpu.memory_space<semaphore_mem>>)
    }
    %scan3A_43 = arith.constant 19 : i32
    %dma_wait3A = tpu.memref_slice %arg2[%mul3A_4] : memref<320256xi32, #tpu.memory_space<hbm>> -> memref<128xi32, #tpu.memory_space<hbm>>
    %dma_wait3A_44 = tpu.memref_slice %arg2[%mul3A_4] : memref<320256xi32, #tpu.memory_space<hbm>> -> memref<128xi32, #tpu.memory_space<hbm>>
    tpu.wait_dma2 semaphore(%arg13 : memref<!tpu.dma_semaphore, #tpu.memory_space<semaphore_mem>>) src(%dma_wait3A_44 : memref<128xi32, #tpu.memory_space<hbm>>) dst(%arg8 : memref<128xi32, #tpu.memory_space<vmem>>)
    %dma_start3A_45 = arith.constant 0 : i32
    %dma_start3A_46 = arith.constant 0 : i32
    %dma_start3A_47 = tpu.memref_slice %arg6[%dma_start3A_45, %dma_start3A_46] : memref<10240x128xf32, #tpu.memory_space<vmem_shared>> -> memref<10240x128xf32, #tpu.memory_space<vmem_shared>>
    tpu.enqueue_indirect_dma source(%arg12 : memref<128x128xf32, #tpu.memory_space<vmem>>) target(%dma_start3A_47 : memref<10240x128xf32, #tpu.memory_space<vmem_shared>>) offsets(%arg8 : memref<128xi32, #tpu.memory_space<vmem>>) semaphore(%arg17 : memref<!tpu.dma_semaphore, #tpu.memory_space<semaphore_mem>>) {add = true}
    %dma_wait3A_48 = tpu.memref_slice %arg2[%mul3A_4] : memref<320256xi32, #tpu.memory_space<hbm>> -> memref<128xi32, #tpu.memory_space<hbm>>
    %dma_wait3A_49 = tpu.memref_slice %arg2[%mul3A_4] : memref<320256xi32, #tpu.memory_space<hbm>> -> memref<128xi32, #tpu.memory_space<hbm>>
    tpu.wait_dma2 semaphore(%arg14 : memref<!tpu.dma_semaphore, #tpu.memory_space<semaphore_mem>>) src(%dma_wait3A_49 : memref<128xi32, #tpu.memory_space<hbm>>) dst(%arg9 : memref<128xi32, #tpu.memory_space<vmem>>)
    %dma_start3A_50 = arith.constant 0 : i32
    %dma_start3A_51 = arith.constant 0 : i32
    %dma_start3A_52 = tpu.memref_slice %arg6[%dma_start3A_50, %dma_start3A_51] : memref<10240x128xf32, #tpu.memory_space<vmem_shared>> -> memref<10240x128xf32, #tpu.memory_space<vmem_shared>>
    tpu.enqueue_indirect_dma source(%arg12 : memref<128x128xf32, #tpu.memory_space<vmem>>) target(%dma_start3A_52 : memref<10240x128xf32, #tpu.memory_space<vmem_shared>>) offsets(%arg9 : memref<128xi32, #tpu.memory_space<vmem>>) semaphore(%arg18 : memref<!tpu.dma_semaphore, #tpu.memory_space<semaphore_mem>>) {add = true}
    %dma_wait3A_53 = arith.constant 0 : i32
    %dma_wait3A_54 = arith.constant 0 : i32
    %dma_wait3A_55 = tpu.memref_slice %arg6[%dma_wait3A_53, %dma_wait3A_54] : memref<10240x128xf32, #tpu.memory_space<vmem_shared>> -> memref<10240x128xf32, #tpu.memory_space<vmem_shared>>
    tpu.wait_indirect_dma semaphore(%arg17 : memref<!tpu.dma_semaphore, #tpu.memory_space<semaphore_mem>>) src(%arg12 : memref<128x128xf32, #tpu.memory_space<vmem>>) dst(%dma_wait3A_55 : memref<10240x128xf32, #tpu.memory_space<vmem_shared>>)
    %dma_wait3A_56 = arith.constant 0 : i32
    %dma_wait3A_57 = arith.constant 0 : i32
    %dma_wait3A_58 = tpu.memref_slice %arg6[%dma_wait3A_56, %dma_wait3A_57] : memref<10240x128xf32, #tpu.memory_space<vmem_shared>> -> memref<10240x128xf32, #tpu.memory_space<vmem_shared>>
    tpu.wait_indirect_dma semaphore(%arg18 : memref<!tpu.dma_semaphore, #tpu.memory_space<semaphore_mem>>) src(%arg12 : memref<128x128xf32, #tpu.memory_space<vmem>>) dst(%dma_wait3A_58 : memref<10240x128xf32, #tpu.memory_space<vmem_shared>>)
    %dma_wait3A_59 = tpu.memref_slice %arg2[%mul3A_4] : memref<320256xi32, #tpu.memory_space<hbm>> -> memref<128xi32, #tpu.memory_space<hbm>>
    %dma_wait3A_60 = tpu.memref_slice %arg2[%mul3A_4] : memref<320256xi32, #tpu.memory_space<hbm>> -> memref<128xi32, #tpu.memory_space<hbm>>
    tpu.wait_dma2 semaphore(%arg15 : memref<!tpu.dma_semaphore, #tpu.memory_space<semaphore_mem>>) src(%dma_wait3A_60 : memref<128xi32, #tpu.memory_space<hbm>>) dst(%arg10 : memref<128xi32, #tpu.memory_space<vmem>>)
    %dma_wait3A_61 = tpu.memref_slice %arg2[%mul3A_4] : memref<320256xi32, #tpu.memory_space<hbm>> -> memref<128xi32, #tpu.memory_space<hbm>>
    %dma_wait3A_62 = tpu.memref_slice %arg2[%mul3A_4] : memref<320256xi32, #tpu.memory_space<hbm>> -> memref<128xi32, #tpu.memory_space<hbm>>
    tpu.wait_dma2 semaphore(%arg16 : memref<!tpu.dma_semaphore, #tpu.memory_space<semaphore_mem>>) src(%dma_wait3A_62 : memref<128xi32, #tpu.memory_space<hbm>>) dst(%arg11 : memref<128xi32, #tpu.memory_space<vmem>>)
    %add3A_63 = arith.constant 9984 : i32
    %add3A_64 = arith.addi %mul3A_4, %add3A_63 : i32
    "tpu.region"() ({
      %run_scoped3A = tpu.sem_alloc : memref<!tpu.dma_semaphore, #tpu.memory_space<semaphore_mem>>
      %dma_start3A_86 = tpu.memref_slice %arg2[%add3A_64] : memref<320256xi32, #tpu.memory_space<hbm>> -> memref<16xi32, #tpu.memory_space<hbm>>
      %dma_start3A_87 = tpu.memref_slice %arg2[%add3A_64] : memref<320256xi32, #tpu.memory_space<hbm>> -> memref<16xi32, #tpu.memory_space<hbm>>
      tpu.enqueue_dma source(%dma_start3A_87 : memref<16xi32, #tpu.memory_space<hbm>>) target(%arg7 : memref<16xi32, #tpu.memory_space<vmem>>) target_semaphore(%run_scoped3A : memref<!tpu.dma_semaphore, #tpu.memory_space<semaphore_mem>>)
      %dma_wait3A_88 = tpu.memref_slice %arg2[%add3A_64] : memref<320256xi32, #tpu.memory_space<hbm>> -> memref<16xi32, #tpu.memory_space<hbm>>
      %dma_wait3A_89 = tpu.memref_slice %arg2[%add3A_64] : memref<320256xi32, #tpu.memory_space<hbm>> -> memref<16xi32, #tpu.memory_space<hbm>>
      tpu.wait_dma2 semaphore(%run_scoped3A : memref<!tpu.dma_semaphore, #tpu.memory_space<semaphore_mem>>) src(%dma_wait3A_89 : memref<16xi32, #tpu.memory_space<hbm>>) dst(%arg7 : memref<16xi32, #tpu.memory_space<vmem>>)
      tpu.yield
    }) : () -> ()
    "tpu.region"() ({
      %run_scoped3A = tpu.sem_alloc : memref<!tpu.dma_semaphore, #tpu.memory_space<semaphore_mem>>
      %dma_start3A_86 = arith.constant 0 : i32
      %dma_start3A_87 = arith.constant 0 : i32
      %dma_start3A_88 = tpu.memref_slice %arg12[%dma_start3A_86, %dma_start3A_87] : memref<128x128xf32, #tpu.memory_space<vmem>> -> memref<16x128xf32, #tpu.memory_space<vmem>>
      %dma_start3A_89 = arith.constant 0 : i32
      %dma_start3A_90 = arith.constant 0 : i32
      %dma_start3A_91 = tpu.memref_slice %arg6[%dma_start3A_89, %dma_start3A_90] : memref<10240x128xf32, #tpu.memory_space<vmem_shared>> -> memref<10240x128xf32, #tpu.memory_space<vmem_shared>>
      tpu.enqueue_indirect_dma source(%dma_start3A_88 : memref<16x128xf32, #tpu.memory_space<vmem>>) target(%dma_start3A_91 : memref<10240x128xf32, #tpu.memory_space<vmem_shared>>) offsets(%arg7 : memref<16xi32, #tpu.memory_space<vmem>>) semaphore(%run_scoped3A : memref<!tpu.dma_semaphore, #tpu.memory_space<semaphore_mem>>) {add = true}
      %dma_wait3A_92 = arith.constant 0 : i32
      %dma_wait3A_93 = arith.constant 0 : i32
      %dma_wait3A_94 = tpu.memref_slice %arg12[%dma_wait3A_92, %dma_wait3A_93] : memref<128x128xf32, #tpu.memory_space<vmem>> -> memref<16x128xf32, #tpu.memory_space<vmem>>
      %dma_wait3A_95 = arith.constant 0 : i32
      %dma_wait3A_96 = arith.constant 0 : i32
      %dma_wait3A_97 = tpu.memref_slice %arg6[%dma_wait3A_95, %dma_wait3A_96] : memref<10240x128xf32, #tpu.memory_space<vmem_shared>> -> memref<10240x128xf32, #tpu.memory_space<vmem_shared>>
      tpu.wait_indirect_dma semaphore(%run_scoped3A : memref<!tpu.dma_semaphore, #tpu.memory_space<semaphore_mem>>) src(%dma_wait3A_94 : memref<16x128xf32, #tpu.memory_space<vmem>>) dst(%dma_wait3A_97 : memref<10240x128xf32, #tpu.memory_space<vmem_shared>>)
      tpu.yield
    }) : () -> ()
    %barrier3A_65 = arith.constant 0 : index
    tpu.barrier barrier_id(%barrier3A_65)
    %add3A_66 = arith.constant 0 : i32
    %add3A_67 = arith.addi %mul3A_2, %add3A_66 : i32
    "tpu.region"() ({
      %run_scoped3A = tpu.sem_alloc : memref<!tpu.dma_semaphore, #tpu.memory_space<semaphore_mem>>
      %dma_start3A_86 = arith.constant 0 : i32
      %dma_start3A_87 = tpu.memref_slice %arg6[%add3A_67, %dma_start3A_86] : memref<10240x128xf32, #tpu.memory_space<vmem_shared>> -> memref<64x128xf32, #tpu.memory_space<vmem_shared>>
      %dma_start3A_88 = arith.constant 0 : i32
      %dma_start3A_89 = tpu.memref_slice %arg6[%add3A_67, %dma_start3A_88] : memref<10240x128xf32, #tpu.memory_space<vmem_shared>> -> memref<64x128xf32, #tpu.memory_space<vmem_shared>>
      tpu.enqueue_dma source(%dma_start3A_89 : memref<64x128xf32, #tpu.memory_space<vmem_shared>>) target(%arg21 : memref<64x128xf32, #tpu.memory_space<vmem>>) target_semaphore(%run_scoped3A : memref<!tpu.dma_semaphore, #tpu.memory_space<semaphore_mem>>)
      %dma_wait3A_90 = arith.constant 0 : i32
      %dma_wait3A_91 = tpu.memref_slice %arg6[%add3A_67, %dma_wait3A_90] : memref<10240x128xf32, #tpu.memory_space<vmem_shared>> -> memref<64x128xf32, #tpu.memory_space<vmem_shared>>
      %dma_wait3A_92 = arith.constant 0 : i32
      %dma_wait3A_93 = tpu.memref_slice %arg6[%add3A_67, %dma_wait3A_92] : memref<10240x128xf32, #tpu.memory_space<vmem_shared>> -> memref<64x128xf32, #tpu.memory_space<vmem_shared>>
      tpu.wait_dma2 semaphore(%run_scoped3A : memref<!tpu.dma_semaphore, #tpu.memory_space<semaphore_mem>>) src(%dma_wait3A_93 : memref<64x128xf32, #tpu.memory_space<vmem_shared>>) dst(%arg21 : memref<64x128xf32, #tpu.memory_space<vmem>>)
      tpu.yield
    }) : () -> ()
    "tpu.region"() ({
      %run_scoped3A = tpu.sem_alloc : memref<!tpu.dma_semaphore, #tpu.memory_space<semaphore_mem>>
      %dma_start3A_86 = arith.constant 0 : i32
      %dma_start3A_87 = tpu.memref_slice %arg5[%arg0, %add3A_67, %dma_start3A_86] : memref<2x10240x128xf32, #tpu.memory_space<hbm>> -> memref<1x64x128xf32, #tpu.memory_space<hbm>>
      %dma_start3A_88 = tpu.memref_squeeze %dma_start3A_87 : memref<1x64x128xf32, #tpu.memory_space<hbm>> -> memref<64x128xf32, #tpu.memory_space<hbm>>
      %dma_start3A_89 = arith.constant 0 : i32
      %dma_start3A_90 = tpu.memref_slice %arg5[%arg0, %add3A_67, %dma_start3A_89] : memref<2x10240x128xf32, #tpu.memory_space<hbm>> -> memref<1x64x128xf32, #tpu.memory_space<hbm>>
      %dma_start3A_91 = tpu.memref_squeeze %dma_start3A_90 : memref<1x64x128xf32, #tpu.memory_space<hbm>> -> memref<64x128xf32, #tpu.memory_space<hbm>>
      tpu.enqueue_dma source(%arg21 : memref<64x128xf32, #tpu.memory_space<vmem>>) target(%dma_start3A_91 : memref<64x128xf32, #tpu.memory_space<hbm>>) target_semaphore(%run_scoped3A : memref<!tpu.dma_semaphore, #tpu.memory_space<semaphore_mem>>)
      %dma_wait3A_92 = arith.constant 0 : i32
      %dma_wait3A_93 = tpu.memref_slice %arg5[%arg0, %add3A_67, %dma_wait3A_92] : memref<2x10240x128xf32, #tpu.memory_space<hbm>> -> memref<1x64x128xf32, #tpu.memory_space<hbm>>
      %dma_wait3A_94 = tpu.memref_squeeze %dma_wait3A_93 : memref<1x64x128xf32, #tpu.memory_space<hbm>> -> memref<64x128xf32, #tpu.memory_space<hbm>>
      %dma_wait3A_95 = arith.constant 0 : i32
      %dma_wait3A_96 = tpu.memref_slice %arg5[%arg0, %add3A_67, %dma_wait3A_95] : memref<2x10240x128xf32, #tpu.memory_space<hbm>> -> memref<1x64x128xf32, #tpu.memory_space<hbm>>
      %dma_wait3A_97 = tpu.memref_squeeze %dma_wait3A_96 : memref<1x64x128xf32, #tpu.memory_space<hbm>> -> memref<64x128xf32, #tpu.memory_space<hbm>>
      tpu.wait_dma2 semaphore(%run_scoped3A : memref<!tpu.dma_semaphore, #tpu.memory_space<semaphore_mem>>) src(%arg21 : memref<64x128xf32, #tpu.memory_space<vmem>>) dst(%dma_wait3A_97 : memref<64x128xf32, #tpu.memory_space<hbm>>)
      tpu.yield
    }) : () -> ()
    %add3A_68 = arith.constant 64 : i32
    %add3A_69 = arith.addi %mul3A_2, %add3A_68 : i32
    "tpu.region"() ({
      %run_scoped3A = tpu.sem_alloc : memref<!tpu.dma_semaphore, #tpu.memory_space<semaphore_mem>>
      %dma_start3A_86 = arith.constant 0 : i32
      %dma_start3A_87 = tpu.memref_slice %arg6[%add3A_69, %dma_start3A_86] : memref<10240x128xf32, #tpu.memory_space<vmem_shared>> -> memref<64x128xf32, #tpu.memory_space<vmem_shared>>
      %dma_start3A_88 = arith.constant 0 : i32
      %dma_start3A_89 = tpu.memref_slice %arg6[%add3A_69, %dma_start3A_88] : memref<10240x128xf32, #tpu.memory_space<vmem_shared>> -> memref<64x128xf32, #tpu.memory_space<vmem_shared>>
      tpu.enqueue_dma source(%dma_start3A_89 : memref<64x128xf32, #tpu.memory_space<vmem_shared>>) target(%arg21 : memref<64x128xf32, #tpu.memory_space<vmem>>) target_semaphore(%run_scoped3A : memref<!tpu.dma_semaphore, #tpu.memory_space<semaphore_mem>>)
      %dma_wait3A_90 = arith.constant 0 : i32
      %dma_wait3A_91 = tpu.memref_slice %arg6[%add3A_69, %dma_wait3A_90] : memref<10240x128xf32, #tpu.memory_space<vmem_shared>> -> memref<64x128xf32, #tpu.memory_space<vmem_shared>>
      %dma_wait3A_92 = arith.constant 0 : i32
      %dma_wait3A_93 = tpu.memref_slice %arg6[%add3A_69, %dma_wait3A_92] : memref<10240x128xf32, #tpu.memory_space<vmem_shared>> -> memref<64x128xf32, #tpu.memory_space<vmem_shared>>
      tpu.wait_dma2 semaphore(%run_scoped3A : memref<!tpu.dma_semaphore, #tpu.memory_space<semaphore_mem>>) src(%dma_wait3A_93 : memref<64x128xf32, #tpu.memory_space<vmem_shared>>) dst(%arg21 : memref<64x128xf32, #tpu.memory_space<vmem>>)
      tpu.yield
    }) : () -> ()
    "tpu.region"() ({
      %run_scoped3A = tpu.sem_alloc : memref<!tpu.dma_semaphore, #tpu.memory_space<semaphore_mem>>
      %dma_start3A_86 = arith.constant 0 : i32
      %dma_start3A_87 = tpu.memref_slice %arg5[%arg0, %add3A_69, %dma_start3A_86] : memref<2x10240x128xf32, #tpu.memory_space<hbm>> -> memref<1x64x128xf32, #tpu.memory_space<hbm>>
      %dma_start3A_88 = tpu.memref_squeeze %dma_start3A_87 : memref<1x64x128xf32, #tpu.memory_space<hbm>> -> memref<64x128xf32, #tpu.memory_space<hbm>>
      %dma_start3A_89 = arith.constant 0 : i32
      %dma_start3A_90 = tpu.memref_slice %arg5[%arg0, %add3A_69, %dma_start3A_89] : memref<2x10240x128xf32, #tpu.memory_space<hbm>> -> memref<1x64x128xf32, #tpu.memory_space<hbm>>
      %dma_start3A_91 = tpu.memref_squeeze %dma_start3A_90 : memref<1x64x128xf32, #tpu.memory_space<hbm>> -> memref<64x128xf32, #tpu.memory_space<hbm>>
      tpu.enqueue_dma source(%arg21 : memref<64x128xf32, #tpu.memory_space<vmem>>) target(%dma_start3A_91 : memref<64x128xf32, #tpu.memory_space<hbm>>) target_semaphore(%run_scoped3A : memref<!tpu.dma_semaphore, #tpu.memory_space<semaphore_mem>>)
      %dma_wait3A_92 = arith.constant 0 : i32
      %dma_wait3A_93 = tpu.memref_slice %arg5[%arg0, %add3A_69, %dma_wait3A_92] : memref<2x10240x128xf32, #tpu.memory_space<hbm>> -> memref<1x64x128xf32, #tpu.memory_space<hbm>>
      %dma_wait3A_94 = tpu.memref_squeeze %dma_wait3A_93 : memref<1x64x128xf32, #tpu.memory_space<hbm>> -> memref<64x128xf32, #tpu.memory_space<hbm>>
      %dma_wait3A_95 = arith.constant 0 : i32
      %dma_wait3A_96 = tpu.memref_slice %arg5[%arg0, %add3A_69, %dma_wait3A_95] : memref<2x10240x128xf32, #tpu.memory_space<hbm>> -> memref<1x64x128xf32, #tpu.memory_space<hbm>>
      %dma_wait3A_97 = tpu.memref_squeeze %dma_wait3A_96 : memref<1x64x128xf32, #tpu.memory_space<hbm>> -> memref<64x128xf32, #tpu.memory_space<hbm>>
      tpu.wait_dma2 semaphore(%run_scoped3A : memref<!tpu.dma_semaphore, #tpu.memory_space<semaphore_mem>>) src(%arg21 : memref<64x128xf32, #tpu.memory_space<vmem>>) dst(%dma_wait3A_97 : memref<64x128xf32, #tpu.memory_space<hbm>>)
      tpu.yield
    }) : () -> ()
    %add3A_70 = arith.constant 128 : i32
    %add3A_71 = arith.addi %mul3A_2, %add3A_70 : i32
    "tpu.region"() ({
      %run_scoped3A = tpu.sem_alloc : memref<!tpu.dma_semaphore, #tpu.memory_space<semaphore_mem>>
      %dma_start3A_86 = arith.constant 0 : i32
      %dma_start3A_87 = tpu.memref_slice %arg6[%add3A_71, %dma_start3A_86] : memref<10240x128xf32, #tpu.memory_space<vmem_shared>> -> memref<64x128xf32, #tpu.memory_space<vmem_shared>>
      %dma_start3A_88 = arith.constant 0 : i32
      %dma_start3A_89 = tpu.memref_slice %arg6[%add3A_71, %dma_start3A_88] : memref<10240x128xf32, #tpu.memory_space<vmem_shared>> -> memref<64x128xf32, #tpu.memory_space<vmem_shared>>
      tpu.enqueue_dma source(%dma_start3A_89 : memref<64x128xf32, #tpu.memory_space<vmem_shared>>) target(%arg21 : memref<64x128xf32, #tpu.memory_space<vmem>>) target_semaphore(%run_scoped3A : memref<!tpu.dma_semaphore, #tpu.memory_space<semaphore_mem>>)
      %dma_wait3A_90 = arith.constant 0 : i32
      %dma_wait3A_91 = tpu.memref_slice %arg6[%add3A_71, %dma_wait3A_90] : memref<10240x128xf32, #tpu.memory_space<vmem_shared>> -> memref<64x128xf32, #tpu.memory_space<vmem_shared>>
      %dma_wait3A_92 = arith.constant 0 : i32
      %dma_wait3A_93 = tpu.memref_slice %arg6[%add3A_71, %dma_wait3A_92] : memref<10240x128xf32, #tpu.memory_space<vmem_shared>> -> memref<64x128xf32, #tpu.memory_space<vmem_shared>>
      tpu.wait_dma2 semaphore(%run_scoped3A : memref<!tpu.dma_semaphore, #tpu.memory_space<semaphore_mem>>) src(%dma_wait3A_93 : memref<64x128xf32, #tpu.memory_space<vmem_shared>>) dst(%arg21 : memref<64x128xf32, #tpu.memory_space<vmem>>)
      tpu.yield
    }) : () -> ()
    "tpu.region"() ({
      %run_scoped3A = tpu.sem_alloc : memref<!tpu.dma_semaphore, #tpu.memory_space<semaphore_mem>>
      %dma_start3A_86 = arith.constant 0 : i32
      %dma_start3A_87 = tpu.memref_slice %arg5[%arg0, %add3A_71, %dma_start3A_86] : memref<2x10240x128xf32, #tpu.memory_space<hbm>> -> memref<1x64x128xf32, #tpu.memory_space<hbm>>
      %dma_start3A_88 = tpu.memref_squeeze %dma_start3A_87 : memref<1x64x128xf32, #tpu.memory_space<hbm>> -> memref<64x128xf32, #tpu.memory_space<hbm>>
      %dma_start3A_89 = arith.constant 0 : i32
      %dma_start3A_90 = tpu.memref_slice %arg5[%arg0, %add3A_71, %dma_start3A_89] : memref<2x10240x128xf32, #tpu.memory_space<hbm>> -> memref<1x64x128xf32, #tpu.memory_space<hbm>>
      %dma_start3A_91 = tpu.memref_squeeze %dma_start3A_90 : memref<1x64x128xf32, #tpu.memory_space<hbm>> -> memref<64x128xf32, #tpu.memory_space<hbm>>
      tpu.enqueue_dma source(%arg21 : memref<64x128xf32, #tpu.memory_space<vmem>>) target(%dma_start3A_91 : memref<64x128xf32, #tpu.memory_space<hbm>>) target_semaphore(%run_scoped3A : memref<!tpu.dma_semaphore, #tpu.memory_space<semaphore_mem>>)
      %dma_wait3A_92 = arith.constant 0 : i32
      %dma_wait3A_93 = tpu.memref_slice %arg5[%arg0, %add3A_71, %dma_wait3A_92] : memref<2x10240x128xf32, #tpu.memory_space<hbm>> -> memref<1x64x128xf32, #tpu.memory_space<hbm>>
      %dma_wait3A_94 = tpu.memref_squeeze %dma_wait3A_93 : memref<1x64x128xf32, #tpu.memory_space<hbm>> -> memref<64x128xf32, #tpu.memory_space<hbm>>
      %dma_wait3A_95 = arith.constant 0 : i32
      %dma_wait3A_96 = tpu.memref_slice %arg5[%arg0, %add3A_71, %dma_wait3A_95] : memref<2x10240x128xf32, #tpu.memory_space<hbm>> -> memref<1x64x128xf32, #tpu.memory_space<hbm>>
      %dma_wait3A_97 = tpu.memref_squeeze %dma_wait3A_96 : memref<1x64x128xf32, #tpu.memory_space<hbm>> -> memref<64x128xf32, #tpu.memory_space<hbm>>
      tpu.wait_dma2 semaphore(%run_scoped3A : memref<!tpu.dma_semaphore, #tpu.memory_space<semaphore_mem>>) src(%arg21 : memref<64x128xf32, #tpu.memory_space<vmem>>) dst(%dma_wait3A_97 : memref<64x128xf32, #tpu.memory_space<hbm>>)
      tpu.yield
    }) : () -> ()
    %add3A_72 = arith.constant 192 : i32
    %add3A_73 = arith.addi %mul3A_2, %add3A_72 : i32
    "tpu.region"() ({
      %run_scoped3A = tpu.sem_alloc : memref<!tpu.dma_semaphore, #tpu.memory_space<semaphore_mem>>
      %dma_start3A_86 = arith.constant 0 : i32
      %dma_start3A_87 = tpu.memref_slice %arg6[%add3A_73, %dma_start3A_86] : memref<10240x128xf32, #tpu.memory_space<vmem_shared>> -> memref<64x128xf32, #tpu.memory_space<vmem_shared>>
      %dma_start3A_88 = arith.constant 0 : i32
      %dma_start3A_89 = tpu.memref_slice %arg6[%add3A_73, %dma_start3A_88] : memref<10240x128xf32, #tpu.memory_space<vmem_shared>> -> memref<64x128xf32, #tpu.memory_space<vmem_shared>>
      tpu.enqueue_dma source(%dma_start3A_89 : memref<64x128xf32, #tpu.memory_space<vmem_shared>>) target(%arg21 : memref<64x128xf32, #tpu.memory_space<vmem>>) target_semaphore(%run_scoped3A : memref<!tpu.dma_semaphore, #tpu.memory_space<semaphore_mem>>)
      %dma_wait3A_90 = arith.constant 0 : i32
      %dma_wait3A_91 = tpu.memref_slice %arg6[%add3A_73, %dma_wait3A_90] : memref<10240x128xf32, #tpu.memory_space<vmem_shared>> -> memref<64x128xf32, #tpu.memory_space<vmem_shared>>
      %dma_wait3A_92 = arith.constant 0 : i32
      %dma_wait3A_93 = tpu.memref_slice %arg6[%add3A_73, %dma_wait3A_92] : memref<10240x128xf32, #tpu.memory_space<vmem_shared>> -> memref<64x128xf32, #tpu.memory_space<vmem_shared>>
      tpu.wait_dma2 semaphore(%run_scoped3A : memref<!tpu.dma_semaphore, #tpu.memory_space<semaphore_mem>>) src(%dma_wait3A_93 : memref<64x128xf32, #tpu.memory_space<vmem_shared>>) dst(%arg21 : memref<64x128xf32, #tpu.memory_space<vmem>>)
      tpu.yield
    }) : () -> ()
    "tpu.region"() ({
      %run_scoped3A = tpu.sem_alloc : memref<!tpu.dma_semaphore, #tpu.memory_space<semaphore_mem>>
      %dma_start3A_86 = arith.constant 0 : i32
      %dma_start3A_87 = tpu.memref_slice %arg5[%arg0, %add3A_73, %dma_start3A_86] : memref<2x10240x128xf32, #tpu.memory_space<hbm>> -> memref<1x64x128xf32, #tpu.memory_space<hbm>>
      %dma_start3A_88 = tpu.memref_squeeze %dma_start3A_87 : memref<1x64x128xf32, #tpu.memory_space<hbm>> -> memref<64x128xf32, #tpu.memory_space<hbm>>
      %dma_start3A_89 = arith.constant 0 : i32
      %dma_start3A_90 = tpu.memref_slice %arg5[%arg0, %add3A_73, %dma_start3A_89] : memref<2x10240x128xf32, #tpu.memory_space<hbm>> -> memref<1x64x128xf32, #tpu.memory_space<hbm>>
      %dma_start3A_91 = tpu.memref_squeeze %dma_start3A_90 : memref<1x64x128xf32, #tpu.memory_space<hbm>> -> memref<64x128xf32, #tpu.memory_space<hbm>>
      tpu.enqueue_dma source(%arg21 : memref<64x128xf32, #tpu.memory_space<vmem>>) target(%dma_start3A_91 : memref<64x128xf32, #tpu.memory_space<hbm>>) target_semaphore(%run_scoped3A : memref<!tpu.dma_semaphore, #tpu.memory_space<semaphore_mem>>)
      %dma_wait3A_92 = arith.constant 0 : i32
      %dma_wait3A_93 = tpu.memref_slice %arg5[%arg0, %add3A_73, %dma_wait3A_92] : memref<2x10240x128xf32, #tpu.memory_space<hbm>> -> memref<1x64x128xf32, #tpu.memory_space<hbm>>
      %dma_wait3A_94 = tpu.memref_squeeze %dma_wait3A_93 : memref<1x64x128xf32, #tpu.memory_space<hbm>> -> memref<64x128xf32, #tpu.memory_space<hbm>>
      %dma_wait3A_95 = arith.constant 0 : i32
      %dma_wait3A_96 = tpu.memref_slice %arg5[%arg0, %add3A_73, %dma_wait3A_95] : memref<2x10240x128xf32, #tpu.memory_space<hbm>> -> memref<1x64x128xf32, #tpu.memory_space<hbm>>
      %dma_wait3A_97 = tpu.memref_squeeze %dma_wait3A_96 : memref<1x64x128xf32, #tpu.memory_space<hbm>> -> memref<64x128xf32, #tpu.memory_space<hbm>>
      tpu.wait_dma2 semaphore(%run_scoped3A : memref<!tpu.dma_semaphore, #tpu.memory_space<semaphore_mem>>) src(%arg21 : memref<64x128xf32, #tpu.memory_space<vmem>>) dst(%dma_wait3A_97 : memref<64x128xf32, #tpu.memory_space<hbm>>)
      tpu.yield
    }) : () -> ()
    %add3A_74 = arith.constant 256 : i32
    %add3A_75 = arith.addi %mul3A_2, %add3A_74 : i32
    "tpu.region"() ({
      %run_scoped3A = tpu.sem_alloc : memref<!tpu.dma_semaphore, #tpu.memory_space<semaphore_mem>>
      %dma_start3A_86 = arith.constant 0 : i32
      %dma_start3A_87 = tpu.memref_slice %arg6[%add3A_75, %dma_start3A_86] : memref<10240x128xf32, #tpu.memory_space<vmem_shared>> -> memref<64x128xf32, #tpu.memory_space<vmem_shared>>
      %dma_start3A_88 = arith.constant 0 : i32
      %dma_start3A_89 = tpu.memref_slice %arg6[%add3A_75, %dma_start3A_88] : memref<10240x128xf32, #tpu.memory_space<vmem_shared>> -> memref<64x128xf32, #tpu.memory_space<vmem_shared>>
      tpu.enqueue_dma source(%dma_start3A_89 : memref<64x128xf32, #tpu.memory_space<vmem_shared>>) target(%arg21 : memref<64x128xf32, #tpu.memory_space<vmem>>) target_semaphore(%run_scoped3A : memref<!tpu.dma_semaphore, #tpu.memory_space<semaphore_mem>>)
      %dma_wait3A_90 = arith.constant 0 : i32
      %dma_wait3A_91 = tpu.memref_slice %arg6[%add3A_75, %dma_wait3A_90] : memref<10240x128xf32, #tpu.memory_space<vmem_shared>> -> memref<64x128xf32, #tpu.memory_space<vmem_shared>>
      %dma_wait3A_92 = arith.constant 0 : i32
      %dma_wait3A_93 = tpu.memref_slice %arg6[%add3A_75, %dma_wait3A_92] : memref<10240x128xf32, #tpu.memory_space<vmem_shared>> -> memref<64x128xf32, #tpu.memory_space<vmem_shared>>
      tpu.wait_dma2 semaphore(%run_scoped3A : memref<!tpu.dma_semaphore, #tpu.memory_space<semaphore_mem>>) src(%dma_wait3A_93 : memref<64x128xf32, #tpu.memory_space<vmem_shared>>) dst(%arg21 : memref<64x128xf32, #tpu.memory_space<vmem>>)
      tpu.yield
    }) : () -> ()
    "tpu.region"() ({
      %run_scoped3A = tpu.sem_alloc : memref<!tpu.dma_semaphore, #tpu.memory_space<semaphore_mem>>
      %dma_start3A_86 = arith.constant 0 : i32
      %dma_start3A_87 = tpu.memref_slice %arg5[%arg0, %add3A_75, %dma_start3A_86] : memref<2x10240x128xf32, #tpu.memory_space<hbm>> -> memref<1x64x128xf32, #tpu.memory_space<hbm>>
      %dma_start3A_88 = tpu.memref_squeeze %dma_start3A_87 : memref<1x64x128xf32, #tpu.memory_space<hbm>> -> memref<64x128xf32, #tpu.memory_space<hbm>>
      %dma_start3A_89 = arith.constant 0 : i32
      %dma_start3A_90 = tpu.memref_slice %arg5[%arg0, %add3A_75, %dma_start3A_89] : memref<2x10240x128xf32, #tpu.memory_space<hbm>> -> memref<1x64x128xf32, #tpu.memory_space<hbm>>
      %dma_start3A_91 = tpu.memref_squeeze %dma_start3A_90 : memref<1x64x128xf32, #tpu.memory_space<hbm>> -> memref<64x128xf32, #tpu.memory_space<hbm>>
      tpu.enqueue_dma source(%arg21 : memref<64x128xf32, #tpu.memory_space<vmem>>) target(%dma_start3A_91 : memref<64x128xf32, #tpu.memory_space<hbm>>) target_semaphore(%run_scoped3A : memref<!tpu.dma_semaphore, #tpu.memory_space<semaphore_mem>>)
      %dma_wait3A_92 = arith.constant 0 : i32
      %dma_wait3A_93 = tpu.memref_slice %arg5[%arg0, %add3A_75, %dma_wait3A_92] : memref<2x10240x128xf32, #tpu.memory_space<hbm>> -> memref<1x64x128xf32, #tpu.memory_space<hbm>>
      %dma_wait3A_94 = tpu.memref_squeeze %dma_wait3A_93 : memref<1x64x128xf32, #tpu.memory_space<hbm>> -> memref<64x128xf32, #tpu.memory_space<hbm>>
      %dma_wait3A_95 = arith.constant 0 : i32
      %dma_wait3A_96 = tpu.memref_slice %arg5[%arg0, %add3A_75, %dma_wait3A_95] : memref<2x10240x128xf32, #tpu.memory_space<hbm>> -> memref<1x64x128xf32, #tpu.memory_space<hbm>>
      %dma_wait3A_97 = tpu.memref_squeeze %dma_wait3A_96 : memref<1x64x128xf32, #tpu.memory_space<hbm>> -> memref<64x128xf32, #tpu.memory_space<hbm>>
      tpu.wait_dma2 semaphore(%run_scoped3A : memref<!tpu.dma_semaphore, #tpu.memory_space<semaphore_mem>>) src(%arg21 : memref<64x128xf32, #tpu.memory_space<vmem>>) dst(%dma_wait3A_97 : memref<64x128xf32, #tpu.memory_space<hbm>>)
      tpu.yield
    }) : () -> ()
    %add3A_76 = arith.constant 320 : i32
    %add3A_77 = arith.addi %mul3A_2, %add3A_76 : i32
    "tpu.region"() ({
      %run_scoped3A = tpu.sem_alloc : memref<!tpu.dma_semaphore, #tpu.memory_space<semaphore_mem>>
      %dma_start3A_86 = arith.constant 0 : i32
      %dma_start3A_87 = tpu.memref_slice %arg6[%add3A_77, %dma_start3A_86] : memref<10240x128xf32, #tpu.memory_space<vmem_shared>> -> memref<64x128xf32, #tpu.memory_space<vmem_shared>>
      %dma_start3A_88 = arith.constant 0 : i32
      %dma_start3A_89 = tpu.memref_slice %arg6[%add3A_77, %dma_start3A_88] : memref<10240x128xf32, #tpu.memory_space<vmem_shared>> -> memref<64x128xf32, #tpu.memory_space<vmem_shared>>
      tpu.enqueue_dma source(%dma_start3A_89 : memref<64x128xf32, #tpu.memory_space<vmem_shared>>) target(%arg21 : memref<64x128xf32, #tpu.memory_space<vmem>>) target_semaphore(%run_scoped3A : memref<!tpu.dma_semaphore, #tpu.memory_space<semaphore_mem>>)
      %dma_wait3A_90 = arith.constant 0 : i32
      %dma_wait3A_91 = tpu.memref_slice %arg6[%add3A_77, %dma_wait3A_90] : memref<10240x128xf32, #tpu.memory_space<vmem_shared>> -> memref<64x128xf32, #tpu.memory_space<vmem_shared>>
      %dma_wait3A_92 = arith.constant 0 : i32
      %dma_wait3A_93 = tpu.memref_slice %arg6[%add3A_77, %dma_wait3A_92] : memref<10240x128xf32, #tpu.memory_space<vmem_shared>> -> memref<64x128xf32, #tpu.memory_space<vmem_shared>>
      tpu.wait_dma2 semaphore(%run_scoped3A : memref<!tpu.dma_semaphore, #tpu.memory_space<semaphore_mem>>) src(%dma_wait3A_93 : memref<64x128xf32, #tpu.memory_space<vmem_shared>>) dst(%arg21 : memref<64x128xf32, #tpu.memory_space<vmem>>)
      tpu.yield
    }) : () -> ()
    "tpu.region"() ({
      %run_scoped3A = tpu.sem_alloc : memref<!tpu.dma_semaphore, #tpu.memory_space<semaphore_mem>>
      %dma_start3A_86 = arith.constant 0 : i32
      %dma_start3A_87 = tpu.memref_slice %arg5[%arg0, %add3A_77, %dma_start3A_86] : memref<2x10240x128xf32, #tpu.memory_space<hbm>> -> memref<1x64x128xf32, #tpu.memory_space<hbm>>
      %dma_start3A_88 = tpu.memref_squeeze %dma_start3A_87 : memref<1x64x128xf32, #tpu.memory_space<hbm>> -> memref<64x128xf32, #tpu.memory_space<hbm>>
      %dma_start3A_89 = arith.constant 0 : i32
      %dma_start3A_90 = tpu.memref_slice %arg5[%arg0, %add3A_77, %dma_start3A_89] : memref<2x10240x128xf32, #tpu.memory_space<hbm>> -> memref<1x64x128xf32, #tpu.memory_space<hbm>>
      %dma_start3A_91 = tpu.memref_squeeze %dma_start3A_90 : memref<1x64x128xf32, #tpu.memory_space<hbm>> -> memref<64x128xf32, #tpu.memory_space<hbm>>
      tpu.enqueue_dma source(%arg21 : memref<64x128xf32, #tpu.memory_space<vmem>>) target(%dma_start3A_91 : memref<64x128xf32, #tpu.memory_space<hbm>>) target_semaphore(%run_scoped3A : memref<!tpu.dma_semaphore, #tpu.memory_space<semaphore_mem>>)
      %dma_wait3A_92 = arith.constant 0 : i32
      %dma_wait3A_93 = tpu.memref_slice %arg5[%arg0, %add3A_77, %dma_wait3A_92] : memref<2x10240x128xf32, #tpu.memory_space<hbm>> -> memref<1x64x128xf32, #tpu.memory_space<hbm>>
      %dma_wait3A_94 = tpu.memref_squeeze %dma_wait3A_93 : memref<1x64x128xf32, #tpu.memory_space<hbm>> -> memref<64x128xf32, #tpu.memory_space<hbm>>
      %dma_wait3A_95 = arith.constant 0 : i32
      %dma_wait3A_96 = tpu.memref_slice %arg5[%arg0, %add3A_77, %dma_wait3A_95] : memref<2x10240x128xf32, #tpu.memory_space<hbm>> -> memref<1x64x128xf32, #tpu.memory_space<hbm>>
      %dma_wait3A_97 = tpu.memref_squeeze %dma_wait3A_96 : memref<1x64x128xf32, #tpu.memory_space<hbm>> -> memref<64x128xf32, #tpu.memory_space<hbm>>
      tpu.wait_dma2 semaphore(%run_scoped3A : memref<!tpu.dma_semaphore, #tpu.memory_space<semaphore_mem>>) src(%arg21 : memref<64x128xf32, #tpu.memory_space<vmem>>) dst(%dma_wait3A_97 : memref<64x128xf32, #tpu.memory_space<hbm>>)
      tpu.yield
    }) : () -> ()
    %add3A_78 = arith.constant 384 : i32
    %add3A_79 = arith.addi %mul3A_2, %add3A_78 : i32
    "tpu.region"() ({
      %run_scoped3A = tpu.sem_alloc : memref<!tpu.dma_semaphore, #tpu.memory_space<semaphore_mem>>
      %dma_start3A_86 = arith.constant 0 : i32
      %dma_start3A_87 = tpu.memref_slice %arg6[%add3A_79, %dma_start3A_86] : memref<10240x128xf32, #tpu.memory_space<vmem_shared>> -> memref<64x128xf32, #tpu.memory_space<vmem_shared>>
      %dma_start3A_88 = arith.constant 0 : i32
      %dma_start3A_89 = tpu.memref_slice %arg6[%add3A_79, %dma_start3A_88] : memref<10240x128xf32, #tpu.memory_space<vmem_shared>> -> memref<64x128xf32, #tpu.memory_space<vmem_shared>>
      tpu.enqueue_dma source(%dma_start3A_89 : memref<64x128xf32, #tpu.memory_space<vmem_shared>>) target(%arg21 : memref<64x128xf32, #tpu.memory_space<vmem>>) target_semaphore(%run_scoped3A : memref<!tpu.dma_semaphore, #tpu.memory_space<semaphore_mem>>)
      %dma_wait3A_90 = arith.constant 0 : i32
      %dma_wait3A_91 = tpu.memref_slice %arg6[%add3A_79, %dma_wait3A_90] : memref<10240x128xf32, #tpu.memory_space<vmem_shared>> -> memref<64x128xf32, #tpu.memory_space<vmem_shared>>
      %dma_wait3A_92 = arith.constant 0 : i32
      %dma_wait3A_93 = tpu.memref_slice %arg6[%add3A_79, %dma_wait3A_92] : memref<10240x128xf32, #tpu.memory_space<vmem_shared>> -> memref<64x128xf32, #tpu.memory_space<vmem_shared>>
      tpu.wait_dma2 semaphore(%run_scoped3A : memref<!tpu.dma_semaphore, #tpu.memory_space<semaphore_mem>>) src(%dma_wait3A_93 : memref<64x128xf32, #tpu.memory_space<vmem_shared>>) dst(%arg21 : memref<64x128xf32, #tpu.memory_space<vmem>>)
      tpu.yield
    }) : () -> ()
    "tpu.region"() ({
      %run_scoped3A = tpu.sem_alloc : memref<!tpu.dma_semaphore, #tpu.memory_space<semaphore_mem>>
      %dma_start3A_86 = arith.constant 0 : i32
      %dma_start3A_87 = tpu.memref_slice %arg5[%arg0, %add3A_79, %dma_start3A_86] : memref<2x10240x128xf32, #tpu.memory_space<hbm>> -> memref<1x64x128xf32, #tpu.memory_space<hbm>>
      %dma_start3A_88 = tpu.memref_squeeze %dma_start3A_87 : memref<1x64x128xf32, #tpu.memory_space<hbm>> -> memref<64x128xf32, #tpu.memory_space<hbm>>
      %dma_start3A_89 = arith.constant 0 : i32
      %dma_start3A_90 = tpu.memref_slice %arg5[%arg0, %add3A_79, %dma_start3A_89] : memref<2x10240x128xf32, #tpu.memory_space<hbm>> -> memref<1x64x128xf32, #tpu.memory_space<hbm>>
      %dma_start3A_91 = tpu.memref_squeeze %dma_start3A_90 : memref<1x64x128xf32, #tpu.memory_space<hbm>> -> memref<64x128xf32, #tpu.memory_space<hbm>>
      tpu.enqueue_dma source(%arg21 : memref<64x128xf32, #tpu.memory_space<vmem>>) target(%dma_start3A_91 : memref<64x128xf32, #tpu.memory_space<hbm>>) target_semaphore(%run_scoped3A : memref<!tpu.dma_semaphore, #tpu.memory_space<semaphore_mem>>)
      %dma_wait3A_92 = arith.constant 0 : i32
      %dma_wait3A_93 = tpu.memref_slice %arg5[%arg0, %add3A_79, %dma_wait3A_92] : memref<2x10240x128xf32, #tpu.memory_space<hbm>> -> memref<1x64x128xf32, #tpu.memory_space<hbm>>
      %dma_wait3A_94 = tpu.memref_squeeze %dma_wait3A_93 : memref<1x64x128xf32, #tpu.memory_space<hbm>> -> memref<64x128xf32, #tpu.memory_space<hbm>>
      %dma_wait3A_95 = arith.constant 0 : i32
      %dma_wait3A_96 = tpu.memref_slice %arg5[%arg0, %add3A_79, %dma_wait3A_95] : memref<2x10240x128xf32, #tpu.memory_space<hbm>> -> memref<1x64x128xf32, #tpu.memory_space<hbm>>
      %dma_wait3A_97 = tpu.memref_squeeze %dma_wait3A_96 : memref<1x64x128xf32, #tpu.memory_space<hbm>> -> memref<64x128xf32, #tpu.memory_space<hbm>>
      tpu.wait_dma2 semaphore(%run_scoped3A : memref<!tpu.dma_semaphore, #tpu.memory_space<semaphore_mem>>) src(%arg21 : memref<64x128xf32, #tpu.memory_space<vmem>>) dst(%dma_wait3A_97 : memref<64x128xf32, #tpu.memory_space<hbm>>)
      tpu.yield
    }) : () -> ()
    %add3A_80 = arith.constant 448 : i32
    %add3A_81 = arith.addi %mul3A_2, %add3A_80 : i32
    "tpu.region"() ({
      %run_scoped3A = tpu.sem_alloc : memref<!tpu.dma_semaphore, #tpu.memory_space<semaphore_mem>>
      %dma_start3A_86 = arith.constant 0 : i32
      %dma_start3A_87 = tpu.memref_slice %arg6[%add3A_81, %dma_start3A_86] : memref<10240x128xf32, #tpu.memory_space<vmem_shared>> -> memref<64x128xf32, #tpu.memory_space<vmem_shared>>
      %dma_start3A_88 = arith.constant 0 : i32
      %dma_start3A_89 = tpu.memref_slice %arg6[%add3A_81, %dma_start3A_88] : memref<10240x128xf32, #tpu.memory_space<vmem_shared>> -> memref<64x128xf32, #tpu.memory_space<vmem_shared>>
      tpu.enqueue_dma source(%dma_start3A_89 : memref<64x128xf32, #tpu.memory_space<vmem_shared>>) target(%arg21 : memref<64x128xf32, #tpu.memory_space<vmem>>) target_semaphore(%run_scoped3A : memref<!tpu.dma_semaphore, #tpu.memory_space<semaphore_mem>>)
      %dma_wait3A_90 = arith.constant 0 : i32
      %dma_wait3A_91 = tpu.memref_slice %arg6[%add3A_81, %dma_wait3A_90] : memref<10240x128xf32, #tpu.memory_space<vmem_shared>> -> memref<64x128xf32, #tpu.memory_space<vmem_shared>>
      %dma_wait3A_92 = arith.constant 0 : i32
      %dma_wait3A_93 = tpu.memref_slice %arg6[%add3A_81, %dma_wait3A_92] : memref<10240x128xf32, #tpu.memory_space<vmem_shared>> -> memref<64x128xf32, #tpu.memory_space<vmem_shared>>
      tpu.wait_dma2 semaphore(%run_scoped3A : memref<!tpu.dma_semaphore, #tpu.memory_space<semaphore_mem>>) src(%dma_wait3A_93 : memref<64x128xf32, #tpu.memory_space<vmem_shared>>) dst(%arg21 : memref<64x128xf32, #tpu.memory_space<vmem>>)
      tpu.yield
    }) : () -> ()
    "tpu.region"() ({
      %run_scoped3A = tpu.sem_alloc : memref<!tpu.dma_semaphore, #tpu.memory_space<semaphore_mem>>
      %dma_start3A_86 = arith.constant 0 : i32
      %dma_start3A_87 = tpu.memref_slice %arg5[%arg0, %add3A_81, %dma_start3A_86] : memref<2x10240x128xf32, #tpu.memory_space<hbm>> -> memref<1x64x128xf32, #tpu.memory_space<hbm>>
      %dma_start3A_88 = tpu.memref_squeeze %dma_start3A_87 : memref<1x64x128xf32, #tpu.memory_space<hbm>> -> memref<64x128xf32, #tpu.memory_space<hbm>>
      %dma_start3A_89 = arith.constant 0 : i32
      %dma_start3A_90 = tpu.memref_slice %arg5[%arg0, %add3A_81, %dma_start3A_89] : memref<2x10240x128xf32, #tpu.memory_space<hbm>> -> memref<1x64x128xf32, #tpu.memory_space<hbm>>
      %dma_start3A_91 = tpu.memref_squeeze %dma_start3A_90 : memref<1x64x128xf32, #tpu.memory_space<hbm>> -> memref<64x128xf32, #tpu.memory_space<hbm>>
      tpu.enqueue_dma source(%arg21 : memref<64x128xf32, #tpu.memory_space<vmem>>) target(%dma_start3A_91 : memref<64x128xf32, #tpu.memory_space<hbm>>) target_semaphore(%run_scoped3A : memref<!tpu.dma_semaphore, #tpu.memory_space<semaphore_mem>>)
      %dma_wait3A_92 = arith.constant 0 : i32
      %dma_wait3A_93 = tpu.memref_slice %arg5[%arg0, %add3A_81, %dma_wait3A_92] : memref<2x10240x128xf32, #tpu.memory_space<hbm>> -> memref<1x64x128xf32, #tpu.memory_space<hbm>>
      %dma_wait3A_94 = tpu.memref_squeeze %dma_wait3A_93 : memref<1x64x128xf32, #tpu.memory_space<hbm>> -> memref<64x128xf32, #tpu.memory_space<hbm>>
      %dma_wait3A_95 = arith.constant 0 : i32
      %dma_wait3A_96 = tpu.memref_slice %arg5[%arg0, %add3A_81, %dma_wait3A_95] : memref<2x10240x128xf32, #tpu.memory_space<hbm>> -> memref<1x64x128xf32, #tpu.memory_space<hbm>>
      %dma_wait3A_97 = tpu.memref_squeeze %dma_wait3A_96 : memref<1x64x128xf32, #tpu.memory_space<hbm>> -> memref<64x128xf32, #tpu.memory_space<hbm>>
      tpu.wait_dma2 semaphore(%run_scoped3A : memref<!tpu.dma_semaphore, #tpu.memory_space<semaphore_mem>>) src(%arg21 : memref<64x128xf32, #tpu.memory_space<vmem>>) dst(%dma_wait3A_97 : memref<64x128xf32, #tpu.memory_space<hbm>>)
      tpu.yield
    }) : () -> ()
    %add3A_82 = arith.constant 512 : i32
    %add3A_83 = arith.addi %mul3A_2, %add3A_82 : i32
    "tpu.region"() ({
      %run_scoped3A = tpu.sem_alloc : memref<!tpu.dma_semaphore, #tpu.memory_space<semaphore_mem>>
      %dma_start3A_86 = arith.constant 0 : i32
      %dma_start3A_87 = tpu.memref_slice %arg6[%add3A_83, %dma_start3A_86] : memref<10240x128xf32, #tpu.memory_space<vmem_shared>> -> memref<64x128xf32, #tpu.memory_space<vmem_shared>>
      %dma_start3A_88 = arith.constant 0 : i32
      %dma_start3A_89 = tpu.memref_slice %arg6[%add3A_83, %dma_start3A_88] : memref<10240x128xf32, #tpu.memory_space<vmem_shared>> -> memref<64x128xf32, #tpu.memory_space<vmem_shared>>
      tpu.enqueue_dma source(%dma_start3A_89 : memref<64x128xf32, #tpu.memory_space<vmem_shared>>) target(%arg21 : memref<64x128xf32, #tpu.memory_space<vmem>>) target_semaphore(%run_scoped3A : memref<!tpu.dma_semaphore, #tpu.memory_space<semaphore_mem>>)
      %dma_wait3A_90 = arith.constant 0 : i32
      %dma_wait3A_91 = tpu.memref_slice %arg6[%add3A_83, %dma_wait3A_90] : memref<10240x128xf32, #tpu.memory_space<vmem_shared>> -> memref<64x128xf32, #tpu.memory_space<vmem_shared>>
      %dma_wait3A_92 = arith.constant 0 : i32
      %dma_wait3A_93 = tpu.memref_slice %arg6[%add3A_83, %dma_wait3A_92] : memref<10240x128xf32, #tpu.memory_space<vmem_shared>> -> memref<64x128xf32, #tpu.memory_space<vmem_shared>>
      tpu.wait_dma2 semaphore(%run_scoped3A : memref<!tpu.dma_semaphore, #tpu.memory_space<semaphore_mem>>) src(%dma_wait3A_93 : memref<64x128xf32, #tpu.memory_space<vmem_shared>>) dst(%arg21 : memref<64x128xf32, #tpu.memory_space<vmem>>)
      tpu.yield
    }) : () -> ()
    "tpu.region"() ({
      %run_scoped3A = tpu.sem_alloc : memref<!tpu.dma_semaphore, #tpu.memory_space<semaphore_mem>>
      %dma_start3A_86 = arith.constant 0 : i32
      %dma_start3A_87 = tpu.memref_slice %arg5[%arg0, %add3A_83, %dma_start3A_86] : memref<2x10240x128xf32, #tpu.memory_space<hbm>> -> memref<1x64x128xf32, #tpu.memory_space<hbm>>
      %dma_start3A_88 = tpu.memref_squeeze %dma_start3A_87 : memref<1x64x128xf32, #tpu.memory_space<hbm>> -> memref<64x128xf32, #tpu.memory_space<hbm>>
      %dma_start3A_89 = arith.constant 0 : i32
      %dma_start3A_90 = tpu.memref_slice %arg5[%arg0, %add3A_83, %dma_start3A_89] : memref<2x10240x128xf32, #tpu.memory_space<hbm>> -> memref<1x64x128xf32, #tpu.memory_space<hbm>>
      %dma_start3A_91 = tpu.memref_squeeze %dma_start3A_90 : memref<1x64x128xf32, #tpu.memory_space<hbm>> -> memref<64x128xf32, #tpu.memory_space<hbm>>
      tpu.enqueue_dma source(%arg21 : memref<64x128xf32, #tpu.memory_space<vmem>>) target(%dma_start3A_91 : memref<64x128xf32, #tpu.memory_space<hbm>>) target_semaphore(%run_scoped3A : memref<!tpu.dma_semaphore, #tpu.memory_space<semaphore_mem>>)
      %dma_wait3A_92 = arith.constant 0 : i32
      %dma_wait3A_93 = tpu.memref_slice %arg5[%arg0, %add3A_83, %dma_wait3A_92] : memref<2x10240x128xf32, #tpu.memory_space<hbm>> -> memref<1x64x128xf32, #tpu.memory_space<hbm>>
      %dma_wait3A_94 = tpu.memref_squeeze %dma_wait3A_93 : memref<1x64x128xf32, #tpu.memory_space<hbm>> -> memref<64x128xf32, #tpu.memory_space<hbm>>
      %dma_wait3A_95 = arith.constant 0 : i32
      %dma_wait3A_96 = tpu.memref_slice %arg5[%arg0, %add3A_83, %dma_wait3A_95] : memref<2x10240x128xf32, #tpu.memory_space<hbm>> -> memref<1x64x128xf32, #tpu.memory_space<hbm>>
      %dma_wait3A_97 = tpu.memref_squeeze %dma_wait3A_96 : memref<1x64x128xf32, #tpu.memory_space<hbm>> -> memref<64x128xf32, #tpu.memory_space<hbm>>
      tpu.wait_dma2 semaphore(%run_scoped3A : memref<!tpu.dma_semaphore, #tpu.memory_space<semaphore_mem>>) src(%arg21 : memref<64x128xf32, #tpu.memory_space<vmem>>) dst(%dma_wait3A_97 : memref<64x128xf32, #tpu.memory_space<hbm>>)
      tpu.yield
    }) : () -> ()
    %add3A_84 = arith.constant 576 : i32
    %add3A_85 = arith.addi %mul3A_2, %add3A_84 : i32
    "tpu.region"() ({
      %run_scoped3A = tpu.sem_alloc : memref<!tpu.dma_semaphore, #tpu.memory_space<semaphore_mem>>
      %dma_start3A_86 = arith.constant 0 : i32
      %dma_start3A_87 = tpu.memref_slice %arg6[%add3A_85, %dma_start3A_86] : memref<10240x128xf32, #tpu.memory_space<vmem_shared>> -> memref<64x128xf32, #tpu.memory_space<vmem_shared>>
      %dma_start3A_88 = arith.constant 0 : i32
      %dma_start3A_89 = tpu.memref_slice %arg6[%add3A_85, %dma_start3A_88] : memref<10240x128xf32, #tpu.memory_space<vmem_shared>> -> memref<64x128xf32, #tpu.memory_space<vmem_shared>>
      tpu.enqueue_dma source(%dma_start3A_89 : memref<64x128xf32, #tpu.memory_space<vmem_shared>>) target(%arg21 : memref<64x128xf32, #tpu.memory_space<vmem>>) target_semaphore(%run_scoped3A : memref<!tpu.dma_semaphore, #tpu.memory_space<semaphore_mem>>)
      %dma_wait3A_90 = arith.constant 0 : i32
      %dma_wait3A_91 = tpu.memref_slice %arg6[%add3A_85, %dma_wait3A_90] : memref<10240x128xf32, #tpu.memory_space<vmem_shared>> -> memref<64x128xf32, #tpu.memory_space<vmem_shared>>
      %dma_wait3A_92 = arith.constant 0 : i32
      %dma_wait3A_93 = tpu.memref_slice %arg6[%add3A_85, %dma_wait3A_92] : memref<10240x128xf32, #tpu.memory_space<vmem_shared>> -> memref<64x128xf32, #tpu.memory_space<vmem_shared>>
      tpu.wait_dma2 semaphore(%run_scoped3A : memref<!tpu.dma_semaphore, #tpu.memory_space<semaphore_mem>>) src(%dma_wait3A_93 : memref<64x128xf32, #tpu.memory_space<vmem_shared>>) dst(%arg21 : memref<64x128xf32, #tpu.memory_space<vmem>>)
      tpu.yield
    }) : () -> ()
    "tpu.region"() ({
      %run_scoped3A = tpu.sem_alloc : memref<!tpu.dma_semaphore, #tpu.memory_space<semaphore_mem>>
      %dma_start3A_86 = arith.constant 0 : i32
      %dma_start3A_87 = tpu.memref_slice %arg5[%arg0, %add3A_85, %dma_start3A_86] : memref<2x10240x128xf32, #tpu.memory_space<hbm>> -> memref<1x64x128xf32, #tpu.memory_space<hbm>>
      %dma_start3A_88 = tpu.memref_squeeze %dma_start3A_87 : memref<1x64x128xf32, #tpu.memory_space<hbm>> -> memref<64x128xf32, #tpu.memory_space<hbm>>
      %dma_start3A_89 = arith.constant 0 : i32
      %dma_start3A_90 = tpu.memref_slice %arg5[%arg0, %add3A_85, %dma_start3A_89] : memref<2x10240x128xf32, #tpu.memory_space<hbm>> -> memref<1x64x128xf32, #tpu.memory_space<hbm>>
      %dma_start3A_91 = tpu.memref_squeeze %dma_start3A_90 : memref<1x64x128xf32, #tpu.memory_space<hbm>> -> memref<64x128xf32, #tpu.memory_space<hbm>>
      tpu.enqueue_dma source(%arg21 : memref<64x128xf32, #tpu.memory_space<vmem>>) target(%dma_start3A_91 : memref<64x128xf32, #tpu.memory_space<hbm>>) target_semaphore(%run_scoped3A : memref<!tpu.dma_semaphore, #tpu.memory_space<semaphore_mem>>)
      %dma_wait3A_92 = arith.constant 0 : i32
      %dma_wait3A_93 = tpu.memref_slice %arg5[%arg0, %add3A_85, %dma_wait3A_92] : memref<2x10240x128xf32, #tpu.memory_space<hbm>> -> memref<1x64x128xf32, #tpu.memory_space<hbm>>
      %dma_wait3A_94 = tpu.memref_squeeze %dma_wait3A_93 : memref<1x64x128xf32, #tpu.memory_space<hbm>> -> memref<64x128xf32, #tpu.memory_space<hbm>>
      %dma_wait3A_95 = arith.constant 0 : i32
      %dma_wait3A_96 = tpu.memref_slice %arg5[%arg0, %add3A_85, %dma_wait3A_95] : memref<2x10240x128xf32, #tpu.memory_space<hbm>> -> memref<1x64x128xf32, #tpu.memory_space<hbm>>
      %dma_wait3A_97 = tpu.memref_squeeze %dma_wait3A_96 : memref<1x64x128xf32, #tpu.memory_space<hbm>> -> memref<64x128xf32, #tpu.memory_space<hbm>>
      tpu.wait_dma2 semaphore(%run_scoped3A : memref<!tpu.dma_semaphore, #tpu.memory_space<semaphore_mem>>) src(%arg21 : memref<64x128xf32, #tpu.memory_space<vmem>>) dst(%dma_wait3A_97 : memref<64x128xf32, #tpu.memory_space<hbm>>)
      tpu.yield
    }) : () -> ()
    return
  }
}

module attributes {stable_mosaic.version = 14 : i64} {
  func.func @body(%arg0: memref<10000x128xf32, #tpu.memory_space<vmem>>, %arg1: memref<10240x128xf32, #tpu.memory_space<vmem>>, %arg2: memref<10240x128xf32, #tpu.memory_space<vmem>>, %arg3: memref<10240x128xf32, #tpu.memory_space<vmem>>, %arg4: memref<10240x128xf32, #tpu.memory_space<vmem>>, %arg5: memref<128x128xf32, #tpu.memory_space<vmem>>, %arg6: memref<128x128xf32, #tpu.memory_space<vmem>>, %arg7: memref<1x128xf32, #tpu.memory_space<vmem>>, %arg8: memref<1x128xf32, #tpu.memory_space<vmem>>, %arg9: memref<1x128xf32, #tpu.memory_space<vmem>>, %arg10: memref<10000x128xf32, #tpu.memory_space<vmem>>) attributes {dimension_semantics = [], scalar_prefetch = 0 : i64, scratch_operands = 0 : i64, tpu.core_type = #tpu.core_type<tc>} {
    %get3A = arith.constant 0 : index
    %get3A_0 = arith.constant 0 : index
    %get3A_1 = vector.load %arg0[%get3A, %get3A_0] : memref<10000x128xf32, #tpu.memory_space<vmem>>, vector<10000x128xf32>
    %get3A_2 = arith.constant 0 : index
    %get3A_3 = arith.constant 0 : index
    %get3A_4 = vector.load %arg3[%get3A_2, %get3A_3] : memref<10240x128xf32, #tpu.memory_space<vmem>>, vector<10000x1xf32>
    %get3A_5 = arith.constant 0 : index
    %get3A_6 = arith.constant 0 : index
    %get3A_7 = vector.load %arg4[%get3A_5, %get3A_6] : memref<10240x128xf32, #tpu.memory_space<vmem>>, vector<10000x1xf32>
    %add3A = arith.addf %get3A_4, %get3A_7 : vector<10000x1xf32>
    %add3A_8 = arith.constant 1.000000e+00 : f32
    %add3A_9 = vector.broadcast %add3A_8 : f32 to vector<10000x1xf32>
    %add3A_10 = arith.addf %add3A, %add3A_9 : vector<10000x1xf32>
    %get3A_11 = arith.constant 0 : index
    %get3A_12 = arith.constant 0 : index
    %get3A_13 = vector.load %arg1[%get3A_11, %get3A_12] : memref<10240x128xf32, #tpu.memory_space<vmem>>, vector<10000x128xf32>
    %get3A_14 = arith.constant 0 : index
    %get3A_15 = arith.constant 0 : index
    %get3A_16 = vector.load %arg2[%get3A_14, %get3A_15] : memref<10240x128xf32, #tpu.memory_space<vmem>>, vector<10000x128xf32>
    %add3A_17 = arith.addf %get3A_13, %get3A_16 : vector<10000x128xf32>
    %add3A_18 = arith.addf %add3A_17, %get3A_1 : vector<10000x128xf32>
    %div3A = vector.broadcast %add3A_10 : vector<10000x1xf32> to vector<10000x128xf32>
    %div3A_19 = arith.divf %add3A_18, %div3A : vector<10000x128xf32>
    %get3A_20 = arith.constant 0 : index
    %get3A_21 = arith.constant 0 : index
    %get3A_22 = vector.load %arg5[%get3A_20, %get3A_21] : memref<128x128xf32, #tpu.memory_space<vmem>>, vector<128x128xf32>
    %dot_general3A = arith.constant dense<0.000000e+00> : vector<10000x128xf32>
    %dot_general3A_23 = tpu.matmul %get3A_1, %get3A_22, %dot_general3A {dimension_numbers = #tpu.dot_dimension_numbers<[1], [0], [0], [1], [0, 0, 1, 1], [], []>, transpose_lhs_hint = false} : vector<10000x128xf32>, vector<128x128xf32>, vector<10000x128xf32> -> vector<10000x128xf32>
    %get3A_24 = arith.constant 0 : index
    %get3A_25 = arith.constant 0 : index
    %get3A_26 = vector.load %arg6[%get3A_24, %get3A_25] : memref<128x128xf32, #tpu.memory_space<vmem>>, vector<128x128xf32>
    %dot_general3A_27 = arith.constant dense<0.000000e+00> : vector<10000x128xf32>
    %dot_general3A_28 = tpu.matmul %div3A_19, %get3A_26, %dot_general3A_27 {dimension_numbers = #tpu.dot_dimension_numbers<[1], [0], [0], [1], [0, 0, 1, 1], [], []>, transpose_lhs_hint = false} : vector<10000x128xf32>, vector<128x128xf32>, vector<10000x128xf32> -> vector<10000x128xf32>
    %add3A_29 = arith.addf %dot_general3A_23, %dot_general3A_28 : vector<10000x128xf32>
    %get3A_30 = arith.constant 0 : index
    %get3A_31 = arith.constant 0 : index
    %get3A_32 = vector.load %arg7[%get3A_30, %get3A_31] : memref<1x128xf32, #tpu.memory_space<vmem>>, vector<1x128xf32>
    %add3A_33 = vector.broadcast %get3A_32 : vector<1x128xf32> to vector<10000x128xf32>
    %add3A_34 = arith.addf %add3A_29, %add3A_33 : vector<10000x128xf32>
    %mul3A = arith.mulf %add3A_34, %add3A_34 : vector<10000x128xf32>
    %reduce_sum3A = arith.constant dense<0.000000e+00> : vector<10000xf32>
    %reduce_sum3A_35 = vector.multi_reduction <add>, %mul3A, %reduce_sum3A [1] : vector<10000x128xf32> to vector<10000xf32>
    %broadcast_in_dim3A = vector.shape_cast %reduce_sum3A_35 : vector<10000xf32> to vector<10000x1xf32>
    %sqrt3A = math.sqrt %broadcast_in_dim3A : vector<10000x1xf32>
    %max3A = arith.constant 9.99999996E-13 : f32
    %max3A_36 = vector.broadcast %max3A : f32 to vector<10000x1xf32>
    %max3A_37 = arith.maximumf %sqrt3A, %max3A_36 : vector<10000x1xf32>
    %div3A_38 = vector.broadcast %max3A_37 : vector<10000x1xf32> to vector<10000x128xf32>
    %div3A_39 = arith.divf %add3A_34, %div3A_38 : vector<10000x128xf32>
    %reduce_sum3A_40 = arith.constant dense<0.000000e+00> : vector<128xf32>
    %reduce_sum3A_41 = vector.multi_reduction <add>, %div3A_39, %reduce_sum3A_40 [0] : vector<10000x128xf32> to vector<128xf32>
    %broadcast_in_dim3A_42 = vector.shape_cast %reduce_sum3A_41 : vector<128xf32> to vector<1x128xf32>
    %div3A_43 = arith.constant 1.000000e+04 : f32
    %div3A_44 = vector.broadcast %div3A_43 : f32 to vector<1x128xf32>
    %div3A_45 = arith.divf %broadcast_in_dim3A_42, %div3A_44 : vector<1x128xf32>
    %sub3A = vector.broadcast %div3A_45 : vector<1x128xf32> to vector<10000x128xf32>
    %sub3A_46 = arith.subf %div3A_39, %sub3A : vector<10000x128xf32>
    %integer_pow3A = arith.mulf %sub3A_46, %sub3A_46 : vector<10000x128xf32>
    %reduce_sum3A_47 = arith.constant dense<0.000000e+00> : vector<128xf32>
    %reduce_sum3A_48 = vector.multi_reduction <add>, %integer_pow3A, %reduce_sum3A_47 [0] : vector<10000x128xf32> to vector<128xf32>
    %broadcast_in_dim3A_49 = vector.shape_cast %reduce_sum3A_48 : vector<128xf32> to vector<1x128xf32>
    %div3A_50 = arith.constant 1.000000e+04 : f32
    %div3A_51 = vector.broadcast %div3A_50 : f32 to vector<1x128xf32>
    %div3A_52 = arith.divf %broadcast_in_dim3A_49, %div3A_51 : vector<1x128xf32>
    %sub3A_53 = vector.broadcast %div3A_45 : vector<1x128xf32> to vector<10000x128xf32>
    %sub3A_54 = arith.subf %div3A_39, %sub3A_53 : vector<10000x128xf32>
    %get3A_55 = arith.constant 0 : index
    %get3A_56 = arith.constant 0 : index
    %get3A_57 = vector.load %arg8[%get3A_55, %get3A_56] : memref<1x128xf32, #tpu.memory_space<vmem>>, vector<1x128xf32>
    %add3A_58 = arith.constant 9.99999974E-6 : f32
    %add3A_59 = vector.broadcast %add3A_58 : f32 to vector<1x128xf32>
    %add3A_60 = arith.addf %div3A_52, %add3A_59 : vector<1x128xf32>
    %rsqrt3A = math.rsqrt %add3A_60 : vector<1x128xf32>
    %mul3A_61 = arith.mulf %get3A_57, %rsqrt3A : vector<1x128xf32>
    %mul3A_62 = vector.broadcast %mul3A_61 : vector<1x128xf32> to vector<10000x128xf32>
    %mul3A_63 = arith.mulf %sub3A_54, %mul3A_62 : vector<10000x128xf32>
    %get3A_64 = arith.constant 0 : index
    %get3A_65 = arith.constant 0 : index
    %get3A_66 = vector.load %arg9[%get3A_64, %get3A_65] : memref<1x128xf32, #tpu.memory_space<vmem>>, vector<1x128xf32>
    %add3A_67 = vector.broadcast %get3A_66 : vector<1x128xf32> to vector<10000x128xf32>
    %add3A_68 = arith.addf %mul3A_63, %add3A_67 : vector<10000x128xf32>
    %add3A_69 = arith.addf %add3A_68, %get3A_1 : vector<10000x128xf32>
    %max3A_70 = arith.constant 0.000000e+00 : f32
    %max3A_71 = vector.broadcast %max3A_70 : f32 to vector<10000x128xf32>
    %max3A_72 = arith.maximumf %add3A_69, %max3A_71 : vector<10000x128xf32>
    %swap3A = arith.constant 0 : index
    %swap3A_73 = arith.constant 0 : index
    %swap3A_74 = vector.load %arg10[%swap3A, %swap3A_73] : memref<10000x128xf32, #tpu.memory_space<vmem>>, vector<10000x128xf32>
    tpu.vector_store %arg10[%swap3A, %swap3A_73], %max3A_72 {strides = array<i32>} : memref<10000x128xf32, #tpu.memory_space<vmem>>, vector<10000x128xf32>,
    return
  }
}

module attributes {stable_mosaic.version = 14 : i64} {
  func.func @body(%arg0: memref<10000x128xf32, #tpu.memory_space<vmem>>, %arg1: memref<128x128xf32, #tpu.memory_space<vmem>>, %arg2: memref<10000x128xf32, #tpu.memory_space<vmem>>) attributes {dimension_semantics = [], scalar_prefetch = 0 : i64, scratch_operands = 0 : i64, tpu.core_type = #tpu.core_type<tc>} {
    %get3A = arith.constant 0 : index
    %get3A_0 = arith.constant 0 : index
    %get3A_1 = vector.load %arg0[%get3A, %get3A_0] : memref<10000x128xf32, #tpu.memory_space<vmem>>, vector<10000x128xf32>
    %get3A_2 = arith.constant 0 : index
    %get3A_3 = arith.constant 0 : index
    %get3A_4 = vector.load %arg1[%get3A_2, %get3A_3] : memref<128x128xf32, #tpu.memory_space<vmem>>, vector<128x128xf32>
    %dot_general3A = arith.constant dense<0.000000e+00> : vector<10000x128xf32>
    %dot_general3A_5 = tpu.matmul %get3A_1, %get3A_4, %dot_general3A {dimension_numbers = #tpu.dot_dimension_numbers<[1], [0], [0], [1], [0, 0, 1, 1], [], []>, transpose_lhs_hint = false} : vector<10000x128xf32>, vector<128x128xf32>, vector<10000x128xf32> -> vector<10000x128xf32>
    %swap3A = arith.constant 0 : index
    %swap3A_6 = arith.constant 0 : index
    %swap3A_7 = vector.load %arg2[%swap3A, %swap3A_6] : memref<10000x128xf32, #tpu.memory_space<vmem>>, vector<10000x128xf32>
    tpu.vector_store %arg2[%swap3A, %swap3A_6], %dot_general3A_5 {strides = array<i32>} : memref<10000x128xf32, #tpu.memory_space<vmem>>, vector<10000x128xf32>,
    return
  }
}

module attributes {stable_mosaic.version = 14 : i64} {
  func.func @body(%arg0: memref<10000x128xf32, #tpu.memory_space<vmem>>, %arg1: memref<10240x128xf32, #tpu.memory_space<vmem>>, %arg2: memref<10240x128xf32, #tpu.memory_space<vmem>>, %arg3: memref<10240x128xf32, #tpu.memory_space<vmem>>, %arg4: memref<10240x128xf32, #tpu.memory_space<vmem>>, %arg5: memref<128x128xf32, #tpu.memory_space<vmem>>, %arg6: memref<128x128xf32, #tpu.memory_space<vmem>>, %arg7: memref<1x128xf32, #tpu.memory_space<vmem>>, %arg8: memref<1x128xf32, #tpu.memory_space<vmem>>, %arg9: memref<1x128xf32, #tpu.memory_space<vmem>>, %arg10: memref<10000x128xf32, #tpu.memory_space<vmem>>) attributes {dimension_semantics = [], scalar_prefetch = 0 : i64, scratch_operands = 0 : i64, tpu.core_type = #tpu.core_type<tc>} {
    %get3A = arith.constant 0 : index
    %get3A_0 = arith.constant 0 : index
    %get3A_1 = vector.load %arg0[%get3A, %get3A_0] : memref<10000x128xf32, #tpu.memory_space<vmem>>, vector<10000x128xf32>
    %get3A_2 = arith.constant 0 : index
    %get3A_3 = arith.constant 0 : index
    %get3A_4 = vector.load %arg3[%get3A_2, %get3A_3] : memref<10240x128xf32, #tpu.memory_space<vmem>>, vector<10000x1xf32>
    %get3A_5 = arith.constant 0 : index
    %get3A_6 = arith.constant 0 : index
    %get3A_7 = vector.load %arg4[%get3A_5, %get3A_6] : memref<10240x128xf32, #tpu.memory_space<vmem>>, vector<10000x1xf32>
    %add3A = arith.addf %get3A_4, %get3A_7 : vector<10000x1xf32>
    %add3A_8 = arith.constant 1.000000e+00 : f32
    %add3A_9 = vector.broadcast %add3A_8 : f32 to vector<10000x1xf32>
    %add3A_10 = arith.addf %add3A, %add3A_9 : vector<10000x1xf32>
    %get3A_11 = arith.constant 0 : index
    %get3A_12 = arith.constant 0 : index
    %get3A_13 = vector.load %arg1[%get3A_11, %get3A_12] : memref<10240x128xf32, #tpu.memory_space<vmem>>, vector<10000x128xf32>
    %get3A_14 = arith.constant 0 : index
    %get3A_15 = arith.constant 0 : index
    %get3A_16 = vector.load %arg2[%get3A_14, %get3A_15] : memref<10240x128xf32, #tpu.memory_space<vmem>>, vector<10000x128xf32>
    %add3A_17 = arith.addf %get3A_13, %get3A_16 : vector<10000x128xf32>
    %add3A_18 = arith.addf %add3A_17, %get3A_1 : vector<10000x128xf32>
    %div3A = vector.broadcast %add3A_10 : vector<10000x1xf32> to vector<10000x128xf32>
    %div3A_19 = arith.divf %add3A_18, %div3A : vector<10000x128xf32>
    %get3A_20 = arith.constant 0 : index
    %get3A_21 = arith.constant 0 : index
    %get3A_22 = vector.load %arg5[%get3A_20, %get3A_21] : memref<128x128xf32, #tpu.memory_space<vmem>>, vector<128x128xf32>
    %dot_general3A = arith.constant dense<0.000000e+00> : vector<10000x128xf32>
    %dot_general3A_23 = tpu.matmul %get3A_1, %get3A_22, %dot_general3A {dimension_numbers = #tpu.dot_dimension_numbers<[1], [0], [0], [1], [0, 0, 1, 1], [], []>, transpose_lhs_hint = false} : vector<10000x128xf32>, vector<128x128xf32>, vector<10000x128xf32> -> vector<10000x128xf32>
    %get3A_24 = arith.constant 0 : index
    %get3A_25 = arith.constant 0 : index
    %get3A_26 = vector.load %arg6[%get3A_24, %get3A_25] : memref<128x128xf32, #tpu.memory_space<vmem>>, vector<128x128xf32>
    %dot_general3A_27 = arith.constant dense<0.000000e+00> : vector<10000x128xf32>
    %dot_general3A_28 = tpu.matmul %div3A_19, %get3A_26, %dot_general3A_27 {dimension_numbers = #tpu.dot_dimension_numbers<[1], [0], [0], [1], [0, 0, 1, 1], [], []>, transpose_lhs_hint = false} : vector<10000x128xf32>, vector<128x128xf32>, vector<10000x128xf32> -> vector<10000x128xf32>
    %add3A_29 = arith.addf %dot_general3A_23, %dot_general3A_28 : vector<10000x128xf32>
    %get3A_30 = arith.constant 0 : index
    %get3A_31 = arith.constant 0 : index
    %get3A_32 = vector.load %arg7[%get3A_30, %get3A_31] : memref<1x128xf32, #tpu.memory_space<vmem>>, vector<1x128xf32>
    %add3A_33 = vector.broadcast %get3A_32 : vector<1x128xf32> to vector<10000x128xf32>
    %add3A_34 = arith.addf %add3A_29, %add3A_33 : vector<10000x128xf32>
    %mul3A = arith.mulf %add3A_34, %add3A_34 : vector<10000x128xf32>
    %reduce_sum3A = arith.constant dense<0.000000e+00> : vector<10000xf32>
    %reduce_sum3A_35 = vector.multi_reduction <add>, %mul3A, %reduce_sum3A [1] : vector<10000x128xf32> to vector<10000xf32>
    %broadcast_in_dim3A = vector.shape_cast %reduce_sum3A_35 : vector<10000xf32> to vector<10000x1xf32>
    %sqrt3A = math.sqrt %broadcast_in_dim3A : vector<10000x1xf32>
    %max3A = arith.constant 9.99999996E-13 : f32
    %max3A_36 = vector.broadcast %max3A : f32 to vector<10000x1xf32>
    %max3A_37 = arith.maximumf %sqrt3A, %max3A_36 : vector<10000x1xf32>
    %div3A_38 = vector.broadcast %max3A_37 : vector<10000x1xf32> to vector<10000x128xf32>
    %div3A_39 = arith.divf %add3A_34, %div3A_38 : vector<10000x128xf32>
    %reduce_sum3A_40 = arith.constant dense<0.000000e+00> : vector<128xf32>
    %reduce_sum3A_41 = vector.multi_reduction <add>, %div3A_39, %reduce_sum3A_40 [0] : vector<10000x128xf32> to vector<128xf32>
    %broadcast_in_dim3A_42 = vector.shape_cast %reduce_sum3A_41 : vector<128xf32> to vector<1x128xf32>
    %div3A_43 = arith.constant 1.000000e+04 : f32
    %div3A_44 = vector.broadcast %div3A_43 : f32 to vector<1x128xf32>
    %div3A_45 = arith.divf %broadcast_in_dim3A_42, %div3A_44 : vector<1x128xf32>
    %sub3A = vector.broadcast %div3A_45 : vector<1x128xf32> to vector<10000x128xf32>
    %sub3A_46 = arith.subf %div3A_39, %sub3A : vector<10000x128xf32>
    %integer_pow3A = arith.mulf %sub3A_46, %sub3A_46 : vector<10000x128xf32>
    %reduce_sum3A_47 = arith.constant dense<0.000000e+00> : vector<128xf32>
    %reduce_sum3A_48 = vector.multi_reduction <add>, %integer_pow3A, %reduce_sum3A_47 [0] : vector<10000x128xf32> to vector<128xf32>
    %broadcast_in_dim3A_49 = vector.shape_cast %reduce_sum3A_48 : vector<128xf32> to vector<1x128xf32>
    %div3A_50 = arith.constant 1.000000e+04 : f32
    %div3A_51 = vector.broadcast %div3A_50 : f32 to vector<1x128xf32>
    %div3A_52 = arith.divf %broadcast_in_dim3A_49, %div3A_51 : vector<1x128xf32>
    %sub3A_53 = vector.broadcast %div3A_45 : vector<1x128xf32> to vector<10000x128xf32>
    %sub3A_54 = arith.subf %div3A_39, %sub3A_53 : vector<10000x128xf32>
    %get3A_55 = arith.constant 0 : index
    %get3A_56 = arith.constant 0 : index
    %get3A_57 = vector.load %arg8[%get3A_55, %get3A_56] : memref<1x128xf32, #tpu.memory_space<vmem>>, vector<1x128xf32>
    %add3A_58 = arith.constant 9.99999974E-6 : f32
    %add3A_59 = vector.broadcast %add3A_58 : f32 to vector<1x128xf32>
    %add3A_60 = arith.addf %div3A_52, %add3A_59 : vector<1x128xf32>
    %rsqrt3A = math.rsqrt %add3A_60 : vector<1x128xf32>
    %mul3A_61 = arith.mulf %get3A_57, %rsqrt3A : vector<1x128xf32>
    %mul3A_62 = vector.broadcast %mul3A_61 : vector<1x128xf32> to vector<10000x128xf32>
    %mul3A_63 = arith.mulf %sub3A_54, %mul3A_62 : vector<10000x128xf32>
    %get3A_64 = arith.constant 0 : index
    %get3A_65 = arith.constant 0 : index
    %get3A_66 = vector.load %arg9[%get3A_64, %get3A_65] : memref<1x128xf32, #tpu.memory_space<vmem>>, vector<1x128xf32>
    %add3A_67 = vector.broadcast %get3A_66 : vector<1x128xf32> to vector<10000x128xf32>
    %add3A_68 = arith.addf %mul3A_63, %add3A_67 : vector<10000x128xf32>
    %add3A_69 = arith.addf %add3A_68, %get3A_1 : vector<10000x128xf32>
    %max3A_70 = arith.constant 0.000000e+00 : f32
    %max3A_71 = vector.broadcast %max3A_70 : f32 to vector<10000x128xf32>
    %max3A_72 = arith.maximumf %add3A_69, %max3A_71 : vector<10000x128xf32>
    %swap3A = arith.constant 0 : index
    %swap3A_73 = arith.constant 0 : index
    %swap3A_74 = vector.load %arg10[%swap3A, %swap3A_73] : memref<10000x128xf32, #tpu.memory_space<vmem>>, vector<10000x128xf32>
    tpu.vector_store %arg10[%swap3A, %swap3A_73], %max3A_72 {strides = array<i32>} : memref<10000x128xf32, #tpu.memory_space<vmem>>, vector<10000x128xf32>,
    return
  }
}

</mosaic_0001>

<sc_bundles>
// kernel: kernel.11.cloned.1.call-start
scs
__scs_entry_jumppad:
0x0: {  	(pc) =	sbr.rel $0x88, $3  }
0x1: {  	(tag) =	ssettag $0x0;
	lr =	simm.s32 $0x1  }
0x2: {  	[smem:$0x3F96] =	sst lr;
	_ =	strace $0xD0000000  }
0x3: {  	_ = 	snop  }
0x4: {  	_ = 	snop  }
0x5: {  	_ = 	snop  }
0x6: {  	_ = 	snop  }
0x7: {  	_ = 	snop  }
__scs_overlays_trampoline_lowered:
0x8: {  	[smem:$0x3FA5] =	sst s0  }
0x9: {  	[smem:$0x3FA6] =	sst s1  }
0xa: {  	[smem:$0x3FA7] =	sst s2  }
0xb: {  	[smem:$0x3FA8] =	sst s3  }
0xc: {  	[smem:$0x3FA9] =	sst s4  }
0xd: {  	[smem:$0x3FAA] =	sst s5  }
0xe: {  	[smem:$0x3FAB] =	sst s6  }
0xf: {  	[smem:$0x3FAC] =	sst s7  }
0x10: {  	[smem:$0x3FAD] =	sst s8  }
0x11: {  	[smem:$0x3FAE] =	sst s9;
	s0 =	simm.s32 @!p0 $0x0  }
0x12: {  	s1 =	sld [smem:$0x3F94];
	s0 =	simm.s32 @p0 $0x1  }
0x13: {  	[smem:$0x3FAF] =	sst s0;
	s0 =	simm.s32 @!p1 $0x0  }
0x14: {  	s2 =	sld [smem:$0x3F93];
	s0 =	simm.s32 @p1 $0x1  }
0x15: {  	[smem:$0x3FB0] =	sst s0;
	s0 =	simm.s32 @!p2 $0x0  }
0x16: {  	s3 =	sld [smem:$0x3FDB];
	s0 =	simm.s32 @p2 $0x1  }
0x17: {  	s4 =	simm.s32 $0x1BF5;
	[smem:$0x3FB2] =	sst s0  }
0x18: {  	s0 =	sld [smem:$0x3F95];
	_ =	swait.ge [sflag:s4], $0x0  }
0x19: {  	s7 =	sld [smem:$0x3F96]  }
0x1a: {  	s8 =	sadd.s32 $0xFFFFE003, lr  }
0x1b: {  	s9 =	sadd.s32 $0xFFFFFEF7, lr;
	s5 =	simm.s32 $0xFFFFFFFF;
	p2 =	slt.u32 s8, $0xFFFFF086  }
0x1c: {  	p1 =	slt.u32 s9, $0xF7A;
	s5 =	simm.s32 @!p2 $0x0  }
0x1d: {  	s5 =	simm.s32 @p1 $0x1;
	p0 =	seq.s32 s7, s2  }
0x1e: {  	s7 =	smul.u32 @!p0 $0xF7A, s2;
	p2 =	seq.s32 @!p0 s5, $0x0  }
0x1f: {  	s9 =	smul.u32 $0xF7A, s1;
	s8 =	simm.s32 @!p0 $0x1BF5;
	p2 =	por !p2, p0  }
0x20: {  	[sflag:s8] =	ssyncset.s32 @!p0 $0xFFFFF086;
	s6 =	sadd.s32 @!p0 s3, s7;
	s7 =	simm.s32 @!p0 $0x108  }
0x21: {  	s3 =	sadd.s32 s3, s9;
	s6 =	sadd.s32 @!p0 $0x88, s6;
	s7 =	simm.s32 @p2 $0x1082  }
0x22: {  	[simem:s7], [sflag:s8] =	dma.local @!p0 [hbm:s6], $0xF7A  }
0x23: {  	s9 =	sor.u32 $0xD0000000, s2;
	s6 =	simm.s32 $0x108;
	_ =	swait.ge @!p0 [sflag:s8], $0x0  }
0x24: {  	s3 =	sadd.s32 $0x88, s3;
	s6 =	simm.s32 @!p1 $0x1082;
	[sflag:s4] =	ssyncset.s32 $0xFFFFF086  }
0x25: {  	[simem:s6], [sflag:s4] =	dma.local [hbm:s3], $0xF7A  }
0x26: {  	[smem:$0x3F96] =	sst s1;
	(tag) =	ssettag s2;
	_ =	strace s9  }
0x27: {  	s1 =	sld [smem:$0x3FA6]  }
0x28: {  	s2 =	sld [smem:$0x3FA7]  }
0x29: {  	s4 =	sld [smem:$0x3FA9]  }
0x2a: {  	p0 =	seq.s32 s5, $0x0;
	s5 =	sld [smem:$0x3FAA]  }
0x2b: {  	s6 =	sld [smem:$0x3FAB]  }
0x2c: {  	s7 =	sld [smem:$0x3FAC]  }
0x2d: {  	s3 =	simm.s32 $0x108;
	s8 =	sld [smem:$0x3FAD]  }
0x2e: {  	s3 =	simm.s32 @!p0 $0x1082;
	s9 =	sld [smem:$0x3FAE]  }
0x2f: {  	lr =	sadd.s32 s0, s3;
	s0 =	sld [smem:$0x3FA5]  }
0x30: {  	s3 =	sld [smem:$0x3FA8]  }
0x31: {  	[smem:$0x3FB1] =	sst s10  }
0x32: {  	s10 =	sld [smem:$0x3FAF];
	_ =	sdelay $0x3  }
0x33: {  	p0 =	seq.s32 s10, $0x1;
	s10 =	sld [smem:$0x3FB1];
	_ =	sdelay $0x3  }
0x34: {  	[smem:$0x3FB1] =	sst s10  }
0x35: {  	s10 =	sld [smem:$0x3FB0];
	_ =	sdelay $0x3  }
0x36: {  	p1 =	seq.s32 s10, $0x1;
	s10 =	sld [smem:$0x3FB1];
	_ =	sdelay $0x3  }
0x37: {  	[smem:$0x3FB1] =	sst s10  }
0x38: {  	s10 =	sld [smem:$0x3FB2]  }
0x39: {  	_ = 	snop;
	(pc) =	sbr.ind lr, $3  }
0x3a: {  	_ = 	snop  }
0x3b: {  	_ = 	snop  }
0x3c: {  	p2 =	seq.s32 s10, $0x1;
	s10 =	sld [smem:$0x3FB1]  }
0x3d: {  	_ =	shalt  }
0x3e: {  	_ =	shalt  }
0x3f: {  	_ =	shalt  }
0x40: {  	_ =	shalt  }
0x41: {  	_ =	shalt  }
0x42: {  	_ =	shalt  }
0x43: {  	_ =	shalt  }
0x44: {  	_ =	shalt  }
0x45: {  	_ =	shalt  }
0x46: {  	_ =	shalt  }
0x47: {  	_ =	shalt  }
0x48: {  	_ =	shalt  }
0x49: {  	_ =	shalt  }
0x4a: {  	_ =	shalt  }
0x4b: {  	_ =	shalt  }
0x4c: {  	_ =	shalt  }
0x4d: {  	_ =	shalt  }
0x4e: {  	_ =	shalt  }
0x4f: {  	_ =	shalt  }
0x50: {  	_ =	shalt  }
0x51: {  	_ =	shalt  }
0x52: {  	_ =	shalt  }
0x53: {  	_ =	shalt  }
0x54: {  	_ =	shalt  }
0x55: {  	_ =	shalt  }
0x56: {  	_ =	shalt  }
0x57: {  	_ =	shalt  }
0x58: {  	_ =	shalt  }
0x59: {  	_ =	shalt  }
0x5a: {  	_ =	shalt  }
0x5b: {  	_ =	shalt  }
0x5c: {  	_ =	shalt  }
0x5d: {  	_ =	shalt  }
0x5e: {  	_ =	shalt  }
0x5f: {  	_ =	shalt  }
0x60: {  	_ =	shalt  }
0x61: {  	_ =	shalt  }
0x62: {  	_ =	shalt  }
0x63: {  	_ =	shalt  }
0x64: {  	_ =	shalt  }
0x65: {  	_ =	shalt  }
0x66: {  	_ =	shalt  }
0x67: {  	_ =	shalt  }
0x68: {  	_ =	shalt  }
0x69: {  	_ =	shalt  }
0x6a: {  	_ =	shalt  }
0x6b: {  	_ =	shalt  }
0x6c: {  	_ =	shalt  }
0x6d: {  	_ =	shalt  }
0x6e: {  	_ =	shalt  }
0x6f: {  	_ =	shalt  }
0x70: {  	_ =	shalt  }
0x71: {  	_ =	shalt  }
0x72: {  	_ =	shalt  }
0x73: {  	_ =	shalt  }
0x74: {  	_ =	shalt  }
0x75: {  	_ =	shalt  }
0x76: {  	_ =	shalt  }
0x77: {  	_ =	shalt  }
0x78: {  	_ =	shalt  }
0x79: {  	_ =	shalt  }
0x7a: {  	_ =	shalt  }
0x7b: {  	_ =	shalt  }
0x7c: {  	_ =	shalt  }
0x7d: {  	_ =	shalt  }
0x7e: {  	_ =	shalt  }
0x7f: {  	_ =	shalt  }
0x80: {  	_ =	shalt  }
0x81: {  	_ =	shalt  }
0x82: {  	_ =	shalt  }
0x83: {  	_ =	shalt  }
0x84: {  	_ =	shalt  }
0x85: {  	_ =	shalt  }
0x86: {  	_ =	shalt  }
0x87: {  	_ =	shalt  }
.Lfunc_end0:
.L_simem_size_0:
called_computation.1_lowered:
.L_overlay_start_0:
0x88: {  	s2 =	sld [smem:$0x3FD9]  }
0x89: {  	s3 =	sld [smem:$0x3FFE];
	_ =	sdelay $0x1  }
0x8a: {  	s1 =	srdreg.scid  }
0x8b: {  	s0 =	sand.u32 $0x1, s1  }
0x8c: {  	s17 =	sshll.u32 s0, $0xA;
	s2 =	sadd.s32 s3, s2  }
0x8d: {  	s2 =	sadd.s32 s2, s17  }
0x8e: {  	[smem:$0x3FBD] =	sst s2  }
0x8f: {  	_ = 	snop  }
0x90: {  	s2 =	sld [smem:$0x3FD0];
	(tm) =	ssettm $0x1  }
0x91: {  	s18 =	sld [smem:$0x3FFB];
	_ =	sdelay $0x3  }
0x92: {  	_ =	strace s18  }
0x93: {  	s3 =	sld [smem:$0x3FFC];
	_ =	sdelay $0x3  }
0x94: {  	_ =	strace s3  }
0x95: {  	s3 =	sld [smem:$0x3FFD];
	_ =	sdelay $0x3  }
0x96: {  	_ =	strace s3  }
0x97: {  	_ =	strace $0x8FFFFFFF  }
0x98: {  	s19 =	sld [smem:$0x3FDB];
	_ =	sdelay $0x1  }
0x99: {  	s4 =	simm.s32 $_scs_section_size  }
0x9a: {  	s5 =	simm.s32 $_size__tile_overlayer_lowered;
	s6 =	simm.s32 $_tile_overlayer_lowered  }
0x9b: {  	s22 =	simm.s32 $0x1BFF;
	s21 =	sshll.u32 s6, $0x1;
	s3 =	sadd.s32 s4, s19  }
0x9c: {  	s7 =	simm.s32 $0x0;
	s20 =	sshll.u32 s5, $0x1;
	s5 =	sadd.s32 s21, s3  }
0x9d: {  	[timem:s7], [sflag:s22] =	dma.local [hbm:s5], s20  }
0x9e: {  	_ =	swait.ge [sflag:s22], s20  }
0x9f: {  	s4 =	ssub.s32 $0x0, s20;
	[sflag:s22] =	ssyncset.done $0x0  }
0xa0: {  	[sflag:s22] =	ssyncadd.s32 s4;
	_ =	sdelay $0x1  }
0xa1: {  	s23 =	simm.s32 $0x1B8B  }
0xa2: {  	_ =	swait.ge [sflag:s23], $0x1  }
0xa3: {  	[sflag:s23] =	ssyncset.done $0x0  }
0xa4: {  	s25 =	simm.s32 $0x1B8E;
	s24 =	sld [smem:$0x3FFE];
	[sflag:s23] =	ssyncadd.s32 $0xFFFFFFFF  }
0xa5: {  	s26 =	simm.s32 $execute0_lowered;
	[smem:$0x3FD2] =	sst s25  }
0xa6: {  	s5 =	sshll.u32 s26, $0x1;
	_ =	strace $0x80000046;
	[dreg:$0x1] =	wrdreg $0xFFFFFFFF  }
0xa7: {  	s28 =	simm.s32 $_size_execute0_lowered;
	s3 =	sadd.s32 s3, s5;
	[dreg:$0x0] =	wrdreg $0x0  }
0xa8: {  	s5 =	sshll.u32 s28, $0x1;
	[dreg:$0x2] =	wrdreg s3  }
0xa9: {  	[dreg:$0x3] =	wrdreg s5  }
0xaa: {  	[dreg:$0x4] =	wrdreg $0xC0  }
0xab: {  	_ =	task [dreg:s7], $0x5FFFF  }
0xac: {  	[dreg:$0x1] =	wrdreg $0xFFFFFFFF  }
0xad: {  	[dreg:$0x0] =	wrdreg $0x60  }
0xae: {  	[dreg:$0x2] =	wrdreg s2  }
0xaf: {  	[dreg:$0x3] =	wrdreg s24  }
0xb0: {  	[dreg:$0x4] =	wrdreg $0x0  }
0xb1: {  	[dreg:$0x5] =	wrdreg $0xA  }
0xb2: {  	_ =	task.clear_ibuf [dreg:s7], $0x6FFFF;
	_ =	strace $0x90000046  }
0xb3: {  	s29 =	simm.s32 $0xA;
	_ =	strace $0x80000048  }
0xb4: {  	_ =	swait.ge [sflag:s29], $0x1  }
0xb5: {  	[sflag:s29] =	ssyncadd.s32 $0xFFFFFFFF  }
0xb6: {  	_ =	strace $0x90000048  }
0xb7: {  	_ =	sfence  }
0xb8: {  	s30 =	sld [smem:$0x0];
	_ =	sdelay $0x2  }
0xb9: {  	s31 =	sshll.u32 s1, $0xD;
	s1 =	sshrl.u32 s1, $0x2  }
0xba: {  	s3 =	sand.u32 $0x4000, s31;
	s1 =	sadd.s32 s1, s30  }
0xbb: {  	s0 =	sor.u32 s3, s0;
	s1 =	sshll.u32 s1, $0x11  }
0xbc: {  	s0 =	sor.u32 s1, s0  }
0xbd: {  	s0 =	sadd.s32 $0x8F2B, s0  }
0xbe: {  	[sflag:s0] =	ssyncadd.remote.s32 $0x1  }
0xbf: {  	_ =	sfence.sel $0xFFFF  }
0xc0: {  	[dreg:$0x0] =	wrdreg $0xFFFFFFFF;
	(pc) =	sbr.abs _section_cstart, $3  }
0xc1: {  	[dreg:$0x1] =	wrdreg $0xFFFFFFFF  }
0xc2: {  	_ =	task.clear_ibuf [dreg:s7], $0x2FFFF;
	_ =	strace $0x9FFFFFFF  }
0xc3: {  	(tm) =	ssettm $0x7FFFFFFF  }
tec
execute0_lowered:
.L_overlay_start_1:
0x0: {  	(tag) =	ssettag $0x1  }
0x1: {  	s0 =	srdreg.scid;
	s2 =	rddreg [dreg:$0x1];
	s1 =	simm.s32 $0x0  }
0x2: {  	s16 =	stileid.u32;
	s29 =	simm.s32 $0x1CA80;
	s3 =	sand.u32 $0x1, s0  }
0x3: {  	[smem:$0x7FF] =	sst s1;
	s5 =	sshll.u32 s16, $0x1;
	s6 =	smul.u32 $0x14000, s16  }
0x4: {  	s7 =	sadd.s32 $0x17C00, s2;
	s0 =	ssub.s32 $0x2, s3;
	s13 =	smul.u32 $0x140000, s3  }
0x5: {  	s4 =	sshrl.u32 s0, $0x1;
	s8 =	sadd.s32 $0x4000, s6;
	s9 =	sadd.s32 $0x6000, s6  }
0x6: {  	s10 =	sadd.s32 $0x8000, s6;
	s11 =	sadd.s32 $0xA000, s6;
	s14 =	sadd.s32 $0xC000, s6  }
0x7: {  	s17 =	sadd.s32 $0xE000, s6;
	s18 =	sadd.s32 $0x10000, s6;
	s19 =	sadd.s32 $0x12000, s6  }
0x8: {  	s0 =	ssub.s32 s0, s4;
	s4 =	sor.u32 s3, s5;
	s5 =	sor.u32 $0x2000, s6  }
0x9: {  	s6 =	sadd.s32 s6, s13;
	s15 =	sadd.s32 s13, s8;
	s23 =	sadd.s32 s13, s9  }
0xa: {  	s24 =	sadd.s32 s13, s10;
	s25 =	sadd.s32 s13, s11;
	s20 =	sadd.s32 s13, s17  }
0xb: {  	s3 =	smul.u32 $0x2710, s3;
	s12 =	sadd.s32 s13, s5;
	s6 =	sshrl.u32 s6, $0x3  }
0xc: {  	s22 =	sshrl.u32 s15, $0x3;
	s12 =	sshrl.u32 s12, $0x3;
	s6 =	sadd.s32 s7, s6  }
0xd: {  	s15 =	sadd.s32 s13, s14;
	[dreg:$0x4] =	wrdreg s6;
	s21 =	sadd.s32 s7, s12  }
0xe: {  	s0 =	smax.u32 s0, $0x1;
	s6 =	sadd.s32 s7, s22;
	[dreg:$0x5] =	wrdreg s21  }
0xf: {  	s12 =	sshrl.u32 s24, $0x3;
	s24 =	sadd.s32 s13, s19;
	[dreg:$0x6] =	wrdreg s6  }
0x10: {  	s6 =	sshrl.u32 s23, $0x3;
	s26 =	sadd.s32 s7, s12;
	s12 =	sshrl.u32 s25, $0x3  }
0x11: {  	s21 =	sadd.s32 s13, s18;
	s13 =	rddreg [dreg:$0x2];
	s25 =	smul.u32 $0x4E20, s16  }
0x12: {  	s16 =	smul.u32 $0x50000, s16;
	s6 =	sadd.s32 s7, s6;
	[dreg:$0x8] =	wrdreg s26  }
0x13: {  	s23 =	sshrl.u32 s21, $0x3;
	[dreg:$0x7] =	wrdreg s6;
	s6 =	sadd.s32 s7, s12  }
0x14: {  	s12 =	sshrl.u32 s20, $0x3;
	[dreg:$0x9] =	wrdreg s6;
	s6 =	sshrl.u32 s15, $0x3  }
0x15: {  	s22 =	sadd.s32 s7, s12;
	s12 =	rddreg [dreg:$0x0];
	s6 =	sadd.s32 s7, s6  }
0x16: {  	s28 =	sadd.s32 s18, s13;
	[dreg:$0xa] =	wrdreg s6;
	s6 =	sadd.s32 s7, s23  }
0x17: {  	s26 =	sshrl.u32 s16, $0x2;
	[dreg:$0xc] =	wrdreg s6;
	s6 =	sshrl.u32 s24, $0x3  }
0x18: {  	s16 =	sadd.s32 $0x3C00, s2;
	[dreg:$0xb] =	wrdreg s22;
	s6 =	sadd.s32 s7, s6  }
0x19: {  	s15 =	sadd.s32 $0xDA00, s2;
	s2 =	sadd.s32 $0x17800, s2;
	[dreg:$0xd] =	wrdreg s6  }
0x1a: {  	s3 =	sadd.s32 s3, s25;
	_ =	strace $0x80000047;
	[dreg:$0xe] =	wrdreg s2  }
0x1b: {  	s18 =	sadd.s32 s19, s13;
	s19 =	sadd.s32 $0x100, s3;
	[dreg:$0x1c] =	wrdreg s0  }
0x1c: {  	s30 =	simm.s32 $0x14100;
	s24 =	sadd.s32 s11, s13;
	[dreg:$0x1d] =	wrdreg s19  }
0x1d: {  	s31 =	simm.s32 $0x4;
	s6 =	sadd.s32 s10, s13;
	[dreg:$0xf] =	wrdreg s24  }
0x1e: {  	s4 =	smul.u32 $0x2710, s4;
	s25 =	sadd.s32 s14, s13;
	[dreg:$0x10] =	wrdreg s6  }
0x1f: {  	s20 =	sadd.s32 s26, s13;
	s26 =	sadd.s32 s17, s13;
	[dreg:$0x11] =	wrdreg s25  }
0x20: {  	s21 =	sadd.s32 s5, s13;
	s14 =	sadd.s32 $0x180, s3;
	[dreg:$0x12] =	wrdreg s26  }
0x21: {  	s3 =	simm.s32 $0x2;
	s23 =	sadd.s32 s9, s13;
	[dreg:$0x13] =	wrdreg s28  }
0x22: {  	s22 =	sadd.s32 s8, s13;
	s17 =	sshrl.u32 s14, $0x3;
	[dreg:$0x14] =	wrdreg s23  }
0x23: {  	s14 =	simm.s32 $0x80;
	s5 =	sadd.s32 s17, s15;
	[dreg:$0x15] =	wrdreg s18  }
0x24: {  	s2 =	sshrl.u32 s4, $0x3;
	s19 =	simm.s32 $0x0;
	[dreg:$0x1f] =	wrdreg s20  }
0x25: {  	s0 =	simm.s32 $0x1;
	s7 =	sadd.s32 s15, s2;
	[dreg:$0x1e] =	wrdreg s19  }
0x26: {  	s8 =	sadd.s32 $0x10, s2;
	s9 =	sadd.s32 s16, s2;
	[dreg:$0x16] =	wrdreg s7  }
0x27: {  	s2 =	sadd.s32 $0x4E0, s2;
	[dreg:$0x17] =	wrdreg s9;
	s10 =	sadd.s32 s15, s8  }
0x28: {  	s4 =	sadd.s32 s16, s8;
	s11 =	sadd.s32 s15, s2;
	[dreg:$0x18] =	wrdreg s10  }
0x29: {  	s2 =	sadd.s32 s16, s2;
	s7 =	simm.s32 $0x1CB00;
	[dreg:$0x19] =	wrdreg s4  }
0x2a: {  	s8 =	simm.s32 $0x5;
	s9 =	simm.s32 $0x1CA00;
	[dreg:$0x1a] =	wrdreg s11  }
0x2b: {  	[dreg:$0x1b] =	wrdreg s2;
	s4 =	sadd.s32 s17, s16;
	s10 =	simm.s32 $0x14080  }
0x2c: {  	s17 =	simm.s32 $0x14180;
	s11 =	simm.s32 $0x18180;
	s2 =	simm.s32 $0x3  }
.LBB2_1:
0x2d: {  	s19 =	rddreg [dreg:$0xe]  }
0x2e: {  	[tilespmem:s7], [sflag:$0x5] =	stream.linear.gather [hbm4b:s19+s1], $0x2000, $0x38;
	[tilespmem:$0x1EB00] =	vst v63  }
0x2f: {  	_ =	swait.ge [sflag:s8], $0x2000  }
0x30: {  	[sflag:s8] =	ssyncset.done $0x0  }
0x31: {  	[sflag:s8] =	ssyncadd.s32 $0xFFFFE000  }
0x32: {  	[spmem:s20] =	stream.linear.scatter [tilespmem:s7], [sflag:$0x5], $0x2000, $0x38;
	[tilespmem:$0x1EB00] =	vst v63  }
0x33: {  	_ =	swait.ge [sflag:s8], $0x2000  }
0x34: {  	[sflag:s8] =	ssyncset.done $0x0  }
0x35: {  	[sflag:s8] =	ssyncadd.s32 $0xFFFFE000  }
0x36: {  	[spmem:s21] =	stream.linear.scatter [tilespmem:s7], [sflag:$0x5], $0x2000, $0x38;
	[tilespmem:$0x1EB00] =	vst v63  }
0x37: {  	_ =	swait.ge [sflag:s8], $0x2000  }
0x38: {  	[sflag:s8] =	ssyncset.done $0x0  }
0x39: {  	[sflag:s8] =	ssyncadd.s32 $0xFFFFE000  }
0x3a: {  	[spmem:s22] =	stream.linear.scatter [tilespmem:s7], [sflag:$0x5], $0x2000, $0x38;
	[tilespmem:$0x1EB00] =	vst v63  }
0x3b: {  	_ =	swait.ge [sflag:s8], $0x2000  }
0x3c: {  	[sflag:s8] =	ssyncset.done $0x0  }
0x3d: {  	[sflag:s8] =	ssyncadd.s32 $0xFFFFE000  }
0x3e: {  	[spmem:s23] =	stream.linear.scatter [tilespmem:s7], [sflag:$0x5], $0x2000, $0x38;
	[tilespmem:$0x1EB00] =	vst v63  }
0x3f: {  	_ =	swait.ge [sflag:s8], $0x2000  }
0x40: {  	[sflag:s8] =	ssyncset.done $0x0  }
0x41: {  	s19 =	smov.u32 s6;
	[sflag:s8] =	ssyncadd.s32 $0xFFFFE000  }
0x42: {  	[spmem:s19] =	stream.linear.scatter [tilespmem:s7], [sflag:$0x5], $0x2000, $0x38;
	[tilespmem:$0x1EB00] =	vst v63  }
0x43: {  	_ =	swait.ge [sflag:s8], $0x2000  }
0x44: {  	[sflag:s8] =	ssyncset.done $0x0  }
0x45: {  	[sflag:s8] =	ssyncadd.s32 $0xFFFFE000  }
0x46: {  	[spmem:s24] =	stream.linear.scatter [tilespmem:s7], [sflag:$0x5], $0x2000, $0x38;
	[tilespmem:$0x1EB00] =	vst v63  }
0x47: {  	_ =	swait.ge [sflag:s8], $0x2000  }
0x48: {  	[sflag:s8] =	ssyncset.done $0x0  }
0x49: {  	s6 =	smov.u32 s20;
	s20 =	smov.u32 s25;
	[sflag:s8] =	ssyncadd.s32 $0xFFFFE000  }
0x4a: {  	[spmem:s20] =	stream.linear.scatter [tilespmem:s7], [sflag:$0x5], $0x2000, $0x38;
	[tilespmem:$0x1EB00] =	vst v63  }
0x4b: {  	_ =	swait.ge [sflag:s8], $0x2000  }
0x4c: {  	[sflag:s8] =	ssyncset.done $0x0  }
0x4d: {  	s25 =	smov.u32 s21;
	s21 =	smov.u32 s26;
	[sflag:s8] =	ssyncadd.s32 $0xFFFFE000  }
0x4e: {  	[spmem:s21] =	stream.linear.scatter [tilespmem:s7], [sflag:$0x5], $0x2000, $0x38;
	[tilespmem:$0x1EB00] =	vst v63  }
0x4f: {  	_ =	swait.ge [sflag:s8], $0x2000  }
0x50: {  	[sflag:s8] =	ssyncset.done $0x0  }
0x51: {  	[sflag:s8] =	ssyncadd.s32 $0xFFFFE000  }
0x52: {  	[spmem:s28] =	stream.linear.scatter [tilespmem:s7], [sflag:$0x5], $0x2000, $0x38;
	[tilespmem:$0x1EB00] =	vst v63  }
0x53: {  	_ =	swait.ge [sflag:s8], $0x2000  }
0x54: {  	[sflag:s8] =	ssyncset.done $0x0  }
0x55: {  	[sflag:s8] =	ssyncadd.s32 $0xFFFFE000  }
0x56: {  	[spmem:s18] =	stream.linear.scatter [tilespmem:s7], [sflag:$0x5], $0x2000, $0x38;
	[tilespmem:$0x1EB00] =	vst v63  }
0x57: {  	_ =	swait.ge [sflag:s8], $0x2000  }
0x58: {  	[sflag:s8] =	ssyncset.done $0x0  }
0x59: {  	[sflag:s8] =	ssyncadd.s32 $0xFFFFE000  }
0x5a: {  	[bflag:$0x0] =	sbarrier.arrive $0xFFFF  }
0x5b: {  	s28 =	rddreg [dreg:$0x16]  }
0x5c: {  	[tilespmem:s9], [sflag:$0x5] =	stream.linear.gather [hbm4b:s28+s1], $0x80, $0x38;
	[tilespmem:$0x1EB00] =	vst v63  }
0x5d: {  	_ =	swait.ge [sflag:s8], $0x80  }
0x5e: {  	[sflag:s8] =	ssyncset.done $0x0  }
0x5f: {  	s19 =	rddreg [dreg:$0x17];
	[sflag:s8] =	ssyncadd.s32 $0xFFFFFF80  }
0x60: {  	[tilespmem:s10], [sflag:$0x5] =	stream.linear.gather [hbm4b:s19+s1], $0x80, $0x38;
	[tilespmem:$0x1EB00] =	vst v63  }
0x61: {  	_ =	swait.ge [sflag:s8], $0x80  }
0x62: {  	[sflag:s8] =	ssyncset.done $0x0  }
0x63: {  	[sflag:s8] =	ssyncadd.s32 $0xFFFFFF80  }
0x64: {  	[tilespmem:s17], [sflag:$0x1] =	stream.indirect.gather [hbm4b:s12+s14], $0x80, s9, s14, $0xb8;
	[tilespmem:$0x1EB00] =	vst v63  }
0x65: {  	s20 =	rddreg [dreg:$0x18]  }
0x66: {  	[tilespmem:s29], [sflag:$0x4] =	stream.linear.gather [hbm4b:s20+s1], $0x80, $0x38;
	[tilespmem:$0x1EB00] =	vst v63  }
0x67: {  	s21 =	rddreg [dreg:$0x19]  }
0x68: {  	[tilespmem:s30], [sflag:$0x4] =	stream.linear.gather [hbm4b:s21+s1], $0x80, $0x38;
	[tilespmem:$0x1EB00] =	vst v63  }
0x69: {  	_ =	swait.ge [sflag:s31], $0x80  }
0x6a: {  	[sflag:s31] =	ssyncset.done $0x0  }
0x6b: {  	[sflag:s31] =	ssyncadd.s32 $0xFFFFFF80  }
0x6c: {  	_ =	swait.ge [sflag:s31], $0x80  }
0x6d: {  	[sflag:s31] =	ssyncset.done $0x0  }
0x6e: {  	[sflag:s31] =	ssyncadd.s32 $0xFFFFFF80  }
0x6f: {  	[tilespmem:s11], [sflag:$0x2] =	stream.indirect.gather [hbm4b:s12+s14], $0x80, s29, s14, $0xb8;
	[tilespmem:$0x1EB00] =	vst v63  }
0x70: {  	_ =	swait.ge [sflag:s0], $0x4000  }
0x71: {  	[sflag:s0] =	ssyncset.done $0x0  }
0x72: {  	[sflag:s0] =	ssyncadd.s32 $0xFFFFC000  }
0x73: {  	[spmem:s13] =	stream.indirect.scatter.add.f32 [tilespmem:s17], [sflag:$0x5], $0x80, s10, s14, $0xb8;
	[tilespmem:$0x1EB00] =	vst v63  }
0x74: {  	_ =	swait.ge [sflag:s8], $0x4000  }
0x75: {  	s26 =	smov.u32 s22;
	s22 =	rddreg [dreg:$0x1d]  }
0x76: {  	[sflag:s8] =	ssyncset.done $0x0;
	s23 =	sshrl.u32 s22, $0x3  }
0x77: {  	[sflag:s8] =	ssyncadd.s32 $0xFFFFC000;
	s24 =	sadd.s32 s15, s23  }
0x78: {  	[tilespmem:s9], [sflag:$0x3] =	stream.linear.gather [hbm4b:s24+s1], $0x80, $0x38;
	[tilespmem:$0x1EB00] =	vst v63  }
0x79: {  	s19 =	sadd.s32 s16, s23  }
0x7a: {  	[tilespmem:s10], [sflag:$0x3] =	stream.linear.gather [hbm4b:s19+s1], $0x80, $0x38;
	[tilespmem:$0x1EB00] =	vst v63  }
0x7b: {  	_ =	swait.ge [sflag:s2], $0x80  }
0x7c: {  	[sflag:s2] =	ssyncset.done $0x0  }
0x7d: {  	[sflag:s2] =	ssyncadd.s32 $0xFFFFFF80  }
0x7e: {  	_ =	swait.ge [sflag:s2], $0x80  }
0x7f: {  	[sflag:s2] =	ssyncset.done $0x0  }
0x80: {  	[sflag:s2] =	ssyncadd.s32 $0xFFFFFF80  }
0x81: {  	[tilespmem:s17], [sflag:$0x1] =	stream.indirect.gather [hbm4b:s12+s14], $0x80, s9, s14, $0xb8;
	[tilespmem:$0x1EB00] =	vst v63  }
0x82: {  	_ =	swait.ge [sflag:s3], $0x4000  }
0x83: {  	[sflag:s3] =	ssyncset.done $0x0  }
0x84: {  	[sflag:s3] =	ssyncadd.s32 $0xFFFFC000  }
0x85: {  	[spmem:s13] =	stream.indirect.scatter.add.f32 [tilespmem:s11], [sflag:$0x5], $0x80, s30, s14, $0xb8;
	[tilespmem:$0x1EB00] =	vst v63  }
0x86: {  	_ =	swait.ge [sflag:s8], $0x4000  }
0x87: {  	s28 =	sadd.s32 $0x0, s5;
	s21 =	sadd.s32 $0x0, s4;
	[sflag:s8] =	ssyncset.done $0x0  }
0x88: {  	s20 =	sadd.s32 $0x100, s22;
	s19 =	simm.s32 $0x20;
	[sflag:s8] =	ssyncadd.s32 $0xFFFFC000  }
0x89: {  	[tilespmem:s29], [sflag:$0x4] =	stream.linear.gather [hbm4b:s28+s1], $0x80, $0x38;
	[tilespmem:$0x1EB00] =	vst v63  }
.LBB2_2:
0x8a: {  	[tilespmem:s30], [sflag:$0x4] =	stream.linear.gather [hbm4b:s21+s1], $0x80, $0x38;
	[tilespmem:$0x1EB00] =	vst v63  }
0x8b: {  	s21 =	smov.u32 s19  }
0x8c: {  	p0 =	sne.s32 s19, $0x4C0;
	s19 =	sadd.s32 $0x20, s19;
	_ =	swait.ge [sflag:s31], $0x80  }
0x8d: {  	[sflag:s31] =	ssyncset.done $0x0  }
0x8e: {  	[sflag:s31] =	ssyncadd.s32 $0xFFFFFF80  }
0x8f: {  	_ =	swait.ge [sflag:s31], $0x80  }
0x90: {  	[sflag:s31] =	ssyncset.done $0x0  }
0x91: {  	[sflag:s31] =	ssyncadd.s32 $0xFFFFFF80  }
0x92: {  	[tilespmem:s11], [sflag:$0x2] =	stream.indirect.gather [hbm4b:s12+s14], $0x80, s29, s14, $0xb8;
	[tilespmem:$0x1EB00] =	vst v63  }
0x93: {  	_ =	swait.ge [sflag:s0], $0x4000  }
0x94: {  	[sflag:s0] =	ssyncset.done $0x0  }
0x95: {  	[sflag:s0] =	ssyncadd.s32 $0xFFFFC000  }
0x96: {  	[spmem:s13] =	stream.indirect.scatter.add.f32 [tilespmem:s17], [sflag:$0x5], $0x80, s10, s14, $0xb8;
	[tilespmem:$0x1EB00] =	vst v63  }
0x97: {  	_ =	swait.ge [sflag:s8], $0x4000  }
0x98: {  	s22 =	sshrl.u32 s20, $0x3;
	[sflag:s8] =	ssyncset.done $0x0  }
0x99: {  	s23 =	sadd.s32 s15, s22;
	[sflag:s8] =	ssyncadd.s32 $0xFFFFC000  }
0x9a: {  	[tilespmem:s9], [sflag:$0x3] =	stream.linear.gather [hbm4b:s23+s1], $0x80, $0x38;
	[tilespmem:$0x1EB00] =	vst v63  }
0x9b: {  	s22 =	sadd.s32 s16, s22  }
0x9c: {  	[tilespmem:s10], [sflag:$0x3] =	stream.linear.gather [hbm4b:s22+s1], $0x80, $0x38;
	[tilespmem:$0x1EB00] =	vst v63  }
0x9d: {  	_ =	swait.ge [sflag:s2], $0x80  }
0x9e: {  	[sflag:s2] =	ssyncset.done $0x0  }
0x9f: {  	[sflag:s2] =	ssyncadd.s32 $0xFFFFFF80  }
0xa0: {  	_ =	swait.ge [sflag:s2], $0x80  }
0xa1: {  	[sflag:s2] =	ssyncset.done $0x0  }
0xa2: {  	[sflag:s2] =	ssyncadd.s32 $0xFFFFFF80  }
0xa3: {  	[tilespmem:s17], [sflag:$0x1] =	stream.indirect.gather [hbm4b:s12+s14], $0x80, s9, s14, $0xb8;
	[tilespmem:$0x1EB00] =	vst v63  }
0xa4: {  	_ =	swait.ge [sflag:s3], $0x4000  }
0xa5: {  	[sflag:s3] =	ssyncset.done $0x0  }
0xa6: {  	[sflag:s3] =	ssyncadd.s32 $0xFFFFC000  }
0xa7: {  	[spmem:s13] =	stream.indirect.scatter.add.f32 [tilespmem:s11], [sflag:$0x5], $0x80, s30, s14, $0xb8;
	[tilespmem:$0x1EB00] =	vst v63  }
.Ltmp0:
0xa8: {  	_ =	swait.ge [sflag:s8], $0x4000;
	(pc) =	sbr.rel @p0 .LBB2_2-.Ltmp0, $4  }
0xa9: {  	[sflag:s8] =	ssyncset.done $0x0  }
0xaa: {  	s22 =	sadd.s32 s21, s5;
	[sflag:s8] =	ssyncadd.s32 $0xFFFFC000  }
0xab: {  	[tilespmem:s29], [sflag:$0x4] =	stream.linear.gather [hbm4b:s22+s1], $0x80, $0x38;
	[tilespmem:$0x1EB00] =	vst v63  }
0xac: {  	s20 =	sadd.s32 $0x100, s20;
	s21 =	sadd.s32 s21, s4  }
0xad: {  	[tilespmem:s30], [sflag:$0x4] =	stream.linear.gather [hbm4b:s21+s1], $0x80, $0x38;
	[tilespmem:$0x1EB00] =	vst v63  }
0xae: {  	_ =	swait.ge [sflag:s0], $0x4000  }
0xaf: {  	[sflag:s0] =	ssyncset.done $0x0  }
0xb0: {  	[sflag:s0] =	ssyncadd.s32 $0xFFFFC000  }
0xb1: {  	_ =	swait.ge [sflag:s31], $0x80  }
0xb2: {  	[sflag:s31] =	ssyncset.done $0x0  }
0xb3: {  	[sflag:s31] =	ssyncadd.s32 $0xFFFFFF80  }
0xb4: {  	_ =	swait.ge [sflag:s31], $0x80  }
0xb5: {  	[sflag:s31] =	ssyncset.done $0x0  }
0xb6: {  	s19 =	simm.s32 $0x1C980;
	s18 =	rddreg [dreg:$0x1a];
	[sflag:s31] =	ssyncadd.s32 $0xFFFFFF80  }
0xb7: {  	[tilespmem:s19], [sflag:$0x5] =	stream.linear.gather [hbm4b:s18+s1], $0x10, $0x38;
	[tilespmem:$0x1EB00] =	vst v63  }
0xb8: {  	_ =	swait.ge [sflag:s8], $0x10  }
0xb9: {  	[sflag:s8] =	ssyncset.done $0x0  }
0xba: {  	s20 =	simm.s32 $0x14000;
	s22 =	rddreg [dreg:$0x1b];
	[sflag:s8] =	ssyncadd.s32 $0xFFFFFFF0  }
0xbb: {  	[tilespmem:s20], [sflag:$0x5] =	stream.linear.gather [hbm4b:s22+s1], $0x10, $0x38;
	[tilespmem:$0x1EB00] =	vst v63  }
0xbc: {  	_ =	swait.ge [sflag:s8], $0x10  }
0xbd: {  	[sflag:s8] =	ssyncset.done $0x0  }
0xbe: {  	s23 =	simm.s32 $0x10;
	s24 =	simm.s32 $0x1C180;
	[sflag:s8] =	ssyncadd.s32 $0xFFFFFFF0  }
0xbf: {  	[tilespmem:s24], [sflag:$0x1] =	stream.indirect.gather [hbm4b:s12+s23], $0x80, s19, s23, $0xb8;
	[tilespmem:$0x1EB00] =	vst v63  }
0xc0: {  	_ =	swait.ge [sflag:s0], $0x800  }
0xc1: {  	[sflag:s0] =	ssyncset.done $0x0  }
0xc2: {  	[sflag:s0] =	ssyncadd.s32 $0xFFFFF800  }
0xc3: {  	[spmem:s13] =	stream.indirect.scatter.add.f32 [tilespmem:s24], [sflag:$0x5], $0x80, s20, s23, $0xb8;
	[tilespmem:$0x1EB00] =	vst v63  }
0xc4: {  	_ =	swait.ge [sflag:s8], $0x800  }
0xc5: {  	[sflag:s8] =	ssyncset.done $0x0  }
0xc6: {  	[sflag:s8] =	ssyncadd.s32 $0xFFFFF800  }
0xc7: {  	[bflag:$0x0] =	sbarrier.arrive $0xFFFF  }
0xc8: {  	[tilespmem:s7], [sflag:$0x5] =	stream.linear.gather [spmem:s6], $0x2000, $0x38;
	[tilespmem:$0x1EB00] =	vst v63  }
0xc9: {  	_ =	swait.ge [sflag:s8], $0x2000  }
0xca: {  	[sflag:s8] =	ssyncset.done $0x0  }
0xcb: {  	s21 =	rddreg [dreg:$0x4];
	[sflag:s8] =	ssyncadd.s32 $0xFFFFE000  }
0xcc: {  	[hbm4b:s21+s1] =	stream.linear.scatter [tilespmem:s7], [sflag:$0x5], $0x2000, $0x38;
	[tilespmem:$0x1EB00] =	vst v63  }
0xcd: {  	_ =	swait.ge [sflag:s8], $0x2000  }
0xce: {  	[sflag:s8] =	ssyncset.done $0x0  }
0xcf: {  	[sflag:s8] =	ssyncadd.s32 $0xFFFFE000  }
0xd0: {  	[tilespmem:s7], [sflag:$0x5] =	stream.linear.gather [spmem:s25], $0x2000, $0x38;
	[tilespmem:$0x1EB00] =	vst v63  }
0xd1: {  	_ =	swait.ge [sflag:s8], $0x2000  }
0xd2: {  	[sflag:s8] =	ssyncset.done $0x0  }
0xd3: {  	s22 =	rddreg [dreg:$0x5];
	[sflag:s8] =	ssyncadd.s32 $0xFFFFE000  }
0xd4: {  	[hbm4b:s22+s1] =	stream.linear.scatter [tilespmem:s7], [sflag:$0x5], $0x2000, $0x38;
	[tilespmem:$0x1EB00] =	vst v63  }
0xd5: {  	_ =	swait.ge [sflag:s8], $0x2000  }
0xd6: {  	[sflag:s8] =	ssyncset.done $0x0  }
0xd7: {  	[sflag:s8] =	ssyncadd.s32 $0xFFFFE000  }
0xd8: {  	[tilespmem:s7], [sflag:$0x5] =	stream.linear.gather [spmem:s26], $0x2000, $0x38;
	[tilespmem:$0x1EB00] =	vst v63  }
0xd9: {  	_ =	swait.ge [sflag:s8], $0x2000  }
0xda: {  	[sflag:s8] =	ssyncset.done $0x0  }
0xdb: {  	s23 =	rddreg [dreg:$0x6];
	[sflag:s8] =	ssyncadd.s32 $0xFFFFE000  }
0xdc: {  	[hbm4b:s23+s1] =	stream.linear.scatter [tilespmem:s7], [sflag:$0x5], $0x2000, $0x38;
	[tilespmem:$0x1EB00] =	vst v63  }
0xdd: {  	_ =	swait.ge [sflag:s8], $0x2000  }
0xde: {  	[sflag:s8] =	ssyncset.done $0x0  }
0xdf: {  	s23 =	rddreg [dreg:$0x14];
	[sflag:s8] =	ssyncadd.s32 $0xFFFFE000  }
0xe0: {  	[tilespmem:s7], [sflag:$0x5] =	stream.linear.gather [spmem:s23], $0x2000, $0x38;
	[tilespmem:$0x1EB00] =	vst v63  }
0xe1: {  	_ =	swait.ge [sflag:s8], $0x2000  }
0xe2: {  	[sflag:s8] =	ssyncset.done $0x0  }
0xe3: {  	s24 =	rddreg [dreg:$0x7];
	[sflag:s8] =	ssyncadd.s32 $0xFFFFE000  }
0xe4: {  	[hbm4b:s24+s1] =	stream.linear.scatter [tilespmem:s7], [sflag:$0x5], $0x2000, $0x38;
	[tilespmem:$0x1EB00] =	vst v63  }
0xe5: {  	_ =	swait.ge [sflag:s8], $0x2000  }
0xe6: {  	[sflag:s8] =	ssyncset.done $0x0  }
0xe7: {  	s6 =	rddreg [dreg:$0x10];
	[sflag:s8] =	ssyncadd.s32 $0xFFFFE000  }
0xe8: {  	[tilespmem:s7], [sflag:$0x5] =	stream.linear.gather [spmem:s6], $0x2000, $0x38;
	[tilespmem:$0x1EB00] =	vst v63  }
0xe9: {  	_ =	swait.ge [sflag:s8], $0x2000  }
0xea: {  	[sflag:s8] =	ssyncset.done $0x0  }
0xeb: {  	s21 =	smov.u32 s25;
	s25 =	rddreg [dreg:$0x8];
	[sflag:s8] =	ssyncadd.s32 $0xFFFFE000  }
0xec: {  	[hbm4b:s25+s1] =	stream.linear.scatter [tilespmem:s7], [sflag:$0x5], $0x2000, $0x38;
	[tilespmem:$0x1EB00] =	vst v63  }
0xed: {  	_ =	swait.ge [sflag:s8], $0x2000  }
0xee: {  	[sflag:s8] =	ssyncset.done $0x0  }
0xef: {  	s24 =	rddreg [dreg:$0xf];
	[sflag:s8] =	ssyncadd.s32 $0xFFFFE000  }
0xf0: {  	[tilespmem:s7], [sflag:$0x5] =	stream.linear.gather [spmem:s24], $0x2000, $0x38;
	[tilespmem:$0x1EB00] =	vst v63  }
0xf1: {  	_ =	swait.ge [sflag:s8], $0x2000  }
0xf2: {  	[sflag:s8] =	ssyncset.done $0x0  }
0xf3: {  	s22 =	smov.u32 s26;
	s26 =	rddreg [dreg:$0x9];
	[sflag:s8] =	ssyncadd.s32 $0xFFFFE000  }
0xf4: {  	[hbm4b:s26+s1] =	stream.linear.scatter [tilespmem:s7], [sflag:$0x5], $0x2000, $0x38;
	[tilespmem:$0x1EB00] =	vst v63  }
0xf5: {  	_ =	swait.ge [sflag:s8], $0x2000  }
0xf6: {  	[sflag:s8] =	ssyncset.done $0x0  }
0xf7: {  	s25 =	rddreg [dreg:$0x11];
	[sflag:s8] =	ssyncadd.s32 $0xFFFFE000  }
0xf8: {  	[tilespmem:s7], [sflag:$0x5] =	stream.linear.gather [spmem:s25], $0x2000, $0x38;
	[tilespmem:$0x1EB00] =	vst v63  }
0xf9: {  	_ =	swait.ge [sflag:s8], $0x2000  }
0xfa: {  	[sflag:s8] =	ssyncset.done $0x0  }
0xfb: {  	s18 =	rddreg [dreg:$0xa];
	[sflag:s8] =	ssyncadd.s32 $0xFFFFE000  }
0xfc: {  	[hbm4b:s18+s1] =	stream.linear.scatter [tilespmem:s7], [sflag:$0x5], $0x2000, $0x38;
	[tilespmem:$0x1EB00] =	vst v63  }
0xfd: {  	_ =	swait.ge [sflag:s8], $0x2000  }
0xfe: {  	[sflag:s8] =	ssyncset.done $0x0  }
0xff: {  	s26 =	rddreg [dreg:$0x12];
	[sflag:s8] =	ssyncadd.s32 $0xFFFFE000  }
0x100: {  	[tilespmem:s7], [sflag:$0x5] =	stream.linear.gather [spmem:s26], $0x2000, $0x38;
	[tilespmem:$0x1EB00] =	vst v63  }
0x101: {  	_ =	swait.ge [sflag:s8], $0x2000  }
0x102: {  	[sflag:s8] =	ssyncset.done $0x0  }
0x103: {  	s20 =	rddreg [dreg:$0xb];
	[sflag:s8] =	ssyncadd.s32 $0xFFFFE000  }
0x104: {  	[hbm4b:s20+s1] =	stream.linear.scatter [tilespmem:s7], [sflag:$0x5], $0x2000, $0x38;
	[tilespmem:$0x1EB00] =	vst v63  }
0x105: {  	_ =	swait.ge [sflag:s8], $0x2000  }
0x106: {  	[sflag:s8] =	ssyncset.done $0x0  }
0x107: {  	s28 =	rddreg [dreg:$0x13];
	[sflag:s8] =	ssyncadd.s32 $0xFFFFE000  }
0x108: {  	[tilespmem:s7], [sflag:$0x5] =	stream.linear.gather [spmem:s28], $0x2000, $0x38;
	[tilespmem:$0x1EB00] =	vst v63  }
0x109: {  	_ =	swait.ge [sflag:s8], $0x2000  }
0x10a: {  	[sflag:s8] =	ssyncset.done $0x0  }
0x10b: {  	s18 =	rddreg [dreg:$0xc];
	[sflag:s8] =	ssyncadd.s32 $0xFFFFE000  }
0x10c: {  	[hbm4b:s18+s1] =	stream.linear.scatter [tilespmem:s7], [sflag:$0x5], $0x2000, $0x38;
	[tilespmem:$0x1EB00] =	vst v63  }
0x10d: {  	_ =	swait.ge [sflag:s8], $0x2000  }
0x10e: {  	[sflag:s8] =	ssyncset.done $0x0  }
0x10f: {  	s18 =	rddreg [dreg:$0x15];
	[sflag:s8] =	ssyncadd.s32 $0xFFFFE000  }
0x110: {  	[tilespmem:s7], [sflag:$0x5] =	stream.linear.gather [spmem:s18], $0x2000, $0x38;
	[tilespmem:$0x1EB00] =	vst v63  }
0x111: {  	_ =	swait.ge [sflag:s8], $0x2000  }
0x112: {  	[sflag:s8] =	ssyncset.done $0x0  }
0x113: {  	s20 =	rddreg [dreg:$0xd];
	[sflag:s8] =	ssyncadd.s32 $0xFFFFE000  }
0x114: {  	[hbm4b:s20+s1] =	stream.linear.scatter [tilespmem:s7], [sflag:$0x5], $0x2000, $0x38;
	[tilespmem:$0x1EB00] =	vst v63  }
0x115: {  	_ =	swait.ge [sflag:s8], $0x2000  }
0x116: {  	s19 =	rddreg [dreg:$0x1e]  }
0x117: {  	s20 =	sadd.s32 $0x1, s19;
	s19 =	rddreg [dreg:$0x1c]  }
0x118: {  	p0 =	sne.s32 s20, s19  }
.Ltmp1:
0x119: {  	_ = 	snop;
	(pc) =	sbr.rel @p0 .LBB2_1-.Ltmp1, $3  }
0x11a: {  	_ =	sdelay $0x1  }
0x11b: {  	[sflag:s8] =	ssyncset.done $0x0;
	[dreg:$0x1e] =	wrdreg s20  }
0x11c: {  	[sflag:s8] =	ssyncadd.s32 $0xFFFFE000;
	s20 =	rddreg [dreg:$0x1f]  }
0x11d: {  	_ =	sfence.sel $0x180000  }
0x11e: {  	[bflag:$0x0] =	sbarrier.arrive $0xFFFF  }
0x11f: {  	_ =	strace $0x90000047  }
0x120: {  	s0 =	stileid.u32;
	[bflag:$0x2] =	sbarrier.arrive $0xFFFF  }
0x121: {  	p0 =	sne.s32 s0, $0x0;
	s0 =	rddreg [dreg:$0x3]  }
0x122: {  	s0 =	sadd.s32 @!p0 $0x100000, s0  }
0x123: {  	[sflag:s0] =	ssyncadd.tile.s32 @!p0 $0x1;
	_ =	shalt  }
.Lfunc_end2:
_tile_overlayer_lowered:
.L_overlay_start_2:
0x124: {  	(tag) =	ssettag $0x2  }
0x125: {  	s0 =	rddreg [dreg:$0x0];
	s2 =	stileid.u32  }
0x126: {  	s1 =	rddreg [dreg:$0x1];
	p0 =	sne.s32 s2, $0x0  }
0x127: {  	s3 =	rddreg [dreg:$0x2];
	[bflag:$0x3] =	sbarrier.arrive $0xFFFF;
	s2 =	simm.s32 @!p0 $0x1C05  }
0x128: {  	[timem:s3], [sflag:s2] =	dma.local @!p0 [hbm:s0], s1  }
0x129: {  	s0 =	simm.s32 @!p0 $0x5  }
0x12a: {  	_ =	swait.ge @!p0 [sflag:s0], s1  }
0x12b: {  	s1 =	ssub.s32 @!p0 $0x0, s1;
	[sflag:s0] =	ssyncset.done @!p0 $0x0  }
0x12c: {  	[sflag:s0] =	ssyncadd.s32 @!p0 s1  }
0x12d: {  	[bflag:$0x3] =	sbarrier.arrive $0xFFFF  }
0x12e: {  	_ =	shalt  }

// kernel: kernel.14.cloned.1.call-start
scs
__scs_entry_jumppad:
0x0: {  	(pc) =	sbr.rel $0x88, $3  }
0x1: {  	(tag) =	ssettag $0x0;
	lr =	simm.s32 $0x1  }
0x2: {  	[smem:$0x3F96] =	sst lr;
	_ =	strace $0xD0000000  }
0x3: {  	_ = 	snop  }
0x4: {  	_ = 	snop  }
0x5: {  	_ = 	snop  }
0x6: {  	_ = 	snop  }
0x7: {  	_ = 	snop  }
__scs_overlays_trampoline_lowered:
0x8: {  	[smem:$0x3FA5] =	sst s0  }
0x9: {  	[smem:$0x3FA6] =	sst s1  }
0xa: {  	[smem:$0x3FA7] =	sst s2  }
0xb: {  	[smem:$0x3FA8] =	sst s3  }
0xc: {  	[smem:$0x3FA9] =	sst s4  }
0xd: {  	[smem:$0x3FAA] =	sst s5  }
0xe: {  	[smem:$0x3FAB] =	sst s6  }
0xf: {  	[smem:$0x3FAC] =	sst s7  }
0x10: {  	[smem:$0x3FAD] =	sst s8  }
0x11: {  	[smem:$0x3FAE] =	sst s9;
	s0 =	simm.s32 @!p0 $0x0  }
0x12: {  	s1 =	sld [smem:$0x3F94];
	s0 =	simm.s32 @p0 $0x1  }
0x13: {  	[smem:$0x3FAF] =	sst s0;
	s0 =	simm.s32 @!p1 $0x0  }
0x14: {  	s2 =	sld [smem:$0x3F93];
	s0 =	simm.s32 @p1 $0x1  }
0x15: {  	[smem:$0x3FB0] =	sst s0;
	s0 =	simm.s32 @!p2 $0x0  }
0x16: {  	s3 =	sld [smem:$0x3FDB];
	s0 =	simm.s32 @p2 $0x1  }
0x17: {  	s4 =	simm.s32 $0x1BF5;
	[smem:$0x3FB2] =	sst s0  }
0x18: {  	s0 =	sld [smem:$0x3F95];
	_ =	swait.ge [sflag:s4], $0x0  }
0x19: {  	s7 =	sld [smem:$0x3F96]  }
0x1a: {  	s8 =	sadd.s32 $0xFFFFE003, lr  }
0x1b: {  	s9 =	sadd.s32 $0xFFFFFEF7, lr;
	s5 =	simm.s32 $0xFFFFFFFF;
	p2 =	slt.u32 s8, $0xFFFFF086  }
0x1c: {  	p1 =	slt.u32 s9, $0xF7A;
	s5 =	simm.s32 @!p2 $0x0  }
0x1d: {  	s5 =	simm.s32 @p1 $0x1;
	p0 =	seq.s32 s7, s2  }
0x1e: {  	s7 =	smul.u32 @!p0 $0xF7A, s2;
	p2 =	seq.s32 @!p0 s5, $0x0  }
0x1f: {  	s9 =	smul.u32 $0xF7A, s1;
	s8 =	simm.s32 @!p0 $0x1BF5;
	p2 =	por !p2, p0  }
0x20: {  	[sflag:s8] =	ssyncset.s32 @!p0 $0xFFFFF086;
	s6 =	sadd.s32 @!p0 s3, s7;
	s7 =	simm.s32 @!p0 $0x108  }
0x21: {  	s3 =	sadd.s32 s3, s9;
	s6 =	sadd.s32 @!p0 $0x88, s6;
	s7 =	simm.s32 @p2 $0x1082  }
0x22: {  	[simem:s7], [sflag:s8] =	dma.local @!p0 [hbm:s6], $0xF7A  }
0x23: {  	s9 =	sor.u32 $0xD0000000, s2;
	s6 =	simm.s32 $0x108;
	_ =	swait.ge @!p0 [sflag:s8], $0x0  }
0x24: {  	s3 =	sadd.s32 $0x88, s3;
	s6 =	simm.s32 @!p1 $0x1082;
	[sflag:s4] =	ssyncset.s32 $0xFFFFF086  }
0x25: {  	[simem:s6], [sflag:s4] =	dma.local [hbm:s3], $0xF7A  }
0x26: {  	[smem:$0x3F96] =	sst s1;
	(tag) =	ssettag s2;
	_ =	strace s9  }
0x27: {  	s1 =	sld [smem:$0x3FA6]  }
0x28: {  	s2 =	sld [smem:$0x3FA7]  }
0x29: {  	s4 =	sld [smem:$0x3FA9]  }
0x2a: {  	p0 =	seq.s32 s5, $0x0;
	s5 =	sld [smem:$0x3FAA]  }
0x2b: {  	s6 =	sld [smem:$0x3FAB]  }
0x2c: {  	s7 =	sld [smem:$0x3FAC]  }
0x2d: {  	s3 =	simm.s32 $0x108;
	s8 =	sld [smem:$0x3FAD]  }
0x2e: {  	s3 =	simm.s32 @!p0 $0x1082;
	s9 =	sld [smem:$0x3FAE]  }
0x2f: {  	lr =	sadd.s32 s0, s3;
	s0 =	sld [smem:$0x3FA5]  }
0x30: {  	s3 =	sld [smem:$0x3FA8]  }
0x31: {  	[smem:$0x3FB1] =	sst s10  }
0x32: {  	s10 =	sld [smem:$0x3FAF];
	_ =	sdelay $0x3  }
0x33: {  	p0 =	seq.s32 s10, $0x1;
	s10 =	sld [smem:$0x3FB1];
	_ =	sdelay $0x3  }
0x34: {  	[smem:$0x3FB1] =	sst s10  }
0x35: {  	s10 =	sld [smem:$0x3FB0];
	_ =	sdelay $0x3  }
0x36: {  	p1 =	seq.s32 s10, $0x1;
	s10 =	sld [smem:$0x3FB1];
	_ =	sdelay $0x3  }
0x37: {  	[smem:$0x3FB1] =	sst s10  }
0x38: {  	s10 =	sld [smem:$0x3FB2]  }
0x39: {  	_ = 	snop;
	(pc) =	sbr.ind lr, $3  }
0x3a: {  	_ = 	snop  }
0x3b: {  	_ = 	snop  }
0x3c: {  	p2 =	seq.s32 s10, $0x1;
	s10 =	sld [smem:$0x3FB1]  }
0x3d: {  	_ =	shalt  }
0x3e: {  	_ =	shalt  }
0x3f: {  	_ =	shalt  }
0x40: {  	_ =	shalt  }
0x41: {  	_ =	shalt  }
0x42: {  	_ =	shalt  }
0x43: {  	_ =	shalt  }
0x44: {  	_ =	shalt  }
0x45: {  	_ =	shalt  }
0x46: {  	_ =	shalt  }
0x47: {  	_ =	shalt  }
0x48: {  	_ =	shalt  }
0x49: {  	_ =	shalt  }
0x4a: {  	_ =	shalt  }
0x4b: {  	_ =	shalt  }
0x4c: {  	_ =	shalt  }
0x4d: {  	_ =	shalt  }
0x4e: {  	_ =	shalt  }
0x4f: {  	_ =	shalt  }
0x50: {  	_ =	shalt  }
0x51: {  	_ =	shalt  }
0x52: {  	_ =	shalt  }
0x53: {  	_ =	shalt  }
0x54: {  	_ =	shalt  }
0x55: {  	_ =	shalt  }
0x56: {  	_ =	shalt  }
0x57: {  	_ =	shalt  }
0x58: {  	_ =	shalt  }
0x59: {  	_ =	shalt  }
0x5a: {  	_ =	shalt  }
0x5b: {  	_ =	shalt  }
0x5c: {  	_ =	shalt  }
0x5d: {  	_ =	shalt  }
0x5e: {  	_ =	shalt  }
0x5f: {  	_ =	shalt  }
0x60: {  	_ =	shalt  }
0x61: {  	_ =	shalt  }
0x62: {  	_ =	shalt  }
0x63: {  	_ =	shalt  }
0x64: {  	_ =	shalt  }
0x65: {  	_ =	shalt  }
0x66: {  	_ =	shalt  }
0x67: {  	_ =	shalt  }
0x68: {  	_ =	shalt  }
0x69: {  	_ =	shalt  }
0x6a: {  	_ =	shalt  }
0x6b: {  	_ =	shalt  }
0x6c: {  	_ =	shalt  }
0x6d: {  	_ =	shalt  }
0x6e: {  	_ =	shalt  }
0x6f: {  	_ =	shalt  }
0x70: {  	_ =	shalt  }
0x71: {  	_ =	shalt  }
0x72: {  	_ =	shalt  }
0x73: {  	_ =	shalt  }
0x74: {  	_ =	shalt  }
0x75: {  	_ =	shalt  }
0x76: {  	_ =	shalt  }
0x77: {  	_ =	shalt  }
0x78: {  	_ =	shalt  }
0x79: {  	_ =	shalt  }
0x7a: {  	_ =	shalt  }
0x7b: {  	_ =	shalt  }
0x7c: {  	_ =	shalt  }
0x7d: {  	_ =	shalt  }
0x7e: {  	_ =	shalt  }
0x7f: {  	_ =	shalt  }
0x80: {  	_ =	shalt  }
0x81: {  	_ =	shalt  }
0x82: {  	_ =	shalt  }
0x83: {  	_ =	shalt  }
0x84: {  	_ =	shalt  }
0x85: {  	_ =	shalt  }
0x86: {  	_ =	shalt  }
0x87: {  	_ =	shalt  }
.Lfunc_end0:
.L_simem_size_0:
called_computation.2_lowered:
.L_overlay_start_0:
0x88: {  	s2 =	sld [smem:$0x3FD9]  }
0x89: {  	s3 =	sld [smem:$0x3FFE];
	_ =	sdelay $0x1  }
0x8a: {  	s1 =	srdreg.scid  }
0x8b: {  	s0 =	sand.u32 $0x1, s1  }
0x8c: {  	s17 =	sshll.u32 s0, $0xA;
	s2 =	sadd.s32 s3, s2  }
0x8d: {  	s2 =	sadd.s32 s2, s17  }
0x8e: {  	[smem:$0x3FBD] =	sst s2  }
0x8f: {  	_ = 	snop  }
0x90: {  	s2 =	sld [smem:$0x3FD0];
	(tm) =	ssettm $0x1  }
0x91: {  	s18 =	sld [smem:$0x3FFB];
	_ =	sdelay $0x3  }
0x92: {  	_ =	strace s18  }
0x93: {  	s3 =	sld [smem:$0x3FFC];
	_ =	sdelay $0x3  }
0x94: {  	_ =	strace s3  }
0x95: {  	s3 =	sld [smem:$0x3FFD];
	_ =	sdelay $0x3  }
0x96: {  	_ =	strace s3  }
0x97: {  	_ =	strace $0x8FFFFFFF  }
0x98: {  	s19 =	sld [smem:$0x3FDB];
	_ =	sdelay $0x1  }
0x99: {  	s4 =	simm.s32 $_scs_section_size  }
0x9a: {  	s5 =	simm.s32 $_size__tile_overlayer_lowered;
	s6 =	simm.s32 $_tile_overlayer_lowered  }
0x9b: {  	s22 =	simm.s32 $0x1BFF;
	s21 =	sshll.u32 s6, $0x1;
	s3 =	sadd.s32 s4, s19  }
0x9c: {  	s7 =	simm.s32 $0x0;
	s20 =	sshll.u32 s5, $0x1;
	s5 =	sadd.s32 s21, s3  }
0x9d: {  	[timem:s7], [sflag:s22] =	dma.local [hbm:s5], s20  }
0x9e: {  	_ =	swait.ge [sflag:s22], s20  }
0x9f: {  	s4 =	ssub.s32 $0x0, s20;
	[sflag:s22] =	ssyncset.done $0x0  }
0xa0: {  	[sflag:s22] =	ssyncadd.s32 s4;
	_ =	sdelay $0x1  }
0xa1: {  	s23 =	simm.s32 $0x1B8B  }
0xa2: {  	_ =	swait.ge [sflag:s23], $0x1  }
0xa3: {  	[sflag:s23] =	ssyncset.done $0x0  }
0xa4: {  	s25 =	simm.s32 $0x1B8E;
	s24 =	sld [smem:$0x3FFE];
	[sflag:s23] =	ssyncadd.s32 $0xFFFFFFFF  }
0xa5: {  	s26 =	simm.s32 $execute0_lowered;
	[smem:$0x3FD2] =	sst s25  }
0xa6: {  	s5 =	sshll.u32 s26, $0x1;
	_ =	strace $0x8000004C;
	[dreg:$0x1] =	wrdreg $0xFFFFFFFF  }
0xa7: {  	s28 =	simm.s32 $_size_execute0_lowered;
	s3 =	sadd.s32 s3, s5;
	[dreg:$0x0] =	wrdreg $0x0  }
0xa8: {  	s5 =	sshll.u32 s28, $0x1;
	[dreg:$0x2] =	wrdreg s3  }
0xa9: {  	[dreg:$0x3] =	wrdreg s5  }
0xaa: {  	[dreg:$0x4] =	wrdreg $0xC0  }
0xab: {  	_ =	task [dreg:s7], $0x5FFFF  }
0xac: {  	[dreg:$0x1] =	wrdreg $0xFFFFFFFF  }
0xad: {  	[dreg:$0x0] =	wrdreg $0x60  }
0xae: {  	[dreg:$0x2] =	wrdreg s2  }
0xaf: {  	[dreg:$0x3] =	wrdreg s24  }
0xb0: {  	[dreg:$0x4] =	wrdreg $0x0  }
0xb1: {  	[dreg:$0x5] =	wrdreg $0x9  }
0xb2: {  	_ =	task.clear_ibuf [dreg:s7], $0x6FFFF;
	_ =	strace $0x9000004C  }
0xb3: {  	s29 =	simm.s32 $0x9;
	_ =	strace $0x8000004E  }
0xb4: {  	_ =	swait.ge [sflag:s29], $0x1  }
0xb5: {  	[sflag:s29] =	ssyncadd.s32 $0xFFFFFFFF  }
0xb6: {  	_ =	strace $0x9000004E  }
0xb7: {  	_ =	sfence  }
0xb8: {  	s30 =	sld [smem:$0x0];
	_ =	sdelay $0x2  }
0xb9: {  	s31 =	sshll.u32 s1, $0xD;
	s1 =	sshrl.u32 s1, $0x2  }
0xba: {  	s3 =	sand.u32 $0x4000, s31;
	s1 =	sadd.s32 s1, s30  }
0xbb: {  	s0 =	sor.u32 s3, s0;
	s1 =	sshll.u32 s1, $0x11  }
0xbc: {  	s0 =	sor.u32 s1, s0  }
0xbd: {  	s0 =	sadd.s32 $0x8F2B, s0  }
0xbe: {  	[sflag:s0] =	ssyncadd.remote.s32 $0x1  }
0xbf: {  	_ =	sfence.sel $0xFFFF  }
0xc0: {  	[dreg:$0x0] =	wrdreg $0xFFFFFFFF;
	(pc) =	sbr.abs _section_cstart, $3  }
0xc1: {  	[dreg:$0x1] =	wrdreg $0xFFFFFFFF  }
0xc2: {  	_ =	task.clear_ibuf [dreg:s7], $0x2FFFF;
	_ =	strace $0x9FFFFFFF  }
0xc3: {  	(tm) =	ssettm $0x7FFFFFFF  }
tec
execute0_lowered:
.L_overlay_start_1:
0x0: {  	(tag) =	ssettag $0x1  }
0x1: {  	s0 =	srdreg.scid;
	s2 =	rddreg [dreg:$0x1];
	s1 =	simm.s32 $0x0  }
0x2: {  	s16 =	stileid.u32;
	s29 =	simm.s32 $0x1CA80;
	s3 =	sand.u32 $0x1, s0  }
0x3: {  	[smem:$0x7FF] =	sst s1;
	s5 =	sshll.u32 s16, $0x1;
	s6 =	smul.u32 $0x14000, s16  }
0x4: {  	s7 =	sadd.s32 $0x17C00, s2;
	s0 =	ssub.s32 $0x2, s3;
	s13 =	smul.u32 $0x140000, s3  }
0x5: {  	s4 =	sshrl.u32 s0, $0x1;
	s8 =	sadd.s32 $0x4000, s6;
	s9 =	sadd.s32 $0x6000, s6  }
0x6: {  	s10 =	sadd.s32 $0x8000, s6;
	s11 =	sadd.s32 $0xA000, s6;
	s14 =	sadd.s32 $0xC000, s6  }
0x7: {  	s17 =	sadd.s32 $0xE000, s6;
	s18 =	sadd.s32 $0x10000, s6;
	s19 =	sadd.s32 $0x12000, s6  }
0x8: {  	s0 =	ssub.s32 s0, s4;
	s4 =	sor.u32 s3, s5;
	s5 =	sor.u32 $0x2000, s6  }
0x9: {  	s6 =	sadd.s32 s6, s13;
	s15 =	sadd.s32 s13, s8;
	s23 =	sadd.s32 s13, s9  }
0xa: {  	s24 =	sadd.s32 s13, s10;
	s25 =	sadd.s32 s13, s11;
	s20 =	sadd.s32 s13, s17  }
0xb: {  	s3 =	smul.u32 $0x2710, s3;
	s12 =	sadd.s32 s13, s5;
	s6 =	sshrl.u32 s6, $0x3  }
0xc: {  	s22 =	sshrl.u32 s15, $0x3;
	s12 =	sshrl.u32 s12, $0x3;
	s6 =	sadd.s32 s7, s6  }
0xd: {  	s15 =	sadd.s32 s13, s14;
	[dreg:$0x4] =	wrdreg s6;
	s21 =	sadd.s32 s7, s12  }
0xe: {  	s0 =	smax.u32 s0, $0x1;
	s6 =	sadd.s32 s7, s22;
	[dreg:$0x5] =	wrdreg s21  }
0xf: {  	s12 =	sshrl.u32 s24, $0x3;
	s24 =	sadd.s32 s13, s19;
	[dreg:$0x6] =	wrdreg s6  }
0x10: {  	s6 =	sshrl.u32 s23, $0x3;
	s26 =	sadd.s32 s7, s12;
	s12 =	sshrl.u32 s25, $0x3  }
0x11: {  	s21 =	sadd.s32 s13, s18;
	s13 =	rddreg [dreg:$0x2];
	s25 =	smul.u32 $0x4E20, s16  }
0x12: {  	s16 =	smul.u32 $0x50000, s16;
	s6 =	sadd.s32 s7, s6;
	[dreg:$0x8] =	wrdreg s26  }
0x13: {  	s23 =	sshrl.u32 s21, $0x3;
	[dreg:$0x7] =	wrdreg s6;
	s6 =	sadd.s32 s7, s12  }
0x14: {  	s12 =	sshrl.u32 s20, $0x3;
	[dreg:$0x9] =	wrdreg s6;
	s6 =	sshrl.u32 s15, $0x3  }
0x15: {  	s22 =	sadd.s32 s7, s12;
	s12 =	rddreg [dreg:$0x0];
	s6 =	sadd.s32 s7, s6  }
0x16: {  	s28 =	sadd.s32 s18, s13;
	[dreg:$0xa] =	wrdreg s6;
	s6 =	sadd.s32 s7, s23  }
0x17: {  	s26 =	sshrl.u32 s16, $0x2;
	[dreg:$0xc] =	wrdreg s6;
	s6 =	sshrl.u32 s24, $0x3  }
0x18: {  	s16 =	sadd.s32 $0x3C00, s2;
	[dreg:$0xb] =	wrdreg s22;
	s6 =	sadd.s32 s7, s6  }
0x19: {  	s15 =	sadd.s32 $0xDA00, s2;
	s2 =	sadd.s32 $0x17800, s2;
	[dreg:$0xd] =	wrdreg s6  }
0x1a: {  	s3 =	sadd.s32 s3, s25;
	_ =	strace $0x8000004D;
	[dreg:$0xe] =	wrdreg s2  }
0x1b: {  	s18 =	sadd.s32 s19, s13;
	s19 =	sadd.s32 $0x100, s3;
	[dreg:$0x1c] =	wrdreg s0  }
0x1c: {  	s30 =	simm.s32 $0x14100;
	s24 =	sadd.s32 s11, s13;
	[dreg:$0x1d] =	wrdreg s19  }
0x1d: {  	s31 =	simm.s32 $0x4;
	s6 =	sadd.s32 s10, s13;
	[dreg:$0xf] =	wrdreg s24  }
0x1e: {  	s4 =	smul.u32 $0x2710, s4;
	s25 =	sadd.s32 s14, s13;
	[dreg:$0x10] =	wrdreg s6  }
0x1f: {  	s20 =	sadd.s32 s26, s13;
	s26 =	sadd.s32 s17, s13;
	[dreg:$0x11] =	wrdreg s25  }
0x20: {  	s21 =	sadd.s32 s5, s13;
	s14 =	sadd.s32 $0x180, s3;
	[dreg:$0x12] =	wrdreg s26  }
0x21: {  	s3 =	simm.s32 $0x2;
	s23 =	sadd.s32 s9, s13;
	[dreg:$0x13] =	wrdreg s28  }
0x22: {  	s22 =	sadd.s32 s8, s13;
	s17 =	sshrl.u32 s14, $0x3;
	[dreg:$0x14] =	wrdreg s23  }
0x23: {  	s14 =	simm.s32 $0x80;
	s5 =	sadd.s32 s17, s15;
	[dreg:$0x15] =	wrdreg s18  }
0x24: {  	s2 =	sshrl.u32 s4, $0x3;
	s19 =	simm.s32 $0x0;
	[dreg:$0x1f] =	wrdreg s20  }
0x25: {  	s0 =	simm.s32 $0x1;
	s7 =	sadd.s32 s15, s2;
	[dreg:$0x1e] =	wrdreg s19  }
0x26: {  	s8 =	sadd.s32 $0x10, s2;
	s9 =	sadd.s32 s16, s2;
	[dreg:$0x16] =	wrdreg s7  }
0x27: {  	s2 =	sadd.s32 $0x4E0, s2;
	[dreg:$0x17] =	wrdreg s9;
	s10 =	sadd.s32 s15, s8  }
0x28: {  	s4 =	sadd.s32 s16, s8;
	s11 =	sadd.s32 s15, s2;
	[dreg:$0x18] =	wrdreg s10  }
0x29: {  	s2 =	sadd.s32 s16, s2;
	s7 =	simm.s32 $0x1CB00;
	[dreg:$0x19] =	wrdreg s4  }
0x2a: {  	s8 =	simm.s32 $0x5;
	s9 =	simm.s32 $0x1CA00;
	[dreg:$0x1a] =	wrdreg s11  }
0x2b: {  	[dreg:$0x1b] =	wrdreg s2;
	s4 =	sadd.s32 s17, s16;
	s10 =	simm.s32 $0x14080  }
0x2c: {  	s17 =	simm.s32 $0x14180;
	s11 =	simm.s32 $0x18180;
	s2 =	simm.s32 $0x3  }
.LBB2_1:
0x2d: {  	s19 =	rddreg [dreg:$0xe]  }
0x2e: {  	[tilespmem:s7], [sflag:$0x5] =	stream.linear.gather [hbm4b:s19+s1], $0x2000, $0x38;
	[tilespmem:$0x1EB00] =	vst v63  }
0x2f: {  	_ =	swait.ge [sflag:s8], $0x2000  }
0x30: {  	[sflag:s8] =	ssyncset.done $0x0  }
0x31: {  	[sflag:s8] =	ssyncadd.s32 $0xFFFFE000  }
0x32: {  	[spmem:s20] =	stream.linear.scatter [tilespmem:s7], [sflag:$0x5], $0x2000, $0x38;
	[tilespmem:$0x1EB00] =	vst v63  }
0x33: {  	_ =	swait.ge [sflag:s8], $0x2000  }
0x34: {  	[sflag:s8] =	ssyncset.done $0x0  }
0x35: {  	[sflag:s8] =	ssyncadd.s32 $0xFFFFE000  }
0x36: {  	[spmem:s21] =	stream.linear.scatter [tilespmem:s7], [sflag:$0x5], $0x2000, $0x38;
	[tilespmem:$0x1EB00] =	vst v63  }
0x37: {  	_ =	swait.ge [sflag:s8], $0x2000  }
0x38: {  	[sflag:s8] =	ssyncset.done $0x0  }
0x39: {  	[sflag:s8] =	ssyncadd.s32 $0xFFFFE000  }
0x3a: {  	[spmem:s22] =	stream.linear.scatter [tilespmem:s7], [sflag:$0x5], $0x2000, $0x38;
	[tilespmem:$0x1EB00] =	vst v63  }
0x3b: {  	_ =	swait.ge [sflag:s8], $0x2000  }
0x3c: {  	[sflag:s8] =	ssyncset.done $0x0  }
0x3d: {  	[sflag:s8] =	ssyncadd.s32 $0xFFFFE000  }
0x3e: {  	[spmem:s23] =	stream.linear.scatter [tilespmem:s7], [sflag:$0x5], $0x2000, $0x38;
	[tilespmem:$0x1EB00] =	vst v63  }
0x3f: {  	_ =	swait.ge [sflag:s8], $0x2000  }
0x40: {  	[sflag:s8] =	ssyncset.done $0x0  }
0x41: {  	s19 =	smov.u32 s6;
	[sflag:s8] =	ssyncadd.s32 $0xFFFFE000  }
0x42: {  	[spmem:s19] =	stream.linear.scatter [tilespmem:s7], [sflag:$0x5], $0x2000, $0x38;
	[tilespmem:$0x1EB00] =	vst v63  }
0x43: {  	_ =	swait.ge [sflag:s8], $0x2000  }
0x44: {  	[sflag:s8] =	ssyncset.done $0x0  }
0x45: {  	[sflag:s8] =	ssyncadd.s32 $0xFFFFE000  }
0x46: {  	[spmem:s24] =	stream.linear.scatter [tilespmem:s7], [sflag:$0x5], $0x2000, $0x38;
	[tilespmem:$0x1EB00] =	vst v63  }
0x47: {  	_ =	swait.ge [sflag:s8], $0x2000  }
0x48: {  	[sflag:s8] =	ssyncset.done $0x0  }
0x49: {  	s6 =	smov.u32 s20;
	s20 =	smov.u32 s25;
	[sflag:s8] =	ssyncadd.s32 $0xFFFFE000  }
0x4a: {  	[spmem:s20] =	stream.linear.scatter [tilespmem:s7], [sflag:$0x5], $0x2000, $0x38;
	[tilespmem:$0x1EB00] =	vst v63  }
0x4b: {  	_ =	swait.ge [sflag:s8], $0x2000  }
0x4c: {  	[sflag:s8] =	ssyncset.done $0x0  }
0x4d: {  	s25 =	smov.u32 s21;
	s21 =	smov.u32 s26;
	[sflag:s8] =	ssyncadd.s32 $0xFFFFE000  }
0x4e: {  	[spmem:s21] =	stream.linear.scatter [tilespmem:s7], [sflag:$0x5], $0x2000, $0x38;
	[tilespmem:$0x1EB00] =	vst v63  }
0x4f: {  	_ =	swait.ge [sflag:s8], $0x2000  }
0x50: {  	[sflag:s8] =	ssyncset.done $0x0  }
0x51: {  	[sflag:s8] =	ssyncadd.s32 $0xFFFFE000  }
0x52: {  	[spmem:s28] =	stream.linear.scatter [tilespmem:s7], [sflag:$0x5], $0x2000, $0x38;
	[tilespmem:$0x1EB00] =	vst v63  }
0x53: {  	_ =	swait.ge [sflag:s8], $0x2000  }
0x54: {  	[sflag:s8] =	ssyncset.done $0x0  }
0x55: {  	[sflag:s8] =	ssyncadd.s32 $0xFFFFE000  }
0x56: {  	[spmem:s18] =	stream.linear.scatter [tilespmem:s7], [sflag:$0x5], $0x2000, $0x38;
	[tilespmem:$0x1EB00] =	vst v63  }
0x57: {  	_ =	swait.ge [sflag:s8], $0x2000  }
0x58: {  	[sflag:s8] =	ssyncset.done $0x0  }
0x59: {  	[sflag:s8] =	ssyncadd.s32 $0xFFFFE000  }
0x5a: {  	[bflag:$0x0] =	sbarrier.arrive $0xFFFF  }
0x5b: {  	s28 =	rddreg [dreg:$0x16]  }
0x5c: {  	[tilespmem:s9], [sflag:$0x5] =	stream.linear.gather [hbm4b:s28+s1], $0x80, $0x38;
	[tilespmem:$0x1EB00] =	vst v63  }
0x5d: {  	_ =	swait.ge [sflag:s8], $0x80  }
0x5e: {  	[sflag:s8] =	ssyncset.done $0x0  }
0x5f: {  	s19 =	rddreg [dreg:$0x17];
	[sflag:s8] =	ssyncadd.s32 $0xFFFFFF80  }
0x60: {  	[tilespmem:s10], [sflag:$0x5] =	stream.linear.gather [hbm4b:s19+s1], $0x80, $0x38;
	[tilespmem:$0x1EB00] =	vst v63  }
0x61: {  	_ =	swait.ge [sflag:s8], $0x80  }
0x62: {  	[sflag:s8] =	ssyncset.done $0x0  }
0x63: {  	[sflag:s8] =	ssyncadd.s32 $0xFFFFFF80  }
0x64: {  	[tilespmem:s17], [sflag:$0x1] =	stream.indirect.gather [hbm4b:s12+s14], $0x80, s9, s14, $0xb8;
	[tilespmem:$0x1EB00] =	vst v63  }
0x65: {  	s20 =	rddreg [dreg:$0x18]  }
0x66: {  	[tilespmem:s29], [sflag:$0x4] =	stream.linear.gather [hbm4b:s20+s1], $0x80, $0x38;
	[tilespmem:$0x1EB00] =	vst v63  }
0x67: {  	s21 =	rddreg [dreg:$0x19]  }
0x68: {  	[tilespmem:s30], [sflag:$0x4] =	stream.linear.gather [hbm4b:s21+s1], $0x80, $0x38;
	[tilespmem:$0x1EB00] =	vst v63  }
0x69: {  	_ =	swait.ge [sflag:s31], $0x80  }
0x6a: {  	[sflag:s31] =	ssyncset.done $0x0  }
0x6b: {  	[sflag:s31] =	ssyncadd.s32 $0xFFFFFF80  }
0x6c: {  	_ =	swait.ge [sflag:s31], $0x80  }
0x6d: {  	[sflag:s31] =	ssyncset.done $0x0  }
0x6e: {  	[sflag:s31] =	ssyncadd.s32 $0xFFFFFF80  }
0x6f: {  	[tilespmem:s11], [sflag:$0x2] =	stream.indirect.gather [hbm4b:s12+s14], $0x80, s29, s14, $0xb8;
	[tilespmem:$0x1EB00] =	vst v63  }
0x70: {  	_ =	swait.ge [sflag:s0], $0x4000  }
0x71: {  	[sflag:s0] =	ssyncset.done $0x0  }
0x72: {  	[sflag:s0] =	ssyncadd.s32 $0xFFFFC000  }
0x73: {  	[spmem:s13] =	stream.indirect.scatter.add.f32 [tilespmem:s17], [sflag:$0x5], $0x80, s10, s14, $0xb8;
	[tilespmem:$0x1EB00] =	vst v63  }
0x74: {  	_ =	swait.ge [sflag:s8], $0x4000  }
0x75: {  	s26 =	smov.u32 s22;
	s22 =	rddreg [dreg:$0x1d]  }
0x76: {  	[sflag:s8] =	ssyncset.done $0x0;
	s23 =	sshrl.u32 s22, $0x3  }
0x77: {  	[sflag:s8] =	ssyncadd.s32 $0xFFFFC000;
	s24 =	sadd.s32 s15, s23  }
0x78: {  	[tilespmem:s9], [sflag:$0x3] =	stream.linear.gather [hbm4b:s24+s1], $0x80, $0x38;
	[tilespmem:$0x1EB00] =	vst v63  }
0x79: {  	s19 =	sadd.s32 s16, s23  }
0x7a: {  	[tilespmem:s10], [sflag:$0x3] =	stream.linear.gather [hbm4b:s19+s1], $0x80, $0x38;
	[tilespmem:$0x1EB00] =	vst v63  }
0x7b: {  	_ =	swait.ge [sflag:s2], $0x80  }
0x7c: {  	[sflag:s2] =	ssyncset.done $0x0  }
0x7d: {  	[sflag:s2] =	ssyncadd.s32 $0xFFFFFF80  }
0x7e: {  	_ =	swait.ge [sflag:s2], $0x80  }
0x7f: {  	[sflag:s2] =	ssyncset.done $0x0  }
0x80: {  	[sflag:s2] =	ssyncadd.s32 $0xFFFFFF80  }
0x81: {  	[tilespmem:s17], [sflag:$0x1] =	stream.indirect.gather [hbm4b:s12+s14], $0x80, s9, s14, $0xb8;
	[tilespmem:$0x1EB00] =	vst v63  }
0x82: {  	_ =	swait.ge [sflag:s3], $0x4000  }
0x83: {  	[sflag:s3] =	ssyncset.done $0x0  }
0x84: {  	[sflag:s3] =	ssyncadd.s32 $0xFFFFC000  }
0x85: {  	[spmem:s13] =	stream.indirect.scatter.add.f32 [tilespmem:s11], [sflag:$0x5], $0x80, s30, s14, $0xb8;
	[tilespmem:$0x1EB00] =	vst v63  }
0x86: {  	_ =	swait.ge [sflag:s8], $0x4000  }
0x87: {  	s28 =	sadd.s32 $0x0, s5;
	s21 =	sadd.s32 $0x0, s4;
	[sflag:s8] =	ssyncset.done $0x0  }
0x88: {  	s20 =	sadd.s32 $0x100, s22;
	s19 =	simm.s32 $0x20;
	[sflag:s8] =	ssyncadd.s32 $0xFFFFC000  }
0x89: {  	[tilespmem:s29], [sflag:$0x4] =	stream.linear.gather [hbm4b:s28+s1], $0x80, $0x38;
	[tilespmem:$0x1EB00] =	vst v63  }
.LBB2_2:
0x8a: {  	[tilespmem:s30], [sflag:$0x4] =	stream.linear.gather [hbm4b:s21+s1], $0x80, $0x38;
	[tilespmem:$0x1EB00] =	vst v63  }
0x8b: {  	s21 =	smov.u32 s19  }
0x8c: {  	p0 =	sne.s32 s19, $0x4C0;
	s19 =	sadd.s32 $0x20, s19;
	_ =	swait.ge [sflag:s31], $0x80  }
0x8d: {  	[sflag:s31] =	ssyncset.done $0x0  }
0x8e: {  	[sflag:s31] =	ssyncadd.s32 $0xFFFFFF80  }
0x8f: {  	_ =	swait.ge [sflag:s31], $0x80  }
0x90: {  	[sflag:s31] =	ssyncset.done $0x0  }
0x91: {  	[sflag:s31] =	ssyncadd.s32 $0xFFFFFF80  }
0x92: {  	[tilespmem:s11], [sflag:$0x2] =	stream.indirect.gather [hbm4b:s12+s14], $0x80, s29, s14, $0xb8;
	[tilespmem:$0x1EB00] =	vst v63  }
0x93: {  	_ =	swait.ge [sflag:s0], $0x4000  }
0x94: {  	[sflag:s0] =	ssyncset.done $0x0  }
0x95: {  	[sflag:s0] =	ssyncadd.s32 $0xFFFFC000  }
0x96: {  	[spmem:s13] =	stream.indirect.scatter.add.f32 [tilespmem:s17], [sflag:$0x5], $0x80, s10, s14, $0xb8;
	[tilespmem:$0x1EB00] =	vst v63  }
0x97: {  	_ =	swait.ge [sflag:s8], $0x4000  }
0x98: {  	s22 =	sshrl.u32 s20, $0x3;
	[sflag:s8] =	ssyncset.done $0x0  }
0x99: {  	s23 =	sadd.s32 s15, s22;
	[sflag:s8] =	ssyncadd.s32 $0xFFFFC000  }
0x9a: {  	[tilespmem:s9], [sflag:$0x3] =	stream.linear.gather [hbm4b:s23+s1], $0x80, $0x38;
	[tilespmem:$0x1EB00] =	vst v63  }
0x9b: {  	s22 =	sadd.s32 s16, s22  }
0x9c: {  	[tilespmem:s10], [sflag:$0x3] =	stream.linear.gather [hbm4b:s22+s1], $0x80, $0x38;
	[tilespmem:$0x1EB00] =	vst v63  }
0x9d: {  	_ =	swait.ge [sflag:s2], $0x80  }
0x9e: {  	[sflag:s2] =	ssyncset.done $0x0  }
0x9f: {  	[sflag:s2] =	ssyncadd.s32 $0xFFFFFF80  }
0xa0: {  	_ =	swait.ge [sflag:s2], $0x80  }
0xa1: {  	[sflag:s2] =	ssyncset.done $0x0  }
0xa2: {  	[sflag:s2] =	ssyncadd.s32 $0xFFFFFF80  }
0xa3: {  	[tilespmem:s17], [sflag:$0x1] =	stream.indirect.gather [hbm4b:s12+s14], $0x80, s9, s14, $0xb8;
	[tilespmem:$0x1EB00] =	vst v63  }
0xa4: {  	_ =	swait.ge [sflag:s3], $0x4000  }
0xa5: {  	[sflag:s3] =	ssyncset.done $0x0  }
0xa6: {  	[sflag:s3] =	ssyncadd.s32 $0xFFFFC000  }
0xa7: {  	[spmem:s13] =	stream.indirect.scatter.add.f32 [tilespmem:s11], [sflag:$0x5], $0x80, s30, s14, $0xb8;
	[tilespmem:$0x1EB00] =	vst v63  }
.Ltmp0:
0xa8: {  	_ =	swait.ge [sflag:s8], $0x4000;
	(pc) =	sbr.rel @p0 .LBB2_2-.Ltmp0, $4  }
0xa9: {  	[sflag:s8] =	ssyncset.done $0x0  }
0xaa: {  	s22 =	sadd.s32 s21, s5;
	[sflag:s8] =	ssyncadd.s32 $0xFFFFC000  }
0xab: {  	[tilespmem:s29], [sflag:$0x4] =	stream.linear.gather [hbm4b:s22+s1], $0x80, $0x38;
	[tilespmem:$0x1EB00] =	vst v63  }
0xac: {  	s20 =	sadd.s32 $0x100, s20;
	s21 =	sadd.s32 s21, s4  }
0xad: {  	[tilespmem:s30], [sflag:$0x4] =	stream.linear.gather [hbm4b:s21+s1], $0x80, $0x38;
	[tilespmem:$0x1EB00] =	vst v63  }
0xae: {  	_ =	swait.ge [sflag:s0], $0x4000  }
0xaf: {  	[sflag:s0] =	ssyncset.done $0x0  }
0xb0: {  	[sflag:s0] =	ssyncadd.s32 $0xFFFFC000  }
0xb1: {  	_ =	swait.ge [sflag:s31], $0x80  }
0xb2: {  	[sflag:s31] =	ssyncset.done $0x0  }
0xb3: {  	[sflag:s31] =	ssyncadd.s32 $0xFFFFFF80  }
0xb4: {  	_ =	swait.ge [sflag:s31], $0x80  }
0xb5: {  	[sflag:s31] =	ssyncset.done $0x0  }
0xb6: {  	s19 =	simm.s32 $0x1C980;
	s18 =	rddreg [dreg:$0x1a];
	[sflag:s31] =	ssyncadd.s32 $0xFFFFFF80  }
0xb7: {  	[tilespmem:s19], [sflag:$0x5] =	stream.linear.gather [hbm4b:s18+s1], $0x10, $0x38;
	[tilespmem:$0x1EB00] =	vst v63  }
0xb8: {  	_ =	swait.ge [sflag:s8], $0x10  }
0xb9: {  	[sflag:s8] =	ssyncset.done $0x0  }
0xba: {  	s20 =	simm.s32 $0x14000;
	s22 =	rddreg [dreg:$0x1b];
	[sflag:s8] =	ssyncadd.s32 $0xFFFFFFF0  }
0xbb: {  	[tilespmem:s20], [sflag:$0x5] =	stream.linear.gather [hbm4b:s22+s1], $0x10, $0x38;
	[tilespmem:$0x1EB00] =	vst v63  }
0xbc: {  	_ =	swait.ge [sflag:s8], $0x10  }
0xbd: {  	[sflag:s8] =	ssyncset.done $0x0  }
0xbe: {  	s23 =	simm.s32 $0x10;
	s24 =	simm.s32 $0x1C180;
	[sflag:s8] =	ssyncadd.s32 $0xFFFFFFF0  }
0xbf: {  	[tilespmem:s24], [sflag:$0x1] =	stream.indirect.gather [hbm4b:s12+s23], $0x80, s19, s23, $0xb8;
	[tilespmem:$0x1EB00] =	vst v63  }
0xc0: {  	_ =	swait.ge [sflag:s0], $0x800  }
0xc1: {  	[sflag:s0] =	ssyncset.done $0x0  }
0xc2: {  	[sflag:s0] =	ssyncadd.s32 $0xFFFFF800  }
0xc3: {  	[spmem:s13] =	stream.indirect.scatter.add.f32 [tilespmem:s24], [sflag:$0x5], $0x80, s20, s23, $0xb8;
	[tilespmem:$0x1EB00] =	vst v63  }
0xc4: {  	_ =	swait.ge [sflag:s8], $0x800  }
0xc5: {  	[sflag:s8] =	ssyncset.done $0x0  }
0xc6: {  	[sflag:s8] =	ssyncadd.s32 $0xFFFFF800  }
0xc7: {  	[bflag:$0x0] =	sbarrier.arrive $0xFFFF  }
0xc8: {  	[tilespmem:s7], [sflag:$0x5] =	stream.linear.gather [spmem:s6], $0x2000, $0x38;
	[tilespmem:$0x1EB00] =	vst v63  }
0xc9: {  	_ =	swait.ge [sflag:s8], $0x2000  }
0xca: {  	[sflag:s8] =	ssyncset.done $0x0  }
0xcb: {  	s21 =	rddreg [dreg:$0x4];
	[sflag:s8] =	ssyncadd.s32 $0xFFFFE000  }
0xcc: {  	[hbm4b:s21+s1] =	stream.linear.scatter [tilespmem:s7], [sflag:$0x5], $0x2000, $0x38;
	[tilespmem:$0x1EB00] =	vst v63  }
0xcd: {  	_ =	swait.ge [sflag:s8], $0x2000  }
0xce: {  	[sflag:s8] =	ssyncset.done $0x0  }
0xcf: {  	[sflag:s8] =	ssyncadd.s32 $0xFFFFE000  }
0xd0: {  	[tilespmem:s7], [sflag:$0x5] =	stream.linear.gather [spmem:s25], $0x2000, $0x38;
	[tilespmem:$0x1EB00] =	vst v63  }
0xd1: {  	_ =	swait.ge [sflag:s8], $0x2000  }
0xd2: {  	[sflag:s8] =	ssyncset.done $0x0  }
0xd3: {  	s22 =	rddreg [dreg:$0x5];
	[sflag:s8] =	ssyncadd.s32 $0xFFFFE000  }
0xd4: {  	[hbm4b:s22+s1] =	stream.linear.scatter [tilespmem:s7], [sflag:$0x5], $0x2000, $0x38;
	[tilespmem:$0x1EB00] =	vst v63  }
0xd5: {  	_ =	swait.ge [sflag:s8], $0x2000  }
0xd6: {  	[sflag:s8] =	ssyncset.done $0x0  }
0xd7: {  	[sflag:s8] =	ssyncadd.s32 $0xFFFFE000  }
0xd8: {  	[tilespmem:s7], [sflag:$0x5] =	stream.linear.gather [spmem:s26], $0x2000, $0x38;
	[tilespmem:$0x1EB00] =	vst v63  }
0xd9: {  	_ =	swait.ge [sflag:s8], $0x2000  }
0xda: {  	[sflag:s8] =	ssyncset.done $0x0  }
0xdb: {  	s23 =	rddreg [dreg:$0x6];
	[sflag:s8] =	ssyncadd.s32 $0xFFFFE000  }
0xdc: {  	[hbm4b:s23+s1] =	stream.linear.scatter [tilespmem:s7], [sflag:$0x5], $0x2000, $0x38;
	[tilespmem:$0x1EB00] =	vst v63  }
0xdd: {  	_ =	swait.ge [sflag:s8], $0x2000  }
0xde: {  	[sflag:s8] =	ssyncset.done $0x0  }
0xdf: {  	s23 =	rddreg [dreg:$0x14];
	[sflag:s8] =	ssyncadd.s32 $0xFFFFE000  }
0xe0: {  	[tilespmem:s7], [sflag:$0x5] =	stream.linear.gather [spmem:s23], $0x2000, $0x38;
	[tilespmem:$0x1EB00] =	vst v63  }
0xe1: {  	_ =	swait.ge [sflag:s8], $0x2000  }
0xe2: {  	[sflag:s8] =	ssyncset.done $0x0  }
0xe3: {  	s24 =	rddreg [dreg:$0x7];
	[sflag:s8] =	ssyncadd.s32 $0xFFFFE000  }
0xe4: {  	[hbm4b:s24+s1] =	stream.linear.scatter [tilespmem:s7], [sflag:$0x5], $0x2000, $0x38;
	[tilespmem:$0x1EB00] =	vst v63  }
0xe5: {  	_ =	swait.ge [sflag:s8], $0x2000  }
0xe6: {  	[sflag:s8] =	ssyncset.done $0x0  }
0xe7: {  	s6 =	rddreg [dreg:$0x10];
	[sflag:s8] =	ssyncadd.s32 $0xFFFFE000  }
0xe8: {  	[tilespmem:s7], [sflag:$0x5] =	stream.linear.gather [spmem:s6], $0x2000, $0x38;
	[tilespmem:$0x1EB00] =	vst v63  }
0xe9: {  	_ =	swait.ge [sflag:s8], $0x2000  }
0xea: {  	[sflag:s8] =	ssyncset.done $0x0  }
0xeb: {  	s21 =	smov.u32 s25;
	s25 =	rddreg [dreg:$0x8];
	[sflag:s8] =	ssyncadd.s32 $0xFFFFE000  }
0xec: {  	[hbm4b:s25+s1] =	stream.linear.scatter [tilespmem:s7], [sflag:$0x5], $0x2000, $0x38;
	[tilespmem:$0x1EB00] =	vst v63  }
0xed: {  	_ =	swait.ge [sflag:s8], $0x2000  }
0xee: {  	[sflag:s8] =	ssyncset.done $0x0  }
0xef: {  	s24 =	rddreg [dreg:$0xf];
	[sflag:s8] =	ssyncadd.s32 $0xFFFFE000  }
0xf0: {  	[tilespmem:s7], [sflag:$0x5] =	stream.linear.gather [spmem:s24], $0x2000, $0x38;
	[tilespmem:$0x1EB00] =	vst v63  }
0xf1: {  	_ =	swait.ge [sflag:s8], $0x2000  }
0xf2: {  	[sflag:s8] =	ssyncset.done $0x0  }
0xf3: {  	s22 =	smov.u32 s26;
	s26 =	rddreg [dreg:$0x9];
	[sflag:s8] =	ssyncadd.s32 $0xFFFFE000  }
0xf4: {  	[hbm4b:s26+s1] =	stream.linear.scatter [tilespmem:s7], [sflag:$0x5], $0x2000, $0x38;
	[tilespmem:$0x1EB00] =	vst v63  }
0xf5: {  	_ =	swait.ge [sflag:s8], $0x2000  }
0xf6: {  	[sflag:s8] =	ssyncset.done $0x0  }
0xf7: {  	s25 =	rddreg [dreg:$0x11];
	[sflag:s8] =	ssyncadd.s32 $0xFFFFE000  }
0xf8: {  	[tilespmem:s7], [sflag:$0x5] =	stream.linear.gather [spmem:s25], $0x2000, $0x38;
	[tilespmem:$0x1EB00] =	vst v63  }
0xf9: {  	_ =	swait.ge [sflag:s8], $0x2000  }
0xfa: {  	[sflag:s8] =	ssyncset.done $0x0  }
0xfb: {  	s18 =	rddreg [dreg:$0xa];
	[sflag:s8] =	ssyncadd.s32 $0xFFFFE000  }
0xfc: {  	[hbm4b:s18+s1] =	stream.linear.scatter [tilespmem:s7], [sflag:$0x5], $0x2000, $0x38;
	[tilespmem:$0x1EB00] =	vst v63  }
0xfd: {  	_ =	swait.ge [sflag:s8], $0x2000  }
0xfe: {  	[sflag:s8] =	ssyncset.done $0x0  }
0xff: {  	s26 =	rddreg [dreg:$0x12];
	[sflag:s8] =	ssyncadd.s32 $0xFFFFE000  }
0x100: {  	[tilespmem:s7], [sflag:$0x5] =	stream.linear.gather [spmem:s26], $0x2000, $0x38;
	[tilespmem:$0x1EB00] =	vst v63  }
0x101: {  	_ =	swait.ge [sflag:s8], $0x2000  }
0x102: {  	[sflag:s8] =	ssyncset.done $0x0  }
0x103: {  	s20 =	rddreg [dreg:$0xb];
	[sflag:s8] =	ssyncadd.s32 $0xFFFFE000  }
0x104: {  	[hbm4b:s20+s1] =	stream.linear.scatter [tilespmem:s7], [sflag:$0x5], $0x2000, $0x38;
	[tilespmem:$0x1EB00] =	vst v63  }
0x105: {  	_ =	swait.ge [sflag:s8], $0x2000  }
0x106: {  	[sflag:s8] =	ssyncset.done $0x0  }
0x107: {  	s28 =	rddreg [dreg:$0x13];
	[sflag:s8] =	ssyncadd.s32 $0xFFFFE000  }
0x108: {  	[tilespmem:s7], [sflag:$0x5] =	stream.linear.gather [spmem:s28], $0x2000, $0x38;
	[tilespmem:$0x1EB00] =	vst v63  }
0x109: {  	_ =	swait.ge [sflag:s8], $0x2000  }
0x10a: {  	[sflag:s8] =	ssyncset.done $0x0  }
0x10b: {  	s18 =	rddreg [dreg:$0xc];
	[sflag:s8] =	ssyncadd.s32 $0xFFFFE000  }
0x10c: {  	[hbm4b:s18+s1] =	stream.linear.scatter [tilespmem:s7], [sflag:$0x5], $0x2000, $0x38;
	[tilespmem:$0x1EB00] =	vst v63  }
0x10d: {  	_ =	swait.ge [sflag:s8], $0x2000  }
0x10e: {  	[sflag:s8] =	ssyncset.done $0x0  }
0x10f: {  	s18 =	rddreg [dreg:$0x15];
	[sflag:s8] =	ssyncadd.s32 $0xFFFFE000  }
0x110: {  	[tilespmem:s7], [sflag:$0x5] =	stream.linear.gather [spmem:s18], $0x2000, $0x38;
	[tilespmem:$0x1EB00] =	vst v63  }
0x111: {  	_ =	swait.ge [sflag:s8], $0x2000  }
0x112: {  	[sflag:s8] =	ssyncset.done $0x0  }
0x113: {  	s20 =	rddreg [dreg:$0xd];
	[sflag:s8] =	ssyncadd.s32 $0xFFFFE000  }
0x114: {  	[hbm4b:s20+s1] =	stream.linear.scatter [tilespmem:s7], [sflag:$0x5], $0x2000, $0x38;
	[tilespmem:$0x1EB00] =	vst v63  }
0x115: {  	_ =	swait.ge [sflag:s8], $0x2000  }
0x116: {  	s19 =	rddreg [dreg:$0x1e]  }
0x117: {  	s20 =	sadd.s32 $0x1, s19;
	s19 =	rddreg [dreg:$0x1c]  }
0x118: {  	p0 =	sne.s32 s20, s19  }
.Ltmp1:
0x119: {  	_ = 	snop;
	(pc) =	sbr.rel @p0 .LBB2_1-.Ltmp1, $3  }
0x11a: {  	_ =	sdelay $0x1  }
0x11b: {  	[sflag:s8] =	ssyncset.done $0x0;
	[dreg:$0x1e] =	wrdreg s20  }
0x11c: {  	[sflag:s8] =	ssyncadd.s32 $0xFFFFE000;
	s20 =	rddreg [dreg:$0x1f]  }
0x11d: {  	_ =	sfence.sel $0x180000  }
0x11e: {  	[bflag:$0x0] =	sbarrier.arrive $0xFFFF  }
0x11f: {  	_ =	strace $0x9000004D  }
0x120: {  	s0 =	stileid.u32;
	[bflag:$0x2] =	sbarrier.arrive $0xFFFF  }
0x121: {  	p0 =	sne.s32 s0, $0x0;
	s0 =	rddreg [dreg:$0x3]  }
0x122: {  	s0 =	sadd.s32 @!p0 $0x100000, s0  }
0x123: {  	[sflag:s0] =	ssyncadd.tile.s32 @!p0 $0x1;
	_ =	shalt  }
.Lfunc_end2:
_tile_overlayer_lowered:
.L_overlay_start_2:
0x124: {  	(tag) =	ssettag $0x2  }
0x125: {  	s0 =	rddreg [dreg:$0x0];
	s2 =	stileid.u32  }
0x126: {  	s1 =	rddreg [dreg:$0x1];
	p0 =	sne.s32 s2, $0x0  }
0x127: {  	s3 =	rddreg [dreg:$0x2];
	[bflag:$0x3] =	sbarrier.arrive $0xFFFF;
	s2 =	simm.s32 @!p0 $0x1C05  }
0x128: {  	[timem:s3], [sflag:s2] =	dma.local @!p0 [hbm:s0], s1  }
0x129: {  	s0 =	simm.s32 @!p0 $0x5  }
0x12a: {  	_ =	swait.ge @!p0 [sflag:s0], s1  }
0x12b: {  	s1 =	ssub.s32 @!p0 $0x0, s1;
	[sflag:s0] =	ssyncset.done @!p0 $0x0  }
0x12c: {  	[sflag:s0] =	ssyncadd.s32 @!p0 s1  }
0x12d: {  	[bflag:$0x3] =	sbarrier.arrive $0xFFFF  }
0x12e: {  	_ =	shalt  }

// kernel: kernel.8.cloned.1.call-start
scs
__scs_entry_jumppad:
0x0: {  	(pc) =	sbr.rel $0x88, $3  }
0x1: {  	(tag) =	ssettag $0x0;
	lr =	simm.s32 $0x1  }
0x2: {  	[smem:$0x3F96] =	sst lr;
	_ =	strace $0xD0000000  }
0x3: {  	_ = 	snop  }
0x4: {  	_ = 	snop  }
0x5: {  	_ = 	snop  }
0x6: {  	_ = 	snop  }
0x7: {  	_ = 	snop  }
__scs_overlays_trampoline_lowered:
0x8: {  	[smem:$0x3FA5] =	sst s0  }
0x9: {  	[smem:$0x3FA6] =	sst s1  }
0xa: {  	[smem:$0x3FA7] =	sst s2  }
0xb: {  	[smem:$0x3FA8] =	sst s3  }
0xc: {  	[smem:$0x3FA9] =	sst s4  }
0xd: {  	[smem:$0x3FAA] =	sst s5  }
0xe: {  	[smem:$0x3FAB] =	sst s6  }
0xf: {  	[smem:$0x3FAC] =	sst s7  }
0x10: {  	[smem:$0x3FAD] =	sst s8  }
0x11: {  	[smem:$0x3FAE] =	sst s9;
	s0 =	simm.s32 @!p0 $0x0  }
0x12: {  	s1 =	sld [smem:$0x3F94];
	s0 =	simm.s32 @p0 $0x1  }
0x13: {  	[smem:$0x3FAF] =	sst s0;
	s0 =	simm.s32 @!p1 $0x0  }
0x14: {  	s2 =	sld [smem:$0x3F93];
	s0 =	simm.s32 @p1 $0x1  }
0x15: {  	[smem:$0x3FB0] =	sst s0;
	s0 =	simm.s32 @!p2 $0x0  }
0x16: {  	s3 =	sld [smem:$0x3FDB];
	s0 =	simm.s32 @p2 $0x1  }
0x17: {  	s4 =	simm.s32 $0x1BF5;
	[smem:$0x3FB2] =	sst s0  }
0x18: {  	s0 =	sld [smem:$0x3F95];
	_ =	swait.ge [sflag:s4], $0x0  }
0x19: {  	s7 =	sld [smem:$0x3F96]  }
0x1a: {  	s8 =	sadd.s32 $0xFFFFE003, lr  }
0x1b: {  	s9 =	sadd.s32 $0xFFFFFEF7, lr;
	s5 =	simm.s32 $0xFFFFFFFF;
	p2 =	slt.u32 s8, $0xFFFFF086  }
0x1c: {  	p1 =	slt.u32 s9, $0xF7A;
	s5 =	simm.s32 @!p2 $0x0  }
0x1d: {  	s5 =	simm.s32 @p1 $0x1;
	p0 =	seq.s32 s7, s2  }
0x1e: {  	s7 =	smul.u32 @!p0 $0xF7A, s2;
	p2 =	seq.s32 @!p0 s5, $0x0  }
0x1f: {  	s9 =	smul.u32 $0xF7A, s1;
	s8 =	simm.s32 @!p0 $0x1BF5;
	p2 =	por !p2, p0  }
0x20: {  	[sflag:s8] =	ssyncset.s32 @!p0 $0xFFFFF086;
	s6 =	sadd.s32 @!p0 s3, s7;
	s7 =	simm.s32 @!p0 $0x108  }
0x21: {  	s3 =	sadd.s32 s3, s9;
	s6 =	sadd.s32 @!p0 $0x88, s6;
	s7 =	simm.s32 @p2 $0x1082  }
0x22: {  	[simem:s7], [sflag:s8] =	dma.local @!p0 [hbm:s6], $0xF7A  }
0x23: {  	s9 =	sor.u32 $0xD0000000, s2;
	s6 =	simm.s32 $0x108;
	_ =	swait.ge @!p0 [sflag:s8], $0x0  }
0x24: {  	s3 =	sadd.s32 $0x88, s3;
	s6 =	simm.s32 @!p1 $0x1082;
	[sflag:s4] =	ssyncset.s32 $0xFFFFF086  }
0x25: {  	[simem:s6], [sflag:s4] =	dma.local [hbm:s3], $0xF7A  }
0x26: {  	[smem:$0x3F96] =	sst s1;
	(tag) =	ssettag s2;
	_ =	strace s9  }
0x27: {  	s1 =	sld [smem:$0x3FA6]  }
0x28: {  	s2 =	sld [smem:$0x3FA7]  }
0x29: {  	s4 =	sld [smem:$0x3FA9]  }
0x2a: {  	p0 =	seq.s32 s5, $0x0;
	s5 =	sld [smem:$0x3FAA]  }
0x2b: {  	s6 =	sld [smem:$0x3FAB]  }
0x2c: {  	s7 =	sld [smem:$0x3FAC]  }
0x2d: {  	s3 =	simm.s32 $0x108;
	s8 =	sld [smem:$0x3FAD]  }
0x2e: {  	s3 =	simm.s32 @!p0 $0x1082;
	s9 =	sld [smem:$0x3FAE]  }
0x2f: {  	lr =	sadd.s32 s0, s3;
	s0 =	sld [smem:$0x3FA5]  }
0x30: {  	s3 =	sld [smem:$0x3FA8]  }
0x31: {  	[smem:$0x3FB1] =	sst s10  }
0x32: {  	s10 =	sld [smem:$0x3FAF];
	_ =	sdelay $0x3  }
0x33: {  	p0 =	seq.s32 s10, $0x1;
	s10 =	sld [smem:$0x3FB1];
	_ =	sdelay $0x3  }
0x34: {  	[smem:$0x3FB1] =	sst s10  }
0x35: {  	s10 =	sld [smem:$0x3FB0];
	_ =	sdelay $0x3  }
0x36: {  	p1 =	seq.s32 s10, $0x1;
	s10 =	sld [smem:$0x3FB1];
	_ =	sdelay $0x3  }
0x37: {  	[smem:$0x3FB1] =	sst s10  }
0x38: {  	s10 =	sld [smem:$0x3FB2]  }
0x39: {  	_ = 	snop;
	(pc) =	sbr.ind lr, $3  }
0x3a: {  	_ = 	snop  }
0x3b: {  	_ = 	snop  }
0x3c: {  	p2 =	seq.s32 s10, $0x1;
	s10 =	sld [smem:$0x3FB1]  }
0x3d: {  	_ =	shalt  }
0x3e: {  	_ =	shalt  }
0x3f: {  	_ =	shalt  }
0x40: {  	_ =	shalt  }
0x41: {  	_ =	shalt  }
0x42: {  	_ =	shalt  }
0x43: {  	_ =	shalt  }
0x44: {  	_ =	shalt  }
0x45: {  	_ =	shalt  }
0x46: {  	_ =	shalt  }
0x47: {  	_ =	shalt  }
0x48: {  	_ =	shalt  }
0x49: {  	_ =	shalt  }
0x4a: {  	_ =	shalt  }
0x4b: {  	_ =	shalt  }
0x4c: {  	_ =	shalt  }
0x4d: {  	_ =	shalt  }
0x4e: {  	_ =	shalt  }
0x4f: {  	_ =	shalt  }
0x50: {  	_ =	shalt  }
0x51: {  	_ =	shalt  }
0x52: {  	_ =	shalt  }
0x53: {  	_ =	shalt  }
0x54: {  	_ =	shalt  }
0x55: {  	_ =	shalt  }
0x56: {  	_ =	shalt  }
0x57: {  	_ =	shalt  }
0x58: {  	_ =	shalt  }
0x59: {  	_ =	shalt  }
0x5a: {  	_ =	shalt  }
0x5b: {  	_ =	shalt  }
0x5c: {  	_ =	shalt  }
0x5d: {  	_ =	shalt  }
0x5e: {  	_ =	shalt  }
0x5f: {  	_ =	shalt  }
0x60: {  	_ =	shalt  }
0x61: {  	_ =	shalt  }
0x62: {  	_ =	shalt  }
0x63: {  	_ =	shalt  }
0x64: {  	_ =	shalt  }
0x65: {  	_ =	shalt  }
0x66: {  	_ =	shalt  }
0x67: {  	_ =	shalt  }
0x68: {  	_ =	shalt  }
0x69: {  	_ =	shalt  }
0x6a: {  	_ =	shalt  }
0x6b: {  	_ =	shalt  }
0x6c: {  	_ =	shalt  }
0x6d: {  	_ =	shalt  }
0x6e: {  	_ =	shalt  }
0x6f: {  	_ =	shalt  }
0x70: {  	_ =	shalt  }
0x71: {  	_ =	shalt  }
0x72: {  	_ =	shalt  }
0x73: {  	_ =	shalt  }
0x74: {  	_ =	shalt  }
0x75: {  	_ =	shalt  }
0x76: {  	_ =	shalt  }
0x77: {  	_ =	shalt  }
0x78: {  	_ =	shalt  }
0x79: {  	_ =	shalt  }
0x7a: {  	_ =	shalt  }
0x7b: {  	_ =	shalt  }
0x7c: {  	_ =	shalt  }
0x7d: {  	_ =	shalt  }
0x7e: {  	_ =	shalt  }
0x7f: {  	_ =	shalt  }
0x80: {  	_ =	shalt  }
0x81: {  	_ =	shalt  }
0x82: {  	_ =	shalt  }
0x83: {  	_ =	shalt  }
0x84: {  	_ =	shalt  }
0x85: {  	_ =	shalt  }
0x86: {  	_ =	shalt  }
0x87: {  	_ =	shalt  }
.Lfunc_end0:
.L_simem_size_0:
called_computation_lowered:
.L_overlay_start_0:
0x88: {  	s2 =	sld [smem:$0x3FD9]  }
0x89: {  	s3 =	sld [smem:$0x3FFE];
	_ =	sdelay $0x1  }
0x8a: {  	s1 =	srdreg.scid  }
0x8b: {  	s0 =	sand.u32 $0x1, s1  }
0x8c: {  	s17 =	sshll.u32 s0, $0xA;
	s2 =	sadd.s32 s3, s2  }
0x8d: {  	s2 =	sadd.s32 s2, s17  }
0x8e: {  	[smem:$0x3FBD] =	sst s2  }
0x8f: {  	_ = 	snop  }
0x90: {  	(tm) =	ssettm $0x1  }
0x91: {  	s18 =	sld [smem:$0x3FFB];
	_ =	sdelay $0x3  }
0x92: {  	_ =	strace s18  }
0x93: {  	s2 =	sld [smem:$0x3FFC];
	_ =	sdelay $0x3  }
0x94: {  	_ =	strace s2  }
0x95: {  	s2 =	sld [smem:$0x3FFD];
	_ =	sdelay $0x3  }
0x96: {  	_ =	strace s2  }
0x97: {  	_ =	strace $0x8FFFFFFF  }
0x98: {  	s19 =	sld [smem:$0x3FDB];
	_ =	sdelay $0x1  }
0x99: {  	s20 =	simm.s32 $_scs_section_size  }
0x9a: {  	s4 =	simm.s32 $_size__tile_overlayer_lowered;
	s5 =	simm.s32 $_tile_overlayer_lowered  }
0x9b: {  	s6 =	simm.s32 $0x1BFF;
	s21 =	sshll.u32 s5, $0x1;
	s3 =	sadd.s32 s20, s19  }
0x9c: {  	s22 =	simm.s32 $0x0;
	s4 =	sshll.u32 s4, $0x1;
	s5 =	sadd.s32 s21, s3  }
0x9d: {  	[timem:s22], [sflag:s6] =	dma.local [hbm:s5], s4  }
0x9e: {  	_ =	swait.ge [sflag:s6], s4  }
0x9f: {  	s4 =	ssub.s32 $0x0, s4;
	[sflag:s6] =	ssyncset.done $0x0  }
0xa0: {  	[sflag:s6] =	ssyncadd.s32 s4;
	_ =	sdelay $0x1  }
0xa1: {  	s23 =	simm.s32 $0x1B8B  }
0xa2: {  	_ =	swait.ge [sflag:s23], $0x1  }
0xa3: {  	[sflag:s23] =	ssyncset.done $0x0  }
0xa4: {  	[sflag:s23] =	ssyncadd.s32 $0xFFFFFFFF  }
0xa5: {  	s4 =	sld [smem:$0x0]  }
0xa6: {  	s5 =	sand.u32 $0xFFFFFFFE, s1  }
0xa7: {  	p0 =	sne.s32 s1, s5  }
0xa8: {  	s5 =	sshll.u32 @p0 s5, $0xE  }
0xa9: {  	s5 =	sadd.s32 @p0 $0x11B8D, s5;
	s6 =	sshll.u32 @p0 s4, $0x11  }
0xaa: {  	s5 =	sor.u32 @p0 s6, s5  }
0xab: {  	[sflag:s5] =	ssyncadd.remote.s32 @p0 $0x1;
	_ =	sdelay $0x1  }
0xac: {  	s5 =	simm.s32 @p0 $0x1B8D  }
0xad: {  	_ =	swait.eq @p0 [sflag:s5], $0x1  }
0xae: {  	[sflag:s5] =	ssyncadd.s32 @p0 $0xFFFFFFFF  }
0xaf: {  	s6 =	sshll.u32 @!p0 s1, $0xE  }
0xb0: {  	s6 =	sor.u32 @!p0 $0x4000, s6;
	s5 =	simm.s32 @!p0 $0x1B8D  }
0xb1: {  	s4 =	sshll.u32 @!p0 s4, $0x11;
	s6 =	sadd.s32 @!p0 $0x11B8D, s6;
	_ =	swait.eq @!p0 [sflag:s5], $0x1  }
0xb2: {  	s4 =	sor.u32 @!p0 s4, s6;
	[sflag:s5] =	ssyncadd.s32 @!p0 $0xFFFFFFFF  }
0xb3: {  	s25 =	simm.s32 $0x1B8E;
	s24 =	sld [smem:$0x3FFE];
	[sflag:s4] =	ssyncadd.remote.s32 @!p0 $0x1  }
0xb4: {  	s26 =	simm.s32 $execute0_lowered;
	[smem:$0x3FD2] =	sst s25  }
0xb5: {  	s5 =	sshll.u32 s26, $0x1;
	_ =	strace $0x80000049;
	[dreg:$0x1] =	wrdreg $0xFFFFFFFF  }
0xb6: {  	s28 =	simm.s32 $_size_execute0_lowered;
	s3 =	sadd.s32 s3, s5;
	[dreg:$0x0] =	wrdreg $0x0  }
0xb7: {  	s5 =	sshll.u32 s28, $0x1;
	[dreg:$0x2] =	wrdreg s3  }
0xb8: {  	[dreg:$0x3] =	wrdreg s5  }
0xb9: {  	[dreg:$0x4] =	wrdreg $0xC0  }
0xba: {  	_ =	task [dreg:s22], $0x5FFFF  }
0xbb: {  	[dreg:$0x1] =	wrdreg $0xFFFFFFFF  }
0xbc: {  	[dreg:$0x0] =	wrdreg $0x60  }
0xbd: {  	[dreg:$0x2] =	wrdreg s24  }
0xbe: {  	[dreg:$0x3] =	wrdreg $0x0  }
0xbf: {  	[dreg:$0x4] =	wrdreg $0x9  }
0xc0: {  	_ =	task.clear_ibuf [dreg:s22], $0x5FFFF;
	_ =	strace $0x90000049  }
0xc1: {  	s29 =	simm.s32 $0x9;
	_ =	strace $0x8000004B  }
0xc2: {  	_ =	swait.ge [sflag:s29], $0x1  }
0xc3: {  	[sflag:s29] =	ssyncadd.s32 $0xFFFFFFFF  }
0xc4: {  	_ =	strace $0x9000004B  }
0xc5: {  	_ =	sfence  }
0xc6: {  	s30 =	sld [smem:$0x0];
	_ =	sdelay $0x2  }
0xc7: {  	s31 =	sshll.u32 s1, $0xD;
	s1 =	sshrl.u32 s1, $0x2  }
0xc8: {  	s4 =	sand.u32 $0x4000, s31;
	s1 =	sadd.s32 s1, s30  }
0xc9: {  	s0 =	sor.u32 s4, s0;
	s1 =	sshll.u32 s1, $0x11  }
0xca: {  	s0 =	sor.u32 s1, s0  }
0xcb: {  	s0 =	sadd.s32 $0x8F2B, s0  }
0xcc: {  	[sflag:s0] =	ssyncadd.remote.s32 $0x1  }
0xcd: {  	_ =	sfence.sel $0xFFFF  }
0xce: {  	[dreg:$0x0] =	wrdreg $0xFFFFFFFF;
	(pc) =	sbr.abs _section_cstart, $3  }
0xcf: {  	[dreg:$0x1] =	wrdreg $0xFFFFFFFF  }
0xd0: {  	_ =	task.clear_ibuf [dreg:s22], $0x2FFFF;
	_ =	strace $0x9FFFFFFF  }
0xd1: {  	(tm) =	ssettm $0x7FFFFFFF  }
tec
execute0_lowered:
.L_overlay_start_1:
0x0: {  	(tag) =	ssettag $0x1  }
0x1: {  	s0 =	srdreg.scid;
	s2 =	rddreg [dreg:$0x0]  }
0x2: {  	s1 =	simm.s32 $0x0;
	s19 =	stileid.u32;
	s29 =	simm.s32 $0x80  }
0x3: {  	s28 =	simm.s32 $0x6;
	s3 =	sand.u32 $0x1, s0;
	[smem:$0x7FF] =	sst s1  }
0x4: {  	s5 =	smul.u32 $0x14000, s19;
	s6 =	sadd.s32 $0x68400, s2;
	s0 =	ssub.s32 $0x2, s3  }
0x5: {  	s24 =	sshll.u32 s19, $0x1;
	s11 =	smul.u32 $0x140000, s3;
	s4 =	sshrl.u32 s0, $0x1  }
0x6: {  	s7 =	sor.u32 $0x2000, s5;
	s8 =	sadd.s32 $0x4000, s5;
	s9 =	sadd.s32 $0x6000, s5  }
0x7: {  	s10 =	sadd.s32 $0x8000, s5;
	s13 =	sadd.s32 $0xA000, s5;
	s15 =	sadd.s32 $0xC000, s5  }
0x8: {  	s16 =	sadd.s32 $0xE000, s5;
	s17 =	sadd.s32 $0x10000, s5;
	s18 =	sadd.s32 $0x12000, s5  }
0x9: {  	s20 =	ssub.s32 s0, s4;
	s4 =	sor.u32 s3, s24;
	s5 =	sadd.s32 s5, s11  }
0xa: {  	s12 =	sadd.s32 s11, s7;
	s14 =	sadd.s32 s11, s8;
	s21 =	sadd.s32 s11, s13  }
0xb: {  	s3 =	smul.u32 $0x2710, s3;
	s5 =	sshrl.u32 s5, $0x3;
	s25 =	sshrl.u32 s12, $0x3  }
0xc: {  	s26 =	sshrl.u32 s14, $0x3;
	s12 =	sadd.s32 s11, s9;
	s14 =	sadd.s32 s11, s10  }
0xd: {  	s23 =	sshrl.u32 s21, $0x3;
	s4 =	smul.u32 $0x2710, s4;
	s5 =	sadd.s32 s6, s5  }
0xe: {  	s0 =	sadd.s32 s6, s26;
	s22 =	sshrl.u32 s14, $0x3;
	s24 =	sadd.s32 s6, s23  }
0xf: {  	s26 =	sadd.s32 s11, s16;
	s23 =	sadd.s32 s11, s18;
	[dreg:$0x3] =	wrdreg s5  }
0x10: {  	s14 =	sadd.s32 $0x3C00, s2;
	s5 =	sadd.s32 s6, s25;
	[dreg:$0x5] =	wrdreg s0  }
0x11: {  	[dreg:$0x8] =	wrdreg s24;
	s25 =	sadd.s32 s11, s15;
	s0 =	sadd.s32 s11, s17  }
0x12: {  	s24 =	smul.u32 $0x4E20, s19;
	[dreg:$0x4] =	wrdreg s5;
	s5 =	sshrl.u32 s12, $0x3  }
0x13: {  	s12 =	sshrl.u32 s26, $0x3;
	s21 =	sshrl.u32 s0, $0x3;
	s5 =	sadd.s32 s6, s5  }
0x14: {  	s0 =	sadd.s32 $0x17800, s2;
	[dreg:$0x6] =	wrdreg s5;
	s5 =	sadd.s32 s6, s22  }
0x15: {  	s22 =	sadd.s32 s6, s21;
	[dreg:$0x7] =	wrdreg s5;
	s5 =	sshrl.u32 s25, $0x3  }
0x16: {  	s2 =	sadd.s32 $0x67C00, s2;
	[dreg:$0xb] =	wrdreg s22;
	s5 =	sadd.s32 s6, s5  }
0x17: {  	s3 =	sadd.s32 s3, s24;
	s25 =	smul.u32 $0x50000, s19;
	[dreg:$0x9] =	wrdreg s5  }
0x18: {  	s11 =	sadd.s32 $0x300, s3;
	s5 =	sadd.s32 s6, s12;
	s12 =	rddreg [dreg:$0x1]  }
0x19: {  	s26 =	sshrl.u32 s25, $0x2;
	[dreg:$0xa] =	wrdreg s5;
	s5 =	sshrl.u32 s23, $0x3  }
0x1a: {  	s22 =	sadd.s32 s26, s12;
	s23 =	sadd.s32 s8, s12;
	s5 =	sadd.s32 s6, s5  }
0x1b: {  	s21 =	sadd.s32 s10, s12;
	s26 =	sadd.s32 s13, s12;
	[dreg:$0xc] =	wrdreg s5  }
0x1c: {  	s19 =	sadd.s32 s16, s12;
	_ =	strace $0x8000004A;
	[dreg:$0xd] =	wrdreg s0  }
0x1d: {  	s24 =	sadd.s32 s17, s12;
	s6 =	sadd.s32 s7, s12;
	[dreg:$0xe] =	wrdreg s2  }
0x1e: {  	s25 =	sadd.s32 s18, s12;
	s7 =	sadd.s32 s9, s12;
	[dreg:$0x17] =	wrdreg s6  }
0x1f: {  	s10 =	sadd.s32 $0x380, s3;
	s9 =	smax.u32 s20, $0x1;
	[dreg:$0x12] =	wrdreg s7  }
0x20: {  	s13 =	sadd.s32 $0x280, s3;
	s5 =	sshrl.u32 s10, $0x3;
	[dreg:$0x19] =	wrdreg s9  }
0x21: {  	s0 =	sadd.s32 s15, s12;
	s2 =	sshrl.u32 s4, $0x3;
	[dreg:$0xf] =	wrdreg s21  }
0x22: {  	s4 =	sshrl.u32 s13, $0x3;
	s30 =	sadd.s32 s5, s14;
	[dreg:$0x10] =	wrdreg s26  }
0x23: {  	s15 =	sadd.s32 $0x200, s3;
	s6 =	simm.s32 $0x18280;
	[dreg:$0x13] =	wrdreg s19  }
0x24: {  	s7 =	simm.s32 $0x9;
	s9 =	simm.s32 $0x14080;
	[dreg:$0x14] =	wrdreg s24  }
0x25: {  	s13 =	simm.s32 $0x14180;
	s3 =	simm.s32 $0x3;
	[dreg:$0x15] =	wrdreg s22  }
0x26: {  	s5 =	simm.s32 $0x4;
	[dreg:$0x16] =	wrdreg s25;
	s8 =	sadd.s32 s14, s2  }
0x27: {  	s2 =	sshrl.u32 s11, $0x3;
	s10 =	sadd.s32 s4, s14;
	[dreg:$0x1a] =	wrdreg s15  }
0x28: {  	s11 =	simm.s32 $0x14100;
	s15 =	simm.s32 $0x14200;
	[dreg:$0x11] =	wrdreg s0  }
0x29: {  	s4 =	simm.s32 $0x5;
	s16 =	sadd.s32 $0x10, s8;
	[dreg:$0x18] =	wrdreg s8  }
0x2a: {  	s31 =	sadd.s32 s2, s14;
	s17 =	sadd.s32 $0x20, s8;
	[dreg:$0x1b] =	wrdreg s16  }
0x2b: {  	s18 =	sadd.s32 $0x30, s8;
	s20 =	sadd.s32 $0x4E0, s8;
	[dreg:$0x1c] =	wrdreg s17  }
0x2c: {  	s8 =	simm.s32 $0x14280;
	s2 =	simm.s32 $0x2;
	[dreg:$0x1d] =	wrdreg s18  }
0x2d: {  	[dreg:$0x1e] =	wrdreg s20;
	s16 =	simm.s32 $0x1;
	s20 =	simm.s32 $0x0  }
0x2e: {  	s17 =	simm.s32 $0x7;
	s18 =	simm.s32 $0x8;
	[dreg:$0x1f] =	wrdreg s20  }
.LBB2_1:
0x2f: {  	s20 =	rddreg [dreg:$0xd]  }
0x30: {  	[tilespmem:s6], [sflag:$0x9] =	stream.linear.gather [hbm4b:s20+s1], $0x2000, $0x38;
	[tilespmem:$0x1A280] =	vst v63  }
0x31: {  	_ =	swait.ge [sflag:s7], $0x2000  }
0x32: {  	[sflag:s7] =	ssyncset.done $0x0  }
0x33: {  	s20 =	rddreg [dreg:$0xe];
	[sflag:s7] =	ssyncadd.s32 $0xFFFFE000  }
0x34: {  	[tilespmem:s8], [sflag:$0x9] =	stream.linear.gather [hbm4b:s20+s1], $0x4000, $0x38;
	[tilespmem:$0x1A280] =	vst v63  }
0x35: {  	_ =	swait.ge [sflag:s7], $0x4000  }
0x36: {  	[sflag:s7] =	ssyncset.done $0x0  }
0x37: {  	[sflag:s7] =	ssyncadd.s32 $0xFFFFC000  }
0x38: {  	[spmem:s22] =	stream.linear.scatter [tilespmem:s6], [sflag:$0x9], $0x2000, $0x38;
	[tilespmem:$0x1A280] =	vst v63  }
0x39: {  	s20 =	rddreg [dreg:$0x12];
	_ =	swait.ge [sflag:s7], $0x2000  }
0x3a: {  	[sflag:s7] =	ssyncset.done $0x0  }
0x3b: {  	s22 =	rddreg [dreg:$0x17];
	[sflag:s7] =	ssyncadd.s32 $0xFFFFE000  }
0x3c: {  	[spmem:s22] =	stream.linear.scatter [tilespmem:s6], [sflag:$0x9], $0x2000, $0x38;
	[tilespmem:$0x1A280] =	vst v63  }
0x3d: {  	_ =	swait.ge [sflag:s7], $0x2000  }
0x3e: {  	[sflag:s7] =	ssyncset.done $0x0  }
0x3f: {  	[sflag:s7] =	ssyncadd.s32 $0xFFFFE000  }
0x40: {  	[spmem:s23] =	stream.linear.scatter [tilespmem:s6], [sflag:$0x9], $0x2000, $0x38;
	[tilespmem:$0x1A280] =	vst v63  }
0x41: {  	_ =	swait.ge [sflag:s7], $0x2000  }
0x42: {  	[sflag:s7] =	ssyncset.done $0x0  }
0x43: {  	[sflag:s7] =	ssyncadd.s32 $0xFFFFE000  }
0x44: {  	[spmem:s20] =	stream.linear.scatter [tilespmem:s6], [sflag:$0x9], $0x2000, $0x38;
	[tilespmem:$0x1A280] =	vst v63  }
0x45: {  	_ =	swait.ge [sflag:s7], $0x2000  }
0x46: {  	[sflag:s7] =	ssyncset.done $0x0  }
0x47: {  	[sflag:s7] =	ssyncadd.s32 $0xFFFFE000  }
0x48: {  	[spmem:s21] =	stream.linear.scatter [tilespmem:s6], [sflag:$0x9], $0x2000, $0x38;
	[tilespmem:$0x1A280] =	vst v63  }
0x49: {  	_ =	swait.ge [sflag:s7], $0x2000  }
0x4a: {  	[sflag:s7] =	ssyncset.done $0x0  }
0x4b: {  	s22 =	smov.u32 s26;
	[sflag:s7] =	ssyncadd.s32 $0xFFFFE000  }
0x4c: {  	[spmem:s22] =	stream.linear.scatter [tilespmem:s6], [sflag:$0x9], $0x2000, $0x38;
	[tilespmem:$0x1A280] =	vst v63  }
0x4d: {  	_ =	swait.ge [sflag:s7], $0x2000  }
0x4e: {  	[sflag:s7] =	ssyncset.done $0x0  }
0x4f: {  	[sflag:s7] =	ssyncadd.s32 $0xFFFFE000  }
0x50: {  	[spmem:s0] =	stream.linear.scatter [tilespmem:s6], [sflag:$0x9], $0x2000, $0x38;
	[tilespmem:$0x1A280] =	vst v63  }
0x51: {  	_ =	swait.ge [sflag:s7], $0x2000  }
0x52: {  	[sflag:s7] =	ssyncset.done $0x0  }
0x53: {  	[sflag:s7] =	ssyncadd.s32 $0xFFFFE000  }
0x54: {  	[spmem:s19] =	stream.linear.scatter [tilespmem:s6], [sflag:$0x9], $0x2000, $0x38;
	[tilespmem:$0x1A280] =	vst v63  }
0x55: {  	_ =	swait.ge [sflag:s7], $0x2000  }
0x56: {  	[sflag:s7] =	ssyncset.done $0x0  }
0x57: {  	[sflag:s7] =	ssyncadd.s32 $0xFFFFE000  }
0x58: {  	[spmem:s24] =	stream.linear.scatter [tilespmem:s6], [sflag:$0x9], $0x2000, $0x38;
	[tilespmem:$0x1A280] =	vst v63  }
0x59: {  	_ =	swait.ge [sflag:s7], $0x2000  }
0x5a: {  	[sflag:s7] =	ssyncset.done $0x0  }
0x5b: {  	[sflag:s7] =	ssyncadd.s32 $0xFFFFE000  }
0x5c: {  	[spmem:s25] =	stream.linear.scatter [tilespmem:s6], [sflag:$0x9], $0x2000, $0x38;
	[tilespmem:$0x1A280] =	vst v63  }
0x5d: {  	_ =	swait.ge [sflag:s7], $0x2000  }
0x5e: {  	[sflag:s7] =	ssyncset.done $0x0  }
0x5f: {  	[sflag:s7] =	ssyncadd.s32 $0xFFFFE000  }
0x60: {  	[bflag:$0x0] =	sbarrier.arrive $0xFFFF  }
0x61: {  	s24 =	rddreg [dreg:$0x18]  }
0x62: {  	[tilespmem:s9], [sflag:$0x1] =	stream.linear.gather [hbm4b:s24+s1], $0x80, $0x38;
	[tilespmem:$0x1A280] =	vst v63  }
0x63: {  	s25 =	rddreg [dreg:$0x1b]  }
0x64: {  	[tilespmem:s11], [sflag:$0x2] =	stream.linear.gather [hbm4b:s25+s1], $0x80, $0x38;
	[tilespmem:$0x1A280] =	vst v63  }
0x65: {  	s19 =	rddreg [dreg:$0x1c]  }
0x66: {  	[tilespmem:s13], [sflag:$0x3] =	stream.linear.gather [hbm4b:s19+s1], $0x80, $0x38;
	[tilespmem:$0x1A280] =	vst v63  }
0x67: {  	s20 =	rddreg [dreg:$0x1d]  }
0x68: {  	[tilespmem:s15], [sflag:$0x4] =	stream.linear.gather [hbm4b:s20+s1], $0x80, $0x38;
	[tilespmem:$0x1A280] =	vst v63  }
0x69: {  	_ =	swait.ge [sflag:s16], $0x80  }
0x6a: {  	[sflag:s16] =	ssyncset.done $0x0  }
0x6b: {  	[sflag:s16] =	ssyncadd.s32 $0xFFFFFF80  }
0x6c: {  	[spmem:s12] =	stream.indirect.scatter.add.f32 [tilespmem:s8], [sflag:$0x5], $0x80, s9, s29, $0xb8;
	[tilespmem:$0x1A280] =	vst v63  }
0x6d: {  	_ =	swait.ge [sflag:s2], $0x80  }
0x6e: {  	[sflag:s2] =	ssyncset.done $0x0  }
0x6f: {  	[sflag:s2] =	ssyncadd.s32 $0xFFFFFF80  }
0x70: {  	[spmem:s12] =	stream.indirect.scatter.add.f32 [tilespmem:s8], [sflag:$0x6], $0x80, s11, s29, $0xb8;
	[tilespmem:$0x1A280] =	vst v63  }
0x71: {  	_ =	swait.ge [sflag:s3], $0x80  }
0x72: {  	[sflag:s3] =	ssyncset.done $0x0  }
0x73: {  	[sflag:s3] =	ssyncadd.s32 $0xFFFFFF80  }
0x74: {  	[spmem:s12] =	stream.indirect.scatter.add.f32 [tilespmem:s8], [sflag:$0x7], $0x80, s13, s29, $0xb8;
	[tilespmem:$0x1A280] =	vst v63  }
0x75: {  	_ =	swait.ge [sflag:s4], $0x4000  }
0x76: {  	s21 =	rddreg [dreg:$0x1a]  }
0x77: {  	s26 =	smov.u32 s23;
	[sflag:s4] =	ssyncset.done $0x0;
	s23 =	sshrl.u32 s21, $0x3  }
0x78: {  	[sflag:s4] =	ssyncadd.s32 $0xFFFFC000;
	s20 =	sadd.s32 s14, s23  }
0x79: {  	[tilespmem:s9], [sflag:$0x1] =	stream.linear.gather [hbm4b:s20+s1], $0x80, $0x38;
	[tilespmem:$0x1A280] =	vst v63  }
0x7a: {  	_ =	swait.ge [sflag:s5], $0x80  }
0x7b: {  	[sflag:s5] =	ssyncset.done $0x0  }
0x7c: {  	[sflag:s5] =	ssyncadd.s32 $0xFFFFFF80  }
0x7d: {  	[spmem:s12] =	stream.indirect.scatter.add.f32 [tilespmem:s8], [sflag:$0x8], $0x80, s15, s29, $0xb8;
	[tilespmem:$0x1A280] =	vst v63  }
0x7e: {  	_ =	swait.ge [sflag:s28], $0x4000  }
0x7f: {  	[sflag:s28] =	ssyncset.done $0x0  }
0x80: {  	s24 =	sadd.s32 $0x0, s10;
	[sflag:s28] =	ssyncadd.s32 $0xFFFFC000  }
0x81: {  	[tilespmem:s11], [sflag:$0x2] =	stream.linear.gather [hbm4b:s24+s1], $0x80, $0x38;
	[tilespmem:$0x1A280] =	vst v63  }
0x82: {  	_ =	swait.ge [sflag:s17], $0x4000  }
0x83: {  	[sflag:s17] =	ssyncset.done $0x0  }
0x84: {  	s25 =	sadd.s32 $0x0, s31;
	[sflag:s17] =	ssyncadd.s32 $0xFFFFC000  }
0x85: {  	[tilespmem:s13], [sflag:$0x3] =	stream.linear.gather [hbm4b:s25+s1], $0x80, $0x38;
	[tilespmem:$0x1A280] =	vst v63  }
0x86: {  	_ =	swait.ge [sflag:s18], $0x4000  }
0x87: {  	s22 =	sadd.s32 $0x0, s30;
	[sflag:s18] =	ssyncset.done $0x0  }
0x88: {  	s21 =	sadd.s32 $0x200, s21;
	s20 =	simm.s32 $0x40;
	[sflag:s18] =	ssyncadd.s32 $0xFFFFC000  }
.LBB2_2:
0x89: {  	[tilespmem:s15], [sflag:$0x4] =	stream.linear.gather [hbm4b:s22+s1], $0x80, $0x38;
	[tilespmem:$0x1A280] =	vst v63  }
0x8a: {  	s22 =	smov.u32 s20  }
0x8b: {  	p0 =	sne.s32 s20, $0x480;
	s20 =	sadd.s32 $0x40, s20;
	_ =	swait.ge [sflag:s16], $0x80  }
0x8c: {  	[sflag:s16] =	ssyncset.done $0x0  }
0x8d: {  	[sflag:s16] =	ssyncadd.s32 $0xFFFFFF80  }
0x8e: {  	[spmem:s12] =	stream.indirect.scatter.add.f32 [tilespmem:s8], [sflag:$0x5], $0x80, s9, s29, $0xb8;
	[tilespmem:$0x1A280] =	vst v63  }
0x8f: {  	_ =	swait.ge [sflag:s2], $0x80  }
0x90: {  	[sflag:s2] =	ssyncset.done $0x0  }
0x91: {  	[sflag:s2] =	ssyncadd.s32 $0xFFFFFF80  }
0x92: {  	[spmem:s12] =	stream.indirect.scatter.add.f32 [tilespmem:s8], [sflag:$0x6], $0x80, s11, s29, $0xb8;
	[tilespmem:$0x1A280] =	vst v63  }
0x93: {  	_ =	swait.ge [sflag:s3], $0x80  }
0x94: {  	[sflag:s3] =	ssyncset.done $0x0  }
0x95: {  	[sflag:s3] =	ssyncadd.s32 $0xFFFFFF80  }
0x96: {  	[spmem:s12] =	stream.indirect.scatter.add.f32 [tilespmem:s8], [sflag:$0x7], $0x80, s13, s29, $0xb8;
	[tilespmem:$0x1A280] =	vst v63  }
0x97: {  	_ =	swait.ge [sflag:s4], $0x4000  }
0x98: {  	s23 =	sshrl.u32 s21, $0x3;
	[sflag:s4] =	ssyncset.done $0x0  }
0x99: {  	s23 =	sadd.s32 s14, s23;
	[sflag:s4] =	ssyncadd.s32 $0xFFFFC000  }
0x9a: {  	[tilespmem:s9], [sflag:$0x1] =	stream.linear.gather [hbm4b:s23+s1], $0x80, $0x38;
	[tilespmem:$0x1A280] =	vst v63  }
0x9b: {  	_ =	swait.ge [sflag:s5], $0x80  }
0x9c: {  	[sflag:s5] =	ssyncset.done $0x0  }
0x9d: {  	[sflag:s5] =	ssyncadd.s32 $0xFFFFFF80  }
0x9e: {  	[spmem:s12] =	stream.indirect.scatter.add.f32 [tilespmem:s8], [sflag:$0x8], $0x80, s15, s29, $0xb8;
	[tilespmem:$0x1A280] =	vst v63  }
0x9f: {  	_ =	swait.ge [sflag:s28], $0x4000  }
0xa0: {  	[sflag:s28] =	ssyncset.done $0x0  }
0xa1: {  	s23 =	sadd.s32 s22, s10;
	[sflag:s28] =	ssyncadd.s32 $0xFFFFC000  }
0xa2: {  	[tilespmem:s11], [sflag:$0x2] =	stream.linear.gather [hbm4b:s23+s1], $0x80, $0x38;
	[tilespmem:$0x1A280] =	vst v63  }
0xa3: {  	_ =	swait.ge [sflag:s17], $0x4000  }
0xa4: {  	[sflag:s17] =	ssyncset.done $0x0  }
.Ltmp0:
0xa5: {  	s23 =	sadd.s32 s22, s31;
	[sflag:s17] =	ssyncadd.s32 $0xFFFFC000;
	(pc) =	sbr.rel @p0 .LBB2_2-.Ltmp0, $4  }
0xa6: {  	[tilespmem:s13], [sflag:$0x3] =	stream.linear.gather [hbm4b:s23+s1], $0x80, $0x38;
	[tilespmem:$0x1A280] =	vst v63  }
0xa7: {  	_ =	swait.ge [sflag:s18], $0x4000  }
0xa8: {  	[sflag:s18] =	ssyncset.done $0x0  }
0xa9: {  	s21 =	sadd.s32 $0x200, s21;
	s22 =	sadd.s32 s22, s30;
	[sflag:s18] =	ssyncadd.s32 $0xFFFFC000  }
0xaa: {  	[tilespmem:s15], [sflag:$0x4] =	stream.linear.gather [hbm4b:s22+s1], $0x80, $0x38;
	[tilespmem:$0x1A280] =	vst v63  }
0xab: {  	_ =	swait.ge [sflag:s16], $0x80  }
0xac: {  	[sflag:s16] =	ssyncset.done $0x0  }
0xad: {  	[sflag:s16] =	ssyncadd.s32 $0xFFFFFF80  }
0xae: {  	[spmem:s12] =	stream.indirect.scatter.add.f32 [tilespmem:s8], [sflag:$0x5], $0x80, s9, s29, $0xb8;
	[tilespmem:$0x1A280] =	vst v63  }
0xaf: {  	_ =	swait.ge [sflag:s2], $0x80  }
0xb0: {  	[sflag:s2] =	ssyncset.done $0x0  }
0xb1: {  	[sflag:s2] =	ssyncadd.s32 $0xFFFFFF80  }
0xb2: {  	[spmem:s12] =	stream.indirect.scatter.add.f32 [tilespmem:s8], [sflag:$0x6], $0x80, s11, s29, $0xb8;
	[tilespmem:$0x1A280] =	vst v63  }
0xb3: {  	_ =	swait.ge [sflag:s4], $0x4000  }
0xb4: {  	[sflag:s4] =	ssyncset.done $0x0  }
0xb5: {  	[sflag:s4] =	ssyncadd.s32 $0xFFFFC000  }
0xb6: {  	_ =	swait.ge [sflag:s28], $0x4000  }
0xb7: {  	[sflag:s28] =	ssyncset.done $0x0  }
0xb8: {  	[sflag:s28] =	ssyncadd.s32 $0xFFFFC000  }
0xb9: {  	_ =	swait.ge [sflag:s3], $0x80  }
0xba: {  	[sflag:s3] =	ssyncset.done $0x0  }
0xbb: {  	[sflag:s3] =	ssyncadd.s32 $0xFFFFFF80  }
0xbc: {  	_ =	swait.ge [sflag:s5], $0x80  }
0xbd: {  	[sflag:s5] =	ssyncset.done $0x0  }
0xbe: {  	s19 =	simm.s32 $0x14000;
	s0 =	rddreg [dreg:$0x1e];
	[sflag:s5] =	ssyncadd.s32 $0xFFFFFF80  }
0xbf: {  	[tilespmem:s19], [sflag:$0x9] =	stream.linear.gather [hbm4b:s0+s1], $0x10, $0x38;
	[tilespmem:$0x1A280] =	vst v63  }
0xc0: {  	_ =	swait.ge [sflag:s7], $0x10  }
0xc1: {  	[sflag:s7] =	ssyncset.done $0x0  }
0xc2: {  	s20 =	simm.s32 $0x10;
	[sflag:s7] =	ssyncadd.s32 $0xFFFFFFF0  }
0xc3: {  	[spmem:s12] =	stream.indirect.scatter.add.f32 [tilespmem:s8], [sflag:$0x9], $0x80, s19, s20, $0xb8;
	[tilespmem:$0x1A280] =	vst v63  }
0xc4: {  	_ =	swait.ge [sflag:s7], $0x800  }
0xc5: {  	[sflag:s7] =	ssyncset.done $0x0  }
0xc6: {  	[sflag:s7] =	ssyncadd.s32 $0xFFFFF800  }
0xc7: {  	[bflag:$0x0] =	sbarrier.arrive $0xFFFF  }
0xc8: {  	s21 =	rddreg [dreg:$0x15]  }
0xc9: {  	[tilespmem:s6], [sflag:$0x9] =	stream.linear.gather [spmem:s21], $0x2000, $0x38;
	[tilespmem:$0x1A280] =	vst v63  }
0xca: {  	_ =	swait.ge [sflag:s7], $0x2000  }
0xcb: {  	[sflag:s7] =	ssyncset.done $0x0  }
0xcc: {  	s20 =	rddreg [dreg:$0x3];
	[sflag:s7] =	ssyncadd.s32 $0xFFFFE000  }
0xcd: {  	[hbm4b:s20+s1] =	stream.linear.scatter [tilespmem:s6], [sflag:$0x9], $0x2000, $0x38;
	[tilespmem:$0x1A280] =	vst v63  }
0xce: {  	_ =	swait.ge [sflag:s7], $0x2000  }
0xcf: {  	[sflag:s7] =	ssyncset.done $0x0  }
0xd0: {  	s22 =	rddreg [dreg:$0x17];
	[sflag:s7] =	ssyncadd.s32 $0xFFFFE000  }
0xd1: {  	[tilespmem:s6], [sflag:$0x9] =	stream.linear.gather [spmem:s22], $0x2000, $0x38;
	[tilespmem:$0x1A280] =	vst v63  }
0xd2: {  	_ =	swait.ge [sflag:s7], $0x2000  }
0xd3: {  	[sflag:s7] =	ssyncset.done $0x0  }
0xd4: {  	s23 =	rddreg [dreg:$0x4];
	[sflag:s7] =	ssyncadd.s32 $0xFFFFE000  }
0xd5: {  	[hbm4b:s23+s1] =	stream.linear.scatter [tilespmem:s6], [sflag:$0x9], $0x2000, $0x38;
	[tilespmem:$0x1A280] =	vst v63  }
0xd6: {  	_ =	swait.ge [sflag:s7], $0x2000  }
0xd7: {  	[sflag:s7] =	ssyncset.done $0x0  }
0xd8: {  	[sflag:s7] =	ssyncadd.s32 $0xFFFFE000  }
0xd9: {  	[tilespmem:s6], [sflag:$0x9] =	stream.linear.gather [spmem:s26], $0x2000, $0x38;
	[tilespmem:$0x1A280] =	vst v63  }
0xda: {  	_ =	swait.ge [sflag:s7], $0x2000  }
0xdb: {  	[sflag:s7] =	ssyncset.done $0x0  }
0xdc: {  	s24 =	rddreg [dreg:$0x5];
	[sflag:s7] =	ssyncadd.s32 $0xFFFFE000  }
0xdd: {  	[hbm4b:s24+s1] =	stream.linear.scatter [tilespmem:s6], [sflag:$0x9], $0x2000, $0x38;
	[tilespmem:$0x1A280] =	vst v63  }
0xde: {  	_ =	swait.ge [sflag:s7], $0x2000  }
0xdf: {  	[sflag:s7] =	ssyncset.done $0x0  }
0xe0: {  	s25 =	rddreg [dreg:$0x12];
	[sflag:s7] =	ssyncadd.s32 $0xFFFFE000  }
0xe1: {  	[tilespmem:s6], [sflag:$0x9] =	stream.linear.gather [spmem:s25], $0x2000, $0x38;
	[tilespmem:$0x1A280] =	vst v63  }
0xe2: {  	_ =	swait.ge [sflag:s7], $0x2000  }
0xe3: {  	[sflag:s7] =	ssyncset.done $0x0  }
0xe4: {  	s23 =	smov.u32 s26;
	s26 =	rddreg [dreg:$0x6];
	[sflag:s7] =	ssyncadd.s32 $0xFFFFE000  }
0xe5: {  	[hbm4b:s26+s1] =	stream.linear.scatter [tilespmem:s6], [sflag:$0x9], $0x2000, $0x38;
	[tilespmem:$0x1A280] =	vst v63  }
0xe6: {  	_ =	swait.ge [sflag:s7], $0x2000  }
0xe7: {  	[sflag:s7] =	ssyncset.done $0x0  }
0xe8: {  	s21 =	rddreg [dreg:$0xf];
	[sflag:s7] =	ssyncadd.s32 $0xFFFFE000  }
0xe9: {  	[tilespmem:s6], [sflag:$0x9] =	stream.linear.gather [spmem:s21], $0x2000, $0x38;
	[tilespmem:$0x1A280] =	vst v63  }
0xea: {  	_ =	swait.ge [sflag:s7], $0x2000  }
0xeb: {  	[sflag:s7] =	ssyncset.done $0x0  }
0xec: {  	s0 =	rddreg [dreg:$0x7];
	[sflag:s7] =	ssyncadd.s32 $0xFFFFE000  }
0xed: {  	[hbm4b:s0+s1] =	stream.linear.scatter [tilespmem:s6], [sflag:$0x9], $0x2000, $0x38;
	[tilespmem:$0x1A280] =	vst v63  }
0xee: {  	_ =	swait.ge [sflag:s7], $0x2000  }
0xef: {  	[sflag:s7] =	ssyncset.done $0x0  }
0xf0: {  	s26 =	rddreg [dreg:$0x10];
	[sflag:s7] =	ssyncadd.s32 $0xFFFFE000  }
0xf1: {  	[tilespmem:s6], [sflag:$0x9] =	stream.linear.gather [spmem:s26], $0x2000, $0x38;
	[tilespmem:$0x1A280] =	vst v63  }
0xf2: {  	_ =	swait.ge [sflag:s7], $0x2000  }
0xf3: {  	[sflag:s7] =	ssyncset.done $0x0  }
0xf4: {  	s19 =	rddreg [dreg:$0x8];
	[sflag:s7] =	ssyncadd.s32 $0xFFFFE000  }
0xf5: {  	[hbm4b:s19+s1] =	stream.linear.scatter [tilespmem:s6], [sflag:$0x9], $0x2000, $0x38;
	[tilespmem:$0x1A280] =	vst v63  }
0xf6: {  	_ =	swait.ge [sflag:s7], $0x2000  }
0xf7: {  	[sflag:s7] =	ssyncset.done $0x0  }
0xf8: {  	s0 =	rddreg [dreg:$0x11];
	[sflag:s7] =	ssyncadd.s32 $0xFFFFE000  }
0xf9: {  	[tilespmem:s6], [sflag:$0x9] =	stream.linear.gather [spmem:s0], $0x2000, $0x38;
	[tilespmem:$0x1A280] =	vst v63  }
0xfa: {  	_ =	swait.ge [sflag:s7], $0x2000  }
0xfb: {  	[sflag:s7] =	ssyncset.done $0x0  }
0xfc: {  	s22 =	rddreg [dreg:$0x9];
	[sflag:s7] =	ssyncadd.s32 $0xFFFFE000  }
0xfd: {  	[hbm4b:s22+s1] =	stream.linear.scatter [tilespmem:s6], [sflag:$0x9], $0x2000, $0x38;
	[tilespmem:$0x1A280] =	vst v63  }
0xfe: {  	_ =	swait.ge [sflag:s7], $0x2000  }
0xff: {  	[sflag:s7] =	ssyncset.done $0x0  }
0x100: {  	s19 =	rddreg [dreg:$0x13];
	[sflag:s7] =	ssyncadd.s32 $0xFFFFE000  }
0x101: {  	[tilespmem:s6], [sflag:$0x9] =	stream.linear.gather [spmem:s19], $0x2000, $0x38;
	[tilespmem:$0x1A280] =	vst v63  }
0x102: {  	_ =	swait.ge [sflag:s7], $0x2000  }
0x103: {  	[sflag:s7] =	ssyncset.done $0x0  }
0x104: {  	s24 =	rddreg [dreg:$0xa];
	[sflag:s7] =	ssyncadd.s32 $0xFFFFE000  }
0x105: {  	[hbm4b:s24+s1] =	stream.linear.scatter [tilespmem:s6], [sflag:$0x9], $0x2000, $0x38;
	[tilespmem:$0x1A280] =	vst v63  }
0x106: {  	_ =	swait.ge [sflag:s7], $0x2000  }
0x107: {  	[sflag:s7] =	ssyncset.done $0x0  }
0x108: {  	s24 =	rddreg [dreg:$0x14];
	[sflag:s7] =	ssyncadd.s32 $0xFFFFE000  }
0x109: {  	[tilespmem:s6], [sflag:$0x9] =	stream.linear.gather [spmem:s24], $0x2000, $0x38;
	[tilespmem:$0x1A280] =	vst v63  }
0x10a: {  	_ =	swait.ge [sflag:s7], $0x2000  }
0x10b: {  	[sflag:s7] =	ssyncset.done $0x0  }
0x10c: {  	s25 =	rddreg [dreg:$0xb];
	[sflag:s7] =	ssyncadd.s32 $0xFFFFE000  }
0x10d: {  	[hbm4b:s25+s1] =	stream.linear.scatter [tilespmem:s6], [sflag:$0x9], $0x2000, $0x38;
	[tilespmem:$0x1A280] =	vst v63  }
0x10e: {  	_ =	swait.ge [sflag:s7], $0x2000  }
0x10f: {  	[sflag:s7] =	ssyncset.done $0x0  }
0x110: {  	s25 =	rddreg [dreg:$0x16];
	[sflag:s7] =	ssyncadd.s32 $0xFFFFE000  }
0x111: {  	[tilespmem:s6], [sflag:$0x9] =	stream.linear.gather [spmem:s25], $0x2000, $0x38;
	[tilespmem:$0x1A280] =	vst v63  }
0x112: {  	_ =	swait.ge [sflag:s7], $0x2000  }
0x113: {  	[sflag:s7] =	ssyncset.done $0x0  }
0x114: {  	s22 =	rddreg [dreg:$0xc];
	[sflag:s7] =	ssyncadd.s32 $0xFFFFE000  }
0x115: {  	[hbm4b:s22+s1] =	stream.linear.scatter [tilespmem:s6], [sflag:$0x9], $0x2000, $0x38;
	[tilespmem:$0x1A280] =	vst v63  }
0x116: {  	_ =	swait.ge [sflag:s7], $0x2000  }
0x117: {  	s20 =	rddreg [dreg:$0x1f]  }
0x118: {  	s22 =	sadd.s32 $0x1, s20;
	s20 =	rddreg [dreg:$0x19]  }
0x119: {  	p0 =	sne.s32 s22, s20  }
.Ltmp1:
0x11a: {  	_ = 	snop;
	(pc) =	sbr.rel @p0 .LBB2_1-.Ltmp1, $3  }
0x11b: {  	_ =	sdelay $0x1  }
0x11c: {  	[sflag:s7] =	ssyncset.done $0x0;
	[dreg:$0x1f] =	wrdreg s22  }
0x11d: {  	[sflag:s7] =	ssyncadd.s32 $0xFFFFE000;
	s22 =	rddreg [dreg:$0x15]  }
0x11e: {  	_ =	sfence.sel $0x180000  }
0x11f: {  	[bflag:$0x0] =	sbarrier.arrive $0xFFFF  }
0x120: {  	_ =	strace $0x9000004A  }
0x121: {  	s0 =	stileid.u32;
	[bflag:$0x2] =	sbarrier.arrive $0xFFFF  }
0x122: {  	p0 =	sne.s32 s0, $0x0;
	s0 =	rddreg [dreg:$0x2]  }
0x123: {  	s0 =	sadd.s32 @!p0 $0x100000, s0  }
0x124: {  	[sflag:s0] =	ssyncadd.tile.s32 @!p0 $0x1;
	_ =	shalt  }
.Lfunc_end2:
_tile_overlayer_lowered:
.L_overlay_start_2:
0x125: {  	(tag) =	ssettag $0x2  }
0x126: {  	s0 =	rddreg [dreg:$0x0];
	s2 =	stileid.u32  }
0x127: {  	s1 =	rddreg [dreg:$0x1];
	p0 =	sne.s32 s2, $0x0  }
0x128: {  	s3 =	rddreg [dreg:$0x2];
	[bflag:$0x3] =	sbarrier.arrive $0xFFFF;
	s2 =	simm.s32 @!p0 $0x1C09  }
0x129: {  	[timem:s3], [sflag:s2] =	dma.local @!p0 [hbm:s0], s1  }
0x12a: {  	s0 =	simm.s32 @!p0 $0x9  }
0x12b: {  	_ =	swait.ge @!p0 [sflag:s0], s1  }
0x12c: {  	s1 =	ssub.s32 @!p0 $0x0, s1;
	[sflag:s0] =	ssyncset.done @!p0 $0x0  }
0x12d: {  	[sflag:s0] =	ssyncadd.s32 @!p0 s1  }
0x12e: {  	[bflag:$0x3] =	sbarrier.arrive $0xFFFF  }
0x12f: {  	_ =	shalt  }

</sc_bundles>
